<compile_context>
chip_gen: v7x
topology: tpu7x:2x2x1
jax: 0.10.2.dev20260603
libtpu: 0.0.44.dev20260713+nightly
codegen_flags: <defaults>
</compile_context>

<pallas_src>
import jax
import jax.numpy as jnp
from jax import lax
from jax.experimental import pallas as pl
from jax.experimental.pallas import tpu as pltpu
from jax.experimental.pallas import tpu_sc as plsc

_B = 16384
_DIM = 32
_PACK = 4
_REL_ROWS = 1000 // _PACK
_NC, _NS, _L = 2, 16, 16
_NW = _NC * _NS
_RPW = _B // _NW
_CHUNK = 128
_NCHUNK = _RPW // _CHUNK


def _tec_body(h_ids, r_typ, t_ids, ent, rel4, out,
              hidx_v, tidx_v, ridx_v,
              hbuf0, hbuf1, tbuf0, tbuf1,
              rel_v, out_v, sem0, sem1, semr):
    wid = lax.axis_index("s") * _NC + lax.axis_index("c")
    base = wid * _RPW
    sl_w = pl.ds(base, _RPW)

    rel_cp = pltpu.async_copy(rel4, rel_v, semr)
    pltpu.sync_copy(h_ids.at[sl_w], hidx_v)
    pltpu.sync_copy(t_ids.at[sl_w], tidx_v)
    pltpu.sync_copy(r_typ.at[sl_w], ridx_v)

    hbufs = (hbuf0, hbuf1)
    tbufs = (tbuf0, tbuf1)
    sems = (sem0, sem1)
    lane = lax.iota(jnp.int32, _L)

    def fire_chunk(c):
        s = sems[c % 2]
        hb = hbufs[c % 2]
        tb = tbufs[c % 2]

        def row_body(j, carry, c=c, s=s, hb=hb, tb=tb):
            voff = c * _CHUNK + ((j >> 4) << 4)
            onehot = (lane == (j & 15)).astype(jnp.int32)
            hvec = hidx_v[pl.ds(voff, _L)]
            tvec = tidx_v[pl.ds(voff, _L)]
            hi = jnp.sum(hvec * onehot)
            ti = jnp.sum(tvec * onehot)
            pltpu.make_async_copy(
                ent.at[pl.ds(hi, 1)], hb.at[pl.ds(j, 1)], s).start()
            pltpu.make_async_copy(
                ent.at[pl.ds(ti, 1)], tb.at[pl.ds(j, 1)], s).start()
            return carry

        lax.fori_loop(0, _CHUNK, row_body, 0)

    def drain_chunk(c):
        pltpu.make_async_copy(ent.at[pl.ds(0, _CHUNK)],
                              hbufs[c % 2], sems[c % 2]).wait()
        pltpu.make_async_copy(ent.at[pl.ds(0, _CHUNK)],
                              tbufs[c % 2], sems[c % 2]).wait()

    fire_chunk(0)
    rel_cp.wait()

    for c in range(_NCHUNK):
        drain_chunk(c)
        if c + 1 < _NCHUNK:
            fire_chunk(c + 1)
        hb = hbufs[c % 2]
        tb = tbufs[c % 2]

        def blk_body(b, carry, c=c, hb=hb, tb=tb):
            row = lane + b * _L
            off = c * _CHUNK + b * _L
            rb_i = ridx_v[pl.ds(off, _L)] >> 2
            rs = (ridx_v[pl.ds(off, _L)] & 3) << 5
            acc = jnp.zeros((_L,), jnp.float32)
            for k in range(_DIM):
                col = (lane + k) & (_DIM - 1)
                hv = plsc.load_gather(hb, [row, col])
                rv = plsc.load_gather(rel_v, [rb_i, rs + col])
                tv = plsc.load_gather(tb, [row, col])
                d = (hv + rv) - tv
                acc = acc + d * d
            x = jnp.maximum(acc, jnp.float32(1e-30))
            bits = plsc.bitcast(x, jnp.int32)
            bits = jnp.int32(0x5F3759DF) - lax.shift_right_arithmetic(bits, 1)
            y = plsc.bitcast(bits, jnp.float32)
            for _ in range(3):
                y = y * (jnp.float32(1.5) - jnp.float32(0.5) * x * y * y)
            out_v[pl.ds(off, _L)] = acc * y
            return carry

        lax.fori_loop(0, _CHUNK // _L, blk_body, 0)

    pltpu.sync_copy(out_v, out.at[sl_w])


def kernel(h_ids, r_typ, t_ids, ent_emb, rel_emb):
    h_ids = h_ids.astype(jnp.int32)
    r_typ = r_typ.astype(jnp.int32)
    t_ids = t_ids.astype(jnp.int32)
    rel4 = rel_emb.reshape(_REL_ROWS, _DIM * _PACK)

    mesh = plsc.VectorSubcoreMesh(core_axis_name="c", subcore_axis_name="s",
                                  num_cores=_NC, num_subcores=_NS)
    f = pl.kernel(
        _tec_body,
        out_type=jax.ShapeDtypeStruct((_B,), jnp.float32),
        mesh=mesh,
        compiler_params=pltpu.CompilerParams(needs_layout_passes=False),
        scratch_types=[
            pltpu.VMEM((_RPW,), jnp.int32),
            pltpu.VMEM((_RPW,), jnp.int32),
            pltpu.VMEM((_RPW,), jnp.int32),
            pltpu.VMEM((_CHUNK, _DIM), jnp.float32),
            pltpu.VMEM((_CHUNK, _DIM), jnp.float32),
            pltpu.VMEM((_CHUNK, _DIM), jnp.float32),
            pltpu.VMEM((_CHUNK, _DIM), jnp.float32),
            pltpu.VMEM((_REL_ROWS, _DIM * _PACK), jnp.float32),
            pltpu.VMEM((_RPW,), jnp.float32),
            pltpu.SemaphoreType.DMA,
            pltpu.SemaphoreType.DMA,
            pltpu.SemaphoreType.DMA,
        ],
    )
    return f(h_ids, r_typ, t_ids, ent_emb, rel4)

# --- scband reference (transcript-rebuilt; emitter-appended) ---
"""Pipeline reference for scband-model-23845658427697 (READ-ONLY COPY).

The authoritative reference and input builder live on the scoring server;
editing this copy changes nothing except your own understanding.
"""

import jax, jax.numpy as jnp
import numpy as np

ENT_N = 1000000
REL_N = 1000
DIM = 32
B = 16384

def _init_emb(key, num_embeddings, dim):
    r = 6.0 / np.sqrt(dim)
    w = jax.random.uniform(key, (num_embeddings, dim), minval=-r, maxval=r, dtype=jnp.float32)
    w = w / jnp.linalg.norm(w, ord=2, axis=1, keepdims=True)
    return w

def setup_inputs(seed: int = 0) -> dict:
    key = jax.random.key(seed)
    k1, k2, k3, k4, k5 = jax.random.split(key, 5)
    ent_emb = _init_emb(k1, ENT_N, DIM)
    rel_emb = _init_emb(k2, REL_N, DIM)
    h_ids = jax.random.randint(k3, (B,), 0, ENT_N, dtype=jnp.int64 if jax.config.jax_enable_x64 else jnp.int32)
    r_typ = jax.random.randint(k4, (B,), 0, REL_N, dtype=jnp.int64 if jax.config.jax_enable_x64 else jnp.int32)
    t_ids = jax.random.randint(k5, (B,), 0, ENT_N, dtype=jnp.int64 if jax.config.jax_enable_x64 else jnp.int32)
    return {"h_ids": h_ids, "r_typ": r_typ, "t_ids": t_ids, "ent_emb": ent_emb, "rel_emb": rel_emb}

def reference(h_ids, r_typ, t_ids, ent_emb, rel_emb):
    # TransE score: || (h + r) - t ||_p with p=2
    h = jnp.take(ent_emb, h_ids, axis=0)
    t = jnp.take(ent_emb, t_ids, axis=0)
    r = jnp.take(rel_emb, r_typ, axis=0)
    d = (h + r) - t
    return jnp.sqrt(jnp.sum(d * d, axis=-1))

if __name__ == "__main__":
    import jax
    _d = setup_inputs()
    print(jax.jit(kernel)(*tuple(_d.values())))

</pallas_src>

<mosaic_0001>
#map = affine_map<(d0, d1) -> (0)>
#map1 = affine_map<(d0, d1) -> (0, 0)>
module attributes {stable_mosaic.version = 14 : i64} {
  func.func @_tec_body(%arg0: i32, %arg1: i32, %arg2: memref<16384xi32, #tpu.memory_space<hbm>>, %arg3: memref<16384xi32, #tpu.memory_space<hbm>>, %arg4: memref<16384xi32, #tpu.memory_space<hbm>>, %arg5: memref<1000000x32xf32, #tpu.memory_space<hbm>>, %arg6: memref<250x128xf32, #tpu.memory_space<hbm>>, %arg7: memref<16384xf32, #tpu.memory_space<hbm>>, %arg8: memref<512xi32, #tpu.memory_space<vmem>>, %arg9: memref<512xi32, #tpu.memory_space<vmem>>, %arg10: memref<512xi32, #tpu.memory_space<vmem>>, %arg11: memref<128x32xf32, #tpu.memory_space<vmem>>, %arg12: memref<128x32xf32, #tpu.memory_space<vmem>>, %arg13: memref<128x32xf32, #tpu.memory_space<vmem>>, %arg14: memref<128x32xf32, #tpu.memory_space<vmem>>, %arg15: memref<250x128xf32, #tpu.memory_space<vmem>>, %arg16: memref<512xf32, #tpu.memory_space<vmem>>, %arg17: memref<!tpu.dma_semaphore, #tpu.memory_space<semaphore_mem>>, %arg18: memref<!tpu.dma_semaphore, #tpu.memory_space<semaphore_mem>>, %arg19: memref<!tpu.dma_semaphore, #tpu.memory_space<semaphore_mem>>) attributes {dimension_semantics = [#tpu.dimension_semantics<core_parallel>, #tpu.dimension_semantics<subcore_parallel>], iteration_bounds = array<i64: 2, 16>, scalar_prefetch = 0 : i64, scratch_operands = 12 : i64, tpu.core_type = #tpu.core_type<sc_vector_subcore>, window_params = [{transform_indices = #map}, {transform_indices = #map}, {transform_indices = #map}, {transform_indices = #map1}, {transform_indices = #map1}, {transform_indices = #map}]} {
    %mul3A = arith.constant 2 : i32
    %mul3A_0 = arith.muli %arg1, %mul3A : i32
    %add3A = arith.addi %mul3A_0, %arg0 : i32
    %mul3A_1 = arith.constant 512 : i32
    %mul3A_2 = arith.muli %add3A, %mul3A_1 : i32
    tpu.enqueue_dma source(%arg6 : memref<250x128xf32, #tpu.memory_space<hbm>>) target(%arg15 : memref<250x128xf32, #tpu.memory_space<vmem>>) target_semaphore(%arg19 : memref<!tpu.dma_semaphore, #tpu.memory_space<semaphore_mem>>)
    "tpu.region"() ({
      %run_scoped3A = tpu.sem_alloc : memref<!tpu.dma_semaphore, #tpu.memory_space<semaphore_mem>>
      %dma_start3A = tpu.memref_slice %arg2[%mul3A_2] : memref<16384xi32, #tpu.memory_space<hbm>> -> memref<512xi32, #tpu.memory_space<hbm>>
      %dma_start3A_97 = tpu.memref_slice %arg2[%mul3A_2] : memref<16384xi32, #tpu.memory_space<hbm>> -> memref<512xi32, #tpu.memory_space<hbm>>
      tpu.enqueue_dma source(%dma_start3A_97 : memref<512xi32, #tpu.memory_space<hbm>>) target(%arg8 : memref<512xi32, #tpu.memory_space<vmem>>) target_semaphore(%run_scoped3A : memref<!tpu.dma_semaphore, #tpu.memory_space<semaphore_mem>>)
      %dma_wait3A_98 = tpu.memref_slice %arg2[%mul3A_2] : memref<16384xi32, #tpu.memory_space<hbm>> -> memref<512xi32, #tpu.memory_space<hbm>>
      %dma_wait3A_99 = tpu.memref_slice %arg2[%mul3A_2] : memref<16384xi32, #tpu.memory_space<hbm>> -> memref<512xi32, #tpu.memory_space<hbm>>
      tpu.wait_dma2 semaphore(%run_scoped3A : memref<!tpu.dma_semaphore, #tpu.memory_space<semaphore_mem>>) src(%dma_wait3A_99 : memref<512xi32, #tpu.memory_space<hbm>>) dst(%arg8 : memref<512xi32, #tpu.memory_space<vmem>>)
      tpu.yield
    }) : () -> ()
    "tpu.region"() ({
      %run_scoped3A = tpu.sem_alloc : memref<!tpu.dma_semaphore, #tpu.memory_space<semaphore_mem>>
      %dma_start3A = tpu.memref_slice %arg4[%mul3A_2] : memref<16384xi32, #tpu.memory_space<hbm>> -> memref<512xi32, #tpu.memory_space<hbm>>
      %dma_start3A_97 = tpu.memref_slice %arg4[%mul3A_2] : memref<16384xi32, #tpu.memory_space<hbm>> -> memref<512xi32, #tpu.memory_space<hbm>>
      tpu.enqueue_dma source(%dma_start3A_97 : memref<512xi32, #tpu.memory_space<hbm>>) target(%arg9 : memref<512xi32, #tpu.memory_space<vmem>>) target_semaphore(%run_scoped3A : memref<!tpu.dma_semaphore, #tpu.memory_space<semaphore_mem>>)
      %dma_wait3A_98 = tpu.memref_slice %arg4[%mul3A_2] : memref<16384xi32, #tpu.memory_space<hbm>> -> memref<512xi32, #tpu.memory_space<hbm>>
      %dma_wait3A_99 = tpu.memref_slice %arg4[%mul3A_2] : memref<16384xi32, #tpu.memory_space<hbm>> -> memref<512xi32, #tpu.memory_space<hbm>>
      tpu.wait_dma2 semaphore(%run_scoped3A : memref<!tpu.dma_semaphore, #tpu.memory_space<semaphore_mem>>) src(%dma_wait3A_99 : memref<512xi32, #tpu.memory_space<hbm>>) dst(%arg9 : memref<512xi32, #tpu.memory_space<vmem>>)
      tpu.yield
    }) : () -> ()
    "tpu.region"() ({
      %run_scoped3A = tpu.sem_alloc : memref<!tpu.dma_semaphore, #tpu.memory_space<semaphore_mem>>
      %dma_start3A = tpu.memref_slice %arg3[%mul3A_2] : memref<16384xi32, #tpu.memory_space<hbm>> -> memref<512xi32, #tpu.memory_space<hbm>>
      %dma_start3A_97 = tpu.memref_slice %arg3[%mul3A_2] : memref<16384xi32, #tpu.memory_space<hbm>> -> memref<512xi32, #tpu.memory_space<hbm>>
      tpu.enqueue_dma source(%dma_start3A_97 : memref<512xi32, #tpu.memory_space<hbm>>) target(%arg10 : memref<512xi32, #tpu.memory_space<vmem>>) target_semaphore(%run_scoped3A : memref<!tpu.dma_semaphore, #tpu.memory_space<semaphore_mem>>)
      %dma_wait3A_98 = tpu.memref_slice %arg3[%mul3A_2] : memref<16384xi32, #tpu.memory_space<hbm>> -> memref<512xi32, #tpu.memory_space<hbm>>
      %dma_wait3A_99 = tpu.memref_slice %arg3[%mul3A_2] : memref<16384xi32, #tpu.memory_space<hbm>> -> memref<512xi32, #tpu.memory_space<hbm>>
      tpu.wait_dma2 semaphore(%run_scoped3A : memref<!tpu.dma_semaphore, #tpu.memory_space<semaphore_mem>>) src(%dma_wait3A_99 : memref<512xi32, #tpu.memory_space<hbm>>) dst(%arg10 : memref<512xi32, #tpu.memory_space<vmem>>)
      tpu.yield
    }) : () -> ()
    %iota3A = tpu.iota {dimensions = array<i32: 0>} : vector<16xi32>
    %scan3A = arith.constant 0 : i32
    %scan3A_3 = arith.constant 0 : i32
    %scan3A_4 = arith.constant 128 : i32
    %scan3A_5 = arith.addi %scan3A_3, %scan3A_4 : i32
    %scan3A_6 = arith.constant 1 : i32
    scf.for %scan3A_97 = %scan3A_3 to %scan3A_5 step %scan3A_6  : i32 {
      %shift_right_arithmetic3A = arith.constant 4 : i32
      %shift_right_arithmetic3A_98 = arith.shrsi %scan3A_97, %shift_right_arithmetic3A : i32
      %shift_left3A = arith.constant 4 : i32
      %shift_left3A_99 = arith.shli %shift_right_arithmetic3A_98, %shift_left3A : i32
      %add3A_100 = arith.constant 0 : i32
      %add3A_101 = arith.addi %add3A_100, %shift_left3A_99 : i32
      %and3A = arith.constant 15 : i32
      %and3A_102 = arith.andi %scan3A_97, %and3A : i32
      %eq3A = vector.broadcast %and3A_102 : i32 to vector<16xi32>
      %eq3A_103 = arith.cmpi eq, %iota3A, %eq3A : vector<16xi32>
      %convert_element_type3A = arith.extui %eq3A_103 : vector<16xi1> to vector<16xi32>
      %get3A = arith.index_cast %add3A_101 : i32 to index
      %get3A_104 = tpu.vector_load %arg8[%get3A] {strides = array<i32>} : memref<512xi32, #tpu.memory_space<vmem>>, vector<16xi32>,
      %get3A_105 = arith.index_cast %add3A_101 : i32 to index
      %get3A_106 = tpu.vector_load %arg9[%get3A_105] {strides = array<i32>} : memref<512xi32, #tpu.memory_space<vmem>>, vector<16xi32>,
      %mul3A_107 = arith.muli %get3A_104, %convert_element_type3A : vector<16xi32>
      %reduce_sum3A = arith.constant true
      %reduce_sum3A_108 = vector.broadcast %reduce_sum3A : i1 to vector<16xi1>
      %reduce_sum3A_109 = tpu.scan <sum>, %mul3A_107 masked %reduce_sum3A_108 : vector<16xi32>, vector<16xi1> -> vector<16xi32>
      %reduce_sum3A_110 = vector.extract %reduce_sum3A_109[15] : i32 from vector<16xi32>
      %mul3A_111 = arith.muli %get3A_106, %convert_element_type3A : vector<16xi32>
      %reduce_sum3A_112 = arith.constant true
      %reduce_sum3A_113 = vector.broadcast %reduce_sum3A_112 : i1 to vector<16xi1>
      %reduce_sum3A_114 = tpu.scan <sum>, %mul3A_111 masked %reduce_sum3A_113 : vector<16xi32>, vector<16xi1> -> vector<16xi32>
      %reduce_sum3A_115 = vector.extract %reduce_sum3A_114[15] : i32 from vector<16xi32>
      %dma_start3A = arith.constant 0 : i32
      %dma_start3A_116 = tpu.memref_slice %arg11[%scan3A_97, %dma_start3A] : memref<128x32xf32, #tpu.memory_space<vmem>> -> memref<1x32xf32, #tpu.memory_space<vmem>>
      %dma_start3A_117 = arith.constant 0 : i32
      %dma_start3A_118 = tpu.memref_slice %arg5[%reduce_sum3A_110, %dma_start3A_117] : memref<1000000x32xf32, #tpu.memory_space<hbm>> -> memref<1x32xf32, #tpu.memory_space<hbm>>
      %dma_start3A_119 = arith.constant 0 : i32
      %dma_start3A_120 = tpu.memref_slice %arg11[%scan3A_97, %dma_start3A_119] : memref<128x32xf32, #tpu.memory_space<vmem>> -> memref<1x32xf32, #tpu.memory_space<vmem>>
      %dma_start3A_121 = arith.constant 0 : i32
      %dma_start3A_122 = tpu.memref_slice %arg5[%reduce_sum3A_110, %dma_start3A_121] : memref<1000000x32xf32, #tpu.memory_space<hbm>> -> memref<1x32xf32, #tpu.memory_space<hbm>>
      tpu.enqueue_dma source(%dma_start3A_122 : memref<1x32xf32, #tpu.memory_space<hbm>>) target(%dma_start3A_120 : memref<1x32xf32, #tpu.memory_space<vmem>>) target_semaphore(%arg17 : memref<!tpu.dma_semaphore, #tpu.memory_space<semaphore_mem>>)
      %dma_start3A_123 = arith.constant 0 : i32
      %dma_start3A_124 = tpu.memref_slice %arg13[%scan3A_97, %dma_start3A_123] : memref<128x32xf32, #tpu.memory_space<vmem>> -> memref<1x32xf32, #tpu.memory_space<vmem>>
      %dma_start3A_125 = arith.constant 0 : i32
      %dma_start3A_126 = tpu.memref_slice %arg5[%reduce_sum3A_115, %dma_start3A_125] : memref<1000000x32xf32, #tpu.memory_space<hbm>> -> memref<1x32xf32, #tpu.memory_space<hbm>>
      %dma_start3A_127 = arith.constant 0 : i32
      %dma_start3A_128 = tpu.memref_slice %arg13[%scan3A_97, %dma_start3A_127] : memref<128x32xf32, #tpu.memory_space<vmem>> -> memref<1x32xf32, #tpu.memory_space<vmem>>
      %dma_start3A_129 = arith.constant 0 : i32
      %dma_start3A_130 = tpu.memref_slice %arg5[%reduce_sum3A_115, %dma_start3A_129] : memref<1000000x32xf32, #tpu.memory_space<hbm>> -> memref<1x32xf32, #tpu.memory_space<hbm>>
      tpu.enqueue_dma source(%dma_start3A_130 : memref<1x32xf32, #tpu.memory_space<hbm>>) target(%dma_start3A_128 : memref<1x32xf32, #tpu.memory_space<vmem>>) target_semaphore(%arg17 : memref<!tpu.dma_semaphore, #tpu.memory_space<semaphore_mem>>)
    }
    %scan3A_7 = arith.constant 128 : i32
    tpu.wait_dma2 semaphore(%arg19 : memref<!tpu.dma_semaphore, #tpu.memory_space<semaphore_mem>>) src(%arg6 : memref<250x128xf32, #tpu.memory_space<hbm>>) dst(%arg15 : memref<250x128xf32, #tpu.memory_space<vmem>>)
    %dma_wait3A = arith.constant 0 : i32
    %dma_wait3A_8 = arith.constant 0 : i32
    %dma_wait3A_9 = tpu.memref_slice %arg5[%dma_wait3A, %dma_wait3A_8] : memref<1000000x32xf32, #tpu.memory_space<hbm>> -> memref<128x32xf32, #tpu.memory_space<hbm>>
    %dma_wait3A_10 = arith.constant 0 : i32
    %dma_wait3A_11 = arith.constant 0 : i32
    %dma_wait3A_12 = tpu.memref_slice %arg5[%dma_wait3A_10, %dma_wait3A_11] : memref<1000000x32xf32, #tpu.memory_space<hbm>> -> memref<128x32xf32, #tpu.memory_space<hbm>>
    tpu.wait_dma2 semaphore(%arg17 : memref<!tpu.dma_semaphore, #tpu.memory_space<semaphore_mem>>) src(%dma_wait3A_12 : memref<128x32xf32, #tpu.memory_space<hbm>>) dst(%arg11 : memref<128x32xf32, #tpu.memory_space<vmem>>)
    %dma_wait3A_13 = arith.constant 0 : i32
    %dma_wait3A_14 = arith.constant 0 : i32
    %dma_wait3A_15 = tpu.memref_slice %arg5[%dma_wait3A_13, %dma_wait3A_14] : memref<1000000x32xf32, #tpu.memory_space<hbm>> -> memref<128x32xf32, #tpu.memory_space<hbm>>
    %dma_wait3A_16 = arith.constant 0 : i32
    %dma_wait3A_17 = arith.constant 0 : i32
    %dma_wait3A_18 = tpu.memref_slice %arg5[%dma_wait3A_16, %dma_wait3A_17] : memref<1000000x32xf32, #tpu.memory_space<hbm>> -> memref<128x32xf32, #tpu.memory_space<hbm>>
    tpu.wait_dma2 semaphore(%arg17 : memref<!tpu.dma_semaphore, #tpu.memory_space<semaphore_mem>>) src(%dma_wait3A_18 : memref<128x32xf32, #tpu.memory_space<hbm>>) dst(%arg13 : memref<128x32xf32, #tpu.memory_space<vmem>>)
    %scan3A_19 = arith.constant 0 : i32
    %scan3A_20 = arith.constant 0 : i32
    %scan3A_21 = arith.constant 128 : i32
    %scan3A_22 = arith.addi %scan3A_20, %scan3A_21 : i32
    %scan3A_23 = arith.constant 1 : i32
    scf.for %scan3A_97 = %scan3A_20 to %scan3A_22 step %scan3A_23  : i32 {
      %shift_right_arithmetic3A = arith.constant 4 : i32
      %shift_right_arithmetic3A_98 = arith.shrsi %scan3A_97, %shift_right_arithmetic3A : i32
      %shift_left3A = arith.constant 4 : i32
      %shift_left3A_99 = arith.shli %shift_right_arithmetic3A_98, %shift_left3A : i32
      %add3A_100 = arith.constant 128 : i32
      %add3A_101 = arith.addi %add3A_100, %shift_left3A_99 : i32
      %and3A = arith.constant 15 : i32
      %and3A_102 = arith.andi %scan3A_97, %and3A : i32
      %eq3A = vector.broadcast %and3A_102 : i32 to vector<16xi32>
      %eq3A_103 = arith.cmpi eq, %iota3A, %eq3A : vector<16xi32>
      %convert_element_type3A = arith.extui %eq3A_103 : vector<16xi1> to vector<16xi32>
      %get3A = arith.index_cast %add3A_101 : i32 to index
      %get3A_104 = tpu.vector_load %arg8[%get3A] {strides = array<i32>} : memref<512xi32, #tpu.memory_space<vmem>>, vector<16xi32>,
      %get3A_105 = arith.index_cast %add3A_101 : i32 to index
      %get3A_106 = tpu.vector_load %arg9[%get3A_105] {strides = array<i32>} : memref<512xi32, #tpu.memory_space<vmem>>, vector<16xi32>,
      %mul3A_107 = arith.muli %get3A_104, %convert_element_type3A : vector<16xi32>
      %reduce_sum3A = arith.constant true
      %reduce_sum3A_108 = vector.broadcast %reduce_sum3A : i1 to vector<16xi1>
      %reduce_sum3A_109 = tpu.scan <sum>, %mul3A_107 masked %reduce_sum3A_108 : vector<16xi32>, vector<16xi1> -> vector<16xi32>
      %reduce_sum3A_110 = vector.extract %reduce_sum3A_109[15] : i32 from vector<16xi32>
      %mul3A_111 = arith.muli %get3A_106, %convert_element_type3A : vector<16xi32>
      %reduce_sum3A_112 = arith.constant true
      %reduce_sum3A_113 = vector.broadcast %reduce_sum3A_112 : i1 to vector<16xi1>
      %reduce_sum3A_114 = tpu.scan <sum>, %mul3A_111 masked %reduce_sum3A_113 : vector<16xi32>, vector<16xi1> -> vector<16xi32>
      %reduce_sum3A_115 = vector.extract %reduce_sum3A_114[15] : i32 from vector<16xi32>
      %dma_start3A = arith.constant 0 : i32
      %dma_start3A_116 = tpu.memref_slice %arg12[%scan3A_97, %dma_start3A] : memref<128x32xf32, #tpu.memory_space<vmem>> -> memref<1x32xf32, #tpu.memory_space<vmem>>
      %dma_start3A_117 = arith.constant 0 : i32
      %dma_start3A_118 = tpu.memref_slice %arg5[%reduce_sum3A_110, %dma_start3A_117] : memref<1000000x32xf32, #tpu.memory_space<hbm>> -> memref<1x32xf32, #tpu.memory_space<hbm>>
      %dma_start3A_119 = arith.constant 0 : i32
      %dma_start3A_120 = tpu.memref_slice %arg12[%scan3A_97, %dma_start3A_119] : memref<128x32xf32, #tpu.memory_space<vmem>> -> memref<1x32xf32, #tpu.memory_space<vmem>>
      %dma_start3A_121 = arith.constant 0 : i32
      %dma_start3A_122 = tpu.memref_slice %arg5[%reduce_sum3A_110, %dma_start3A_121] : memref<1000000x32xf32, #tpu.memory_space<hbm>> -> memref<1x32xf32, #tpu.memory_space<hbm>>
      tpu.enqueue_dma source(%dma_start3A_122 : memref<1x32xf32, #tpu.memory_space<hbm>>) target(%dma_start3A_120 : memref<1x32xf32, #tpu.memory_space<vmem>>) target_semaphore(%arg18 : memref<!tpu.dma_semaphore, #tpu.memory_space<semaphore_mem>>)
      %dma_start3A_123 = arith.constant 0 : i32
      %dma_start3A_124 = tpu.memref_slice %arg14[%scan3A_97, %dma_start3A_123] : memref<128x32xf32, #tpu.memory_space<vmem>> -> memref<1x32xf32, #tpu.memory_space<vmem>>
      %dma_start3A_125 = arith.constant 0 : i32
      %dma_start3A_126 = tpu.memref_slice %arg5[%reduce_sum3A_115, %dma_start3A_125] : memref<1000000x32xf32, #tpu.memory_space<hbm>> -> memref<1x32xf32, #tpu.memory_space<hbm>>
      %dma_start3A_127 = arith.constant 0 : i32
      %dma_start3A_128 = tpu.memref_slice %arg14[%scan3A_97, %dma_start3A_127] : memref<128x32xf32, #tpu.memory_space<vmem>> -> memref<1x32xf32, #tpu.memory_space<vmem>>
      %dma_start3A_129 = arith.constant 0 : i32
      %dma_start3A_130 = tpu.memref_slice %arg5[%reduce_sum3A_115, %dma_start3A_129] : memref<1000000x32xf32, #tpu.memory_space<hbm>> -> memref<1x32xf32, #tpu.memory_space<hbm>>
      tpu.enqueue_dma source(%dma_start3A_130 : memref<1x32xf32, #tpu.memory_space<hbm>>) target(%dma_start3A_128 : memref<1x32xf32, #tpu.memory_space<vmem>>) target_semaphore(%arg18 : memref<!tpu.dma_semaphore, #tpu.memory_space<semaphore_mem>>)
    }
    %scan3A_24 = arith.constant 128 : i32
    %scan3A_25 = arith.constant 0 : i32
    %scan3A_26 = arith.constant 0 : i32
    %scan3A_27 = arith.constant 8 : i32
    %scan3A_28 = arith.addi %scan3A_26, %scan3A_27 : i32
    %scan3A_29 = arith.constant 1 : i32
    scf.for %scan3A_97 = %scan3A_26 to %scan3A_28 step %scan3A_29  : i32 {
      %mul3A_98 = arith.constant 16 : i32
      %mul3A_99 = arith.muli %scan3A_97, %mul3A_98 : i32
      %add3A_100 = vector.broadcast %mul3A_99 : i32 to vector<16xi32>
      %add3A_101 = arith.addi %iota3A, %add3A_100 : vector<16xi32>
      %mul3A_102 = arith.constant 16 : i32
      %mul3A_103 = arith.muli %scan3A_97, %mul3A_102 : i32
      %add3A_104 = arith.constant 0 : i32
      %add3A_105 = arith.addi %add3A_104, %mul3A_103 : i32
      %get3A = arith.index_cast %add3A_105 : i32 to index
      %get3A_106 = tpu.vector_load %arg10[%get3A] {strides = array<i32>} : memref<512xi32, #tpu.memory_space<vmem>>, vector<16xi32>,
      %shift_right_arithmetic3A = arith.constant 2 : i32
      %shift_right_arithmetic3A_107 = vector.broadcast %shift_right_arithmetic3A : i32 to vector<16xi32>
      %shift_right_arithmetic3A_108 = arith.shrsi %get3A_106, %shift_right_arithmetic3A_107 : vector<16xi32>
      %get3A_109 = arith.index_cast %add3A_105 : i32 to index
      %get3A_110 = tpu.vector_load %arg10[%get3A_109] {strides = array<i32>} : memref<512xi32, #tpu.memory_space<vmem>>, vector<16xi32>,
      %and3A = arith.constant 3 : i32
      %and3A_111 = vector.broadcast %and3A : i32 to vector<16xi32>
      %and3A_112 = arith.andi %get3A_110, %and3A_111 : vector<16xi32>
      %shift_left3A = arith.constant 5 : i32
      %shift_left3A_113 = vector.broadcast %shift_left3A : i32 to vector<16xi32>
      %shift_left3A_114 = arith.shli %and3A_112, %shift_left3A_113 : vector<16xi32>
      %broadcast_in_dim3A = arith.constant 0.000000e+00 : f32
      %broadcast_in_dim3A_115 = vector.broadcast %broadcast_in_dim3A : f32 to vector<16xf32>
      %add3A_116 = arith.constant 0 : i32
      %add3A_117 = vector.broadcast %add3A_116 : i32 to vector<16xi32>
      %add3A_118 = arith.addi %iota3A, %add3A_117 : vector<16xi32>
      %and3A_119 = arith.constant 31 : i32
      %and3A_120 = vector.broadcast %and3A_119 : i32 to vector<16xi32>
      %and3A_121 = arith.andi %add3A_118, %and3A_120 : vector<16xi32>
      %gather3A = tpu.vector_load_idx %arg11[%add3A_101, %and3A_121] : memref<128x32xf32, #tpu.memory_space<vmem>>[vector<16xi32>, vector<16xi32>], vector<16xf32>,
      %add3A_122 = arith.addi %shift_left3A_114, %and3A_121 : vector<16xi32>
      %gather3A_123 = tpu.vector_load_idx %arg15[%shift_right_arithmetic3A_108, %add3A_122] : memref<250x128xf32, #tpu.memory_space<vmem>>[vector<16xi32>, vector<16xi32>], vector<16xf32>,
      %gather3A_124 = tpu.vector_load_idx %arg13[%add3A_101, %and3A_121] : memref<128x32xf32, #tpu.memory_space<vmem>>[vector<16xi32>, vector<16xi32>], vector<16xf32>,
      %add3A_125 = arith.addf %gather3A, %gather3A_123 : vector<16xf32>
      %sub3A = arith.subf %add3A_125, %gather3A_124 : vector<16xf32>
      %mul3A_126 = arith.mulf %sub3A, %sub3A : vector<16xf32>
      %add3A_127 = arith.addf %broadcast_in_dim3A_115, %mul3A_126 : vector<16xf32>
      %add3A_128 = arith.constant 1 : i32
      %add3A_129 = vector.broadcast %add3A_128 : i32 to vector<16xi32>
      %add3A_130 = arith.addi %iota3A, %add3A_129 : vector<16xi32>
      %and3A_131 = arith.constant 31 : i32
      %and3A_132 = vector.broadcast %and3A_131 : i32 to vector<16xi32>
      %and3A_133 = arith.andi %add3A_130, %and3A_132 : vector<16xi32>
      %gather3A_134 = tpu.vector_load_idx %arg11[%add3A_101, %and3A_133] : memref<128x32xf32, #tpu.memory_space<vmem>>[vector<16xi32>, vector<16xi32>], vector<16xf32>,
      %add3A_135 = arith.addi %shift_left3A_114, %and3A_133 : vector<16xi32>
      %gather3A_136 = tpu.vector_load_idx %arg15[%shift_right_arithmetic3A_108, %add3A_135] : memref<250x128xf32, #tpu.memory_space<vmem>>[vector<16xi32>, vector<16xi32>], vector<16xf32>,
      %gather3A_137 = tpu.vector_load_idx %arg13[%add3A_101, %and3A_133] : memref<128x32xf32, #tpu.memory_space<vmem>>[vector<16xi32>, vector<16xi32>], vector<16xf32>,
      %add3A_138 = arith.addf %gather3A_134, %gather3A_136 : vector<16xf32>
      %sub3A_139 = arith.subf %add3A_138, %gather3A_137 : vector<16xf32>
      %mul3A_140 = arith.mulf %sub3A_139, %sub3A_139 : vector<16xf32>
      %add3A_141 = arith.addf %add3A_127, %mul3A_140 : vector<16xf32>
      %add3A_142 = arith.constant 2 : i32
      %add3A_143 = vector.broadcast %add3A_142 : i32 to vector<16xi32>
      %add3A_144 = arith.addi %iota3A, %add3A_143 : vector<16xi32>
      %and3A_145 = arith.constant 31 : i32
      %and3A_146 = vector.broadcast %and3A_145 : i32 to vector<16xi32>
      %and3A_147 = arith.andi %add3A_144, %and3A_146 : vector<16xi32>
      %gather3A_148 = tpu.vector_load_idx %arg11[%add3A_101, %and3A_147] : memref<128x32xf32, #tpu.memory_space<vmem>>[vector<16xi32>, vector<16xi32>], vector<16xf32>,
      %add3A_149 = arith.addi %shift_left3A_114, %and3A_147 : vector<16xi32>
      %gather3A_150 = tpu.vector_load_idx %arg15[%shift_right_arithmetic3A_108, %add3A_149] : memref<250x128xf32, #tpu.memory_space<vmem>>[vector<16xi32>, vector<16xi32>], vector<16xf32>,
      %gather3A_151 = tpu.vector_load_idx %arg13[%add3A_101, %and3A_147] : memref<128x32xf32, #tpu.memory_space<vmem>>[vector<16xi32>, vector<16xi32>], vector<16xf32>,
      %add3A_152 = arith.addf %gather3A_148, %gather3A_150 : vector<16xf32>
      %sub3A_153 = arith.subf %add3A_152, %gather3A_151 : vector<16xf32>
      %mul3A_154 = arith.mulf %sub3A_153, %sub3A_153 : vector<16xf32>
      %add3A_155 = arith.addf %add3A_141, %mul3A_154 : vector<16xf32>
      %add3A_156 = arith.constant 3 : i32
      %add3A_157 = vector.broadcast %add3A_156 : i32 to vector<16xi32>
      %add3A_158 = arith.addi %iota3A, %add3A_157 : vector<16xi32>
      %and3A_159 = arith.constant 31 : i32
      %and3A_160 = vector.broadcast %and3A_159 : i32 to vector<16xi32>
      %and3A_161 = arith.andi %add3A_158, %and3A_160 : vector<16xi32>
      %gather3A_162 = tpu.vector_load_idx %arg11[%add3A_101, %and3A_161] : memref<128x32xf32, #tpu.memory_space<vmem>>[vector<16xi32>, vector<16xi32>], vector<16xf32>,
      %add3A_163 = arith.addi %shift_left3A_114, %and3A_161 : vector<16xi32>
      %gather3A_164 = tpu.vector_load_idx %arg15[%shift_right_arithmetic3A_108, %add3A_163] : memref<250x128xf32, #tpu.memory_space<vmem>>[vector<16xi32>, vector<16xi32>], vector<16xf32>,
      %gather3A_165 = tpu.vector_load_idx %arg13[%add3A_101, %and3A_161] : memref<128x32xf32, #tpu.memory_space<vmem>>[vector<16xi32>, vector<16xi32>], vector<16xf32>,
      %add3A_166 = arith.addf %gather3A_162, %gather3A_164 : vector<16xf32>
      %sub3A_167 = arith.subf %add3A_166, %gather3A_165 : vector<16xf32>
      %mul3A_168 = arith.mulf %sub3A_167, %sub3A_167 : vector<16xf32>
      %add3A_169 = arith.addf %add3A_155, %mul3A_168 : vector<16xf32>
      %add3A_170 = arith.constant 4 : i32
      %add3A_171 = vector.broadcast %add3A_170 : i32 to vector<16xi32>
      %add3A_172 = arith.addi %iota3A, %add3A_171 : vector<16xi32>
      %and3A_173 = arith.constant 31 : i32
      %and3A_174 = vector.broadcast %and3A_173 : i32 to vector<16xi32>
      %and3A_175 = arith.andi %add3A_172, %and3A_174 : vector<16xi32>
      %gather3A_176 = tpu.vector_load_idx %arg11[%add3A_101, %and3A_175] : memref<128x32xf32, #tpu.memory_space<vmem>>[vector<16xi32>, vector<16xi32>], vector<16xf32>,
      %add3A_177 = arith.addi %shift_left3A_114, %and3A_175 : vector<16xi32>
      %gather3A_178 = tpu.vector_load_idx %arg15[%shift_right_arithmetic3A_108, %add3A_177] : memref<250x128xf32, #tpu.memory_space<vmem>>[vector<16xi32>, vector<16xi32>], vector<16xf32>,
      %gather3A_179 = tpu.vector_load_idx %arg13[%add3A_101, %and3A_175] : memref<128x32xf32, #tpu.memory_space<vmem>>[vector<16xi32>, vector<16xi32>], vector<16xf32>,
      %add3A_180 = arith.addf %gather3A_176, %gather3A_178 : vector<16xf32>
      %sub3A_181 = arith.subf %add3A_180, %gather3A_179 : vector<16xf32>
      %mul3A_182 = arith.mulf %sub3A_181, %sub3A_181 : vector<16xf32>
      %add3A_183 = arith.addf %add3A_169, %mul3A_182 : vector<16xf32>
      %add3A_184 = arith.constant 5 : i32
      %add3A_185 = vector.broadcast %add3A_184 : i32 to vector<16xi32>
      %add3A_186 = arith.addi %iota3A, %add3A_185 : vector<16xi32>
      %and3A_187 = arith.constant 31 : i32
      %and3A_188 = vector.broadcast %and3A_187 : i32 to vector<16xi32>
      %and3A_189 = arith.andi %add3A_186, %and3A_188 : vector<16xi32>
      %gather3A_190 = tpu.vector_load_idx %arg11[%add3A_101, %and3A_189] : memref<128x32xf32, #tpu.memory_space<vmem>>[vector<16xi32>, vector<16xi32>], vector<16xf32>,
      %add3A_191 = arith.addi %shift_left3A_114, %and3A_189 : vector<16xi32>
      %gather3A_192 = tpu.vector_load_idx %arg15[%shift_right_arithmetic3A_108, %add3A_191] : memref<250x128xf32, #tpu.memory_space<vmem>>[vector<16xi32>, vector<16xi32>], vector<16xf32>,
      %gather3A_193 = tpu.vector_load_idx %arg13[%add3A_101, %and3A_189] : memref<128x32xf32, #tpu.memory_space<vmem>>[vector<16xi32>, vector<16xi32>], vector<16xf32>,
      %add3A_194 = arith.addf %gather3A_190, %gather3A_192 : vector<16xf32>
      %sub3A_195 = arith.subf %add3A_194, %gather3A_193 : vector<16xf32>
      %mul3A_196 = arith.mulf %sub3A_195, %sub3A_195 : vector<16xf32>
      %add3A_197 = arith.addf %add3A_183, %mul3A_196 : vector<16xf32>
      %add3A_198 = arith.constant 6 : i32
      %add3A_199 = vector.broadcast %add3A_198 : i32 to vector<16xi32>
      %add3A_200 = arith.addi %iota3A, %add3A_199 : vector<16xi32>
      %and3A_201 = arith.constant 31 : i32
      %and3A_202 = vector.broadcast %and3A_201 : i32 to vector<16xi32>
      %and3A_203 = arith.andi %add3A_200, %and3A_202 : vector<16xi32>
      %gather3A_204 = tpu.vector_load_idx %arg11[%add3A_101, %and3A_203] : memref<128x32xf32, #tpu.memory_space<vmem>>[vector<16xi32>, vector<16xi32>], vector<16xf32>,
      %add3A_205 = arith.addi %shift_left3A_114, %and3A_203 : vector<16xi32>
      %gather3A_206 = tpu.vector_load_idx %arg15[%shift_right_arithmetic3A_108, %add3A_205] : memref<250x128xf32, #tpu.memory_space<vmem>>[vector<16xi32>, vector<16xi32>], vector<16xf32>,
      %gather3A_207 = tpu.vector_load_idx %arg13[%add3A_101, %and3A_203] : memref<128x32xf32, #tpu.memory_space<vmem>>[vector<16xi32>, vector<16xi32>], vector<16xf32>,
      %add3A_208 = arith.addf %gather3A_204, %gather3A_206 : vector<16xf32>
      %sub3A_209 = arith.subf %add3A_208, %gather3A_207 : vector<16xf32>
      %mul3A_210 = arith.mulf %sub3A_209, %sub3A_209 : vector<16xf32>
      %add3A_211 = arith.addf %add3A_197, %mul3A_210 : vector<16xf32>
      %add3A_212 = arith.constant 7 : i32
      %add3A_213 = vector.broadcast %add3A_212 : i32 to vector<16xi32>
      %add3A_214 = arith.addi %iota3A, %add3A_213 : vector<16xi32>
      %and3A_215 = arith.constant 31 : i32
      %and3A_216 = vector.broadcast %and3A_215 : i32 to vector<16xi32>
      %and3A_217 = arith.andi %add3A_214, %and3A_216 : vector<16xi32>
      %gather3A_218 = tpu.vector_load_idx %arg11[%add3A_101, %and3A_217] : memref<128x32xf32, #tpu.memory_space<vmem>>[vector<16xi32>, vector<16xi32>], vector<16xf32>,
      %add3A_219 = arith.addi %shift_left3A_114, %and3A_217 : vector<16xi32>
      %gather3A_220 = tpu.vector_load_idx %arg15[%shift_right_arithmetic3A_108, %add3A_219] : memref<250x128xf32, #tpu.memory_space<vmem>>[vector<16xi32>, vector<16xi32>], vector<16xf32>,
      %gather3A_221 = tpu.vector_load_idx %arg13[%add3A_101, %and3A_217] : memref<128x32xf32, #tpu.memory_space<vmem>>[vector<16xi32>, vector<16xi32>], vector<16xf32>,
      %add3A_222 = arith.addf %gather3A_218, %gather3A_220 : vector<16xf32>
      %sub3A_223 = arith.subf %add3A_222, %gather3A_221 : vector<16xf32>
      %mul3A_224 = arith.mulf %sub3A_223, %sub3A_223 : vector<16xf32>
      %add3A_225 = arith.addf %add3A_211, %mul3A_224 : vector<16xf32>
      %add3A_226 = arith.constant 8 : i32
      %add3A_227 = vector.broadcast %add3A_226 : i32 to vector<16xi32>
      %add3A_228 = arith.addi %iota3A, %add3A_227 : vector<16xi32>
      %and3A_229 = arith.constant 31 : i32
      %and3A_230 = vector.broadcast %and3A_229 : i32 to vector<16xi32>
      %and3A_231 = arith.andi %add3A_228, %and3A_230 : vector<16xi32>
      %gather3A_232 = tpu.vector_load_idx %arg11[%add3A_101, %and3A_231] : memref<128x32xf32, #tpu.memory_space<vmem>>[vector<16xi32>, vector<16xi32>], vector<16xf32>,
      %add3A_233 = arith.addi %shift_left3A_114, %and3A_231 : vector<16xi32>
      %gather3A_234 = tpu.vector_load_idx %arg15[%shift_right_arithmetic3A_108, %add3A_233] : memref<250x128xf32, #tpu.memory_space<vmem>>[vector<16xi32>, vector<16xi32>], vector<16xf32>,
      %gather3A_235 = tpu.vector_load_idx %arg13[%add3A_101, %and3A_231] : memref<128x32xf32, #tpu.memory_space<vmem>>[vector<16xi32>, vector<16xi32>], vector<16xf32>,
      %add3A_236 = arith.addf %gather3A_232, %gather3A_234 : vector<16xf32>
      %sub3A_237 = arith.subf %add3A_236, %gather3A_235 : vector<16xf32>
      %mul3A_238 = arith.mulf %sub3A_237, %sub3A_237 : vector<16xf32>
      %add3A_239 = arith.addf %add3A_225, %mul3A_238 : vector<16xf32>
      %add3A_240 = arith.constant 9 : i32
      %add3A_241 = vector.broadcast %add3A_240 : i32 to vector<16xi32>
      %add3A_242 = arith.addi %iota3A, %add3A_241 : vector<16xi32>
      %and3A_243 = arith.constant 31 : i32
      %and3A_244 = vector.broadcast %and3A_243 : i32 to vector<16xi32>
      %and3A_245 = arith.andi %add3A_242, %and3A_244 : vector<16xi32>
      %gather3A_246 = tpu.vector_load_idx %arg11[%add3A_101, %and3A_245] : memref<128x32xf32, #tpu.memory_space<vmem>>[vector<16xi32>, vector<16xi32>], vector<16xf32>,
      %add3A_247 = arith.addi %shift_left3A_114, %and3A_245 : vector<16xi32>
      %gather3A_248 = tpu.vector_load_idx %arg15[%shift_right_arithmetic3A_108, %add3A_247] : memref<250x128xf32, #tpu.memory_space<vmem>>[vector<16xi32>, vector<16xi32>], vector<16xf32>,
      %gather3A_249 = tpu.vector_load_idx %arg13[%add3A_101, %and3A_245] : memref<128x32xf32, #tpu.memory_space<vmem>>[vector<16xi32>, vector<16xi32>], vector<16xf32>,
      %add3A_250 = arith.addf %gather3A_246, %gather3A_248 : vector<16xf32>
      %sub3A_251 = arith.subf %add3A_250, %gather3A_249 : vector<16xf32>
      %mul3A_252 = arith.mulf %sub3A_251, %sub3A_251 : vector<16xf32>
      %add3A_253 = arith.addf %add3A_239, %mul3A_252 : vector<16xf32>
      %add3A_254 = arith.constant 10 : i32
      %add3A_255 = vector.broadcast %add3A_254 : i32 to vector<16xi32>
      %add3A_256 = arith.addi %iota3A, %add3A_255 : vector<16xi32>
      %and3A_257 = arith.constant 31 : i32
      %and3A_258 = vector.broadcast %and3A_257 : i32 to vector<16xi32>
      %and3A_259 = arith.andi %add3A_256, %and3A_258 : vector<16xi32>
      %gather3A_260 = tpu.vector_load_idx %arg11[%add3A_101, %and3A_259] : memref<128x32xf32, #tpu.memory_space<vmem>>[vector<16xi32>, vector<16xi32>], vector<16xf32>,
      %add3A_261 = arith.addi %shift_left3A_114, %and3A_259 : vector<16xi32>
      %gather3A_262 = tpu.vector_load_idx %arg15[%shift_right_arithmetic3A_108, %add3A_261] : memref<250x128xf32, #tpu.memory_space<vmem>>[vector<16xi32>, vector<16xi32>], vector<16xf32>,
      %gather3A_263 = tpu.vector_load_idx %arg13[%add3A_101, %and3A_259] : memref<128x32xf32, #tpu.memory_space<vmem>>[vector<16xi32>, vector<16xi32>], vector<16xf32>,
      %add3A_264 = arith.addf %gather3A_260, %gather3A_262 : vector<16xf32>
      %sub3A_265 = arith.subf %add3A_264, %gather3A_263 : vector<16xf32>
      %mul3A_266 = arith.mulf %sub3A_265, %sub3A_265 : vector<16xf32>
      %add3A_267 = arith.addf %add3A_253, %mul3A_266 : vector<16xf32>
      %add3A_268 = arith.constant 11 : i32
      %add3A_269 = vector.broadcast %add3A_268 : i32 to vector<16xi32>
      %add3A_270 = arith.addi %iota3A, %add3A_269 : vector<16xi32>
      %and3A_271 = arith.constant 31 : i32
      %and3A_272 = vector.broadcast %and3A_271 : i32 to vector<16xi32>
      %and3A_273 = arith.andi %add3A_270, %and3A_272 : vector<16xi32>
      %gather3A_274 = tpu.vector_load_idx %arg11[%add3A_101, %and3A_273] : memref<128x32xf32, #tpu.memory_space<vmem>>[vector<16xi32>, vector<16xi32>], vector<16xf32>,
      %add3A_275 = arith.addi %shift_left3A_114, %and3A_273 : vector<16xi32>
      %gather3A_276 = tpu.vector_load_idx %arg15[%shift_right_arithmetic3A_108, %add3A_275] : memref<250x128xf32, #tpu.memory_space<vmem>>[vector<16xi32>, vector<16xi32>], vector<16xf32>,
      %gather3A_277 = tpu.vector_load_idx %arg13[%add3A_101, %and3A_273] : memref<128x32xf32, #tpu.memory_space<vmem>>[vector<16xi32>, vector<16xi32>], vector<16xf32>,
      %add3A_278 = arith.addf %gather3A_274, %gather3A_276 : vector<16xf32>
      %sub3A_279 = arith.subf %add3A_278, %gather3A_277 : vector<16xf32>
      %mul3A_280 = arith.mulf %sub3A_279, %sub3A_279 : vector<16xf32>
      %add3A_281 = arith.addf %add3A_267, %mul3A_280 : vector<16xf32>
      %add3A_282 = arith.constant 12 : i32
      %add3A_283 = vector.broadcast %add3A_282 : i32 to vector<16xi32>
      %add3A_284 = arith.addi %iota3A, %add3A_283 : vector<16xi32>
      %and3A_285 = arith.constant 31 : i32
      %and3A_286 = vector.broadcast %and3A_285 : i32 to vector<16xi32>
      %and3A_287 = arith.andi %add3A_284, %and3A_286 : vector<16xi32>
      %gather3A_288 = tpu.vector_load_idx %arg11[%add3A_101, %and3A_287] : memref<128x32xf32, #tpu.memory_space<vmem>>[vector<16xi32>, vector<16xi32>], vector<16xf32>,
      %add3A_289 = arith.addi %shift_left3A_114, %and3A_287 : vector<16xi32>
      %gather3A_290 = tpu.vector_load_idx %arg15[%shift_right_arithmetic3A_108, %add3A_289] : memref<250x128xf32, #tpu.memory_space<vmem>>[vector<16xi32>, vector<16xi32>], vector<16xf32>,
      %gather3A_291 = tpu.vector_load_idx %arg13[%add3A_101, %and3A_287] : memref<128x32xf32, #tpu.memory_space<vmem>>[vector<16xi32>, vector<16xi32>], vector<16xf32>,
      %add3A_292 = arith.addf %gather3A_288, %gather3A_290 : vector<16xf32>
      %sub3A_293 = arith.subf %add3A_292, %gather3A_291 : vector<16xf32>
      %mul3A_294 = arith.mulf %sub3A_293, %sub3A_293 : vector<16xf32>
      %add3A_295 = arith.addf %add3A_281, %mul3A_294 : vector<16xf32>
      %add3A_296 = arith.constant 13 : i32
      %add3A_297 = vector.broadcast %add3A_296 : i32 to vector<16xi32>
      %add3A_298 = arith.addi %iota3A, %add3A_297 : vector<16xi32>
      %and3A_299 = arith.constant 31 : i32
      %and3A_300 = vector.broadcast %and3A_299 : i32 to vector<16xi32>
      %and3A_301 = arith.andi %add3A_298, %and3A_300 : vector<16xi32>
      %gather3A_302 = tpu.vector_load_idx %arg11[%add3A_101, %and3A_301] : memref<128x32xf32, #tpu.memory_space<vmem>>[vector<16xi32>, vector<16xi32>], vector<16xf32>,
      %add3A_303 = arith.addi %shift_left3A_114, %and3A_301 : vector<16xi32>
      %gather3A_304 = tpu.vector_load_idx %arg15[%shift_right_arithmetic3A_108, %add3A_303] : memref<250x128xf32, #tpu.memory_space<vmem>>[vector<16xi32>, vector<16xi32>], vector<16xf32>,
      %gather3A_305 = tpu.vector_load_idx %arg13[%add3A_101, %and3A_301] : memref<128x32xf32, #tpu.memory_space<vmem>>[vector<16xi32>, vector<16xi32>], vector<16xf32>,
      %add3A_306 = arith.addf %gather3A_302, %gather3A_304 : vector<16xf32>
      %sub3A_307 = arith.subf %add3A_306, %gather3A_305 : vector<16xf32>
      %mul3A_308 = arith.mulf %sub3A_307, %sub3A_307 : vector<16xf32>
      %add3A_309 = arith.addf %add3A_295, %mul3A_308 : vector<16xf32>
      %add3A_310 = arith.constant 14 : i32
      %add3A_311 = vector.broadcast %add3A_310 : i32 to vector<16xi32>
      %add3A_312 = arith.addi %iota3A, %add3A_311 : vector<16xi32>
      %and3A_313 = arith.constant 31 : i32
      %and3A_314 = vector.broadcast %and3A_313 : i32 to vector<16xi32>
      %and3A_315 = arith.andi %add3A_312, %and3A_314 : vector<16xi32>
      %gather3A_316 = tpu.vector_load_idx %arg11[%add3A_101, %and3A_315] : memref<128x32xf32, #tpu.memory_space<vmem>>[vector<16xi32>, vector<16xi32>], vector<16xf32>,
      %add3A_317 = arith.addi %shift_left3A_114, %and3A_315 : vector<16xi32>
      %gather3A_318 = tpu.vector_load_idx %arg15[%shift_right_arithmetic3A_108, %add3A_317] : memref<250x128xf32, #tpu.memory_space<vmem>>[vector<16xi32>, vector<16xi32>], vector<16xf32>,
      %gather3A_319 = tpu.vector_load_idx %arg13[%add3A_101, %and3A_315] : memref<128x32xf32, #tpu.memory_space<vmem>>[vector<16xi32>, vector<16xi32>], vector<16xf32>,
      %add3A_320 = arith.addf %gather3A_316, %gather3A_318 : vector<16xf32>
      %sub3A_321 = arith.subf %add3A_320, %gather3A_319 : vector<16xf32>
      %mul3A_322 = arith.mulf %sub3A_321, %sub3A_321 : vector<16xf32>
      %add3A_323 = arith.addf %add3A_309, %mul3A_322 : vector<16xf32>
      %add3A_324 = arith.constant 15 : i32
      %add3A_325 = vector.broadcast %add3A_324 : i32 to vector<16xi32>
      %add3A_326 = arith.addi %iota3A, %add3A_325 : vector<16xi32>
      %and3A_327 = arith.constant 31 : i32
      %and3A_328 = vector.broadcast %and3A_327 : i32 to vector<16xi32>
      %and3A_329 = arith.andi %add3A_326, %and3A_328 : vector<16xi32>
      %gather3A_330 = tpu.vector_load_idx %arg11[%add3A_101, %and3A_329] : memref<128x32xf32, #tpu.memory_space<vmem>>[vector<16xi32>, vector<16xi32>], vector<16xf32>,
      %add3A_331 = arith.addi %shift_left3A_114, %and3A_329 : vector<16xi32>
      %gather3A_332 = tpu.vector_load_idx %arg15[%shift_right_arithmetic3A_108, %add3A_331] : memref<250x128xf32, #tpu.memory_space<vmem>>[vector<16xi32>, vector<16xi32>], vector<16xf32>,
      %gather3A_333 = tpu.vector_load_idx %arg13[%add3A_101, %and3A_329] : memref<128x32xf32, #tpu.memory_space<vmem>>[vector<16xi32>, vector<16xi32>], vector<16xf32>,
      %add3A_334 = arith.addf %gather3A_330, %gather3A_332 : vector<16xf32>
      %sub3A_335 = arith.subf %add3A_334, %gather3A_333 : vector<16xf32>
      %mul3A_336 = arith.mulf %sub3A_335, %sub3A_335 : vector<16xf32>
      %add3A_337 = arith.addf %add3A_323, %mul3A_336 : vector<16xf32>
      %add3A_338 = arith.constant 16 : i32
      %add3A_339 = vector.broadcast %add3A_338 : i32 to vector<16xi32>
      %add3A_340 = arith.addi %iota3A, %add3A_339 : vector<16xi32>
      %and3A_341 = arith.constant 31 : i32
      %and3A_342 = vector.broadcast %and3A_341 : i32 to vector<16xi32>
      %and3A_343 = arith.andi %add3A_340, %and3A_342 : vector<16xi32>
      %gather3A_344 = tpu.vector_load_idx %arg11[%add3A_101, %and3A_343] : memref<128x32xf32, #tpu.memory_space<vmem>>[vector<16xi32>, vector<16xi32>], vector<16xf32>,
      %add3A_345 = arith.addi %shift_left3A_114, %and3A_343 : vector<16xi32>
      %gather3A_346 = tpu.vector_load_idx %arg15[%shift_right_arithmetic3A_108, %add3A_345] : memref<250x128xf32, #tpu.memory_space<vmem>>[vector<16xi32>, vector<16xi32>], vector<16xf32>,
      %gather3A_347 = tpu.vector_load_idx %arg13[%add3A_101, %and3A_343] : memref<128x32xf32, #tpu.memory_space<vmem>>[vector<16xi32>, vector<16xi32>], vector<16xf32>,
      %add3A_348 = arith.addf %gather3A_344, %gather3A_346 : vector<16xf32>
      %sub3A_349 = arith.subf %add3A_348, %gather3A_347 : vector<16xf32>
      %mul3A_350 = arith.mulf %sub3A_349, %sub3A_349 : vector<16xf32>
      %add3A_351 = arith.addf %add3A_337, %mul3A_350 : vector<16xf32>
      %add3A_352 = arith.constant 17 : i32
      %add3A_353 = vector.broadcast %add3A_352 : i32 to vector<16xi32>
      %add3A_354 = arith.addi %iota3A, %add3A_353 : vector<16xi32>
      %and3A_355 = arith.constant 31 : i32
      %and3A_356 = vector.broadcast %and3A_355 : i32 to vector<16xi32>
      %and3A_357 = arith.andi %add3A_354, %and3A_356 : vector<16xi32>
      %gather3A_358 = tpu.vector_load_idx %arg11[%add3A_101, %and3A_357] : memref<128x32xf32, #tpu.memory_space<vmem>>[vector<16xi32>, vector<16xi32>], vector<16xf32>,
      %add3A_359 = arith.addi %shift_left3A_114, %and3A_357 : vector<16xi32>
      %gather3A_360 = tpu.vector_load_idx %arg15[%shift_right_arithmetic3A_108, %add3A_359] : memref<250x128xf32, #tpu.memory_space<vmem>>[vector<16xi32>, vector<16xi32>], vector<16xf32>,
      %gather3A_361 = tpu.vector_load_idx %arg13[%add3A_101, %and3A_357] : memref<128x32xf32, #tpu.memory_space<vmem>>[vector<16xi32>, vector<16xi32>], vector<16xf32>,
      %add3A_362 = arith.addf %gather3A_358, %gather3A_360 : vector<16xf32>
      %sub3A_363 = arith.subf %add3A_362, %gather3A_361 : vector<16xf32>
      %mul3A_364 = arith.mulf %sub3A_363, %sub3A_363 : vector<16xf32>
      %add3A_365 = arith.addf %add3A_351, %mul3A_364 : vector<16xf32>
      %add3A_366 = arith.constant 18 : i32
      %add3A_367 = vector.broadcast %add3A_366 : i32 to vector<16xi32>
      %add3A_368 = arith.addi %iota3A, %add3A_367 : vector<16xi32>
      %and3A_369 = arith.constant 31 : i32
      %and3A_370 = vector.broadcast %and3A_369 : i32 to vector<16xi32>
      %and3A_371 = arith.andi %add3A_368, %and3A_370 : vector<16xi32>
      %gather3A_372 = tpu.vector_load_idx %arg11[%add3A_101, %and3A_371] : memref<128x32xf32, #tpu.memory_space<vmem>>[vector<16xi32>, vector<16xi32>], vector<16xf32>,
      %add3A_373 = arith.addi %shift_left3A_114, %and3A_371 : vector<16xi32>
      %gather3A_374 = tpu.vector_load_idx %arg15[%shift_right_arithmetic3A_108, %add3A_373] : memref<250x128xf32, #tpu.memory_space<vmem>>[vector<16xi32>, vector<16xi32>], vector<16xf32>,
      %gather3A_375 = tpu.vector_load_idx %arg13[%add3A_101, %and3A_371] : memref<128x32xf32, #tpu.memory_space<vmem>>[vector<16xi32>, vector<16xi32>], vector<16xf32>,
      %add3A_376 = arith.addf %gather3A_372, %gather3A_374 : vector<16xf32>
      %sub3A_377 = arith.subf %add3A_376, %gather3A_375 : vector<16xf32>
      %mul3A_378 = arith.mulf %sub3A_377, %sub3A_377 : vector<16xf32>
      %add3A_379 = arith.addf %add3A_365, %mul3A_378 : vector<16xf32>
      %add3A_380 = arith.constant 19 : i32
      %add3A_381 = vector.broadcast %add3A_380 : i32 to vector<16xi32>
      %add3A_382 = arith.addi %iota3A, %add3A_381 : vector<16xi32>
      %and3A_383 = arith.constant 31 : i32
      %and3A_384 = vector.broadcast %and3A_383 : i32 to vector<16xi32>
      %and3A_385 = arith.andi %add3A_382, %and3A_384 : vector<16xi32>
      %gather3A_386 = tpu.vector_load_idx %arg11[%add3A_101, %and3A_385] : memref<128x32xf32, #tpu.memory_space<vmem>>[vector<16xi32>, vector<16xi32>], vector<16xf32>,
      %add3A_387 = arith.addi %shift_left3A_114, %and3A_385 : vector<16xi32>
      %gather3A_388 = tpu.vector_load_idx %arg15[%shift_right_arithmetic3A_108, %add3A_387] : memref<250x128xf32, #tpu.memory_space<vmem>>[vector<16xi32>, vector<16xi32>], vector<16xf32>,
      %gather3A_389 = tpu.vector_load_idx %arg13[%add3A_101, %and3A_385] : memref<128x32xf32, #tpu.memory_space<vmem>>[vector<16xi32>, vector<16xi32>], vector<16xf32>,
      %add3A_390 = arith.addf %gather3A_386, %gather3A_388 : vector<16xf32>
      %sub3A_391 = arith.subf %add3A_390, %gather3A_389 : vector<16xf32>
      %mul3A_392 = arith.mulf %sub3A_391, %sub3A_391 : vector<16xf32>
      %add3A_393 = arith.addf %add3A_379, %mul3A_392 : vector<16xf32>
      %add3A_394 = arith.constant 20 : i32
      %add3A_395 = vector.broadcast %add3A_394 : i32 to vector<16xi32>
      %add3A_396 = arith.addi %iota3A, %add3A_395 : vector<16xi32>
      %and3A_397 = arith.constant 31 : i32
      %and3A_398 = vector.broadcast %and3A_397 : i32 to vector<16xi32>
      %and3A_399 = arith.andi %add3A_396, %and3A_398 : vector<16xi32>
      %gather3A_400 = tpu.vector_load_idx %arg11[%add3A_101, %and3A_399] : memref<128x32xf32, #tpu.memory_space<vmem>>[vector<16xi32>, vector<16xi32>], vector<16xf32>,
      %add3A_401 = arith.addi %shift_left3A_114, %and3A_399 : vector<16xi32>
      %gather3A_402 = tpu.vector_load_idx %arg15[%shift_right_arithmetic3A_108, %add3A_401] : memref<250x128xf32, #tpu.memory_space<vmem>>[vector<16xi32>, vector<16xi32>], vector<16xf32>,
      %gather3A_403 = tpu.vector_load_idx %arg13[%add3A_101, %and3A_399] : memref<128x32xf32, #tpu.memory_space<vmem>>[vector<16xi32>, vector<16xi32>], vector<16xf32>,
      %add3A_404 = arith.addf %gather3A_400, %gather3A_402 : vector<16xf32>
      %sub3A_405 = arith.subf %add3A_404, %gather3A_403 : vector<16xf32>
      %mul3A_406 = arith.mulf %sub3A_405, %sub3A_405 : vector<16xf32>
      %add3A_407 = arith.addf %add3A_393, %mul3A_406 : vector<16xf32>
      %add3A_408 = arith.constant 21 : i32
      %add3A_409 = vector.broadcast %add3A_408 : i32 to vector<16xi32>
      %add3A_410 = arith.addi %iota3A, %add3A_409 : vector<16xi32>
      %and3A_411 = arith.constant 31 : i32
      %and3A_412 = vector.broadcast %and3A_411 : i32 to vector<16xi32>
      %and3A_413 = arith.andi %add3A_410, %and3A_412 : vector<16xi32>
      %gather3A_414 = tpu.vector_load_idx %arg11[%add3A_101, %and3A_413] : memref<128x32xf32, #tpu.memory_space<vmem>>[vector<16xi32>, vector<16xi32>], vector<16xf32>,
      %add3A_415 = arith.addi %shift_left3A_114, %and3A_413 : vector<16xi32>
      %gather3A_416 = tpu.vector_load_idx %arg15[%shift_right_arithmetic3A_108, %add3A_415] : memref<250x128xf32, #tpu.memory_space<vmem>>[vector<16xi32>, vector<16xi32>], vector<16xf32>,
      %gather3A_417 = tpu.vector_load_idx %arg13[%add3A_101, %and3A_413] : memref<128x32xf32, #tpu.memory_space<vmem>>[vector<16xi32>, vector<16xi32>], vector<16xf32>,
      %add3A_418 = arith.addf %gather3A_414, %gather3A_416 : vector<16xf32>
      %sub3A_419 = arith.subf %add3A_418, %gather3A_417 : vector<16xf32>
      %mul3A_420 = arith.mulf %sub3A_419, %sub3A_419 : vector<16xf32>
      %add3A_421 = arith.addf %add3A_407, %mul3A_420 : vector<16xf32>
      %add3A_422 = arith.constant 22 : i32
      %add3A_423 = vector.broadcast %add3A_422 : i32 to vector<16xi32>
      %add3A_424 = arith.addi %iota3A, %add3A_423 : vector<16xi32>
      %and3A_425 = arith.constant 31 : i32
      %and3A_426 = vector.broadcast %and3A_425 : i32 to vector<16xi32>
      %and3A_427 = arith.andi %add3A_424, %and3A_426 : vector<16xi32>
      %gather3A_428 = tpu.vector_load_idx %arg11[%add3A_101, %and3A_427] : memref<128x32xf32, #tpu.memory_space<vmem>>[vector<16xi32>, vector<16xi32>], vector<16xf32>,
      %add3A_429 = arith.addi %shift_left3A_114, %and3A_427 : vector<16xi32>
      %gather3A_430 = tpu.vector_load_idx %arg15[%shift_right_arithmetic3A_108, %add3A_429] : memref<250x128xf32, #tpu.memory_space<vmem>>[vector<16xi32>, vector<16xi32>], vector<16xf32>,
      %gather3A_431 = tpu.vector_load_idx %arg13[%add3A_101, %and3A_427] : memref<128x32xf32, #tpu.memory_space<vmem>>[vector<16xi32>, vector<16xi32>], vector<16xf32>,
      %add3A_432 = arith.addf %gather3A_428, %gather3A_430 : vector<16xf32>
      %sub3A_433 = arith.subf %add3A_432, %gather3A_431 : vector<16xf32>
      %mul3A_434 = arith.mulf %sub3A_433, %sub3A_433 : vector<16xf32>
      %add3A_435 = arith.addf %add3A_421, %mul3A_434 : vector<16xf32>
      %add3A_436 = arith.constant 23 : i32
      %add3A_437 = vector.broadcast %add3A_436 : i32 to vector<16xi32>
      %add3A_438 = arith.addi %iota3A, %add3A_437 : vector<16xi32>
      %and3A_439 = arith.constant 31 : i32
      %and3A_440 = vector.broadcast %and3A_439 : i32 to vector<16xi32>
      %and3A_441 = arith.andi %add3A_438, %and3A_440 : vector<16xi32>
      %gather3A_442 = tpu.vector_load_idx %arg11[%add3A_101, %and3A_441] : memref<128x32xf32, #tpu.memory_space<vmem>>[vector<16xi32>, vector<16xi32>], vector<16xf32>,
      %add3A_443 = arith.addi %shift_left3A_114, %and3A_441 : vector<16xi32>
      %gather3A_444 = tpu.vector_load_idx %arg15[%shift_right_arithmetic3A_108, %add3A_443] : memref<250x128xf32, #tpu.memory_space<vmem>>[vector<16xi32>, vector<16xi32>], vector<16xf32>,
      %gather3A_445 = tpu.vector_load_idx %arg13[%add3A_101, %and3A_441] : memref<128x32xf32, #tpu.memory_space<vmem>>[vector<16xi32>, vector<16xi32>], vector<16xf32>,
      %add3A_446 = arith.addf %gather3A_442, %gather3A_444 : vector<16xf32>
      %sub3A_447 = arith.subf %add3A_446, %gather3A_445 : vector<16xf32>
      %mul3A_448 = arith.mulf %sub3A_447, %sub3A_447 : vector<16xf32>
      %add3A_449 = arith.addf %add3A_435, %mul3A_448 : vector<16xf32>
      %add3A_450 = arith.constant 24 : i32
      %add3A_451 = vector.broadcast %add3A_450 : i32 to vector<16xi32>
      %add3A_452 = arith.addi %iota3A, %add3A_451 : vector<16xi32>
      %and3A_453 = arith.constant 31 : i32
      %and3A_454 = vector.broadcast %and3A_453 : i32 to vector<16xi32>
      %and3A_455 = arith.andi %add3A_452, %and3A_454 : vector<16xi32>
      %gather3A_456 = tpu.vector_load_idx %arg11[%add3A_101, %and3A_455] : memref<128x32xf32, #tpu.memory_space<vmem>>[vector<16xi32>, vector<16xi32>], vector<16xf32>,
      %add3A_457 = arith.addi %shift_left3A_114, %and3A_455 : vector<16xi32>
      %gather3A_458 = tpu.vector_load_idx %arg15[%shift_right_arithmetic3A_108, %add3A_457] : memref<250x128xf32, #tpu.memory_space<vmem>>[vector<16xi32>, vector<16xi32>], vector<16xf32>,
      %gather3A_459 = tpu.vector_load_idx %arg13[%add3A_101, %and3A_455] : memref<128x32xf32, #tpu.memory_space<vmem>>[vector<16xi32>, vector<16xi32>], vector<16xf32>,
      %add3A_460 = arith.addf %gather3A_456, %gather3A_458 : vector<16xf32>
      %sub3A_461 = arith.subf %add3A_460, %gather3A_459 : vector<16xf32>
      %mul3A_462 = arith.mulf %sub3A_461, %sub3A_461 : vector<16xf32>
      %add3A_463 = arith.addf %add3A_449, %mul3A_462 : vector<16xf32>
      %add3A_464 = arith.constant 25 : i32
      %add3A_465 = vector.broadcast %add3A_464 : i32 to vector<16xi32>
      %add3A_466 = arith.addi %iota3A, %add3A_465 : vector<16xi32>
      %and3A_467 = arith.constant 31 : i32
      %and3A_468 = vector.broadcast %and3A_467 : i32 to vector<16xi32>
      %and3A_469 = arith.andi %add3A_466, %and3A_468 : vector<16xi32>
      %gather3A_470 = tpu.vector_load_idx %arg11[%add3A_101, %and3A_469] : memref<128x32xf32, #tpu.memory_space<vmem>>[vector<16xi32>, vector<16xi32>], vector<16xf32>,
      %add3A_471 = arith.addi %shift_left3A_114, %and3A_469 : vector<16xi32>
      %gather3A_472 = tpu.vector_load_idx %arg15[%shift_right_arithmetic3A_108, %add3A_471] : memref<250x128xf32, #tpu.memory_space<vmem>>[vector<16xi32>, vector<16xi32>], vector<16xf32>,
      %gather3A_473 = tpu.vector_load_idx %arg13[%add3A_101, %and3A_469] : memref<128x32xf32, #tpu.memory_space<vmem>>[vector<16xi32>, vector<16xi32>], vector<16xf32>,
      %add3A_474 = arith.addf %gather3A_470, %gather3A_472 : vector<16xf32>
      %sub3A_475 = arith.subf %add3A_474, %gather3A_473 : vector<16xf32>
      %mul3A_476 = arith.mulf %sub3A_475, %sub3A_475 : vector<16xf32>
      %add3A_477 = arith.addf %add3A_463, %mul3A_476 : vector<16xf32>
      %add3A_478 = arith.constant 26 : i32
      %add3A_479 = vector.broadcast %add3A_478 : i32 to vector<16xi32>
      %add3A_480 = arith.addi %iota3A, %add3A_479 : vector<16xi32>
      %and3A_481 = arith.constant 31 : i32
      %and3A_482 = vector.broadcast %and3A_481 : i32 to vector<16xi32>
      %and3A_483 = arith.andi %add3A_480, %and3A_482 : vector<16xi32>
      %gather3A_484 = tpu.vector_load_idx %arg11[%add3A_101, %and3A_483] : memref<128x32xf32, #tpu.memory_space<vmem>>[vector<16xi32>, vector<16xi32>], vector<16xf32>,
      %add3A_485 = arith.addi %shift_left3A_114, %and3A_483 : vector<16xi32>
      %gather3A_486 = tpu.vector_load_idx %arg15[%shift_right_arithmetic3A_108, %add3A_485] : memref<250x128xf32, #tpu.memory_space<vmem>>[vector<16xi32>, vector<16xi32>], vector<16xf32>,
      %gather3A_487 = tpu.vector_load_idx %arg13[%add3A_101, %and3A_483] : memref<128x32xf32, #tpu.memory_space<vmem>>[vector<16xi32>, vector<16xi32>], vector<16xf32>,
      %add3A_488 = arith.addf %gather3A_484, %gather3A_486 : vector<16xf32>
      %sub3A_489 = arith.subf %add3A_488, %gather3A_487 : vector<16xf32>
      %mul3A_490 = arith.mulf %sub3A_489, %sub3A_489 : vector<16xf32>
      %add3A_491 = arith.addf %add3A_477, %mul3A_490 : vector<16xf32>
      %add3A_492 = arith.constant 27 : i32
      %add3A_493 = vector.broadcast %add3A_492 : i32 to vector<16xi32>
      %add3A_494 = arith.addi %iota3A, %add3A_493 : vector<16xi32>
      %and3A_495 = arith.constant 31 : i32
      %and3A_496 = vector.broadcast %and3A_495 : i32 to vector<16xi32>
      %and3A_497 = arith.andi %add3A_494, %and3A_496 : vector<16xi32>
      %gather3A_498 = tpu.vector_load_idx %arg11[%add3A_101, %and3A_497] : memref<128x32xf32, #tpu.memory_space<vmem>>[vector<16xi32>, vector<16xi32>], vector<16xf32>,
      %add3A_499 = arith.addi %shift_left3A_114, %and3A_497 : vector<16xi32>
      %gather3A_500 = tpu.vector_load_idx %arg15[%shift_right_arithmetic3A_108, %add3A_499] : memref<250x128xf32, #tpu.memory_space<vmem>>[vector<16xi32>, vector<16xi32>], vector<16xf32>,
      %gather3A_501 = tpu.vector_load_idx %arg13[%add3A_101, %and3A_497] : memref<128x32xf32, #tpu.memory_space<vmem>>[vector<16xi32>, vector<16xi32>], vector<16xf32>,
      %add3A_502 = arith.addf %gather3A_498, %gather3A_500 : vector<16xf32>
      %sub3A_503 = arith.subf %add3A_502, %gather3A_501 : vector<16xf32>
      %mul3A_504 = arith.mulf %sub3A_503, %sub3A_503 : vector<16xf32>
      %add3A_505 = arith.addf %add3A_491, %mul3A_504 : vector<16xf32>
      %add3A_506 = arith.constant 28 : i32
      %add3A_507 = vector.broadcast %add3A_506 : i32 to vector<16xi32>
      %add3A_508 = arith.addi %iota3A, %add3A_507 : vector<16xi32>
      %and3A_509 = arith.constant 31 : i32
      %and3A_510 = vector.broadcast %and3A_509 : i32 to vector<16xi32>
      %and3A_511 = arith.andi %add3A_508, %and3A_510 : vector<16xi32>
      %gather3A_512 = tpu.vector_load_idx %arg11[%add3A_101, %and3A_511] : memref<128x32xf32, #tpu.memory_space<vmem>>[vector<16xi32>, vector<16xi32>], vector<16xf32>,
      %add3A_513 = arith.addi %shift_left3A_114, %and3A_511 : vector<16xi32>
      %gather3A_514 = tpu.vector_load_idx %arg15[%shift_right_arithmetic3A_108, %add3A_513] : memref<250x128xf32, #tpu.memory_space<vmem>>[vector<16xi32>, vector<16xi32>], vector<16xf32>,
      %gather3A_515 = tpu.vector_load_idx %arg13[%add3A_101, %and3A_511] : memref<128x32xf32, #tpu.memory_space<vmem>>[vector<16xi32>, vector<16xi32>], vector<16xf32>,
      %add3A_516 = arith.addf %gather3A_512, %gather3A_514 : vector<16xf32>
      %sub3A_517 = arith.subf %add3A_516, %gather3A_515 : vector<16xf32>
      %mul3A_518 = arith.mulf %sub3A_517, %sub3A_517 : vector<16xf32>
      %add3A_519 = arith.addf %add3A_505, %mul3A_518 : vector<16xf32>
      %add3A_520 = arith.constant 29 : i32
      %add3A_521 = vector.broadcast %add3A_520 : i32 to vector<16xi32>
      %add3A_522 = arith.addi %iota3A, %add3A_521 : vector<16xi32>
      %and3A_523 = arith.constant 31 : i32
      %and3A_524 = vector.broadcast %and3A_523 : i32 to vector<16xi32>
      %and3A_525 = arith.andi %add3A_522, %and3A_524 : vector<16xi32>
      %gather3A_526 = tpu.vector_load_idx %arg11[%add3A_101, %and3A_525] : memref<128x32xf32, #tpu.memory_space<vmem>>[vector<16xi32>, vector<16xi32>], vector<16xf32>,
      %add3A_527 = arith.addi %shift_left3A_114, %and3A_525 : vector<16xi32>
      %gather3A_528 = tpu.vector_load_idx %arg15[%shift_right_arithmetic3A_108, %add3A_527] : memref<250x128xf32, #tpu.memory_space<vmem>>[vector<16xi32>, vector<16xi32>], vector<16xf32>,
      %gather3A_529 = tpu.vector_load_idx %arg13[%add3A_101, %and3A_525] : memref<128x32xf32, #tpu.memory_space<vmem>>[vector<16xi32>, vector<16xi32>], vector<16xf32>,
      %add3A_530 = arith.addf %gather3A_526, %gather3A_528 : vector<16xf32>
      %sub3A_531 = arith.subf %add3A_530, %gather3A_529 : vector<16xf32>
      %mul3A_532 = arith.mulf %sub3A_531, %sub3A_531 : vector<16xf32>
      %add3A_533 = arith.addf %add3A_519, %mul3A_532 : vector<16xf32>
      %add3A_534 = arith.constant 30 : i32
      %add3A_535 = vector.broadcast %add3A_534 : i32 to vector<16xi32>
      %add3A_536 = arith.addi %iota3A, %add3A_535 : vector<16xi32>
      %and3A_537 = arith.constant 31 : i32
      %and3A_538 = vector.broadcast %and3A_537 : i32 to vector<16xi32>
      %and3A_539 = arith.andi %add3A_536, %and3A_538 : vector<16xi32>
      %gather3A_540 = tpu.vector_load_idx %arg11[%add3A_101, %and3A_539] : memref<128x32xf32, #tpu.memory_space<vmem>>[vector<16xi32>, vector<16xi32>], vector<16xf32>,
      %add3A_541 = arith.addi %shift_left3A_114, %and3A_539 : vector<16xi32>
      %gather3A_542 = tpu.vector_load_idx %arg15[%shift_right_arithmetic3A_108, %add3A_541] : memref<250x128xf32, #tpu.memory_space<vmem>>[vector<16xi32>, vector<16xi32>], vector<16xf32>,
      %gather3A_543 = tpu.vector_load_idx %arg13[%add3A_101, %and3A_539] : memref<128x32xf32, #tpu.memory_space<vmem>>[vector<16xi32>, vector<16xi32>], vector<16xf32>,
      %add3A_544 = arith.addf %gather3A_540, %gather3A_542 : vector<16xf32>
      %sub3A_545 = arith.subf %add3A_544, %gather3A_543 : vector<16xf32>
      %mul3A_546 = arith.mulf %sub3A_545, %sub3A_545 : vector<16xf32>
      %add3A_547 = arith.addf %add3A_533, %mul3A_546 : vector<16xf32>
      %add3A_548 = arith.constant 31 : i32
      %add3A_549 = vector.broadcast %add3A_548 : i32 to vector<16xi32>
      %add3A_550 = arith.addi %iota3A, %add3A_549 : vector<16xi32>
      %and3A_551 = arith.constant 31 : i32
      %and3A_552 = vector.broadcast %and3A_551 : i32 to vector<16xi32>
      %and3A_553 = arith.andi %add3A_550, %and3A_552 : vector<16xi32>
      %gather3A_554 = tpu.vector_load_idx %arg11[%add3A_101, %and3A_553] : memref<128x32xf32, #tpu.memory_space<vmem>>[vector<16xi32>, vector<16xi32>], vector<16xf32>,
      %add3A_555 = arith.addi %shift_left3A_114, %and3A_553 : vector<16xi32>
      %gather3A_556 = tpu.vector_load_idx %arg15[%shift_right_arithmetic3A_108, %add3A_555] : memref<250x128xf32, #tpu.memory_space<vmem>>[vector<16xi32>, vector<16xi32>], vector<16xf32>,
      %gather3A_557 = tpu.vector_load_idx %arg13[%add3A_101, %and3A_553] : memref<128x32xf32, #tpu.memory_space<vmem>>[vector<16xi32>, vector<16xi32>], vector<16xf32>,
      %add3A_558 = arith.addf %gather3A_554, %gather3A_556 : vector<16xf32>
      %sub3A_559 = arith.subf %add3A_558, %gather3A_557 : vector<16xf32>
      %mul3A_560 = arith.mulf %sub3A_559, %sub3A_559 : vector<16xf32>
      %add3A_561 = arith.addf %add3A_547, %mul3A_560 : vector<16xf32>
      %max3A = arith.constant 1.000000e-30 : f32
      %max3A_562 = vector.broadcast %max3A : f32 to vector<16xf32>
      %max3A_563 = arith.maximumf %add3A_561, %max3A_562 : vector<16xf32>
      %bitcast3A = vector.bitcast %max3A_563 : vector<16xf32> to vector<16xi32>
      %shift_right_arithmetic3A_564 = arith.constant 1 : i32
      %shift_right_arithmetic3A_565 = vector.broadcast %shift_right_arithmetic3A_564 : i32 to vector<16xi32>
      %shift_right_arithmetic3A_566 = arith.shrsi %bitcast3A, %shift_right_arithmetic3A_565 : vector<16xi32>
      %sub3A_567 = arith.constant 1597463007 : i32
      %sub3A_568 = vector.broadcast %sub3A_567 : i32 to vector<16xi32>
      %sub3A_569 = arith.subi %sub3A_568, %shift_right_arithmetic3A_566 : vector<16xi32>
      %bitcast3A_570 = vector.bitcast %sub3A_569 : vector<16xi32> to vector<16xf32>
      %mul3A_571 = arith.constant 5.000000e-01 : f32
      %mul3A_572 = vector.broadcast %mul3A_571 : f32 to vector<16xf32>
      %mul3A_573 = arith.mulf %mul3A_572, %max3A_563 : vector<16xf32>
      %mul3A_574 = arith.mulf %mul3A_573, %bitcast3A_570 : vector<16xf32>
      %mul3A_575 = arith.mulf %mul3A_574, %bitcast3A_570 : vector<16xf32>
      %sub3A_576 = arith.constant 1.500000e+00 : f32
      %sub3A_577 = vector.broadcast %sub3A_576 : f32 to vector<16xf32>
      %sub3A_578 = arith.subf %sub3A_577, %mul3A_575 : vector<16xf32>
      %mul3A_579 = arith.mulf %bitcast3A_570, %sub3A_578 : vector<16xf32>
      %mul3A_580 = arith.constant 5.000000e-01 : f32
      %mul3A_581 = vector.broadcast %mul3A_580 : f32 to vector<16xf32>
      %mul3A_582 = arith.mulf %mul3A_581, %max3A_563 : vector<16xf32>
      %mul3A_583 = arith.mulf %mul3A_582, %mul3A_579 : vector<16xf32>
      %mul3A_584 = arith.mulf %mul3A_583, %mul3A_579 : vector<16xf32>
      %sub3A_585 = arith.constant 1.500000e+00 : f32
      %sub3A_586 = vector.broadcast %sub3A_585 : f32 to vector<16xf32>
      %sub3A_587 = arith.subf %sub3A_586, %mul3A_584 : vector<16xf32>
      %mul3A_588 = arith.mulf %mul3A_579, %sub3A_587 : vector<16xf32>
      %mul3A_589 = arith.constant 5.000000e-01 : f32
      %mul3A_590 = vector.broadcast %mul3A_589 : f32 to vector<16xf32>
      %mul3A_591 = arith.mulf %mul3A_590, %max3A_563 : vector<16xf32>
      %mul3A_592 = arith.mulf %mul3A_591, %mul3A_588 : vector<16xf32>
      %mul3A_593 = arith.mulf %mul3A_592, %mul3A_588 : vector<16xf32>
      %sub3A_594 = arith.constant 1.500000e+00 : f32
      %sub3A_595 = vector.broadcast %sub3A_594 : f32 to vector<16xf32>
      %sub3A_596 = arith.subf %sub3A_595, %mul3A_593 : vector<16xf32>
      %mul3A_597 = arith.mulf %mul3A_588, %sub3A_596 : vector<16xf32>
      %mul3A_598 = arith.mulf %add3A_561, %mul3A_597 : vector<16xf32>
      %swap3A = arith.index_cast %add3A_105 : i32 to index
      %swap3A_599 = tpu.vector_load %arg16[%swap3A] {strides = array<i32>} : memref<512xf32, #tpu.memory_space<vmem>>, vector<16xf32>,
      tpu.vector_store %arg16[%swap3A], %mul3A_598 {strides = array<i32>} : memref<512xf32, #tpu.memory_space<vmem>>, vector<16xf32>,
    }
    %scan3A_30 = arith.constant 8 : i32
    %dma_wait3A_31 = arith.constant 0 : i32
    %dma_wait3A_32 = arith.constant 0 : i32
    %dma_wait3A_33 = tpu.memref_slice %arg5[%dma_wait3A_31, %dma_wait3A_32] : memref<1000000x32xf32, #tpu.memory_space<hbm>> -> memref<128x32xf32, #tpu.memory_space<hbm>>
    %dma_wait3A_34 = arith.constant 0 : i32
    %dma_wait3A_35 = arith.constant 0 : i32
    %dma_wait3A_36 = tpu.memref_slice %arg5[%dma_wait3A_34, %dma_wait3A_35] : memref<1000000x32xf32, #tpu.memory_space<hbm>> -> memref<128x32xf32, #tpu.memory_space<hbm>>
    tpu.wait_dma2 semaphore(%arg18 : memref<!tpu.dma_semaphore, #tpu.memory_space<semaphore_mem>>) src(%dma_wait3A_36 : memref<128x32xf32, #tpu.memory_space<hbm>>) dst(%arg12 : memref<128x32xf32, #tpu.memory_space<vmem>>)
    %dma_wait3A_37 = arith.constant 0 : i32
    %dma_wait3A_38 = arith.constant 0 : i32
    %dma_wait3A_39 = tpu.memref_slice %arg5[%dma_wait3A_37, %dma_wait3A_38] : memref<1000000x32xf32, #tpu.memory_space<hbm>> -> memref<128x32xf32, #tpu.memory_space<hbm>>
    %dma_wait3A_40 = arith.constant 0 : i32
    %dma_wait3A_41 = arith.constant 0 : i32
    %dma_wait3A_42 = tpu.memref_slice %arg5[%dma_wait3A_40, %dma_wait3A_41] : memref<1000000x32xf32, #tpu.memory_space<hbm>> -> memref<128x32xf32, #tpu.memory_space<hbm>>
    tpu.wait_dma2 semaphore(%arg18 : memref<!tpu.dma_semaphore, #tpu.memory_space<semaphore_mem>>) src(%dma_wait3A_42 : memref<128x32xf32, #tpu.memory_space<hbm>>) dst(%arg14 : memref<128x32xf32, #tpu.memory_space<vmem>>)
    %scan3A_43 = arith.constant 0 : i32
    %scan3A_44 = arith.constant 0 : i32
    %scan3A_45 = arith.constant 128 : i32
    %scan3A_46 = arith.addi %scan3A_44, %scan3A_45 : i32
    %scan3A_47 = arith.constant 1 : i32
    scf.for %scan3A_97 = %scan3A_44 to %scan3A_46 step %scan3A_47  : i32 {
      %shift_right_arithmetic3A = arith.constant 4 : i32
      %shift_right_arithmetic3A_98 = arith.shrsi %scan3A_97, %shift_right_arithmetic3A : i32
      %shift_left3A = arith.constant 4 : i32
      %shift_left3A_99 = arith.shli %shift_right_arithmetic3A_98, %shift_left3A : i32
      %add3A_100 = arith.constant 256 : i32
      %add3A_101 = arith.addi %add3A_100, %shift_left3A_99 : i32
      %and3A = arith.constant 15 : i32
      %and3A_102 = arith.andi %scan3A_97, %and3A : i32
      %eq3A = vector.broadcast %and3A_102 : i32 to vector<16xi32>
      %eq3A_103 = arith.cmpi eq, %iota3A, %eq3A : vector<16xi32>
      %convert_element_type3A = arith.extui %eq3A_103 : vector<16xi1> to vector<16xi32>
      %get3A = arith.index_cast %add3A_101 : i32 to index
      %get3A_104 = tpu.vector_load %arg8[%get3A] {strides = array<i32>} : memref<512xi32, #tpu.memory_space<vmem>>, vector<16xi32>,
      %get3A_105 = arith.index_cast %add3A_101 : i32 to index
      %get3A_106 = tpu.vector_load %arg9[%get3A_105] {strides = array<i32>} : memref<512xi32, #tpu.memory_space<vmem>>, vector<16xi32>,
      %mul3A_107 = arith.muli %get3A_104, %convert_element_type3A : vector<16xi32>
      %reduce_sum3A = arith.constant true
      %reduce_sum3A_108 = vector.broadcast %reduce_sum3A : i1 to vector<16xi1>
      %reduce_sum3A_109 = tpu.scan <sum>, %mul3A_107 masked %reduce_sum3A_108 : vector<16xi32>, vector<16xi1> -> vector<16xi32>
      %reduce_sum3A_110 = vector.extract %reduce_sum3A_109[15] : i32 from vector<16xi32>
      %mul3A_111 = arith.muli %get3A_106, %convert_element_type3A : vector<16xi32>
      %reduce_sum3A_112 = arith.constant true
      %reduce_sum3A_113 = vector.broadcast %reduce_sum3A_112 : i1 to vector<16xi1>
      %reduce_sum3A_114 = tpu.scan <sum>, %mul3A_111 masked %reduce_sum3A_113 : vector<16xi32>, vector<16xi1> -> vector<16xi32>
      %reduce_sum3A_115 = vector.extract %reduce_sum3A_114[15] : i32 from vector<16xi32>
      %dma_start3A = arith.constant 0 : i32
      %dma_start3A_116 = tpu.memref_slice %arg11[%scan3A_97, %dma_start3A] : memref<128x32xf32, #tpu.memory_space<vmem>> -> memref<1x32xf32, #tpu.memory_space<vmem>>
      %dma_start3A_117 = arith.constant 0 : i32
      %dma_start3A_118 = tpu.memref_slice %arg5[%reduce_sum3A_110, %dma_start3A_117] : memref<1000000x32xf32, #tpu.memory_space<hbm>> -> memref<1x32xf32, #tpu.memory_space<hbm>>
      %dma_start3A_119 = arith.constant 0 : i32
      %dma_start3A_120 = tpu.memref_slice %arg11[%scan3A_97, %dma_start3A_119] : memref<128x32xf32, #tpu.memory_space<vmem>> -> memref<1x32xf32, #tpu.memory_space<vmem>>
      %dma_start3A_121 = arith.constant 0 : i32
      %dma_start3A_122 = tpu.memref_slice %arg5[%reduce_sum3A_110, %dma_start3A_121] : memref<1000000x32xf32, #tpu.memory_space<hbm>> -> memref<1x32xf32, #tpu.memory_space<hbm>>
      tpu.enqueue_dma source(%dma_start3A_122 : memref<1x32xf32, #tpu.memory_space<hbm>>) target(%dma_start3A_120 : memref<1x32xf32, #tpu.memory_space<vmem>>) target_semaphore(%arg17 : memref<!tpu.dma_semaphore, #tpu.memory_space<semaphore_mem>>)
      %dma_start3A_123 = arith.constant 0 : i32
      %dma_start3A_124 = tpu.memref_slice %arg13[%scan3A_97, %dma_start3A_123] : memref<128x32xf32, #tpu.memory_space<vmem>> -> memref<1x32xf32, #tpu.memory_space<vmem>>
      %dma_start3A_125 = arith.constant 0 : i32
      %dma_start3A_126 = tpu.memref_slice %arg5[%reduce_sum3A_115, %dma_start3A_125] : memref<1000000x32xf32, #tpu.memory_space<hbm>> -> memref<1x32xf32, #tpu.memory_space<hbm>>
      %dma_start3A_127 = arith.constant 0 : i32
      %dma_start3A_128 = tpu.memref_slice %arg13[%scan3A_97, %dma_start3A_127] : memref<128x32xf32, #tpu.memory_space<vmem>> -> memref<1x32xf32, #tpu.memory_space<vmem>>
      %dma_start3A_129 = arith.constant 0 : i32
      %dma_start3A_130 = tpu.memref_slice %arg5[%reduce_sum3A_115, %dma_start3A_129] : memref<1000000x32xf32, #tpu.memory_space<hbm>> -> memref<1x32xf32, #tpu.memory_space<hbm>>
      tpu.enqueue_dma source(%dma_start3A_130 : memref<1x32xf32, #tpu.memory_space<hbm>>) target(%dma_start3A_128 : memref<1x32xf32, #tpu.memory_space<vmem>>) target_semaphore(%arg17 : memref<!tpu.dma_semaphore, #tpu.memory_space<semaphore_mem>>)
    }
    %scan3A_48 = arith.constant 128 : i32
    %scan3A_49 = arith.constant 0 : i32
    %scan3A_50 = arith.constant 0 : i32
    %scan3A_51 = arith.constant 8 : i32
    %scan3A_52 = arith.addi %scan3A_50, %scan3A_51 : i32
    %scan3A_53 = arith.constant 1 : i32
    scf.for %scan3A_97 = %scan3A_50 to %scan3A_52 step %scan3A_53  : i32 {
      %mul3A_98 = arith.constant 16 : i32
      %mul3A_99 = arith.muli %scan3A_97, %mul3A_98 : i32
      %add3A_100 = vector.broadcast %mul3A_99 : i32 to vector<16xi32>
      %add3A_101 = arith.addi %iota3A, %add3A_100 : vector<16xi32>
      %mul3A_102 = arith.constant 16 : i32
      %mul3A_103 = arith.muli %scan3A_97, %mul3A_102 : i32
      %add3A_104 = arith.constant 128 : i32
      %add3A_105 = arith.addi %add3A_104, %mul3A_103 : i32
      %get3A = arith.index_cast %add3A_105 : i32 to index
      %get3A_106 = tpu.vector_load %arg10[%get3A] {strides = array<i32>} : memref<512xi32, #tpu.memory_space<vmem>>, vector<16xi32>,
      %shift_right_arithmetic3A = arith.constant 2 : i32
      %shift_right_arithmetic3A_107 = vector.broadcast %shift_right_arithmetic3A : i32 to vector<16xi32>
      %shift_right_arithmetic3A_108 = arith.shrsi %get3A_106, %shift_right_arithmetic3A_107 : vector<16xi32>
      %get3A_109 = arith.index_cast %add3A_105 : i32 to index
      %get3A_110 = tpu.vector_load %arg10[%get3A_109] {strides = array<i32>} : memref<512xi32, #tpu.memory_space<vmem>>, vector<16xi32>,
      %and3A = arith.constant 3 : i32
      %and3A_111 = vector.broadcast %and3A : i32 to vector<16xi32>
      %and3A_112 = arith.andi %get3A_110, %and3A_111 : vector<16xi32>
      %shift_left3A = arith.constant 5 : i32
      %shift_left3A_113 = vector.broadcast %shift_left3A : i32 to vector<16xi32>
      %shift_left3A_114 = arith.shli %and3A_112, %shift_left3A_113 : vector<16xi32>
      %broadcast_in_dim3A = arith.constant 0.000000e+00 : f32
      %broadcast_in_dim3A_115 = vector.broadcast %broadcast_in_dim3A : f32 to vector<16xf32>
      %add3A_116 = arith.constant 0 : i32
      %add3A_117 = vector.broadcast %add3A_116 : i32 to vector<16xi32>
      %add3A_118 = arith.addi %iota3A, %add3A_117 : vector<16xi32>
      %and3A_119 = arith.constant 31 : i32
      %and3A_120 = vector.broadcast %and3A_119 : i32 to vector<16xi32>
      %and3A_121 = arith.andi %add3A_118, %and3A_120 : vector<16xi32>
      %gather3A = tpu.vector_load_idx %arg12[%add3A_101, %and3A_121] : memref<128x32xf32, #tpu.memory_space<vmem>>[vector<16xi32>, vector<16xi32>], vector<16xf32>,
      %add3A_122 = arith.addi %shift_left3A_114, %and3A_121 : vector<16xi32>
      %gather3A_123 = tpu.vector_load_idx %arg15[%shift_right_arithmetic3A_108, %add3A_122] : memref<250x128xf32, #tpu.memory_space<vmem>>[vector<16xi32>, vector<16xi32>], vector<16xf32>,
      %gather3A_124 = tpu.vector_load_idx %arg14[%add3A_101, %and3A_121] : memref<128x32xf32, #tpu.memory_space<vmem>>[vector<16xi32>, vector<16xi32>], vector<16xf32>,
      %add3A_125 = arith.addf %gather3A, %gather3A_123 : vector<16xf32>
      %sub3A = arith.subf %add3A_125, %gather3A_124 : vector<16xf32>
      %mul3A_126 = arith.mulf %sub3A, %sub3A : vector<16xf32>
      %add3A_127 = arith.addf %broadcast_in_dim3A_115, %mul3A_126 : vector<16xf32>
      %add3A_128 = arith.constant 1 : i32
      %add3A_129 = vector.broadcast %add3A_128 : i32 to vector<16xi32>
      %add3A_130 = arith.addi %iota3A, %add3A_129 : vector<16xi32>
      %and3A_131 = arith.constant 31 : i32
      %and3A_132 = vector.broadcast %and3A_131 : i32 to vector<16xi32>
      %and3A_133 = arith.andi %add3A_130, %and3A_132 : vector<16xi32>
      %gather3A_134 = tpu.vector_load_idx %arg12[%add3A_101, %and3A_133] : memref<128x32xf32, #tpu.memory_space<vmem>>[vector<16xi32>, vector<16xi32>], vector<16xf32>,
      %add3A_135 = arith.addi %shift_left3A_114, %and3A_133 : vector<16xi32>
      %gather3A_136 = tpu.vector_load_idx %arg15[%shift_right_arithmetic3A_108, %add3A_135] : memref<250x128xf32, #tpu.memory_space<vmem>>[vector<16xi32>, vector<16xi32>], vector<16xf32>,
      %gather3A_137 = tpu.vector_load_idx %arg14[%add3A_101, %and3A_133] : memref<128x32xf32, #tpu.memory_space<vmem>>[vector<16xi32>, vector<16xi32>], vector<16xf32>,
      %add3A_138 = arith.addf %gather3A_134, %gather3A_136 : vector<16xf32>
      %sub3A_139 = arith.subf %add3A_138, %gather3A_137 : vector<16xf32>
      %mul3A_140 = arith.mulf %sub3A_139, %sub3A_139 : vector<16xf32>
      %add3A_141 = arith.addf %add3A_127, %mul3A_140 : vector<16xf32>
      %add3A_142 = arith.constant 2 : i32
      %add3A_143 = vector.broadcast %add3A_142 : i32 to vector<16xi32>
      %add3A_144 = arith.addi %iota3A, %add3A_143 : vector<16xi32>
      %and3A_145 = arith.constant 31 : i32
      %and3A_146 = vector.broadcast %and3A_145 : i32 to vector<16xi32>
      %and3A_147 = arith.andi %add3A_144, %and3A_146 : vector<16xi32>
      %gather3A_148 = tpu.vector_load_idx %arg12[%add3A_101, %and3A_147] : memref<128x32xf32, #tpu.memory_space<vmem>>[vector<16xi32>, vector<16xi32>], vector<16xf32>,
      %add3A_149 = arith.addi %shift_left3A_114, %and3A_147 : vector<16xi32>
      %gather3A_150 = tpu.vector_load_idx %arg15[%shift_right_arithmetic3A_108, %add3A_149] : memref<250x128xf32, #tpu.memory_space<vmem>>[vector<16xi32>, vector<16xi32>], vector<16xf32>,
      %gather3A_151 = tpu.vector_load_idx %arg14[%add3A_101, %and3A_147] : memref<128x32xf32, #tpu.memory_space<vmem>>[vector<16xi32>, vector<16xi32>], vector<16xf32>,
      %add3A_152 = arith.addf %gather3A_148, %gather3A_150 : vector<16xf32>
      %sub3A_153 = arith.subf %add3A_152, %gather3A_151 : vector<16xf32>
      %mul3A_154 = arith.mulf %sub3A_153, %sub3A_153 : vector<16xf32>
      %add3A_155 = arith.addf %add3A_141, %mul3A_154 : vector<16xf32>
      %add3A_156 = arith.constant 3 : i32
      %add3A_157 = vector.broadcast %add3A_156 : i32 to vector<16xi32>
      %add3A_158 = arith.addi %iota3A, %add3A_157 : vector<16xi32>
      %and3A_159 = arith.constant 31 : i32
      %and3A_160 = vector.broadcast %and3A_159 : i32 to vector<16xi32>
      %and3A_161 = arith.andi %add3A_158, %and3A_160 : vector<16xi32>
      %gather3A_162 = tpu.vector_load_idx %arg12[%add3A_101, %and3A_161] : memref<128x32xf32, #tpu.memory_space<vmem>>[vector<16xi32>, vector<16xi32>], vector<16xf32>,
      %add3A_163 = arith.addi %shift_left3A_114, %and3A_161 : vector<16xi32>
      %gather3A_164 = tpu.vector_load_idx %arg15[%shift_right_arithmetic3A_108, %add3A_163] : memref<250x128xf32, #tpu.memory_space<vmem>>[vector<16xi32>, vector<16xi32>], vector<16xf32>,
      %gather3A_165 = tpu.vector_load_idx %arg14[%add3A_101, %and3A_161] : memref<128x32xf32, #tpu.memory_space<vmem>>[vector<16xi32>, vector<16xi32>], vector<16xf32>,
      %add3A_166 = arith.addf %gather3A_162, %gather3A_164 : vector<16xf32>
      %sub3A_167 = arith.subf %add3A_166, %gather3A_165 : vector<16xf32>
      %mul3A_168 = arith.mulf %sub3A_167, %sub3A_167 : vector<16xf32>
      %add3A_169 = arith.addf %add3A_155, %mul3A_168 : vector<16xf32>
      %add3A_170 = arith.constant 4 : i32
      %add3A_171 = vector.broadcast %add3A_170 : i32 to vector<16xi32>
      %add3A_172 = arith.addi %iota3A, %add3A_171 : vector<16xi32>
      %and3A_173 = arith.constant 31 : i32
      %and3A_174 = vector.broadcast %and3A_173 : i32 to vector<16xi32>
      %and3A_175 = arith.andi %add3A_172, %and3A_174 : vector<16xi32>
      %gather3A_176 = tpu.vector_load_idx %arg12[%add3A_101, %and3A_175] : memref<128x32xf32, #tpu.memory_space<vmem>>[vector<16xi32>, vector<16xi32>], vector<16xf32>,
      %add3A_177 = arith.addi %shift_left3A_114, %and3A_175 : vector<16xi32>
      %gather3A_178 = tpu.vector_load_idx %arg15[%shift_right_arithmetic3A_108, %add3A_177] : memref<250x128xf32, #tpu.memory_space<vmem>>[vector<16xi32>, vector<16xi32>], vector<16xf32>,
      %gather3A_179 = tpu.vector_load_idx %arg14[%add3A_101, %and3A_175] : memref<128x32xf32, #tpu.memory_space<vmem>>[vector<16xi32>, vector<16xi32>], vector<16xf32>,
      %add3A_180 = arith.addf %gather3A_176, %gather3A_178 : vector<16xf32>
      %sub3A_181 = arith.subf %add3A_180, %gather3A_179 : vector<16xf32>
      %mul3A_182 = arith.mulf %sub3A_181, %sub3A_181 : vector<16xf32>
      %add3A_183 = arith.addf %add3A_169, %mul3A_182 : vector<16xf32>
      %add3A_184 = arith.constant 5 : i32
      %add3A_185 = vector.broadcast %add3A_184 : i32 to vector<16xi32>
      %add3A_186 = arith.addi %iota3A, %add3A_185 : vector<16xi32>
      %and3A_187 = arith.constant 31 : i32
      %and3A_188 = vector.broadcast %and3A_187 : i32 to vector<16xi32>
      %and3A_189 = arith.andi %add3A_186, %and3A_188 : vector<16xi32>
      %gather3A_190 = tpu.vector_load_idx %arg12[%add3A_101, %and3A_189] : memref<128x32xf32, #tpu.memory_space<vmem>>[vector<16xi32>, vector<16xi32>], vector<16xf32>,
      %add3A_191 = arith.addi %shift_left3A_114, %and3A_189 : vector<16xi32>
      %gather3A_192 = tpu.vector_load_idx %arg15[%shift_right_arithmetic3A_108, %add3A_191] : memref<250x128xf32, #tpu.memory_space<vmem>>[vector<16xi32>, vector<16xi32>], vector<16xf32>,
      %gather3A_193 = tpu.vector_load_idx %arg14[%add3A_101, %and3A_189] : memref<128x32xf32, #tpu.memory_space<vmem>>[vector<16xi32>, vector<16xi32>], vector<16xf32>,
      %add3A_194 = arith.addf %gather3A_190, %gather3A_192 : vector<16xf32>
      %sub3A_195 = arith.subf %add3A_194, %gather3A_193 : vector<16xf32>
      %mul3A_196 = arith.mulf %sub3A_195, %sub3A_195 : vector<16xf32>
      %add3A_197 = arith.addf %add3A_183, %mul3A_196 : vector<16xf32>
      %add3A_198 = arith.constant 6 : i32
      %add3A_199 = vector.broadcast %add3A_198 : i32 to vector<16xi32>
      %add3A_200 = arith.addi %iota3A, %add3A_199 : vector<16xi32>
      %and3A_201 = arith.constant 31 : i32
      %and3A_202 = vector.broadcast %and3A_201 : i32 to vector<16xi32>
      %and3A_203 = arith.andi %add3A_200, %and3A_202 : vector<16xi32>
      %gather3A_204 = tpu.vector_load_idx %arg12[%add3A_101, %and3A_203] : memref<128x32xf32, #tpu.memory_space<vmem>>[vector<16xi32>, vector<16xi32>], vector<16xf32>,
      %add3A_205 = arith.addi %shift_left3A_114, %and3A_203 : vector<16xi32>
      %gather3A_206 = tpu.vector_load_idx %arg15[%shift_right_arithmetic3A_108, %add3A_205] : memref<250x128xf32, #tpu.memory_space<vmem>>[vector<16xi32>, vector<16xi32>], vector<16xf32>,
      %gather3A_207 = tpu.vector_load_idx %arg14[%add3A_101, %and3A_203] : memref<128x32xf32, #tpu.memory_space<vmem>>[vector<16xi32>, vector<16xi32>], vector<16xf32>,
      %add3A_208 = arith.addf %gather3A_204, %gather3A_206 : vector<16xf32>
      %sub3A_209 = arith.subf %add3A_208, %gather3A_207 : vector<16xf32>
      %mul3A_210 = arith.mulf %sub3A_209, %sub3A_209 : vector<16xf32>
      %add3A_211 = arith.addf %add3A_197, %mul3A_210 : vector<16xf32>
      %add3A_212 = arith.constant 7 : i32
      %add3A_213 = vector.broadcast %add3A_212 : i32 to vector<16xi32>
      %add3A_214 = arith.addi %iota3A, %add3A_213 : vector<16xi32>
      %and3A_215 = arith.constant 31 : i32
      %and3A_216 = vector.broadcast %and3A_215 : i32 to vector<16xi32>
      %and3A_217 = arith.andi %add3A_214, %and3A_216 : vector<16xi32>
      %gather3A_218 = tpu.vector_load_idx %arg12[%add3A_101, %and3A_217] : memref<128x32xf32, #tpu.memory_space<vmem>>[vector<16xi32>, vector<16xi32>], vector<16xf32>,
      %add3A_219 = arith.addi %shift_left3A_114, %and3A_217 : vector<16xi32>
      %gather3A_220 = tpu.vector_load_idx %arg15[%shift_right_arithmetic3A_108, %add3A_219] : memref<250x128xf32, #tpu.memory_space<vmem>>[vector<16xi32>, vector<16xi32>], vector<16xf32>,
      %gather3A_221 = tpu.vector_load_idx %arg14[%add3A_101, %and3A_217] : memref<128x32xf32, #tpu.memory_space<vmem>>[vector<16xi32>, vector<16xi32>], vector<16xf32>,
      %add3A_222 = arith.addf %gather3A_218, %gather3A_220 : vector<16xf32>
      %sub3A_223 = arith.subf %add3A_222, %gather3A_221 : vector<16xf32>
      %mul3A_224 = arith.mulf %sub3A_223, %sub3A_223 : vector<16xf32>
      %add3A_225 = arith.addf %add3A_211, %mul3A_224 : vector<16xf32>
      %add3A_226 = arith.constant 8 : i32
      %add3A_227 = vector.broadcast %add3A_226 : i32 to vector<16xi32>
      %add3A_228 = arith.addi %iota3A, %add3A_227 : vector<16xi32>
      %and3A_229 = arith.constant 31 : i32
      %and3A_230 = vector.broadcast %and3A_229 : i32 to vector<16xi32>
      %and3A_231 = arith.andi %add3A_228, %and3A_230 : vector<16xi32>
      %gather3A_232 = tpu.vector_load_idx %arg12[%add3A_101, %and3A_231] : memref<128x32xf32, #tpu.memory_space<vmem>>[vector<16xi32>, vector<16xi32>], vector<16xf32>,
      %add3A_233 = arith.addi %shift_left3A_114, %and3A_231 : vector<16xi32>
      %gather3A_234 = tpu.vector_load_idx %arg15[%shift_right_arithmetic3A_108, %add3A_233] : memref<250x128xf32, #tpu.memory_space<vmem>>[vector<16xi32>, vector<16xi32>], vector<16xf32>,
      %gather3A_235 = tpu.vector_load_idx %arg14[%add3A_101, %and3A_231] : memref<128x32xf32, #tpu.memory_space<vmem>>[vector<16xi32>, vector<16xi32>], vector<16xf32>,
      %add3A_236 = arith.addf %gather3A_232, %gather3A_234 : vector<16xf32>
      %sub3A_237 = arith.subf %add3A_236, %gather3A_235 : vector<16xf32>
      %mul3A_238 = arith.mulf %sub3A_237, %sub3A_237 : vector<16xf32>
      %add3A_239 = arith.addf %add3A_225, %mul3A_238 : vector<16xf32>
      %add3A_240 = arith.constant 9 : i32
      %add3A_241 = vector.broadcast %add3A_240 : i32 to vector<16xi32>
      %add3A_242 = arith.addi %iota3A, %add3A_241 : vector<16xi32>
      %and3A_243 = arith.constant 31 : i32
      %and3A_244 = vector.broadcast %and3A_243 : i32 to vector<16xi32>
      %and3A_245 = arith.andi %add3A_242, %and3A_244 : vector<16xi32>
      %gather3A_246 = tpu.vector_load_idx %arg12[%add3A_101, %and3A_245] : memref<128x32xf32, #tpu.memory_space<vmem>>[vector<16xi32>, vector<16xi32>], vector<16xf32>,
      %add3A_247 = arith.addi %shift_left3A_114, %and3A_245 : vector<16xi32>
      %gather3A_248 = tpu.vector_load_idx %arg15[%shift_right_arithmetic3A_108, %add3A_247] : memref<250x128xf32, #tpu.memory_space<vmem>>[vector<16xi32>, vector<16xi32>], vector<16xf32>,
      %gather3A_249 = tpu.vector_load_idx %arg14[%add3A_101, %and3A_245] : memref<128x32xf32, #tpu.memory_space<vmem>>[vector<16xi32>, vector<16xi32>], vector<16xf32>,
      %add3A_250 = arith.addf %gather3A_246, %gather3A_248 : vector<16xf32>
      %sub3A_251 = arith.subf %add3A_250, %gather3A_249 : vector<16xf32>
      %mul3A_252 = arith.mulf %sub3A_251, %sub3A_251 : vector<16xf32>
      %add3A_253 = arith.addf %add3A_239, %mul3A_252 : vector<16xf32>
      %add3A_254 = arith.constant 10 : i32
      %add3A_255 = vector.broadcast %add3A_254 : i32 to vector<16xi32>
      %add3A_256 = arith.addi %iota3A, %add3A_255 : vector<16xi32>
      %and3A_257 = arith.constant 31 : i32
      %and3A_258 = vector.broadcast %and3A_257 : i32 to vector<16xi32>
      %and3A_259 = arith.andi %add3A_256, %and3A_258 : vector<16xi32>
      %gather3A_260 = tpu.vector_load_idx %arg12[%add3A_101, %and3A_259] : memref<128x32xf32, #tpu.memory_space<vmem>>[vector<16xi32>, vector<16xi32>], vector<16xf32>,
      %add3A_261 = arith.addi %shift_left3A_114, %and3A_259 : vector<16xi32>
      %gather3A_262 = tpu.vector_load_idx %arg15[%shift_right_arithmetic3A_108, %add3A_261] : memref<250x128xf32, #tpu.memory_space<vmem>>[vector<16xi32>, vector<16xi32>], vector<16xf32>,
      %gather3A_263 = tpu.vector_load_idx %arg14[%add3A_101, %and3A_259] : memref<128x32xf32, #tpu.memory_space<vmem>>[vector<16xi32>, vector<16xi32>], vector<16xf32>,
      %add3A_264 = arith.addf %gather3A_260, %gather3A_262 : vector<16xf32>
      %sub3A_265 = arith.subf %add3A_264, %gather3A_263 : vector<16xf32>
      %mul3A_266 = arith.mulf %sub3A_265, %sub3A_265 : vector<16xf32>
      %add3A_267 = arith.addf %add3A_253, %mul3A_266 : vector<16xf32>
      %add3A_268 = arith.constant 11 : i32
      %add3A_269 = vector.broadcast %add3A_268 : i32 to vector<16xi32>
      %add3A_270 = arith.addi %iota3A, %add3A_269 : vector<16xi32>
      %and3A_271 = arith.constant 31 : i32
      %and3A_272 = vector.broadcast %and3A_271 : i32 to vector<16xi32>
      %and3A_273 = arith.andi %add3A_270, %and3A_272 : vector<16xi32>
      %gather3A_274 = tpu.vector_load_idx %arg12[%add3A_101, %and3A_273] : memref<128x32xf32, #tpu.memory_space<vmem>>[vector<16xi32>, vector<16xi32>], vector<16xf32>,
      %add3A_275 = arith.addi %shift_left3A_114, %and3A_273 : vector<16xi32>
      %gather3A_276 = tpu.vector_load_idx %arg15[%shift_right_arithmetic3A_108, %add3A_275] : memref<250x128xf32, #tpu.memory_space<vmem>>[vector<16xi32>, vector<16xi32>], vector<16xf32>,
      %gather3A_277 = tpu.vector_load_idx %arg14[%add3A_101, %and3A_273] : memref<128x32xf32, #tpu.memory_space<vmem>>[vector<16xi32>, vector<16xi32>], vector<16xf32>,
      %add3A_278 = arith.addf %gather3A_274, %gather3A_276 : vector<16xf32>
      %sub3A_279 = arith.subf %add3A_278, %gather3A_277 : vector<16xf32>
      %mul3A_280 = arith.mulf %sub3A_279, %sub3A_279 : vector<16xf32>
      %add3A_281 = arith.addf %add3A_267, %mul3A_280 : vector<16xf32>
      %add3A_282 = arith.constant 12 : i32
      %add3A_283 = vector.broadcast %add3A_282 : i32 to vector<16xi32>
      %add3A_284 = arith.addi %iota3A, %add3A_283 : vector<16xi32>
      %and3A_285 = arith.constant 31 : i32
      %and3A_286 = vector.broadcast %and3A_285 : i32 to vector<16xi32>
      %and3A_287 = arith.andi %add3A_284, %and3A_286 : vector<16xi32>
      %gather3A_288 = tpu.vector_load_idx %arg12[%add3A_101, %and3A_287] : memref<128x32xf32, #tpu.memory_space<vmem>>[vector<16xi32>, vector<16xi32>], vector<16xf32>,
      %add3A_289 = arith.addi %shift_left3A_114, %and3A_287 : vector<16xi32>
      %gather3A_290 = tpu.vector_load_idx %arg15[%shift_right_arithmetic3A_108, %add3A_289] : memref<250x128xf32, #tpu.memory_space<vmem>>[vector<16xi32>, vector<16xi32>], vector<16xf32>,
      %gather3A_291 = tpu.vector_load_idx %arg14[%add3A_101, %and3A_287] : memref<128x32xf32, #tpu.memory_space<vmem>>[vector<16xi32>, vector<16xi32>], vector<16xf32>,
      %add3A_292 = arith.addf %gather3A_288, %gather3A_290 : vector<16xf32>
      %sub3A_293 = arith.subf %add3A_292, %gather3A_291 : vector<16xf32>
      %mul3A_294 = arith.mulf %sub3A_293, %sub3A_293 : vector<16xf32>
      %add3A_295 = arith.addf %add3A_281, %mul3A_294 : vector<16xf32>
      %add3A_296 = arith.constant 13 : i32
      %add3A_297 = vector.broadcast %add3A_296 : i32 to vector<16xi32>
      %add3A_298 = arith.addi %iota3A, %add3A_297 : vector<16xi32>
      %and3A_299 = arith.constant 31 : i32
      %and3A_300 = vector.broadcast %and3A_299 : i32 to vector<16xi32>
      %and3A_301 = arith.andi %add3A_298, %and3A_300 : vector<16xi32>
      %gather3A_302 = tpu.vector_load_idx %arg12[%add3A_101, %and3A_301] : memref<128x32xf32, #tpu.memory_space<vmem>>[vector<16xi32>, vector<16xi32>], vector<16xf32>,
      %add3A_303 = arith.addi %shift_left3A_114, %and3A_301 : vector<16xi32>
      %gather3A_304 = tpu.vector_load_idx %arg15[%shift_right_arithmetic3A_108, %add3A_303] : memref<250x128xf32, #tpu.memory_space<vmem>>[vector<16xi32>, vector<16xi32>], vector<16xf32>,
      %gather3A_305 = tpu.vector_load_idx %arg14[%add3A_101, %and3A_301] : memref<128x32xf32, #tpu.memory_space<vmem>>[vector<16xi32>, vector<16xi32>], vector<16xf32>,
      %add3A_306 = arith.addf %gather3A_302, %gather3A_304 : vector<16xf32>
      %sub3A_307 = arith.subf %add3A_306, %gather3A_305 : vector<16xf32>
      %mul3A_308 = arith.mulf %sub3A_307, %sub3A_307 : vector<16xf32>
      %add3A_309 = arith.addf %add3A_295, %mul3A_308 : vector<16xf32>
      %add3A_310 = arith.constant 14 : i32
      %add3A_311 = vector.broadcast %add3A_310 : i32 to vector<16xi32>
      %add3A_312 = arith.addi %iota3A, %add3A_311 : vector<16xi32>
      %and3A_313 = arith.constant 31 : i32
      %and3A_314 = vector.broadcast %and3A_313 : i32 to vector<16xi32>
      %and3A_315 = arith.andi %add3A_312, %and3A_314 : vector<16xi32>
      %gather3A_316 = tpu.vector_load_idx %arg12[%add3A_101, %and3A_315] : memref<128x32xf32, #tpu.memory_space<vmem>>[vector<16xi32>, vector<16xi32>], vector<16xf32>,
      %add3A_317 = arith.addi %shift_left3A_114, %and3A_315 : vector<16xi32>
      %gather3A_318 = tpu.vector_load_idx %arg15[%shift_right_arithmetic3A_108, %add3A_317] : memref<250x128xf32, #tpu.memory_space<vmem>>[vector<16xi32>, vector<16xi32>], vector<16xf32>,
      %gather3A_319 = tpu.vector_load_idx %arg14[%add3A_101, %and3A_315] : memref<128x32xf32, #tpu.memory_space<vmem>>[vector<16xi32>, vector<16xi32>], vector<16xf32>,
      %add3A_320 = arith.addf %gather3A_316, %gather3A_318 : vector<16xf32>
      %sub3A_321 = arith.subf %add3A_320, %gather3A_319 : vector<16xf32>
      %mul3A_322 = arith.mulf %sub3A_321, %sub3A_321 : vector<16xf32>
      %add3A_323 = arith.addf %add3A_309, %mul3A_322 : vector<16xf32>
      %add3A_324 = arith.constant 15 : i32
      %add3A_325 = vector.broadcast %add3A_324 : i32 to vector<16xi32>
      %add3A_326 = arith.addi %iota3A, %add3A_325 : vector<16xi32>
      %and3A_327 = arith.constant 31 : i32
      %and3A_328 = vector.broadcast %and3A_327 : i32 to vector<16xi32>
      %and3A_329 = arith.andi %add3A_326, %and3A_328 : vector<16xi32>
      %gather3A_330 = tpu.vector_load_idx %arg12[%add3A_101, %and3A_329] : memref<128x32xf32, #tpu.memory_space<vmem>>[vector<16xi32>, vector<16xi32>], vector<16xf32>,
      %add3A_331 = arith.addi %shift_left3A_114, %and3A_329 : vector<16xi32>
      %gather3A_332 = tpu.vector_load_idx %arg15[%shift_right_arithmetic3A_108, %add3A_331] : memref<250x128xf32, #tpu.memory_space<vmem>>[vector<16xi32>, vector<16xi32>], vector<16xf32>,
      %gather3A_333 = tpu.vector_load_idx %arg14[%add3A_101, %and3A_329] : memref<128x32xf32, #tpu.memory_space<vmem>>[vector<16xi32>, vector<16xi32>], vector<16xf32>,
      %add3A_334 = arith.addf %gather3A_330, %gather3A_332 : vector<16xf32>
      %sub3A_335 = arith.subf %add3A_334, %gather3A_333 : vector<16xf32>
      %mul3A_336 = arith.mulf %sub3A_335, %sub3A_335 : vector<16xf32>
      %add3A_337 = arith.addf %add3A_323, %mul3A_336 : vector<16xf32>
      %add3A_338 = arith.constant 16 : i32
      %add3A_339 = vector.broadcast %add3A_338 : i32 to vector<16xi32>
      %add3A_340 = arith.addi %iota3A, %add3A_339 : vector<16xi32>
      %and3A_341 = arith.constant 31 : i32
      %and3A_342 = vector.broadcast %and3A_341 : i32 to vector<16xi32>
      %and3A_343 = arith.andi %add3A_340, %and3A_342 : vector<16xi32>
      %gather3A_344 = tpu.vector_load_idx %arg12[%add3A_101, %and3A_343] : memref<128x32xf32, #tpu.memory_space<vmem>>[vector<16xi32>, vector<16xi32>], vector<16xf32>,
      %add3A_345 = arith.addi %shift_left3A_114, %and3A_343 : vector<16xi32>
      %gather3A_346 = tpu.vector_load_idx %arg15[%shift_right_arithmetic3A_108, %add3A_345] : memref<250x128xf32, #tpu.memory_space<vmem>>[vector<16xi32>, vector<16xi32>], vector<16xf32>,
      %gather3A_347 = tpu.vector_load_idx %arg14[%add3A_101, %and3A_343] : memref<128x32xf32, #tpu.memory_space<vmem>>[vector<16xi32>, vector<16xi32>], vector<16xf32>,
      %add3A_348 = arith.addf %gather3A_344, %gather3A_346 : vector<16xf32>
      %sub3A_349 = arith.subf %add3A_348, %gather3A_347 : vector<16xf32>
      %mul3A_350 = arith.mulf %sub3A_349, %sub3A_349 : vector<16xf32>
      %add3A_351 = arith.addf %add3A_337, %mul3A_350 : vector<16xf32>
      %add3A_352 = arith.constant 17 : i32
      %add3A_353 = vector.broadcast %add3A_352 : i32 to vector<16xi32>
      %add3A_354 = arith.addi %iota3A, %add3A_353 : vector<16xi32>
      %and3A_355 = arith.constant 31 : i32
      %and3A_356 = vector.broadcast %and3A_355 : i32 to vector<16xi32>
      %and3A_357 = arith.andi %add3A_354, %and3A_356 : vector<16xi32>
      %gather3A_358 = tpu.vector_load_idx %arg12[%add3A_101, %and3A_357] : memref<128x32xf32, #tpu.memory_space<vmem>>[vector<16xi32>, vector<16xi32>], vector<16xf32>,
      %add3A_359 = arith.addi %shift_left3A_114, %and3A_357 : vector<16xi32>
      %gather3A_360 = tpu.vector_load_idx %arg15[%shift_right_arithmetic3A_108, %add3A_359] : memref<250x128xf32, #tpu.memory_space<vmem>>[vector<16xi32>, vector<16xi32>], vector<16xf32>,
      %gather3A_361 = tpu.vector_load_idx %arg14[%add3A_101, %and3A_357] : memref<128x32xf32, #tpu.memory_space<vmem>>[vector<16xi32>, vector<16xi32>], vector<16xf32>,
      %add3A_362 = arith.addf %gather3A_358, %gather3A_360 : vector<16xf32>
      %sub3A_363 = arith.subf %add3A_362, %gather3A_361 : vector<16xf32>
      %mul3A_364 = arith.mulf %sub3A_363, %sub3A_363 : vector<16xf32>
      %add3A_365 = arith.addf %add3A_351, %mul3A_364 : vector<16xf32>
      %add3A_366 = arith.constant 18 : i32
      %add3A_367 = vector.broadcast %add3A_366 : i32 to vector<16xi32>
      %add3A_368 = arith.addi %iota3A, %add3A_367 : vector<16xi32>
      %and3A_369 = arith.constant 31 : i32
      %and3A_370 = vector.broadcast %and3A_369 : i32 to vector<16xi32>
      %and3A_371 = arith.andi %add3A_368, %and3A_370 : vector<16xi32>
      %gather3A_372 = tpu.vector_load_idx %arg12[%add3A_101, %and3A_371] : memref<128x32xf32, #tpu.memory_space<vmem>>[vector<16xi32>, vector<16xi32>], vector<16xf32>,
      %add3A_373 = arith.addi %shift_left3A_114, %and3A_371 : vector<16xi32>
      %gather3A_374 = tpu.vector_load_idx %arg15[%shift_right_arithmetic3A_108, %add3A_373] : memref<250x128xf32, #tpu.memory_space<vmem>>[vector<16xi32>, vector<16xi32>], vector<16xf32>,
      %gather3A_375 = tpu.vector_load_idx %arg14[%add3A_101, %and3A_371] : memref<128x32xf32, #tpu.memory_space<vmem>>[vector<16xi32>, vector<16xi32>], vector<16xf32>,
      %add3A_376 = arith.addf %gather3A_372, %gather3A_374 : vector<16xf32>
      %sub3A_377 = arith.subf %add3A_376, %gather3A_375 : vector<16xf32>
      %mul3A_378 = arith.mulf %sub3A_377, %sub3A_377 : vector<16xf32>
      %add3A_379 = arith.addf %add3A_365, %mul3A_378 : vector<16xf32>
      %add3A_380 = arith.constant 19 : i32
      %add3A_381 = vector.broadcast %add3A_380 : i32 to vector<16xi32>
      %add3A_382 = arith.addi %iota3A, %add3A_381 : vector<16xi32>
      %and3A_383 = arith.constant 31 : i32
      %and3A_384 = vector.broadcast %and3A_383 : i32 to vector<16xi32>
      %and3A_385 = arith.andi %add3A_382, %and3A_384 : vector<16xi32>
      %gather3A_386 = tpu.vector_load_idx %arg12[%add3A_101, %and3A_385] : memref<128x32xf32, #tpu.memory_space<vmem>>[vector<16xi32>, vector<16xi32>], vector<16xf32>,
      %add3A_387 = arith.addi %shift_left3A_114, %and3A_385 : vector<16xi32>
      %gather3A_388 = tpu.vector_load_idx %arg15[%shift_right_arithmetic3A_108, %add3A_387] : memref<250x128xf32, #tpu.memory_space<vmem>>[vector<16xi32>, vector<16xi32>], vector<16xf32>,
      %gather3A_389 = tpu.vector_load_idx %arg14[%add3A_101, %and3A_385] : memref<128x32xf32, #tpu.memory_space<vmem>>[vector<16xi32>, vector<16xi32>], vector<16xf32>,
      %add3A_390 = arith.addf %gather3A_386, %gather3A_388 : vector<16xf32>
      %sub3A_391 = arith.subf %add3A_390, %gather3A_389 : vector<16xf32>
      %mul3A_392 = arith.mulf %sub3A_391, %sub3A_391 : vector<16xf32>
      %add3A_393 = arith.addf %add3A_379, %mul3A_392 : vector<16xf32>
      %add3A_394 = arith.constant 20 : i32
      %add3A_395 = vector.broadcast %add3A_394 : i32 to vector<16xi32>
      %add3A_396 = arith.addi %iota3A, %add3A_395 : vector<16xi32>
      %and3A_397 = arith.constant 31 : i32
      %and3A_398 = vector.broadcast %and3A_397 : i32 to vector<16xi32>
      %and3A_399 = arith.andi %add3A_396, %and3A_398 : vector<16xi32>
      %gather3A_400 = tpu.vector_load_idx %arg12[%add3A_101, %and3A_399] : memref<128x32xf32, #tpu.memory_space<vmem>>[vector<16xi32>, vector<16xi32>], vector<16xf32>,
      %add3A_401 = arith.addi %shift_left3A_114, %and3A_399 : vector<16xi32>
      %gather3A_402 = tpu.vector_load_idx %arg15[%shift_right_arithmetic3A_108, %add3A_401] : memref<250x128xf32, #tpu.memory_space<vmem>>[vector<16xi32>, vector<16xi32>], vector<16xf32>,
      %gather3A_403 = tpu.vector_load_idx %arg14[%add3A_101, %and3A_399] : memref<128x32xf32, #tpu.memory_space<vmem>>[vector<16xi32>, vector<16xi32>], vector<16xf32>,
      %add3A_404 = arith.addf %gather3A_400, %gather3A_402 : vector<16xf32>
      %sub3A_405 = arith.subf %add3A_404, %gather3A_403 : vector<16xf32>
      %mul3A_406 = arith.mulf %sub3A_405, %sub3A_405 : vector<16xf32>
      %add3A_407 = arith.addf %add3A_393, %mul3A_406 : vector<16xf32>
      %add3A_408 = arith.constant 21 : i32
      %add3A_409 = vector.broadcast %add3A_408 : i32 to vector<16xi32>
      %add3A_410 = arith.addi %iota3A, %add3A_409 : vector<16xi32>
      %and3A_411 = arith.constant 31 : i32
      %and3A_412 = vector.broadcast %and3A_411 : i32 to vector<16xi32>
      %and3A_413 = arith.andi %add3A_410, %and3A_412 : vector<16xi32>
      %gather3A_414 = tpu.vector_load_idx %arg12[%add3A_101, %and3A_413] : memref<128x32xf32, #tpu.memory_space<vmem>>[vector<16xi32>, vector<16xi32>], vector<16xf32>,
      %add3A_415 = arith.addi %shift_left3A_114, %and3A_413 : vector<16xi32>
      %gather3A_416 = tpu.vector_load_idx %arg15[%shift_right_arithmetic3A_108, %add3A_415] : memref<250x128xf32, #tpu.memory_space<vmem>>[vector<16xi32>, vector<16xi32>], vector<16xf32>,
      %gather3A_417 = tpu.vector_load_idx %arg14[%add3A_101, %and3A_413] : memref<128x32xf32, #tpu.memory_space<vmem>>[vector<16xi32>, vector<16xi32>], vector<16xf32>,
      %add3A_418 = arith.addf %gather3A_414, %gather3A_416 : vector<16xf32>
      %sub3A_419 = arith.subf %add3A_418, %gather3A_417 : vector<16xf32>
      %mul3A_420 = arith.mulf %sub3A_419, %sub3A_419 : vector<16xf32>
      %add3A_421 = arith.addf %add3A_407, %mul3A_420 : vector<16xf32>
      %add3A_422 = arith.constant 22 : i32
      %add3A_423 = vector.broadcast %add3A_422 : i32 to vector<16xi32>
      %add3A_424 = arith.addi %iota3A, %add3A_423 : vector<16xi32>
      %and3A_425 = arith.constant 31 : i32
      %and3A_426 = vector.broadcast %and3A_425 : i32 to vector<16xi32>
      %and3A_427 = arith.andi %add3A_424, %and3A_426 : vector<16xi32>
      %gather3A_428 = tpu.vector_load_idx %arg12[%add3A_101, %and3A_427] : memref<128x32xf32, #tpu.memory_space<vmem>>[vector<16xi32>, vector<16xi32>], vector<16xf32>,
      %add3A_429 = arith.addi %shift_left3A_114, %and3A_427 : vector<16xi32>
      %gather3A_430 = tpu.vector_load_idx %arg15[%shift_right_arithmetic3A_108, %add3A_429] : memref<250x128xf32, #tpu.memory_space<vmem>>[vector<16xi32>, vector<16xi32>], vector<16xf32>,
      %gather3A_431 = tpu.vector_load_idx %arg14[%add3A_101, %and3A_427] : memref<128x32xf32, #tpu.memory_space<vmem>>[vector<16xi32>, vector<16xi32>], vector<16xf32>,
      %add3A_432 = arith.addf %gather3A_428, %gather3A_430 : vector<16xf32>
      %sub3A_433 = arith.subf %add3A_432, %gather3A_431 : vector<16xf32>
      %mul3A_434 = arith.mulf %sub3A_433, %sub3A_433 : vector<16xf32>
      %add3A_435 = arith.addf %add3A_421, %mul3A_434 : vector<16xf32>
      %add3A_436 = arith.constant 23 : i32
      %add3A_437 = vector.broadcast %add3A_436 : i32 to vector<16xi32>
      %add3A_438 = arith.addi %iota3A, %add3A_437 : vector<16xi32>
      %and3A_439 = arith.constant 31 : i32
      %and3A_440 = vector.broadcast %and3A_439 : i32 to vector<16xi32>
      %and3A_441 = arith.andi %add3A_438, %and3A_440 : vector<16xi32>
      %gather3A_442 = tpu.vector_load_idx %arg12[%add3A_101, %and3A_441] : memref<128x32xf32, #tpu.memory_space<vmem>>[vector<16xi32>, vector<16xi32>], vector<16xf32>,
      %add3A_443 = arith.addi %shift_left3A_114, %and3A_441 : vector<16xi32>
      %gather3A_444 = tpu.vector_load_idx %arg15[%shift_right_arithmetic3A_108, %add3A_443] : memref<250x128xf32, #tpu.memory_space<vmem>>[vector<16xi32>, vector<16xi32>], vector<16xf32>,
      %gather3A_445 = tpu.vector_load_idx %arg14[%add3A_101, %and3A_441] : memref<128x32xf32, #tpu.memory_space<vmem>>[vector<16xi32>, vector<16xi32>], vector<16xf32>,
      %add3A_446 = arith.addf %gather3A_442, %gather3A_444 : vector<16xf32>
      %sub3A_447 = arith.subf %add3A_446, %gather3A_445 : vector<16xf32>
      %mul3A_448 = arith.mulf %sub3A_447, %sub3A_447 : vector<16xf32>
      %add3A_449 = arith.addf %add3A_435, %mul3A_448 : vector<16xf32>
      %add3A_450 = arith.constant 24 : i32
      %add3A_451 = vector.broadcast %add3A_450 : i32 to vector<16xi32>
      %add3A_452 = arith.addi %iota3A, %add3A_451 : vector<16xi32>
      %and3A_453 = arith.constant 31 : i32
      %and3A_454 = vector.broadcast %and3A_453 : i32 to vector<16xi32>
      %and3A_455 = arith.andi %add3A_452, %and3A_454 : vector<16xi32>
      %gather3A_456 = tpu.vector_load_idx %arg12[%add3A_101, %and3A_455] : memref<128x32xf32, #tpu.memory_space<vmem>>[vector<16xi32>, vector<16xi32>], vector<16xf32>,
      %add3A_457 = arith.addi %shift_left3A_114, %and3A_455 : vector<16xi32>
      %gather3A_458 = tpu.vector_load_idx %arg15[%shift_right_arithmetic3A_108, %add3A_457] : memref<250x128xf32, #tpu.memory_space<vmem>>[vector<16xi32>, vector<16xi32>], vector<16xf32>,
      %gather3A_459 = tpu.vector_load_idx %arg14[%add3A_101, %and3A_455] : memref<128x32xf32, #tpu.memory_space<vmem>>[vector<16xi32>, vector<16xi32>], vector<16xf32>,
      %add3A_460 = arith.addf %gather3A_456, %gather3A_458 : vector<16xf32>
      %sub3A_461 = arith.subf %add3A_460, %gather3A_459 : vector<16xf32>
      %mul3A_462 = arith.mulf %sub3A_461, %sub3A_461 : vector<16xf32>
      %add3A_463 = arith.addf %add3A_449, %mul3A_462 : vector<16xf32>
      %add3A_464 = arith.constant 25 : i32
      %add3A_465 = vector.broadcast %add3A_464 : i32 to vector<16xi32>
      %add3A_466 = arith.addi %iota3A, %add3A_465 : vector<16xi32>
      %and3A_467 = arith.constant 31 : i32
      %and3A_468 = vector.broadcast %and3A_467 : i32 to vector<16xi32>
      %and3A_469 = arith.andi %add3A_466, %and3A_468 : vector<16xi32>
      %gather3A_470 = tpu.vector_load_idx %arg12[%add3A_101, %and3A_469] : memref<128x32xf32, #tpu.memory_space<vmem>>[vector<16xi32>, vector<16xi32>], vector<16xf32>,
      %add3A_471 = arith.addi %shift_left3A_114, %and3A_469 : vector<16xi32>
      %gather3A_472 = tpu.vector_load_idx %arg15[%shift_right_arithmetic3A_108, %add3A_471] : memref<250x128xf32, #tpu.memory_space<vmem>>[vector<16xi32>, vector<16xi32>], vector<16xf32>,
      %gather3A_473 = tpu.vector_load_idx %arg14[%add3A_101, %and3A_469] : memref<128x32xf32, #tpu.memory_space<vmem>>[vector<16xi32>, vector<16xi32>], vector<16xf32>,
      %add3A_474 = arith.addf %gather3A_470, %gather3A_472 : vector<16xf32>
      %sub3A_475 = arith.subf %add3A_474, %gather3A_473 : vector<16xf32>
      %mul3A_476 = arith.mulf %sub3A_475, %sub3A_475 : vector<16xf32>
      %add3A_477 = arith.addf %add3A_463, %mul3A_476 : vector<16xf32>
      %add3A_478 = arith.constant 26 : i32
      %add3A_479 = vector.broadcast %add3A_478 : i32 to vector<16xi32>
      %add3A_480 = arith.addi %iota3A, %add3A_479 : vector<16xi32>
      %and3A_481 = arith.constant 31 : i32
      %and3A_482 = vector.broadcast %and3A_481 : i32 to vector<16xi32>
      %and3A_483 = arith.andi %add3A_480, %and3A_482 : vector<16xi32>
      %gather3A_484 = tpu.vector_load_idx %arg12[%add3A_101, %and3A_483] : memref<128x32xf32, #tpu.memory_space<vmem>>[vector<16xi32>, vector<16xi32>], vector<16xf32>,
      %add3A_485 = arith.addi %shift_left3A_114, %and3A_483 : vector<16xi32>
      %gather3A_486 = tpu.vector_load_idx %arg15[%shift_right_arithmetic3A_108, %add3A_485] : memref<250x128xf32, #tpu.memory_space<vmem>>[vector<16xi32>, vector<16xi32>], vector<16xf32>,
      %gather3A_487 = tpu.vector_load_idx %arg14[%add3A_101, %and3A_483] : memref<128x32xf32, #tpu.memory_space<vmem>>[vector<16xi32>, vector<16xi32>], vector<16xf32>,
      %add3A_488 = arith.addf %gather3A_484, %gather3A_486 : vector<16xf32>
      %sub3A_489 = arith.subf %add3A_488, %gather3A_487 : vector<16xf32>
      %mul3A_490 = arith.mulf %sub3A_489, %sub3A_489 : vector<16xf32>
      %add3A_491 = arith.addf %add3A_477, %mul3A_490 : vector<16xf32>
      %add3A_492 = arith.constant 27 : i32
      %add3A_493 = vector.broadcast %add3A_492 : i32 to vector<16xi32>
      %add3A_494 = arith.addi %iota3A, %add3A_493 : vector<16xi32>
      %and3A_495 = arith.constant 31 : i32
      %and3A_496 = vector.broadcast %and3A_495 : i32 to vector<16xi32>
      %and3A_497 = arith.andi %add3A_494, %and3A_496 : vector<16xi32>
      %gather3A_498 = tpu.vector_load_idx %arg12[%add3A_101, %and3A_497] : memref<128x32xf32, #tpu.memory_space<vmem>>[vector<16xi32>, vector<16xi32>], vector<16xf32>,
      %add3A_499 = arith.addi %shift_left3A_114, %and3A_497 : vector<16xi32>
      %gather3A_500 = tpu.vector_load_idx %arg15[%shift_right_arithmetic3A_108, %add3A_499] : memref<250x128xf32, #tpu.memory_space<vmem>>[vector<16xi32>, vector<16xi32>], vector<16xf32>,
      %gather3A_501 = tpu.vector_load_idx %arg14[%add3A_101, %and3A_497] : memref<128x32xf32, #tpu.memory_space<vmem>>[vector<16xi32>, vector<16xi32>], vector<16xf32>,
      %add3A_502 = arith.addf %gather3A_498, %gather3A_500 : vector<16xf32>
      %sub3A_503 = arith.subf %add3A_502, %gather3A_501 : vector<16xf32>
      %mul3A_504 = arith.mulf %sub3A_503, %sub3A_503 : vector<16xf32>
      %add3A_505 = arith.addf %add3A_491, %mul3A_504 : vector<16xf32>
      %add3A_506 = arith.constant 28 : i32
      %add3A_507 = vector.broadcast %add3A_506 : i32 to vector<16xi32>
      %add3A_508 = arith.addi %iota3A, %add3A_507 : vector<16xi32>
      %and3A_509 = arith.constant 31 : i32
      %and3A_510 = vector.broadcast %and3A_509 : i32 to vector<16xi32>
      %and3A_511 = arith.andi %add3A_508, %and3A_510 : vector<16xi32>
      %gather3A_512 = tpu.vector_load_idx %arg12[%add3A_101, %and3A_511] : memref<128x32xf32, #tpu.memory_space<vmem>>[vector<16xi32>, vector<16xi32>], vector<16xf32>,
      %add3A_513 = arith.addi %shift_left3A_114, %and3A_511 : vector<16xi32>
      %gather3A_514 = tpu.vector_load_idx %arg15[%shift_right_arithmetic3A_108, %add3A_513] : memref<250x128xf32, #tpu.memory_space<vmem>>[vector<16xi32>, vector<16xi32>], vector<16xf32>,
      %gather3A_515 = tpu.vector_load_idx %arg14[%add3A_101, %and3A_511] : memref<128x32xf32, #tpu.memory_space<vmem>>[vector<16xi32>, vector<16xi32>], vector<16xf32>,
      %add3A_516 = arith.addf %gather3A_512, %gather3A_514 : vector<16xf32>
      %sub3A_517 = arith.subf %add3A_516, %gather3A_515 : vector<16xf32>
      %mul3A_518 = arith.mulf %sub3A_517, %sub3A_517 : vector<16xf32>
      %add3A_519 = arith.addf %add3A_505, %mul3A_518 : vector<16xf32>
      %add3A_520 = arith.constant 29 : i32
      %add3A_521 = vector.broadcast %add3A_520 : i32 to vector<16xi32>
      %add3A_522 = arith.addi %iota3A, %add3A_521 : vector<16xi32>
      %and3A_523 = arith.constant 31 : i32
      %and3A_524 = vector.broadcast %and3A_523 : i32 to vector<16xi32>
      %and3A_525 = arith.andi %add3A_522, %and3A_524 : vector<16xi32>
      %gather3A_526 = tpu.vector_load_idx %arg12[%add3A_101, %and3A_525] : memref<128x32xf32, #tpu.memory_space<vmem>>[vector<16xi32>, vector<16xi32>], vector<16xf32>,
      %add3A_527 = arith.addi %shift_left3A_114, %and3A_525 : vector<16xi32>
      %gather3A_528 = tpu.vector_load_idx %arg15[%shift_right_arithmetic3A_108, %add3A_527] : memref<250x128xf32, #tpu.memory_space<vmem>>[vector<16xi32>, vector<16xi32>], vector<16xf32>,
      %gather3A_529 = tpu.vector_load_idx %arg14[%add3A_101, %and3A_525] : memref<128x32xf32, #tpu.memory_space<vmem>>[vector<16xi32>, vector<16xi32>], vector<16xf32>,
      %add3A_530 = arith.addf %gather3A_526, %gather3A_528 : vector<16xf32>
      %sub3A_531 = arith.subf %add3A_530, %gather3A_529 : vector<16xf32>
      %mul3A_532 = arith.mulf %sub3A_531, %sub3A_531 : vector<16xf32>
      %add3A_533 = arith.addf %add3A_519, %mul3A_532 : vector<16xf32>
      %add3A_534 = arith.constant 30 : i32
      %add3A_535 = vector.broadcast %add3A_534 : i32 to vector<16xi32>
      %add3A_536 = arith.addi %iota3A, %add3A_535 : vector<16xi32>
      %and3A_537 = arith.constant 31 : i32
      %and3A_538 = vector.broadcast %and3A_537 : i32 to vector<16xi32>
      %and3A_539 = arith.andi %add3A_536, %and3A_538 : vector<16xi32>
      %gather3A_540 = tpu.vector_load_idx %arg12[%add3A_101, %and3A_539] : memref<128x32xf32, #tpu.memory_space<vmem>>[vector<16xi32>, vector<16xi32>], vector<16xf32>,
      %add3A_541 = arith.addi %shift_left3A_114, %and3A_539 : vector<16xi32>
      %gather3A_542 = tpu.vector_load_idx %arg15[%shift_right_arithmetic3A_108, %add3A_541] : memref<250x128xf32, #tpu.memory_space<vmem>>[vector<16xi32>, vector<16xi32>], vector<16xf32>,
      %gather3A_543 = tpu.vector_load_idx %arg14[%add3A_101, %and3A_539] : memref<128x32xf32, #tpu.memory_space<vmem>>[vector<16xi32>, vector<16xi32>], vector<16xf32>,
      %add3A_544 = arith.addf %gather3A_540, %gather3A_542 : vector<16xf32>
      %sub3A_545 = arith.subf %add3A_544, %gather3A_543 : vector<16xf32>
      %mul3A_546 = arith.mulf %sub3A_545, %sub3A_545 : vector<16xf32>
      %add3A_547 = arith.addf %add3A_533, %mul3A_546 : vector<16xf32>
      %add3A_548 = arith.constant 31 : i32
      %add3A_549 = vector.broadcast %add3A_548 : i32 to vector<16xi32>
      %add3A_550 = arith.addi %iota3A, %add3A_549 : vector<16xi32>
      %and3A_551 = arith.constant 31 : i32
      %and3A_552 = vector.broadcast %and3A_551 : i32 to vector<16xi32>
      %and3A_553 = arith.andi %add3A_550, %and3A_552 : vector<16xi32>
      %gather3A_554 = tpu.vector_load_idx %arg12[%add3A_101, %and3A_553] : memref<128x32xf32, #tpu.memory_space<vmem>>[vector<16xi32>, vector<16xi32>], vector<16xf32>,
      %add3A_555 = arith.addi %shift_left3A_114, %and3A_553 : vector<16xi32>
      %gather3A_556 = tpu.vector_load_idx %arg15[%shift_right_arithmetic3A_108, %add3A_555] : memref<250x128xf32, #tpu.memory_space<vmem>>[vector<16xi32>, vector<16xi32>], vector<16xf32>,
      %gather3A_557 = tpu.vector_load_idx %arg14[%add3A_101, %and3A_553] : memref<128x32xf32, #tpu.memory_space<vmem>>[vector<16xi32>, vector<16xi32>], vector<16xf32>,
      %add3A_558 = arith.addf %gather3A_554, %gather3A_556 : vector<16xf32>
      %sub3A_559 = arith.subf %add3A_558, %gather3A_557 : vector<16xf32>
      %mul3A_560 = arith.mulf %sub3A_559, %sub3A_559 : vector<16xf32>
      %add3A_561 = arith.addf %add3A_547, %mul3A_560 : vector<16xf32>
      %max3A = arith.constant 1.000000e-30 : f32
      %max3A_562 = vector.broadcast %max3A : f32 to vector<16xf32>
      %max3A_563 = arith.maximumf %add3A_561, %max3A_562 : vector<16xf32>
      %bitcast3A = vector.bitcast %max3A_563 : vector<16xf32> to vector<16xi32>
      %shift_right_arithmetic3A_564 = arith.constant 1 : i32
      %shift_right_arithmetic3A_565 = vector.broadcast %shift_right_arithmetic3A_564 : i32 to vector<16xi32>
      %shift_right_arithmetic3A_566 = arith.shrsi %bitcast3A, %shift_right_arithmetic3A_565 : vector<16xi32>
      %sub3A_567 = arith.constant 1597463007 : i32
      %sub3A_568 = vector.broadcast %sub3A_567 : i32 to vector<16xi32>
      %sub3A_569 = arith.subi %sub3A_568, %shift_right_arithmetic3A_566 : vector<16xi32>
      %bitcast3A_570 = vector.bitcast %sub3A_569 : vector<16xi32> to vector<16xf32>
      %mul3A_571 = arith.constant 5.000000e-01 : f32
      %mul3A_572 = vector.broadcast %mul3A_571 : f32 to vector<16xf32>
      %mul3A_573 = arith.mulf %mul3A_572, %max3A_563 : vector<16xf32>
      %mul3A_574 = arith.mulf %mul3A_573, %bitcast3A_570 : vector<16xf32>
      %mul3A_575 = arith.mulf %mul3A_574, %bitcast3A_570 : vector<16xf32>
      %sub3A_576 = arith.constant 1.500000e+00 : f32
      %sub3A_577 = vector.broadcast %sub3A_576 : f32 to vector<16xf32>
      %sub3A_578 = arith.subf %sub3A_577, %mul3A_575 : vector<16xf32>
      %mul3A_579 = arith.mulf %bitcast3A_570, %sub3A_578 : vector<16xf32>
      %mul3A_580 = arith.constant 5.000000e-01 : f32
      %mul3A_581 = vector.broadcast %mul3A_580 : f32 to vector<16xf32>
      %mul3A_582 = arith.mulf %mul3A_581, %max3A_563 : vector<16xf32>
      %mul3A_583 = arith.mulf %mul3A_582, %mul3A_579 : vector<16xf32>
      %mul3A_584 = arith.mulf %mul3A_583, %mul3A_579 : vector<16xf32>
      %sub3A_585 = arith.constant 1.500000e+00 : f32
      %sub3A_586 = vector.broadcast %sub3A_585 : f32 to vector<16xf32>
      %sub3A_587 = arith.subf %sub3A_586, %mul3A_584 : vector<16xf32>
      %mul3A_588 = arith.mulf %mul3A_579, %sub3A_587 : vector<16xf32>
      %mul3A_589 = arith.constant 5.000000e-01 : f32
      %mul3A_590 = vector.broadcast %mul3A_589 : f32 to vector<16xf32>
      %mul3A_591 = arith.mulf %mul3A_590, %max3A_563 : vector<16xf32>
      %mul3A_592 = arith.mulf %mul3A_591, %mul3A_588 : vector<16xf32>
      %mul3A_593 = arith.mulf %mul3A_592, %mul3A_588 : vector<16xf32>
      %sub3A_594 = arith.constant 1.500000e+00 : f32
      %sub3A_595 = vector.broadcast %sub3A_594 : f32 to vector<16xf32>
      %sub3A_596 = arith.subf %sub3A_595, %mul3A_593 : vector<16xf32>
      %mul3A_597 = arith.mulf %mul3A_588, %sub3A_596 : vector<16xf32>
      %mul3A_598 = arith.mulf %add3A_561, %mul3A_597 : vector<16xf32>
      %swap3A = arith.index_cast %add3A_105 : i32 to index
      %swap3A_599 = tpu.vector_load %arg16[%swap3A] {strides = array<i32>} : memref<512xf32, #tpu.memory_space<vmem>>, vector<16xf32>,
      tpu.vector_store %arg16[%swap3A], %mul3A_598 {strides = array<i32>} : memref<512xf32, #tpu.memory_space<vmem>>, vector<16xf32>,
    }
    %scan3A_54 = arith.constant 8 : i32
    %dma_wait3A_55 = arith.constant 0 : i32
    %dma_wait3A_56 = arith.constant 0 : i32
    %dma_wait3A_57 = tpu.memref_slice %arg5[%dma_wait3A_55, %dma_wait3A_56] : memref<1000000x32xf32, #tpu.memory_space<hbm>> -> memref<128x32xf32, #tpu.memory_space<hbm>>
    %dma_wait3A_58 = arith.constant 0 : i32
    %dma_wait3A_59 = arith.constant 0 : i32
    %dma_wait3A_60 = tpu.memref_slice %arg5[%dma_wait3A_58, %dma_wait3A_59] : memref<1000000x32xf32, #tpu.memory_space<hbm>> -> memref<128x32xf32, #tpu.memory_space<hbm>>
    tpu.wait_dma2 semaphore(%arg17 : memref<!tpu.dma_semaphore, #tpu.memory_space<semaphore_mem>>) src(%dma_wait3A_60 : memref<128x32xf32, #tpu.memory_space<hbm>>) dst(%arg11 : memref<128x32xf32, #tpu.memory_space<vmem>>)
    %dma_wait3A_61 = arith.constant 0 : i32
    %dma_wait3A_62 = arith.constant 0 : i32
    %dma_wait3A_63 = tpu.memref_slice %arg5[%dma_wait3A_61, %dma_wait3A_62] : memref<1000000x32xf32, #tpu.memory_space<hbm>> -> memref<128x32xf32, #tpu.memory_space<hbm>>
    %dma_wait3A_64 = arith.constant 0 : i32
    %dma_wait3A_65 = arith.constant 0 : i32
    %dma_wait3A_66 = tpu.memref_slice %arg5[%dma_wait3A_64, %dma_wait3A_65] : memref<1000000x32xf32, #tpu.memory_space<hbm>> -> memref<128x32xf32, #tpu.memory_space<hbm>>
    tpu.wait_dma2 semaphore(%arg17 : memref<!tpu.dma_semaphore, #tpu.memory_space<semaphore_mem>>) src(%dma_wait3A_66 : memref<128x32xf32, #tpu.memory_space<hbm>>) dst(%arg13 : memref<128x32xf32, #tpu.memory_space<vmem>>)
    %scan3A_67 = arith.constant 0 : i32
    %scan3A_68 = arith.constant 0 : i32
    %scan3A_69 = arith.constant 128 : i32
    %scan3A_70 = arith.addi %scan3A_68, %scan3A_69 : i32
    %scan3A_71 = arith.constant 1 : i32
    scf.for %scan3A_97 = %scan3A_68 to %scan3A_70 step %scan3A_71  : i32 {
      %shift_right_arithmetic3A = arith.constant 4 : i32
      %shift_right_arithmetic3A_98 = arith.shrsi %scan3A_97, %shift_right_arithmetic3A : i32
      %shift_left3A = arith.constant 4 : i32
      %shift_left3A_99 = arith.shli %shift_right_arithmetic3A_98, %shift_left3A : i32
      %add3A_100 = arith.constant 384 : i32
      %add3A_101 = arith.addi %add3A_100, %shift_left3A_99 : i32
      %and3A = arith.constant 15 : i32
      %and3A_102 = arith.andi %scan3A_97, %and3A : i32
      %eq3A = vector.broadcast %and3A_102 : i32 to vector<16xi32>
      %eq3A_103 = arith.cmpi eq, %iota3A, %eq3A : vector<16xi32>
      %convert_element_type3A = arith.extui %eq3A_103 : vector<16xi1> to vector<16xi32>
      %get3A = arith.index_cast %add3A_101 : i32 to index
      %get3A_104 = tpu.vector_load %arg8[%get3A] {strides = array<i32>} : memref<512xi32, #tpu.memory_space<vmem>>, vector<16xi32>,
      %get3A_105 = arith.index_cast %add3A_101 : i32 to index
      %get3A_106 = tpu.vector_load %arg9[%get3A_105] {strides = array<i32>} : memref<512xi32, #tpu.memory_space<vmem>>, vector<16xi32>,
      %mul3A_107 = arith.muli %get3A_104, %convert_element_type3A : vector<16xi32>
      %reduce_sum3A = arith.constant true
      %reduce_sum3A_108 = vector.broadcast %reduce_sum3A : i1 to vector<16xi1>
      %reduce_sum3A_109 = tpu.scan <sum>, %mul3A_107 masked %reduce_sum3A_108 : vector<16xi32>, vector<16xi1> -> vector<16xi32>
      %reduce_sum3A_110 = vector.extract %reduce_sum3A_109[15] : i32 from vector<16xi32>
      %mul3A_111 = arith.muli %get3A_106, %convert_element_type3A : vector<16xi32>
      %reduce_sum3A_112 = arith.constant true
      %reduce_sum3A_113 = vector.broadcast %reduce_sum3A_112 : i1 to vector<16xi1>
      %reduce_sum3A_114 = tpu.scan <sum>, %mul3A_111 masked %reduce_sum3A_113 : vector<16xi32>, vector<16xi1> -> vector<16xi32>
      %reduce_sum3A_115 = vector.extract %reduce_sum3A_114[15] : i32 from vector<16xi32>
      %dma_start3A = arith.constant 0 : i32
      %dma_start3A_116 = tpu.memref_slice %arg12[%scan3A_97, %dma_start3A] : memref<128x32xf32, #tpu.memory_space<vmem>> -> memref<1x32xf32, #tpu.memory_space<vmem>>
      %dma_start3A_117 = arith.constant 0 : i32
      %dma_start3A_118 = tpu.memref_slice %arg5[%reduce_sum3A_110, %dma_start3A_117] : memref<1000000x32xf32, #tpu.memory_space<hbm>> -> memref<1x32xf32, #tpu.memory_space<hbm>>
      %dma_start3A_119 = arith.constant 0 : i32
      %dma_start3A_120 = tpu.memref_slice %arg12[%scan3A_97, %dma_start3A_119] : memref<128x32xf32, #tpu.memory_space<vmem>> -> memref<1x32xf32, #tpu.memory_space<vmem>>
      %dma_start3A_121 = arith.constant 0 : i32
      %dma_start3A_122 = tpu.memref_slice %arg5[%reduce_sum3A_110, %dma_start3A_121] : memref<1000000x32xf32, #tpu.memory_space<hbm>> -> memref<1x32xf32, #tpu.memory_space<hbm>>
      tpu.enqueue_dma source(%dma_start3A_122 : memref<1x32xf32, #tpu.memory_space<hbm>>) target(%dma_start3A_120 : memref<1x32xf32, #tpu.memory_space<vmem>>) target_semaphore(%arg18 : memref<!tpu.dma_semaphore, #tpu.memory_space<semaphore_mem>>)
      %dma_start3A_123 = arith.constant 0 : i32
      %dma_start3A_124 = tpu.memref_slice %arg14[%scan3A_97, %dma_start3A_123] : memref<128x32xf32, #tpu.memory_space<vmem>> -> memref<1x32xf32, #tpu.memory_space<vmem>>
      %dma_start3A_125 = arith.constant 0 : i32
      %dma_start3A_126 = tpu.memref_slice %arg5[%reduce_sum3A_115, %dma_start3A_125] : memref<1000000x32xf32, #tpu.memory_space<hbm>> -> memref<1x32xf32, #tpu.memory_space<hbm>>
      %dma_start3A_127 = arith.constant 0 : i32
      %dma_start3A_128 = tpu.memref_slice %arg14[%scan3A_97, %dma_start3A_127] : memref<128x32xf32, #tpu.memory_space<vmem>> -> memref<1x32xf32, #tpu.memory_space<vmem>>
      %dma_start3A_129 = arith.constant 0 : i32
      %dma_start3A_130 = tpu.memref_slice %arg5[%reduce_sum3A_115, %dma_start3A_129] : memref<1000000x32xf32, #tpu.memory_space<hbm>> -> memref<1x32xf32, #tpu.memory_space<hbm>>
      tpu.enqueue_dma source(%dma_start3A_130 : memref<1x32xf32, #tpu.memory_space<hbm>>) target(%dma_start3A_128 : memref<1x32xf32, #tpu.memory_space<vmem>>) target_semaphore(%arg18 : memref<!tpu.dma_semaphore, #tpu.memory_space<semaphore_mem>>)
    }
    %scan3A_72 = arith.constant 128 : i32
    %scan3A_73 = arith.constant 0 : i32
    %scan3A_74 = arith.constant 0 : i32
    %scan3A_75 = arith.constant 8 : i32
    %scan3A_76 = arith.addi %scan3A_74, %scan3A_75 : i32
    %scan3A_77 = arith.constant 1 : i32
    scf.for %scan3A_97 = %scan3A_74 to %scan3A_76 step %scan3A_77  : i32 {
      %mul3A_98 = arith.constant 16 : i32
      %mul3A_99 = arith.muli %scan3A_97, %mul3A_98 : i32
      %add3A_100 = vector.broadcast %mul3A_99 : i32 to vector<16xi32>
      %add3A_101 = arith.addi %iota3A, %add3A_100 : vector<16xi32>
      %mul3A_102 = arith.constant 16 : i32
      %mul3A_103 = arith.muli %scan3A_97, %mul3A_102 : i32
      %add3A_104 = arith.constant 256 : i32
      %add3A_105 = arith.addi %add3A_104, %mul3A_103 : i32
      %get3A = arith.index_cast %add3A_105 : i32 to index
      %get3A_106 = tpu.vector_load %arg10[%get3A] {strides = array<i32>} : memref<512xi32, #tpu.memory_space<vmem>>, vector<16xi32>,
      %shift_right_arithmetic3A = arith.constant 2 : i32
      %shift_right_arithmetic3A_107 = vector.broadcast %shift_right_arithmetic3A : i32 to vector<16xi32>
      %shift_right_arithmetic3A_108 = arith.shrsi %get3A_106, %shift_right_arithmetic3A_107 : vector<16xi32>
      %get3A_109 = arith.index_cast %add3A_105 : i32 to index
      %get3A_110 = tpu.vector_load %arg10[%get3A_109] {strides = array<i32>} : memref<512xi32, #tpu.memory_space<vmem>>, vector<16xi32>,
      %and3A = arith.constant 3 : i32
      %and3A_111 = vector.broadcast %and3A : i32 to vector<16xi32>
      %and3A_112 = arith.andi %get3A_110, %and3A_111 : vector<16xi32>
      %shift_left3A = arith.constant 5 : i32
      %shift_left3A_113 = vector.broadcast %shift_left3A : i32 to vector<16xi32>
      %shift_left3A_114 = arith.shli %and3A_112, %shift_left3A_113 : vector<16xi32>
      %broadcast_in_dim3A = arith.constant 0.000000e+00 : f32
      %broadcast_in_dim3A_115 = vector.broadcast %broadcast_in_dim3A : f32 to vector<16xf32>
      %add3A_116 = arith.constant 0 : i32
      %add3A_117 = vector.broadcast %add3A_116 : i32 to vector<16xi32>
      %add3A_118 = arith.addi %iota3A, %add3A_117 : vector<16xi32>
      %and3A_119 = arith.constant 31 : i32
      %and3A_120 = vector.broadcast %and3A_119 : i32 to vector<16xi32>
      %and3A_121 = arith.andi %add3A_118, %and3A_120 : vector<16xi32>
      %gather3A = tpu.vector_load_idx %arg11[%add3A_101, %and3A_121] : memref<128x32xf32, #tpu.memory_space<vmem>>[vector<16xi32>, vector<16xi32>], vector<16xf32>,
      %add3A_122 = arith.addi %shift_left3A_114, %and3A_121 : vector<16xi32>
      %gather3A_123 = tpu.vector_load_idx %arg15[%shift_right_arithmetic3A_108, %add3A_122] : memref<250x128xf32, #tpu.memory_space<vmem>>[vector<16xi32>, vector<16xi32>], vector<16xf32>,
      %gather3A_124 = tpu.vector_load_idx %arg13[%add3A_101, %and3A_121] : memref<128x32xf32, #tpu.memory_space<vmem>>[vector<16xi32>, vector<16xi32>], vector<16xf32>,
      %add3A_125 = arith.addf %gather3A, %gather3A_123 : vector<16xf32>
      %sub3A = arith.subf %add3A_125, %gather3A_124 : vector<16xf32>
      %mul3A_126 = arith.mulf %sub3A, %sub3A : vector<16xf32>
      %add3A_127 = arith.addf %broadcast_in_dim3A_115, %mul3A_126 : vector<16xf32>
      %add3A_128 = arith.constant 1 : i32
      %add3A_129 = vector.broadcast %add3A_128 : i32 to vector<16xi32>
      %add3A_130 = arith.addi %iota3A, %add3A_129 : vector<16xi32>
      %and3A_131 = arith.constant 31 : i32
      %and3A_132 = vector.broadcast %and3A_131 : i32 to vector<16xi32>
      %and3A_133 = arith.andi %add3A_130, %and3A_132 : vector<16xi32>
      %gather3A_134 = tpu.vector_load_idx %arg11[%add3A_101, %and3A_133] : memref<128x32xf32, #tpu.memory_space<vmem>>[vector<16xi32>, vector<16xi32>], vector<16xf32>,
      %add3A_135 = arith.addi %shift_left3A_114, %and3A_133 : vector<16xi32>
      %gather3A_136 = tpu.vector_load_idx %arg15[%shift_right_arithmetic3A_108, %add3A_135] : memref<250x128xf32, #tpu.memory_space<vmem>>[vector<16xi32>, vector<16xi32>], vector<16xf32>,
      %gather3A_137 = tpu.vector_load_idx %arg13[%add3A_101, %and3A_133] : memref<128x32xf32, #tpu.memory_space<vmem>>[vector<16xi32>, vector<16xi32>], vector<16xf32>,
      %add3A_138 = arith.addf %gather3A_134, %gather3A_136 : vector<16xf32>
      %sub3A_139 = arith.subf %add3A_138, %gather3A_137 : vector<16xf32>
      %mul3A_140 = arith.mulf %sub3A_139, %sub3A_139 : vector<16xf32>
      %add3A_141 = arith.addf %add3A_127, %mul3A_140 : vector<16xf32>
      %add3A_142 = arith.constant 2 : i32
      %add3A_143 = vector.broadcast %add3A_142 : i32 to vector<16xi32>
      %add3A_144 = arith.addi %iota3A, %add3A_143 : vector<16xi32>
      %and3A_145 = arith.constant 31 : i32
      %and3A_146 = vector.broadcast %and3A_145 : i32 to vector<16xi32>
      %and3A_147 = arith.andi %add3A_144, %and3A_146 : vector<16xi32>
      %gather3A_148 = tpu.vector_load_idx %arg11[%add3A_101, %and3A_147] : memref<128x32xf32, #tpu.memory_space<vmem>>[vector<16xi32>, vector<16xi32>], vector<16xf32>,
      %add3A_149 = arith.addi %shift_left3A_114, %and3A_147 : vector<16xi32>
      %gather3A_150 = tpu.vector_load_idx %arg15[%shift_right_arithmetic3A_108, %add3A_149] : memref<250x128xf32, #tpu.memory_space<vmem>>[vector<16xi32>, vector<16xi32>], vector<16xf32>,
      %gather3A_151 = tpu.vector_load_idx %arg13[%add3A_101, %and3A_147] : memref<128x32xf32, #tpu.memory_space<vmem>>[vector<16xi32>, vector<16xi32>], vector<16xf32>,
      %add3A_152 = arith.addf %gather3A_148, %gather3A_150 : vector<16xf32>
      %sub3A_153 = arith.subf %add3A_152, %gather3A_151 : vector<16xf32>
      %mul3A_154 = arith.mulf %sub3A_153, %sub3A_153 : vector<16xf32>
      %add3A_155 = arith.addf %add3A_141, %mul3A_154 : vector<16xf32>
      %add3A_156 = arith.constant 3 : i32
      %add3A_157 = vector.broadcast %add3A_156 : i32 to vector<16xi32>
      %add3A_158 = arith.addi %iota3A, %add3A_157 : vector<16xi32>
      %and3A_159 = arith.constant 31 : i32
      %and3A_160 = vector.broadcast %and3A_159 : i32 to vector<16xi32>
      %and3A_161 = arith.andi %add3A_158, %and3A_160 : vector<16xi32>
      %gather3A_162 = tpu.vector_load_idx %arg11[%add3A_101, %and3A_161] : memref<128x32xf32, #tpu.memory_space<vmem>>[vector<16xi32>, vector<16xi32>], vector<16xf32>,
      %add3A_163 = arith.addi %shift_left3A_114, %and3A_161 : vector<16xi32>
      %gather3A_164 = tpu.vector_load_idx %arg15[%shift_right_arithmetic3A_108, %add3A_163] : memref<250x128xf32, #tpu.memory_space<vmem>>[vector<16xi32>, vector<16xi32>], vector<16xf32>,
      %gather3A_165 = tpu.vector_load_idx %arg13[%add3A_101, %and3A_161] : memref<128x32xf32, #tpu.memory_space<vmem>>[vector<16xi32>, vector<16xi32>], vector<16xf32>,
      %add3A_166 = arith.addf %gather3A_162, %gather3A_164 : vector<16xf32>
      %sub3A_167 = arith.subf %add3A_166, %gather3A_165 : vector<16xf32>
      %mul3A_168 = arith.mulf %sub3A_167, %sub3A_167 : vector<16xf32>
      %add3A_169 = arith.addf %add3A_155, %mul3A_168 : vector<16xf32>
      %add3A_170 = arith.constant 4 : i32
      %add3A_171 = vector.broadcast %add3A_170 : i32 to vector<16xi32>
      %add3A_172 = arith.addi %iota3A, %add3A_171 : vector<16xi32>
      %and3A_173 = arith.constant 31 : i32
      %and3A_174 = vector.broadcast %and3A_173 : i32 to vector<16xi32>
      %and3A_175 = arith.andi %add3A_172, %and3A_174 : vector<16xi32>
      %gather3A_176 = tpu.vector_load_idx %arg11[%add3A_101, %and3A_175] : memref<128x32xf32, #tpu.memory_space<vmem>>[vector<16xi32>, vector<16xi32>], vector<16xf32>,
      %add3A_177 = arith.addi %shift_left3A_114, %and3A_175 : vector<16xi32>
      %gather3A_178 = tpu.vector_load_idx %arg15[%shift_right_arithmetic3A_108, %add3A_177] : memref<250x128xf32, #tpu.memory_space<vmem>>[vector<16xi32>, vector<16xi32>], vector<16xf32>,
      %gather3A_179 = tpu.vector_load_idx %arg13[%add3A_101, %and3A_175] : memref<128x32xf32, #tpu.memory_space<vmem>>[vector<16xi32>, vector<16xi32>], vector<16xf32>,
      %add3A_180 = arith.addf %gather3A_176, %gather3A_178 : vector<16xf32>
      %sub3A_181 = arith.subf %add3A_180, %gather3A_179 : vector<16xf32>
      %mul3A_182 = arith.mulf %sub3A_181, %sub3A_181 : vector<16xf32>
      %add3A_183 = arith.addf %add3A_169, %mul3A_182 : vector<16xf32>
      %add3A_184 = arith.constant 5 : i32
      %add3A_185 = vector.broadcast %add3A_184 : i32 to vector<16xi32>
      %add3A_186 = arith.addi %iota3A, %add3A_185 : vector<16xi32>
      %and3A_187 = arith.constant 31 : i32
      %and3A_188 = vector.broadcast %and3A_187 : i32 to vector<16xi32>
      %and3A_189 = arith.andi %add3A_186, %and3A_188 : vector<16xi32>
      %gather3A_190 = tpu.vector_load_idx %arg11[%add3A_101, %and3A_189] : memref<128x32xf32, #tpu.memory_space<vmem>>[vector<16xi32>, vector<16xi32>], vector<16xf32>,
      %add3A_191 = arith.addi %shift_left3A_114, %and3A_189 : vector<16xi32>
      %gather3A_192 = tpu.vector_load_idx %arg15[%shift_right_arithmetic3A_108, %add3A_191] : memref<250x128xf32, #tpu.memory_space<vmem>>[vector<16xi32>, vector<16xi32>], vector<16xf32>,
      %gather3A_193 = tpu.vector_load_idx %arg13[%add3A_101, %and3A_189] : memref<128x32xf32, #tpu.memory_space<vmem>>[vector<16xi32>, vector<16xi32>], vector<16xf32>,
      %add3A_194 = arith.addf %gather3A_190, %gather3A_192 : vector<16xf32>
      %sub3A_195 = arith.subf %add3A_194, %gather3A_193 : vector<16xf32>
      %mul3A_196 = arith.mulf %sub3A_195, %sub3A_195 : vector<16xf32>
      %add3A_197 = arith.addf %add3A_183, %mul3A_196 : vector<16xf32>
      %add3A_198 = arith.constant 6 : i32
      %add3A_199 = vector.broadcast %add3A_198 : i32 to vector<16xi32>
      %add3A_200 = arith.addi %iota3A, %add3A_199 : vector<16xi32>
      %and3A_201 = arith.constant 31 : i32
      %and3A_202 = vector.broadcast %and3A_201 : i32 to vector<16xi32>
      %and3A_203 = arith.andi %add3A_200, %and3A_202 : vector<16xi32>
      %gather3A_204 = tpu.vector_load_idx %arg11[%add3A_101, %and3A_203] : memref<128x32xf32, #tpu.memory_space<vmem>>[vector<16xi32>, vector<16xi32>], vector<16xf32>,
      %add3A_205 = arith.addi %shift_left3A_114, %and3A_203 : vector<16xi32>
      %gather3A_206 = tpu.vector_load_idx %arg15[%shift_right_arithmetic3A_108, %add3A_205] : memref<250x128xf32, #tpu.memory_space<vmem>>[vector<16xi32>, vector<16xi32>], vector<16xf32>,
      %gather3A_207 = tpu.vector_load_idx %arg13[%add3A_101, %and3A_203] : memref<128x32xf32, #tpu.memory_space<vmem>>[vector<16xi32>, vector<16xi32>], vector<16xf32>,
      %add3A_208 = arith.addf %gather3A_204, %gather3A_206 : vector<16xf32>
      %sub3A_209 = arith.subf %add3A_208, %gather3A_207 : vector<16xf32>
      %mul3A_210 = arith.mulf %sub3A_209, %sub3A_209 : vector<16xf32>
      %add3A_211 = arith.addf %add3A_197, %mul3A_210 : vector<16xf32>
      %add3A_212 = arith.constant 7 : i32
      %add3A_213 = vector.broadcast %add3A_212 : i32 to vector<16xi32>
      %add3A_214 = arith.addi %iota3A, %add3A_213 : vector<16xi32>
      %and3A_215 = arith.constant 31 : i32
      %and3A_216 = vector.broadcast %and3A_215 : i32 to vector<16xi32>
      %and3A_217 = arith.andi %add3A_214, %and3A_216 : vector<16xi32>
      %gather3A_218 = tpu.vector_load_idx %arg11[%add3A_101, %and3A_217] : memref<128x32xf32, #tpu.memory_space<vmem>>[vector<16xi32>, vector<16xi32>], vector<16xf32>,
      %add3A_219 = arith.addi %shift_left3A_114, %and3A_217 : vector<16xi32>
      %gather3A_220 = tpu.vector_load_idx %arg15[%shift_right_arithmetic3A_108, %add3A_219] : memref<250x128xf32, #tpu.memory_space<vmem>>[vector<16xi32>, vector<16xi32>], vector<16xf32>,
      %gather3A_221 = tpu.vector_load_idx %arg13[%add3A_101, %and3A_217] : memref<128x32xf32, #tpu.memory_space<vmem>>[vector<16xi32>, vector<16xi32>], vector<16xf32>,
      %add3A_222 = arith.addf %gather3A_218, %gather3A_220 : vector<16xf32>
      %sub3A_223 = arith.subf %add3A_222, %gather3A_221 : vector<16xf32>
      %mul3A_224 = arith.mulf %sub3A_223, %sub3A_223 : vector<16xf32>
      %add3A_225 = arith.addf %add3A_211, %mul3A_224 : vector<16xf32>
      %add3A_226 = arith.constant 8 : i32
      %add3A_227 = vector.broadcast %add3A_226 : i32 to vector<16xi32>
      %add3A_228 = arith.addi %iota3A, %add3A_227 : vector<16xi32>
      %and3A_229 = arith.constant 31 : i32
      %and3A_230 = vector.broadcast %and3A_229 : i32 to vector<16xi32>
      %and3A_231 = arith.andi %add3A_228, %and3A_230 : vector<16xi32>
      %gather3A_232 = tpu.vector_load_idx %arg11[%add3A_101, %and3A_231] : memref<128x32xf32, #tpu.memory_space<vmem>>[vector<16xi32>, vector<16xi32>], vector<16xf32>,
      %add3A_233 = arith.addi %shift_left3A_114, %and3A_231 : vector<16xi32>
      %gather3A_234 = tpu.vector_load_idx %arg15[%shift_right_arithmetic3A_108, %add3A_233] : memref<250x128xf32, #tpu.memory_space<vmem>>[vector<16xi32>, vector<16xi32>], vector<16xf32>,
      %gather3A_235 = tpu.vector_load_idx %arg13[%add3A_101, %and3A_231] : memref<128x32xf32, #tpu.memory_space<vmem>>[vector<16xi32>, vector<16xi32>], vector<16xf32>,
      %add3A_236 = arith.addf %gather3A_232, %gather3A_234 : vector<16xf32>
      %sub3A_237 = arith.subf %add3A_236, %gather3A_235 : vector<16xf32>
      %mul3A_238 = arith.mulf %sub3A_237, %sub3A_237 : vector<16xf32>
      %add3A_239 = arith.addf %add3A_225, %mul3A_238 : vector<16xf32>
      %add3A_240 = arith.constant 9 : i32
      %add3A_241 = vector.broadcast %add3A_240 : i32 to vector<16xi32>
      %add3A_242 = arith.addi %iota3A, %add3A_241 : vector<16xi32>
      %and3A_243 = arith.constant 31 : i32
      %and3A_244 = vector.broadcast %and3A_243 : i32 to vector<16xi32>
      %and3A_245 = arith.andi %add3A_242, %and3A_244 : vector<16xi32>
      %gather3A_246 = tpu.vector_load_idx %arg11[%add3A_101, %and3A_245] : memref<128x32xf32, #tpu.memory_space<vmem>>[vector<16xi32>, vector<16xi32>], vector<16xf32>,
      %add3A_247 = arith.addi %shift_left3A_114, %and3A_245 : vector<16xi32>
      %gather3A_248 = tpu.vector_load_idx %arg15[%shift_right_arithmetic3A_108, %add3A_247] : memref<250x128xf32, #tpu.memory_space<vmem>>[vector<16xi32>, vector<16xi32>], vector<16xf32>,
      %gather3A_249 = tpu.vector_load_idx %arg13[%add3A_101, %and3A_245] : memref<128x32xf32, #tpu.memory_space<vmem>>[vector<16xi32>, vector<16xi32>], vector<16xf32>,
      %add3A_250 = arith.addf %gather3A_246, %gather3A_248 : vector<16xf32>
      %sub3A_251 = arith.subf %add3A_250, %gather3A_249 : vector<16xf32>
      %mul3A_252 = arith.mulf %sub3A_251, %sub3A_251 : vector<16xf32>
      %add3A_253 = arith.addf %add3A_239, %mul3A_252 : vector<16xf32>
      %add3A_254 = arith.constant 10 : i32
      %add3A_255 = vector.broadcast %add3A_254 : i32 to vector<16xi32>
      %add3A_256 = arith.addi %iota3A, %add3A_255 : vector<16xi32>
      %and3A_257 = arith.constant 31 : i32
      %and3A_258 = vector.broadcast %and3A_257 : i32 to vector<16xi32>
      %and3A_259 = arith.andi %add3A_256, %and3A_258 : vector<16xi32>
      %gather3A_260 = tpu.vector_load_idx %arg11[%add3A_101, %and3A_259] : memref<128x32xf32, #tpu.memory_space<vmem>>[vector<16xi32>, vector<16xi32>], vector<16xf32>,
      %add3A_261 = arith.addi %shift_left3A_114, %and3A_259 : vector<16xi32>
      %gather3A_262 = tpu.vector_load_idx %arg15[%shift_right_arithmetic3A_108, %add3A_261] : memref<250x128xf32, #tpu.memory_space<vmem>>[vector<16xi32>, vector<16xi32>], vector<16xf32>,
      %gather3A_263 = tpu.vector_load_idx %arg13[%add3A_101, %and3A_259] : memref<128x32xf32, #tpu.memory_space<vmem>>[vector<16xi32>, vector<16xi32>], vector<16xf32>,
      %add3A_264 = arith.addf %gather3A_260, %gather3A_262 : vector<16xf32>
      %sub3A_265 = arith.subf %add3A_264, %gather3A_263 : vector<16xf32>
      %mul3A_266 = arith.mulf %sub3A_265, %sub3A_265 : vector<16xf32>
      %add3A_267 = arith.addf %add3A_253, %mul3A_266 : vector<16xf32>
      %add3A_268 = arith.constant 11 : i32
      %add3A_269 = vector.broadcast %add3A_268 : i32 to vector<16xi32>
      %add3A_270 = arith.addi %iota3A, %add3A_269 : vector<16xi32>
      %and3A_271 = arith.constant 31 : i32
      %and3A_272 = vector.broadcast %and3A_271 : i32 to vector<16xi32>
      %and3A_273 = arith.andi %add3A_270, %and3A_272 : vector<16xi32>
      %gather3A_274 = tpu.vector_load_idx %arg11[%add3A_101, %and3A_273] : memref<128x32xf32, #tpu.memory_space<vmem>>[vector<16xi32>, vector<16xi32>], vector<16xf32>,
      %add3A_275 = arith.addi %shift_left3A_114, %and3A_273 : vector<16xi32>
      %gather3A_276 = tpu.vector_load_idx %arg15[%shift_right_arithmetic3A_108, %add3A_275] : memref<250x128xf32, #tpu.memory_space<vmem>>[vector<16xi32>, vector<16xi32>], vector<16xf32>,
      %gather3A_277 = tpu.vector_load_idx %arg13[%add3A_101, %and3A_273] : memref<128x32xf32, #tpu.memory_space<vmem>>[vector<16xi32>, vector<16xi32>], vector<16xf32>,
      %add3A_278 = arith.addf %gather3A_274, %gather3A_276 : vector<16xf32>
      %sub3A_279 = arith.subf %add3A_278, %gather3A_277 : vector<16xf32>
      %mul3A_280 = arith.mulf %sub3A_279, %sub3A_279 : vector<16xf32>
      %add3A_281 = arith.addf %add3A_267, %mul3A_280 : vector<16xf32>
      %add3A_282 = arith.constant 12 : i32
      %add3A_283 = vector.broadcast %add3A_282 : i32 to vector<16xi32>
      %add3A_284 = arith.addi %iota3A, %add3A_283 : vector<16xi32>
      %and3A_285 = arith.constant 31 : i32
      %and3A_286 = vector.broadcast %and3A_285 : i32 to vector<16xi32>
      %and3A_287 = arith.andi %add3A_284, %and3A_286 : vector<16xi32>
      %gather3A_288 = tpu.vector_load_idx %arg11[%add3A_101, %and3A_287] : memref<128x32xf32, #tpu.memory_space<vmem>>[vector<16xi32>, vector<16xi32>], vector<16xf32>,
      %add3A_289 = arith.addi %shift_left3A_114, %and3A_287 : vector<16xi32>
      %gather3A_290 = tpu.vector_load_idx %arg15[%shift_right_arithmetic3A_108, %add3A_289] : memref<250x128xf32, #tpu.memory_space<vmem>>[vector<16xi32>, vector<16xi32>], vector<16xf32>,
      %gather3A_291 = tpu.vector_load_idx %arg13[%add3A_101, %and3A_287] : memref<128x32xf32, #tpu.memory_space<vmem>>[vector<16xi32>, vector<16xi32>], vector<16xf32>,
      %add3A_292 = arith.addf %gather3A_288, %gather3A_290 : vector<16xf32>
      %sub3A_293 = arith.subf %add3A_292, %gather3A_291 : vector<16xf32>
      %mul3A_294 = arith.mulf %sub3A_293, %sub3A_293 : vector<16xf32>
      %add3A_295 = arith.addf %add3A_281, %mul3A_294 : vector<16xf32>
      %add3A_296 = arith.constant 13 : i32
      %add3A_297 = vector.broadcast %add3A_296 : i32 to vector<16xi32>
      %add3A_298 = arith.addi %iota3A, %add3A_297 : vector<16xi32>
      %and3A_299 = arith.constant 31 : i32
      %and3A_300 = vector.broadcast %and3A_299 : i32 to vector<16xi32>
      %and3A_301 = arith.andi %add3A_298, %and3A_300 : vector<16xi32>
      %gather3A_302 = tpu.vector_load_idx %arg11[%add3A_101, %and3A_301] : memref<128x32xf32, #tpu.memory_space<vmem>>[vector<16xi32>, vector<16xi32>], vector<16xf32>,
      %add3A_303 = arith.addi %shift_left3A_114, %and3A_301 : vector<16xi32>
      %gather3A_304 = tpu.vector_load_idx %arg15[%shift_right_arithmetic3A_108, %add3A_303] : memref<250x128xf32, #tpu.memory_space<vmem>>[vector<16xi32>, vector<16xi32>], vector<16xf32>,
      %gather3A_305 = tpu.vector_load_idx %arg13[%add3A_101, %and3A_301] : memref<128x32xf32, #tpu.memory_space<vmem>>[vector<16xi32>, vector<16xi32>], vector<16xf32>,
      %add3A_306 = arith.addf %gather3A_302, %gather3A_304 : vector<16xf32>
      %sub3A_307 = arith.subf %add3A_306, %gather3A_305 : vector<16xf32>
      %mul3A_308 = arith.mulf %sub3A_307, %sub3A_307 : vector<16xf32>
      %add3A_309 = arith.addf %add3A_295, %mul3A_308 : vector<16xf32>
      %add3A_310 = arith.constant 14 : i32
      %add3A_311 = vector.broadcast %add3A_310 : i32 to vector<16xi32>
      %add3A_312 = arith.addi %iota3A, %add3A_311 : vector<16xi32>
      %and3A_313 = arith.constant 31 : i32
      %and3A_314 = vector.broadcast %and3A_313 : i32 to vector<16xi32>
      %and3A_315 = arith.andi %add3A_312, %and3A_314 : vector<16xi32>
      %gather3A_316 = tpu.vector_load_idx %arg11[%add3A_101, %and3A_315] : memref<128x32xf32, #tpu.memory_space<vmem>>[vector<16xi32>, vector<16xi32>], vector<16xf32>,
      %add3A_317 = arith.addi %shift_left3A_114, %and3A_315 : vector<16xi32>
      %gather3A_318 = tpu.vector_load_idx %arg15[%shift_right_arithmetic3A_108, %add3A_317] : memref<250x128xf32, #tpu.memory_space<vmem>>[vector<16xi32>, vector<16xi32>], vector<16xf32>,
      %gather3A_319 = tpu.vector_load_idx %arg13[%add3A_101, %and3A_315] : memref<128x32xf32, #tpu.memory_space<vmem>>[vector<16xi32>, vector<16xi32>], vector<16xf32>,
      %add3A_320 = arith.addf %gather3A_316, %gather3A_318 : vector<16xf32>
      %sub3A_321 = arith.subf %add3A_320, %gather3A_319 : vector<16xf32>
      %mul3A_322 = arith.mulf %sub3A_321, %sub3A_321 : vector<16xf32>
      %add3A_323 = arith.addf %add3A_309, %mul3A_322 : vector<16xf32>
      %add3A_324 = arith.constant 15 : i32
      %add3A_325 = vector.broadcast %add3A_324 : i32 to vector<16xi32>
      %add3A_326 = arith.addi %iota3A, %add3A_325 : vector<16xi32>
      %and3A_327 = arith.constant 31 : i32
      %and3A_328 = vector.broadcast %and3A_327 : i32 to vector<16xi32>
      %and3A_329 = arith.andi %add3A_326, %and3A_328 : vector<16xi32>
      %gather3A_330 = tpu.vector_load_idx %arg11[%add3A_101, %and3A_329] : memref<128x32xf32, #tpu.memory_space<vmem>>[vector<16xi32>, vector<16xi32>], vector<16xf32>,
      %add3A_331 = arith.addi %shift_left3A_114, %and3A_329 : vector<16xi32>
      %gather3A_332 = tpu.vector_load_idx %arg15[%shift_right_arithmetic3A_108, %add3A_331] : memref<250x128xf32, #tpu.memory_space<vmem>>[vector<16xi32>, vector<16xi32>], vector<16xf32>,
      %gather3A_333 = tpu.vector_load_idx %arg13[%add3A_101, %and3A_329] : memref<128x32xf32, #tpu.memory_space<vmem>>[vector<16xi32>, vector<16xi32>], vector<16xf32>,
      %add3A_334 = arith.addf %gather3A_330, %gather3A_332 : vector<16xf32>
      %sub3A_335 = arith.subf %add3A_334, %gather3A_333 : vector<16xf32>
      %mul3A_336 = arith.mulf %sub3A_335, %sub3A_335 : vector<16xf32>
      %add3A_337 = arith.addf %add3A_323, %mul3A_336 : vector<16xf32>
      %add3A_338 = arith.constant 16 : i32
      %add3A_339 = vector.broadcast %add3A_338 : i32 to vector<16xi32>
      %add3A_340 = arith.addi %iota3A, %add3A_339 : vector<16xi32>
      %and3A_341 = arith.constant 31 : i32
      %and3A_342 = vector.broadcast %and3A_341 : i32 to vector<16xi32>
      %and3A_343 = arith.andi %add3A_340, %and3A_342 : vector<16xi32>
      %gather3A_344 = tpu.vector_load_idx %arg11[%add3A_101, %and3A_343] : memref<128x32xf32, #tpu.memory_space<vmem>>[vector<16xi32>, vector<16xi32>], vector<16xf32>,
      %add3A_345 = arith.addi %shift_left3A_114, %and3A_343 : vector<16xi32>
      %gather3A_346 = tpu.vector_load_idx %arg15[%shift_right_arithmetic3A_108, %add3A_345] : memref<250x128xf32, #tpu.memory_space<vmem>>[vector<16xi32>, vector<16xi32>], vector<16xf32>,
      %gather3A_347 = tpu.vector_load_idx %arg13[%add3A_101, %and3A_343] : memref<128x32xf32, #tpu.memory_space<vmem>>[vector<16xi32>, vector<16xi32>], vector<16xf32>,
      %add3A_348 = arith.addf %gather3A_344, %gather3A_346 : vector<16xf32>
      %sub3A_349 = arith.subf %add3A_348, %gather3A_347 : vector<16xf32>
      %mul3A_350 = arith.mulf %sub3A_349, %sub3A_349 : vector<16xf32>
      %add3A_351 = arith.addf %add3A_337, %mul3A_350 : vector<16xf32>
      %add3A_352 = arith.constant 17 : i32
      %add3A_353 = vector.broadcast %add3A_352 : i32 to vector<16xi32>
      %add3A_354 = arith.addi %iota3A, %add3A_353 : vector<16xi32>
      %and3A_355 = arith.constant 31 : i32
      %and3A_356 = vector.broadcast %and3A_355 : i32 to vector<16xi32>
      %and3A_357 = arith.andi %add3A_354, %and3A_356 : vector<16xi32>
      %gather3A_358 = tpu.vector_load_idx %arg11[%add3A_101, %and3A_357] : memref<128x32xf32, #tpu.memory_space<vmem>>[vector<16xi32>, vector<16xi32>], vector<16xf32>,
      %add3A_359 = arith.addi %shift_left3A_114, %and3A_357 : vector<16xi32>
      %gather3A_360 = tpu.vector_load_idx %arg15[%shift_right_arithmetic3A_108, %add3A_359] : memref<250x128xf32, #tpu.memory_space<vmem>>[vector<16xi32>, vector<16xi32>], vector<16xf32>,
      %gather3A_361 = tpu.vector_load_idx %arg13[%add3A_101, %and3A_357] : memref<128x32xf32, #tpu.memory_space<vmem>>[vector<16xi32>, vector<16xi32>], vector<16xf32>,
      %add3A_362 = arith.addf %gather3A_358, %gather3A_360 : vector<16xf32>
      %sub3A_363 = arith.subf %add3A_362, %gather3A_361 : vector<16xf32>
      %mul3A_364 = arith.mulf %sub3A_363, %sub3A_363 : vector<16xf32>
      %add3A_365 = arith.addf %add3A_351, %mul3A_364 : vector<16xf32>
      %add3A_366 = arith.constant 18 : i32
      %add3A_367 = vector.broadcast %add3A_366 : i32 to vector<16xi32>
      %add3A_368 = arith.addi %iota3A, %add3A_367 : vector<16xi32>
      %and3A_369 = arith.constant 31 : i32
      %and3A_370 = vector.broadcast %and3A_369 : i32 to vector<16xi32>
      %and3A_371 = arith.andi %add3A_368, %and3A_370 : vector<16xi32>
      %gather3A_372 = tpu.vector_load_idx %arg11[%add3A_101, %and3A_371] : memref<128x32xf32, #tpu.memory_space<vmem>>[vector<16xi32>, vector<16xi32>], vector<16xf32>,
      %add3A_373 = arith.addi %shift_left3A_114, %and3A_371 : vector<16xi32>
      %gather3A_374 = tpu.vector_load_idx %arg15[%shift_right_arithmetic3A_108, %add3A_373] : memref<250x128xf32, #tpu.memory_space<vmem>>[vector<16xi32>, vector<16xi32>], vector<16xf32>,
      %gather3A_375 = tpu.vector_load_idx %arg13[%add3A_101, %and3A_371] : memref<128x32xf32, #tpu.memory_space<vmem>>[vector<16xi32>, vector<16xi32>], vector<16xf32>,
      %add3A_376 = arith.addf %gather3A_372, %gather3A_374 : vector<16xf32>
      %sub3A_377 = arith.subf %add3A_376, %gather3A_375 : vector<16xf32>
      %mul3A_378 = arith.mulf %sub3A_377, %sub3A_377 : vector<16xf32>
      %add3A_379 = arith.addf %add3A_365, %mul3A_378 : vector<16xf32>
      %add3A_380 = arith.constant 19 : i32
      %add3A_381 = vector.broadcast %add3A_380 : i32 to vector<16xi32>
      %add3A_382 = arith.addi %iota3A, %add3A_381 : vector<16xi32>
      %and3A_383 = arith.constant 31 : i32
      %and3A_384 = vector.broadcast %and3A_383 : i32 to vector<16xi32>
      %and3A_385 = arith.andi %add3A_382, %and3A_384 : vector<16xi32>
      %gather3A_386 = tpu.vector_load_idx %arg11[%add3A_101, %and3A_385] : memref<128x32xf32, #tpu.memory_space<vmem>>[vector<16xi32>, vector<16xi32>], vector<16xf32>,
      %add3A_387 = arith.addi %shift_left3A_114, %and3A_385 : vector<16xi32>
      %gather3A_388 = tpu.vector_load_idx %arg15[%shift_right_arithmetic3A_108, %add3A_387] : memref<250x128xf32, #tpu.memory_space<vmem>>[vector<16xi32>, vector<16xi32>], vector<16xf32>,
      %gather3A_389 = tpu.vector_load_idx %arg13[%add3A_101, %and3A_385] : memref<128x32xf32, #tpu.memory_space<vmem>>[vector<16xi32>, vector<16xi32>], vector<16xf32>,
      %add3A_390 = arith.addf %gather3A_386, %gather3A_388 : vector<16xf32>
      %sub3A_391 = arith.subf %add3A_390, %gather3A_389 : vector<16xf32>
      %mul3A_392 = arith.mulf %sub3A_391, %sub3A_391 : vector<16xf32>
      %add3A_393 = arith.addf %add3A_379, %mul3A_392 : vector<16xf32>
      %add3A_394 = arith.constant 20 : i32
      %add3A_395 = vector.broadcast %add3A_394 : i32 to vector<16xi32>
      %add3A_396 = arith.addi %iota3A, %add3A_395 : vector<16xi32>
      %and3A_397 = arith.constant 31 : i32
      %and3A_398 = vector.broadcast %and3A_397 : i32 to vector<16xi32>
      %and3A_399 = arith.andi %add3A_396, %and3A_398 : vector<16xi32>
      %gather3A_400 = tpu.vector_load_idx %arg11[%add3A_101, %and3A_399] : memref<128x32xf32, #tpu.memory_space<vmem>>[vector<16xi32>, vector<16xi32>], vector<16xf32>,
      %add3A_401 = arith.addi %shift_left3A_114, %and3A_399 : vector<16xi32>
      %gather3A_402 = tpu.vector_load_idx %arg15[%shift_right_arithmetic3A_108, %add3A_401] : memref<250x128xf32, #tpu.memory_space<vmem>>[vector<16xi32>, vector<16xi32>], vector<16xf32>,
      %gather3A_403 = tpu.vector_load_idx %arg13[%add3A_101, %and3A_399] : memref<128x32xf32, #tpu.memory_space<vmem>>[vector<16xi32>, vector<16xi32>], vector<16xf32>,
      %add3A_404 = arith.addf %gather3A_400, %gather3A_402 : vector<16xf32>
      %sub3A_405 = arith.subf %add3A_404, %gather3A_403 : vector<16xf32>
      %mul3A_406 = arith.mulf %sub3A_405, %sub3A_405 : vector<16xf32>
      %add3A_407 = arith.addf %add3A_393, %mul3A_406 : vector<16xf32>
      %add3A_408 = arith.constant 21 : i32
      %add3A_409 = vector.broadcast %add3A_408 : i32 to vector<16xi32>
      %add3A_410 = arith.addi %iota3A, %add3A_409 : vector<16xi32>
      %and3A_411 = arith.constant 31 : i32
      %and3A_412 = vector.broadcast %and3A_411 : i32 to vector<16xi32>
      %and3A_413 = arith.andi %add3A_410, %and3A_412 : vector<16xi32>
      %gather3A_414 = tpu.vector_load_idx %arg11[%add3A_101, %and3A_413] : memref<128x32xf32, #tpu.memory_space<vmem>>[vector<16xi32>, vector<16xi32>], vector<16xf32>,
      %add3A_415 = arith.addi %shift_left3A_114, %and3A_413 : vector<16xi32>
      %gather3A_416 = tpu.vector_load_idx %arg15[%shift_right_arithmetic3A_108, %add3A_415] : memref<250x128xf32, #tpu.memory_space<vmem>>[vector<16xi32>, vector<16xi32>], vector<16xf32>,
      %gather3A_417 = tpu.vector_load_idx %arg13[%add3A_101, %and3A_413] : memref<128x32xf32, #tpu.memory_space<vmem>>[vector<16xi32>, vector<16xi32>], vector<16xf32>,
      %add3A_418 = arith.addf %gather3A_414, %gather3A_416 : vector<16xf32>
      %sub3A_419 = arith.subf %add3A_418, %gather3A_417 : vector<16xf32>
      %mul3A_420 = arith.mulf %sub3A_419, %sub3A_419 : vector<16xf32>
      %add3A_421 = arith.addf %add3A_407, %mul3A_420 : vector<16xf32>
      %add3A_422 = arith.constant 22 : i32
      %add3A_423 = vector.broadcast %add3A_422 : i32 to vector<16xi32>
      %add3A_424 = arith.addi %iota3A, %add3A_423 : vector<16xi32>
      %and3A_425 = arith.constant 31 : i32
      %and3A_426 = vector.broadcast %and3A_425 : i32 to vector<16xi32>
      %and3A_427 = arith.andi %add3A_424, %and3A_426 : vector<16xi32>
      %gather3A_428 = tpu.vector_load_idx %arg11[%add3A_101, %and3A_427] : memref<128x32xf32, #tpu.memory_space<vmem>>[vector<16xi32>, vector<16xi32>], vector<16xf32>,
      %add3A_429 = arith.addi %shift_left3A_114, %and3A_427 : vector<16xi32>
      %gather3A_430 = tpu.vector_load_idx %arg15[%shift_right_arithmetic3A_108, %add3A_429] : memref<250x128xf32, #tpu.memory_space<vmem>>[vector<16xi32>, vector<16xi32>], vector<16xf32>,
      %gather3A_431 = tpu.vector_load_idx %arg13[%add3A_101, %and3A_427] : memref<128x32xf32, #tpu.memory_space<vmem>>[vector<16xi32>, vector<16xi32>], vector<16xf32>,
      %add3A_432 = arith.addf %gather3A_428, %gather3A_430 : vector<16xf32>
      %sub3A_433 = arith.subf %add3A_432, %gather3A_431 : vector<16xf32>
      %mul3A_434 = arith.mulf %sub3A_433, %sub3A_433 : vector<16xf32>
      %add3A_435 = arith.addf %add3A_421, %mul3A_434 : vector<16xf32>
      %add3A_436 = arith.constant 23 : i32
      %add3A_437 = vector.broadcast %add3A_436 : i32 to vector<16xi32>
      %add3A_438 = arith.addi %iota3A, %add3A_437 : vector<16xi32>
      %and3A_439 = arith.constant 31 : i32
      %and3A_440 = vector.broadcast %and3A_439 : i32 to vector<16xi32>
      %and3A_441 = arith.andi %add3A_438, %and3A_440 : vector<16xi32>
      %gather3A_442 = tpu.vector_load_idx %arg11[%add3A_101, %and3A_441] : memref<128x32xf32, #tpu.memory_space<vmem>>[vector<16xi32>, vector<16xi32>], vector<16xf32>,
      %add3A_443 = arith.addi %shift_left3A_114, %and3A_441 : vector<16xi32>
      %gather3A_444 = tpu.vector_load_idx %arg15[%shift_right_arithmetic3A_108, %add3A_443] : memref<250x128xf32, #tpu.memory_space<vmem>>[vector<16xi32>, vector<16xi32>], vector<16xf32>,
      %gather3A_445 = tpu.vector_load_idx %arg13[%add3A_101, %and3A_441] : memref<128x32xf32, #tpu.memory_space<vmem>>[vector<16xi32>, vector<16xi32>], vector<16xf32>,
      %add3A_446 = arith.addf %gather3A_442, %gather3A_444 : vector<16xf32>
      %sub3A_447 = arith.subf %add3A_446, %gather3A_445 : vector<16xf32>
      %mul3A_448 = arith.mulf %sub3A_447, %sub3A_447 : vector<16xf32>
      %add3A_449 = arith.addf %add3A_435, %mul3A_448 : vector<16xf32>
      %add3A_450 = arith.constant 24 : i32
      %add3A_451 = vector.broadcast %add3A_450 : i32 to vector<16xi32>
      %add3A_452 = arith.addi %iota3A, %add3A_451 : vector<16xi32>
      %and3A_453 = arith.constant 31 : i32
      %and3A_454 = vector.broadcast %and3A_453 : i32 to vector<16xi32>
      %and3A_455 = arith.andi %add3A_452, %and3A_454 : vector<16xi32>
      %gather3A_456 = tpu.vector_load_idx %arg11[%add3A_101, %and3A_455] : memref<128x32xf32, #tpu.memory_space<vmem>>[vector<16xi32>, vector<16xi32>], vector<16xf32>,
      %add3A_457 = arith.addi %shift_left3A_114, %and3A_455 : vector<16xi32>
      %gather3A_458 = tpu.vector_load_idx %arg15[%shift_right_arithmetic3A_108, %add3A_457] : memref<250x128xf32, #tpu.memory_space<vmem>>[vector<16xi32>, vector<16xi32>], vector<16xf32>,
      %gather3A_459 = tpu.vector_load_idx %arg13[%add3A_101, %and3A_455] : memref<128x32xf32, #tpu.memory_space<vmem>>[vector<16xi32>, vector<16xi32>], vector<16xf32>,
      %add3A_460 = arith.addf %gather3A_456, %gather3A_458 : vector<16xf32>
      %sub3A_461 = arith.subf %add3A_460, %gather3A_459 : vector<16xf32>
      %mul3A_462 = arith.mulf %sub3A_461, %sub3A_461 : vector<16xf32>
      %add3A_463 = arith.addf %add3A_449, %mul3A_462 : vector<16xf32>
      %add3A_464 = arith.constant 25 : i32
      %add3A_465 = vector.broadcast %add3A_464 : i32 to vector<16xi32>
      %add3A_466 = arith.addi %iota3A, %add3A_465 : vector<16xi32>
      %and3A_467 = arith.constant 31 : i32
      %and3A_468 = vector.broadcast %and3A_467 : i32 to vector<16xi32>
      %and3A_469 = arith.andi %add3A_466, %and3A_468 : vector<16xi32>
      %gather3A_470 = tpu.vector_load_idx %arg11[%add3A_101, %and3A_469] : memref<128x32xf32, #tpu.memory_space<vmem>>[vector<16xi32>, vector<16xi32>], vector<16xf32>,
      %add3A_471 = arith.addi %shift_left3A_114, %and3A_469 : vector<16xi32>
      %gather3A_472 = tpu.vector_load_idx %arg15[%shift_right_arithmetic3A_108, %add3A_471] : memref<250x128xf32, #tpu.memory_space<vmem>>[vector<16xi32>, vector<16xi32>], vector<16xf32>,
      %gather3A_473 = tpu.vector_load_idx %arg13[%add3A_101, %and3A_469] : memref<128x32xf32, #tpu.memory_space<vmem>>[vector<16xi32>, vector<16xi32>], vector<16xf32>,
      %add3A_474 = arith.addf %gather3A_470, %gather3A_472 : vector<16xf32>
      %sub3A_475 = arith.subf %add3A_474, %gather3A_473 : vector<16xf32>
      %mul3A_476 = arith.mulf %sub3A_475, %sub3A_475 : vector<16xf32>
      %add3A_477 = arith.addf %add3A_463, %mul3A_476 : vector<16xf32>
      %add3A_478 = arith.constant 26 : i32
      %add3A_479 = vector.broadcast %add3A_478 : i32 to vector<16xi32>
      %add3A_480 = arith.addi %iota3A, %add3A_479 : vector<16xi32>
      %and3A_481 = arith.constant 31 : i32
      %and3A_482 = vector.broadcast %and3A_481 : i32 to vector<16xi32>
      %and3A_483 = arith.andi %add3A_480, %and3A_482 : vector<16xi32>
      %gather3A_484 = tpu.vector_load_idx %arg11[%add3A_101, %and3A_483] : memref<128x32xf32, #tpu.memory_space<vmem>>[vector<16xi32>, vector<16xi32>], vector<16xf32>,
      %add3A_485 = arith.addi %shift_left3A_114, %and3A_483 : vector<16xi32>
      %gather3A_486 = tpu.vector_load_idx %arg15[%shift_right_arithmetic3A_108, %add3A_485] : memref<250x128xf32, #tpu.memory_space<vmem>>[vector<16xi32>, vector<16xi32>], vector<16xf32>,
      %gather3A_487 = tpu.vector_load_idx %arg13[%add3A_101, %and3A_483] : memref<128x32xf32, #tpu.memory_space<vmem>>[vector<16xi32>, vector<16xi32>], vector<16xf32>,
      %add3A_488 = arith.addf %gather3A_484, %gather3A_486 : vector<16xf32>
      %sub3A_489 = arith.subf %add3A_488, %gather3A_487 : vector<16xf32>
      %mul3A_490 = arith.mulf %sub3A_489, %sub3A_489 : vector<16xf32>
      %add3A_491 = arith.addf %add3A_477, %mul3A_490 : vector<16xf32>
      %add3A_492 = arith.constant 27 : i32
      %add3A_493 = vector.broadcast %add3A_492 : i32 to vector<16xi32>
      %add3A_494 = arith.addi %iota3A, %add3A_493 : vector<16xi32>
      %and3A_495 = arith.constant 31 : i32
      %and3A_496 = vector.broadcast %and3A_495 : i32 to vector<16xi32>
      %and3A_497 = arith.andi %add3A_494, %and3A_496 : vector<16xi32>
      %gather3A_498 = tpu.vector_load_idx %arg11[%add3A_101, %and3A_497] : memref<128x32xf32, #tpu.memory_space<vmem>>[vector<16xi32>, vector<16xi32>], vector<16xf32>,
      %add3A_499 = arith.addi %shift_left3A_114, %and3A_497 : vector<16xi32>
      %gather3A_500 = tpu.vector_load_idx %arg15[%shift_right_arithmetic3A_108, %add3A_499] : memref<250x128xf32, #tpu.memory_space<vmem>>[vector<16xi32>, vector<16xi32>], vector<16xf32>,
      %gather3A_501 = tpu.vector_load_idx %arg13[%add3A_101, %and3A_497] : memref<128x32xf32, #tpu.memory_space<vmem>>[vector<16xi32>, vector<16xi32>], vector<16xf32>,
      %add3A_502 = arith.addf %gather3A_498, %gather3A_500 : vector<16xf32>
      %sub3A_503 = arith.subf %add3A_502, %gather3A_501 : vector<16xf32>
      %mul3A_504 = arith.mulf %sub3A_503, %sub3A_503 : vector<16xf32>
      %add3A_505 = arith.addf %add3A_491, %mul3A_504 : vector<16xf32>
      %add3A_506 = arith.constant 28 : i32
      %add3A_507 = vector.broadcast %add3A_506 : i32 to vector<16xi32>
      %add3A_508 = arith.addi %iota3A, %add3A_507 : vector<16xi32>
      %and3A_509 = arith.constant 31 : i32
      %and3A_510 = vector.broadcast %and3A_509 : i32 to vector<16xi32>
      %and3A_511 = arith.andi %add3A_508, %and3A_510 : vector<16xi32>
      %gather3A_512 = tpu.vector_load_idx %arg11[%add3A_101, %and3A_511] : memref<128x32xf32, #tpu.memory_space<vmem>>[vector<16xi32>, vector<16xi32>], vector<16xf32>,
      %add3A_513 = arith.addi %shift_left3A_114, %and3A_511 : vector<16xi32>
      %gather3A_514 = tpu.vector_load_idx %arg15[%shift_right_arithmetic3A_108, %add3A_513] : memref<250x128xf32, #tpu.memory_space<vmem>>[vector<16xi32>, vector<16xi32>], vector<16xf32>,
      %gather3A_515 = tpu.vector_load_idx %arg13[%add3A_101, %and3A_511] : memref<128x32xf32, #tpu.memory_space<vmem>>[vector<16xi32>, vector<16xi32>], vector<16xf32>,
      %add3A_516 = arith.addf %gather3A_512, %gather3A_514 : vector<16xf32>
      %sub3A_517 = arith.subf %add3A_516, %gather3A_515 : vector<16xf32>
      %mul3A_518 = arith.mulf %sub3A_517, %sub3A_517 : vector<16xf32>
      %add3A_519 = arith.addf %add3A_505, %mul3A_518 : vector<16xf32>
      %add3A_520 = arith.constant 29 : i32
      %add3A_521 = vector.broadcast %add3A_520 : i32 to vector<16xi32>
      %add3A_522 = arith.addi %iota3A, %add3A_521 : vector<16xi32>
      %and3A_523 = arith.constant 31 : i32
      %and3A_524 = vector.broadcast %and3A_523 : i32 to vector<16xi32>
      %and3A_525 = arith.andi %add3A_522, %and3A_524 : vector<16xi32>
      %gather3A_526 = tpu.vector_load_idx %arg11[%add3A_101, %and3A_525] : memref<128x32xf32, #tpu.memory_space<vmem>>[vector<16xi32>, vector<16xi32>], vector<16xf32>,
      %add3A_527 = arith.addi %shift_left3A_114, %and3A_525 : vector<16xi32>
      %gather3A_528 = tpu.vector_load_idx %arg15[%shift_right_arithmetic3A_108, %add3A_527] : memref<250x128xf32, #tpu.memory_space<vmem>>[vector<16xi32>, vector<16xi32>], vector<16xf32>,
      %gather3A_529 = tpu.vector_load_idx %arg13[%add3A_101, %and3A_525] : memref<128x32xf32, #tpu.memory_space<vmem>>[vector<16xi32>, vector<16xi32>], vector<16xf32>,
      %add3A_530 = arith.addf %gather3A_526, %gather3A_528 : vector<16xf32>
      %sub3A_531 = arith.subf %add3A_530, %gather3A_529 : vector<16xf32>
      %mul3A_532 = arith.mulf %sub3A_531, %sub3A_531 : vector<16xf32>
      %add3A_533 = arith.addf %add3A_519, %mul3A_532 : vector<16xf32>
      %add3A_534 = arith.constant 30 : i32
      %add3A_535 = vector.broadcast %add3A_534 : i32 to vector<16xi32>
      %add3A_536 = arith.addi %iota3A, %add3A_535 : vector<16xi32>
      %and3A_537 = arith.constant 31 : i32
      %and3A_538 = vector.broadcast %and3A_537 : i32 to vector<16xi32>
      %and3A_539 = arith.andi %add3A_536, %and3A_538 : vector<16xi32>
      %gather3A_540 = tpu.vector_load_idx %arg11[%add3A_101, %and3A_539] : memref<128x32xf32, #tpu.memory_space<vmem>>[vector<16xi32>, vector<16xi32>], vector<16xf32>,
      %add3A_541 = arith.addi %shift_left3A_114, %and3A_539 : vector<16xi32>
      %gather3A_542 = tpu.vector_load_idx %arg15[%shift_right_arithmetic3A_108, %add3A_541] : memref<250x128xf32, #tpu.memory_space<vmem>>[vector<16xi32>, vector<16xi32>], vector<16xf32>,
      %gather3A_543 = tpu.vector_load_idx %arg13[%add3A_101, %and3A_539] : memref<128x32xf32, #tpu.memory_space<vmem>>[vector<16xi32>, vector<16xi32>], vector<16xf32>,
      %add3A_544 = arith.addf %gather3A_540, %gather3A_542 : vector<16xf32>
      %sub3A_545 = arith.subf %add3A_544, %gather3A_543 : vector<16xf32>
      %mul3A_546 = arith.mulf %sub3A_545, %sub3A_545 : vector<16xf32>
      %add3A_547 = arith.addf %add3A_533, %mul3A_546 : vector<16xf32>
      %add3A_548 = arith.constant 31 : i32
      %add3A_549 = vector.broadcast %add3A_548 : i32 to vector<16xi32>
      %add3A_550 = arith.addi %iota3A, %add3A_549 : vector<16xi32>
      %and3A_551 = arith.constant 31 : i32
      %and3A_552 = vector.broadcast %and3A_551 : i32 to vector<16xi32>
      %and3A_553 = arith.andi %add3A_550, %and3A_552 : vector<16xi32>
      %gather3A_554 = tpu.vector_load_idx %arg11[%add3A_101, %and3A_553] : memref<128x32xf32, #tpu.memory_space<vmem>>[vector<16xi32>, vector<16xi32>], vector<16xf32>,
      %add3A_555 = arith.addi %shift_left3A_114, %and3A_553 : vector<16xi32>
      %gather3A_556 = tpu.vector_load_idx %arg15[%shift_right_arithmetic3A_108, %add3A_555] : memref<250x128xf32, #tpu.memory_space<vmem>>[vector<16xi32>, vector<16xi32>], vector<16xf32>,
      %gather3A_557 = tpu.vector_load_idx %arg13[%add3A_101, %and3A_553] : memref<128x32xf32, #tpu.memory_space<vmem>>[vector<16xi32>, vector<16xi32>], vector<16xf32>,
      %add3A_558 = arith.addf %gather3A_554, %gather3A_556 : vector<16xf32>
      %sub3A_559 = arith.subf %add3A_558, %gather3A_557 : vector<16xf32>
      %mul3A_560 = arith.mulf %sub3A_559, %sub3A_559 : vector<16xf32>
      %add3A_561 = arith.addf %add3A_547, %mul3A_560 : vector<16xf32>
      %max3A = arith.constant 1.000000e-30 : f32
      %max3A_562 = vector.broadcast %max3A : f32 to vector<16xf32>
      %max3A_563 = arith.maximumf %add3A_561, %max3A_562 : vector<16xf32>
      %bitcast3A = vector.bitcast %max3A_563 : vector<16xf32> to vector<16xi32>
      %shift_right_arithmetic3A_564 = arith.constant 1 : i32
      %shift_right_arithmetic3A_565 = vector.broadcast %shift_right_arithmetic3A_564 : i32 to vector<16xi32>
      %shift_right_arithmetic3A_566 = arith.shrsi %bitcast3A, %shift_right_arithmetic3A_565 : vector<16xi32>
      %sub3A_567 = arith.constant 1597463007 : i32
      %sub3A_568 = vector.broadcast %sub3A_567 : i32 to vector<16xi32>
      %sub3A_569 = arith.subi %sub3A_568, %shift_right_arithmetic3A_566 : vector<16xi32>
      %bitcast3A_570 = vector.bitcast %sub3A_569 : vector<16xi32> to vector<16xf32>
      %mul3A_571 = arith.constant 5.000000e-01 : f32
      %mul3A_572 = vector.broadcast %mul3A_571 : f32 to vector<16xf32>
      %mul3A_573 = arith.mulf %mul3A_572, %max3A_563 : vector<16xf32>
      %mul3A_574 = arith.mulf %mul3A_573, %bitcast3A_570 : vector<16xf32>
      %mul3A_575 = arith.mulf %mul3A_574, %bitcast3A_570 : vector<16xf32>
      %sub3A_576 = arith.constant 1.500000e+00 : f32
      %sub3A_577 = vector.broadcast %sub3A_576 : f32 to vector<16xf32>
      %sub3A_578 = arith.subf %sub3A_577, %mul3A_575 : vector<16xf32>
      %mul3A_579 = arith.mulf %bitcast3A_570, %sub3A_578 : vector<16xf32>
      %mul3A_580 = arith.constant 5.000000e-01 : f32
      %mul3A_581 = vector.broadcast %mul3A_580 : f32 to vector<16xf32>
      %mul3A_582 = arith.mulf %mul3A_581, %max3A_563 : vector<16xf32>
      %mul3A_583 = arith.mulf %mul3A_582, %mul3A_579 : vector<16xf32>
      %mul3A_584 = arith.mulf %mul3A_583, %mul3A_579 : vector<16xf32>
      %sub3A_585 = arith.constant 1.500000e+00 : f32
      %sub3A_586 = vector.broadcast %sub3A_585 : f32 to vector<16xf32>
      %sub3A_587 = arith.subf %sub3A_586, %mul3A_584 : vector<16xf32>
      %mul3A_588 = arith.mulf %mul3A_579, %sub3A_587 : vector<16xf32>
      %mul3A_589 = arith.constant 5.000000e-01 : f32
      %mul3A_590 = vector.broadcast %mul3A_589 : f32 to vector<16xf32>
      %mul3A_591 = arith.mulf %mul3A_590, %max3A_563 : vector<16xf32>
      %mul3A_592 = arith.mulf %mul3A_591, %mul3A_588 : vector<16xf32>
      %mul3A_593 = arith.mulf %mul3A_592, %mul3A_588 : vector<16xf32>
      %sub3A_594 = arith.constant 1.500000e+00 : f32
      %sub3A_595 = vector.broadcast %sub3A_594 : f32 to vector<16xf32>
      %sub3A_596 = arith.subf %sub3A_595, %mul3A_593 : vector<16xf32>
      %mul3A_597 = arith.mulf %mul3A_588, %sub3A_596 : vector<16xf32>
      %mul3A_598 = arith.mulf %add3A_561, %mul3A_597 : vector<16xf32>
      %swap3A = arith.index_cast %add3A_105 : i32 to index
      %swap3A_599 = tpu.vector_load %arg16[%swap3A] {strides = array<i32>} : memref<512xf32, #tpu.memory_space<vmem>>, vector<16xf32>,
      tpu.vector_store %arg16[%swap3A], %mul3A_598 {strides = array<i32>} : memref<512xf32, #tpu.memory_space<vmem>>, vector<16xf32>,
    }
    %scan3A_78 = arith.constant 8 : i32
    %dma_wait3A_79 = arith.constant 0 : i32
    %dma_wait3A_80 = arith.constant 0 : i32
    %dma_wait3A_81 = tpu.memref_slice %arg5[%dma_wait3A_79, %dma_wait3A_80] : memref<1000000x32xf32, #tpu.memory_space<hbm>> -> memref<128x32xf32, #tpu.memory_space<hbm>>
    %dma_wait3A_82 = arith.constant 0 : i32
    %dma_wait3A_83 = arith.constant 0 : i32
    %dma_wait3A_84 = tpu.memref_slice %arg5[%dma_wait3A_82, %dma_wait3A_83] : memref<1000000x32xf32, #tpu.memory_space<hbm>> -> memref<128x32xf32, #tpu.memory_space<hbm>>
    tpu.wait_dma2 semaphore(%arg18 : memref<!tpu.dma_semaphore, #tpu.memory_space<semaphore_mem>>) src(%dma_wait3A_84 : memref<128x32xf32, #tpu.memory_space<hbm>>) dst(%arg12 : memref<128x32xf32, #tpu.memory_space<vmem>>)
    %dma_wait3A_85 = arith.constant 0 : i32
    %dma_wait3A_86 = arith.constant 0 : i32
    %dma_wait3A_87 = tpu.memref_slice %arg5[%dma_wait3A_85, %dma_wait3A_86] : memref<1000000x32xf32, #tpu.memory_space<hbm>> -> memref<128x32xf32, #tpu.memory_space<hbm>>
    %dma_wait3A_88 = arith.constant 0 : i32
    %dma_wait3A_89 = arith.constant 0 : i32
    %dma_wait3A_90 = tpu.memref_slice %arg5[%dma_wait3A_88, %dma_wait3A_89] : memref<1000000x32xf32, #tpu.memory_space<hbm>> -> memref<128x32xf32, #tpu.memory_space<hbm>>
    tpu.wait_dma2 semaphore(%arg18 : memref<!tpu.dma_semaphore, #tpu.memory_space<semaphore_mem>>) src(%dma_wait3A_90 : memref<128x32xf32, #tpu.memory_space<hbm>>) dst(%arg14 : memref<128x32xf32, #tpu.memory_space<vmem>>)
    %scan3A_91 = arith.constant 0 : i32
    %scan3A_92 = arith.constant 0 : i32
    %scan3A_93 = arith.constant 8 : i32
    %scan3A_94 = arith.addi %scan3A_92, %scan3A_93 : i32
    %scan3A_95 = arith.constant 1 : i32
    scf.for %scan3A_97 = %scan3A_92 to %scan3A_94 step %scan3A_95  : i32 {
      %mul3A_98 = arith.constant 16 : i32
      %mul3A_99 = arith.muli %scan3A_97, %mul3A_98 : i32
      %add3A_100 = vector.broadcast %mul3A_99 : i32 to vector<16xi32>
      %add3A_101 = arith.addi %iota3A, %add3A_100 : vector<16xi32>
      %mul3A_102 = arith.constant 16 : i32
      %mul3A_103 = arith.muli %scan3A_97, %mul3A_102 : i32
      %add3A_104 = arith.constant 384 : i32
      %add3A_105 = arith.addi %add3A_104, %mul3A_103 : i32
      %get3A = arith.index_cast %add3A_105 : i32 to index
      %get3A_106 = tpu.vector_load %arg10[%get3A] {strides = array<i32>} : memref<512xi32, #tpu.memory_space<vmem>>, vector<16xi32>,
      %shift_right_arithmetic3A = arith.constant 2 : i32
      %shift_right_arithmetic3A_107 = vector.broadcast %shift_right_arithmetic3A : i32 to vector<16xi32>
      %shift_right_arithmetic3A_108 = arith.shrsi %get3A_106, %shift_right_arithmetic3A_107 : vector<16xi32>
      %get3A_109 = arith.index_cast %add3A_105 : i32 to index
      %get3A_110 = tpu.vector_load %arg10[%get3A_109] {strides = array<i32>} : memref<512xi32, #tpu.memory_space<vmem>>, vector<16xi32>,
      %and3A = arith.constant 3 : i32
      %and3A_111 = vector.broadcast %and3A : i32 to vector<16xi32>
      %and3A_112 = arith.andi %get3A_110, %and3A_111 : vector<16xi32>
      %shift_left3A = arith.constant 5 : i32
      %shift_left3A_113 = vector.broadcast %shift_left3A : i32 to vector<16xi32>
      %shift_left3A_114 = arith.shli %and3A_112, %shift_left3A_113 : vector<16xi32>
      %broadcast_in_dim3A = arith.constant 0.000000e+00 : f32
      %broadcast_in_dim3A_115 = vector.broadcast %broadcast_in_dim3A : f32 to vector<16xf32>
      %add3A_116 = arith.constant 0 : i32
      %add3A_117 = vector.broadcast %add3A_116 : i32 to vector<16xi32>
      %add3A_118 = arith.addi %iota3A, %add3A_117 : vector<16xi32>
      %and3A_119 = arith.constant 31 : i32
      %and3A_120 = vector.broadcast %and3A_119 : i32 to vector<16xi32>
      %and3A_121 = arith.andi %add3A_118, %and3A_120 : vector<16xi32>
      %gather3A = tpu.vector_load_idx %arg12[%add3A_101, %and3A_121] : memref<128x32xf32, #tpu.memory_space<vmem>>[vector<16xi32>, vector<16xi32>], vector<16xf32>,
      %add3A_122 = arith.addi %shift_left3A_114, %and3A_121 : vector<16xi32>
      %gather3A_123 = tpu.vector_load_idx %arg15[%shift_right_arithmetic3A_108, %add3A_122] : memref<250x128xf32, #tpu.memory_space<vmem>>[vector<16xi32>, vector<16xi32>], vector<16xf32>,
      %gather3A_124 = tpu.vector_load_idx %arg14[%add3A_101, %and3A_121] : memref<128x32xf32, #tpu.memory_space<vmem>>[vector<16xi32>, vector<16xi32>], vector<16xf32>,
      %add3A_125 = arith.addf %gather3A, %gather3A_123 : vector<16xf32>
      %sub3A = arith.subf %add3A_125, %gather3A_124 : vector<16xf32>
      %mul3A_126 = arith.mulf %sub3A, %sub3A : vector<16xf32>
      %add3A_127 = arith.addf %broadcast_in_dim3A_115, %mul3A_126 : vector<16xf32>
      %add3A_128 = arith.constant 1 : i32
      %add3A_129 = vector.broadcast %add3A_128 : i32 to vector<16xi32>
      %add3A_130 = arith.addi %iota3A, %add3A_129 : vector<16xi32>
      %and3A_131 = arith.constant 31 : i32
      %and3A_132 = vector.broadcast %and3A_131 : i32 to vector<16xi32>
      %and3A_133 = arith.andi %add3A_130, %and3A_132 : vector<16xi32>
      %gather3A_134 = tpu.vector_load_idx %arg12[%add3A_101, %and3A_133] : memref<128x32xf32, #tpu.memory_space<vmem>>[vector<16xi32>, vector<16xi32>], vector<16xf32>,
      %add3A_135 = arith.addi %shift_left3A_114, %and3A_133 : vector<16xi32>
      %gather3A_136 = tpu.vector_load_idx %arg15[%shift_right_arithmetic3A_108, %add3A_135] : memref<250x128xf32, #tpu.memory_space<vmem>>[vector<16xi32>, vector<16xi32>], vector<16xf32>,
      %gather3A_137 = tpu.vector_load_idx %arg14[%add3A_101, %and3A_133] : memref<128x32xf32, #tpu.memory_space<vmem>>[vector<16xi32>, vector<16xi32>], vector<16xf32>,
      %add3A_138 = arith.addf %gather3A_134, %gather3A_136 : vector<16xf32>
      %sub3A_139 = arith.subf %add3A_138, %gather3A_137 : vector<16xf32>
      %mul3A_140 = arith.mulf %sub3A_139, %sub3A_139 : vector<16xf32>
      %add3A_141 = arith.addf %add3A_127, %mul3A_140 : vector<16xf32>
      %add3A_142 = arith.constant 2 : i32
      %add3A_143 = vector.broadcast %add3A_142 : i32 to vector<16xi32>
      %add3A_144 = arith.addi %iota3A, %add3A_143 : vector<16xi32>
      %and3A_145 = arith.constant 31 : i32
      %and3A_146 = vector.broadcast %and3A_145 : i32 to vector<16xi32>
      %and3A_147 = arith.andi %add3A_144, %and3A_146 : vector<16xi32>
      %gather3A_148 = tpu.vector_load_idx %arg12[%add3A_101, %and3A_147] : memref<128x32xf32, #tpu.memory_space<vmem>>[vector<16xi32>, vector<16xi32>], vector<16xf32>,
      %add3A_149 = arith.addi %shift_left3A_114, %and3A_147 : vector<16xi32>
      %gather3A_150 = tpu.vector_load_idx %arg15[%shift_right_arithmetic3A_108, %add3A_149] : memref<250x128xf32, #tpu.memory_space<vmem>>[vector<16xi32>, vector<16xi32>], vector<16xf32>,
      %gather3A_151 = tpu.vector_load_idx %arg14[%add3A_101, %and3A_147] : memref<128x32xf32, #tpu.memory_space<vmem>>[vector<16xi32>, vector<16xi32>], vector<16xf32>,
      %add3A_152 = arith.addf %gather3A_148, %gather3A_150 : vector<16xf32>
      %sub3A_153 = arith.subf %add3A_152, %gather3A_151 : vector<16xf32>
      %mul3A_154 = arith.mulf %sub3A_153, %sub3A_153 : vector<16xf32>
      %add3A_155 = arith.addf %add3A_141, %mul3A_154 : vector<16xf32>
      %add3A_156 = arith.constant 3 : i32
      %add3A_157 = vector.broadcast %add3A_156 : i32 to vector<16xi32>
      %add3A_158 = arith.addi %iota3A, %add3A_157 : vector<16xi32>
      %and3A_159 = arith.constant 31 : i32
      %and3A_160 = vector.broadcast %and3A_159 : i32 to vector<16xi32>
      %and3A_161 = arith.andi %add3A_158, %and3A_160 : vector<16xi32>
      %gather3A_162 = tpu.vector_load_idx %arg12[%add3A_101, %and3A_161] : memref<128x32xf32, #tpu.memory_space<vmem>>[vector<16xi32>, vector<16xi32>], vector<16xf32>,
      %add3A_163 = arith.addi %shift_left3A_114, %and3A_161 : vector<16xi32>
      %gather3A_164 = tpu.vector_load_idx %arg15[%shift_right_arithmetic3A_108, %add3A_163] : memref<250x128xf32, #tpu.memory_space<vmem>>[vector<16xi32>, vector<16xi32>], vector<16xf32>,
      %gather3A_165 = tpu.vector_load_idx %arg14[%add3A_101, %and3A_161] : memref<128x32xf32, #tpu.memory_space<vmem>>[vector<16xi32>, vector<16xi32>], vector<16xf32>,
      %add3A_166 = arith.addf %gather3A_162, %gather3A_164 : vector<16xf32>
      %sub3A_167 = arith.subf %add3A_166, %gather3A_165 : vector<16xf32>
      %mul3A_168 = arith.mulf %sub3A_167, %sub3A_167 : vector<16xf32>
      %add3A_169 = arith.addf %add3A_155, %mul3A_168 : vector<16xf32>
      %add3A_170 = arith.constant 4 : i32
      %add3A_171 = vector.broadcast %add3A_170 : i32 to vector<16xi32>
      %add3A_172 = arith.addi %iota3A, %add3A_171 : vector<16xi32>
      %and3A_173 = arith.constant 31 : i32
      %and3A_174 = vector.broadcast %and3A_173 : i32 to vector<16xi32>
      %and3A_175 = arith.andi %add3A_172, %and3A_174 : vector<16xi32>
      %gather3A_176 = tpu.vector_load_idx %arg12[%add3A_101, %and3A_175] : memref<128x32xf32, #tpu.memory_space<vmem>>[vector<16xi32>, vector<16xi32>], vector<16xf32>,
      %add3A_177 = arith.addi %shift_left3A_114, %and3A_175 : vector<16xi32>
      %gather3A_178 = tpu.vector_load_idx %arg15[%shift_right_arithmetic3A_108, %add3A_177] : memref<250x128xf32, #tpu.memory_space<vmem>>[vector<16xi32>, vector<16xi32>], vector<16xf32>,
      %gather3A_179 = tpu.vector_load_idx %arg14[%add3A_101, %and3A_175] : memref<128x32xf32, #tpu.memory_space<vmem>>[vector<16xi32>, vector<16xi32>], vector<16xf32>,
      %add3A_180 = arith.addf %gather3A_176, %gather3A_178 : vector<16xf32>
      %sub3A_181 = arith.subf %add3A_180, %gather3A_179 : vector<16xf32>
      %mul3A_182 = arith.mulf %sub3A_181, %sub3A_181 : vector<16xf32>
      %add3A_183 = arith.addf %add3A_169, %mul3A_182 : vector<16xf32>
      %add3A_184 = arith.constant 5 : i32
      %add3A_185 = vector.broadcast %add3A_184 : i32 to vector<16xi32>
      %add3A_186 = arith.addi %iota3A, %add3A_185 : vector<16xi32>
      %and3A_187 = arith.constant 31 : i32
      %and3A_188 = vector.broadcast %and3A_187 : i32 to vector<16xi32>
      %and3A_189 = arith.andi %add3A_186, %and3A_188 : vector<16xi32>
      %gather3A_190 = tpu.vector_load_idx %arg12[%add3A_101, %and3A_189] : memref<128x32xf32, #tpu.memory_space<vmem>>[vector<16xi32>, vector<16xi32>], vector<16xf32>,
      %add3A_191 = arith.addi %shift_left3A_114, %and3A_189 : vector<16xi32>
      %gather3A_192 = tpu.vector_load_idx %arg15[%shift_right_arithmetic3A_108, %add3A_191] : memref<250x128xf32, #tpu.memory_space<vmem>>[vector<16xi32>, vector<16xi32>], vector<16xf32>,
      %gather3A_193 = tpu.vector_load_idx %arg14[%add3A_101, %and3A_189] : memref<128x32xf32, #tpu.memory_space<vmem>>[vector<16xi32>, vector<16xi32>], vector<16xf32>,
      %add3A_194 = arith.addf %gather3A_190, %gather3A_192 : vector<16xf32>
      %sub3A_195 = arith.subf %add3A_194, %gather3A_193 : vector<16xf32>
      %mul3A_196 = arith.mulf %sub3A_195, %sub3A_195 : vector<16xf32>
      %add3A_197 = arith.addf %add3A_183, %mul3A_196 : vector<16xf32>
      %add3A_198 = arith.constant 6 : i32
      %add3A_199 = vector.broadcast %add3A_198 : i32 to vector<16xi32>
      %add3A_200 = arith.addi %iota3A, %add3A_199 : vector<16xi32>
      %and3A_201 = arith.constant 31 : i32
      %and3A_202 = vector.broadcast %and3A_201 : i32 to vector<16xi32>
      %and3A_203 = arith.andi %add3A_200, %and3A_202 : vector<16xi32>
      %gather3A_204 = tpu.vector_load_idx %arg12[%add3A_101, %and3A_203] : memref<128x32xf32, #tpu.memory_space<vmem>>[vector<16xi32>, vector<16xi32>], vector<16xf32>,
      %add3A_205 = arith.addi %shift_left3A_114, %and3A_203 : vector<16xi32>
      %gather3A_206 = tpu.vector_load_idx %arg15[%shift_right_arithmetic3A_108, %add3A_205] : memref<250x128xf32, #tpu.memory_space<vmem>>[vector<16xi32>, vector<16xi32>], vector<16xf32>,
      %gather3A_207 = tpu.vector_load_idx %arg14[%add3A_101, %and3A_203] : memref<128x32xf32, #tpu.memory_space<vmem>>[vector<16xi32>, vector<16xi32>], vector<16xf32>,
      %add3A_208 = arith.addf %gather3A_204, %gather3A_206 : vector<16xf32>
      %sub3A_209 = arith.subf %add3A_208, %gather3A_207 : vector<16xf32>
      %mul3A_210 = arith.mulf %sub3A_209, %sub3A_209 : vector<16xf32>
      %add3A_211 = arith.addf %add3A_197, %mul3A_210 : vector<16xf32>
      %add3A_212 = arith.constant 7 : i32
      %add3A_213 = vector.broadcast %add3A_212 : i32 to vector<16xi32>
      %add3A_214 = arith.addi %iota3A, %add3A_213 : vector<16xi32>
      %and3A_215 = arith.constant 31 : i32
      %and3A_216 = vector.broadcast %and3A_215 : i32 to vector<16xi32>
      %and3A_217 = arith.andi %add3A_214, %and3A_216 : vector<16xi32>
      %gather3A_218 = tpu.vector_load_idx %arg12[%add3A_101, %and3A_217] : memref<128x32xf32, #tpu.memory_space<vmem>>[vector<16xi32>, vector<16xi32>], vector<16xf32>,
      %add3A_219 = arith.addi %shift_left3A_114, %and3A_217 : vector<16xi32>
      %gather3A_220 = tpu.vector_load_idx %arg15[%shift_right_arithmetic3A_108, %add3A_219] : memref<250x128xf32, #tpu.memory_space<vmem>>[vector<16xi32>, vector<16xi32>], vector<16xf32>,
      %gather3A_221 = tpu.vector_load_idx %arg14[%add3A_101, %and3A_217] : memref<128x32xf32, #tpu.memory_space<vmem>>[vector<16xi32>, vector<16xi32>], vector<16xf32>,
      %add3A_222 = arith.addf %gather3A_218, %gather3A_220 : vector<16xf32>
      %sub3A_223 = arith.subf %add3A_222, %gather3A_221 : vector<16xf32>
      %mul3A_224 = arith.mulf %sub3A_223, %sub3A_223 : vector<16xf32>
      %add3A_225 = arith.addf %add3A_211, %mul3A_224 : vector<16xf32>
      %add3A_226 = arith.constant 8 : i32
      %add3A_227 = vector.broadcast %add3A_226 : i32 to vector<16xi32>
      %add3A_228 = arith.addi %iota3A, %add3A_227 : vector<16xi32>
      %and3A_229 = arith.constant 31 : i32
      %and3A_230 = vector.broadcast %and3A_229 : i32 to vector<16xi32>
      %and3A_231 = arith.andi %add3A_228, %and3A_230 : vector<16xi32>
      %gather3A_232 = tpu.vector_load_idx %arg12[%add3A_101, %and3A_231] : memref<128x32xf32, #tpu.memory_space<vmem>>[vector<16xi32>, vector<16xi32>], vector<16xf32>,
      %add3A_233 = arith.addi %shift_left3A_114, %and3A_231 : vector<16xi32>
      %gather3A_234 = tpu.vector_load_idx %arg15[%shift_right_arithmetic3A_108, %add3A_233] : memref<250x128xf32, #tpu.memory_space<vmem>>[vector<16xi32>, vector<16xi32>], vector<16xf32>,
      %gather3A_235 = tpu.vector_load_idx %arg14[%add3A_101, %and3A_231] : memref<128x32xf32, #tpu.memory_space<vmem>>[vector<16xi32>, vector<16xi32>], vector<16xf32>,
      %add3A_236 = arith.addf %gather3A_232, %gather3A_234 : vector<16xf32>
      %sub3A_237 = arith.subf %add3A_236, %gather3A_235 : vector<16xf32>
      %mul3A_238 = arith.mulf %sub3A_237, %sub3A_237 : vector<16xf32>
      %add3A_239 = arith.addf %add3A_225, %mul3A_238 : vector<16xf32>
      %add3A_240 = arith.constant 9 : i32
      %add3A_241 = vector.broadcast %add3A_240 : i32 to vector<16xi32>
      %add3A_242 = arith.addi %iota3A, %add3A_241 : vector<16xi32>
      %and3A_243 = arith.constant 31 : i32
      %and3A_244 = vector.broadcast %and3A_243 : i32 to vector<16xi32>
      %and3A_245 = arith.andi %add3A_242, %and3A_244 : vector<16xi32>
      %gather3A_246 = tpu.vector_load_idx %arg12[%add3A_101, %and3A_245] : memref<128x32xf32, #tpu.memory_space<vmem>>[vector<16xi32>, vector<16xi32>], vector<16xf32>,
      %add3A_247 = arith.addi %shift_left3A_114, %and3A_245 : vector<16xi32>
      %gather3A_248 = tpu.vector_load_idx %arg15[%shift_right_arithmetic3A_108, %add3A_247] : memref<250x128xf32, #tpu.memory_space<vmem>>[vector<16xi32>, vector<16xi32>], vector<16xf32>,
      %gather3A_249 = tpu.vector_load_idx %arg14[%add3A_101, %and3A_245] : memref<128x32xf32, #tpu.memory_space<vmem>>[vector<16xi32>, vector<16xi32>], vector<16xf32>,
      %add3A_250 = arith.addf %gather3A_246, %gather3A_248 : vector<16xf32>
      %sub3A_251 = arith.subf %add3A_250, %gather3A_249 : vector<16xf32>
      %mul3A_252 = arith.mulf %sub3A_251, %sub3A_251 : vector<16xf32>
      %add3A_253 = arith.addf %add3A_239, %mul3A_252 : vector<16xf32>
      %add3A_254 = arith.constant 10 : i32
      %add3A_255 = vector.broadcast %add3A_254 : i32 to vector<16xi32>
      %add3A_256 = arith.addi %iota3A, %add3A_255 : vector<16xi32>
      %and3A_257 = arith.constant 31 : i32
      %and3A_258 = vector.broadcast %and3A_257 : i32 to vector<16xi32>
      %and3A_259 = arith.andi %add3A_256, %and3A_258 : vector<16xi32>
      %gather3A_260 = tpu.vector_load_idx %arg12[%add3A_101, %and3A_259] : memref<128x32xf32, #tpu.memory_space<vmem>>[vector<16xi32>, vector<16xi32>], vector<16xf32>,
      %add3A_261 = arith.addi %shift_left3A_114, %and3A_259 : vector<16xi32>
      %gather3A_262 = tpu.vector_load_idx %arg15[%shift_right_arithmetic3A_108, %add3A_261] : memref<250x128xf32, #tpu.memory_space<vmem>>[vector<16xi32>, vector<16xi32>], vector<16xf32>,
      %gather3A_263 = tpu.vector_load_idx %arg14[%add3A_101, %and3A_259] : memref<128x32xf32, #tpu.memory_space<vmem>>[vector<16xi32>, vector<16xi32>], vector<16xf32>,
      %add3A_264 = arith.addf %gather3A_260, %gather3A_262 : vector<16xf32>
      %sub3A_265 = arith.subf %add3A_264, %gather3A_263 : vector<16xf32>
      %mul3A_266 = arith.mulf %sub3A_265, %sub3A_265 : vector<16xf32>
      %add3A_267 = arith.addf %add3A_253, %mul3A_266 : vector<16xf32>
      %add3A_268 = arith.constant 11 : i32
      %add3A_269 = vector.broadcast %add3A_268 : i32 to vector<16xi32>
      %add3A_270 = arith.addi %iota3A, %add3A_269 : vector<16xi32>
      %and3A_271 = arith.constant 31 : i32
      %and3A_272 = vector.broadcast %and3A_271 : i32 to vector<16xi32>
      %and3A_273 = arith.andi %add3A_270, %and3A_272 : vector<16xi32>
      %gather3A_274 = tpu.vector_load_idx %arg12[%add3A_101, %and3A_273] : memref<128x32xf32, #tpu.memory_space<vmem>>[vector<16xi32>, vector<16xi32>], vector<16xf32>,
      %add3A_275 = arith.addi %shift_left3A_114, %and3A_273 : vector<16xi32>
      %gather3A_276 = tpu.vector_load_idx %arg15[%shift_right_arithmetic3A_108, %add3A_275] : memref<250x128xf32, #tpu.memory_space<vmem>>[vector<16xi32>, vector<16xi32>], vector<16xf32>,
      %gather3A_277 = tpu.vector_load_idx %arg14[%add3A_101, %and3A_273] : memref<128x32xf32, #tpu.memory_space<vmem>>[vector<16xi32>, vector<16xi32>], vector<16xf32>,
      %add3A_278 = arith.addf %gather3A_274, %gather3A_276 : vector<16xf32>
      %sub3A_279 = arith.subf %add3A_278, %gather3A_277 : vector<16xf32>
      %mul3A_280 = arith.mulf %sub3A_279, %sub3A_279 : vector<16xf32>
      %add3A_281 = arith.addf %add3A_267, %mul3A_280 : vector<16xf32>
      %add3A_282 = arith.constant 12 : i32
      %add3A_283 = vector.broadcast %add3A_282 : i32 to vector<16xi32>
      %add3A_284 = arith.addi %iota3A, %add3A_283 : vector<16xi32>
      %and3A_285 = arith.constant 31 : i32
      %and3A_286 = vector.broadcast %and3A_285 : i32 to vector<16xi32>
      %and3A_287 = arith.andi %add3A_284, %and3A_286 : vector<16xi32>
      %gather3A_288 = tpu.vector_load_idx %arg12[%add3A_101, %and3A_287] : memref<128x32xf32, #tpu.memory_space<vmem>>[vector<16xi32>, vector<16xi32>], vector<16xf32>,
      %add3A_289 = arith.addi %shift_left3A_114, %and3A_287 : vector<16xi32>
      %gather3A_290 = tpu.vector_load_idx %arg15[%shift_right_arithmetic3A_108, %add3A_289] : memref<250x128xf32, #tpu.memory_space<vmem>>[vector<16xi32>, vector<16xi32>], vector<16xf32>,
      %gather3A_291 = tpu.vector_load_idx %arg14[%add3A_101, %and3A_287] : memref<128x32xf32, #tpu.memory_space<vmem>>[vector<16xi32>, vector<16xi32>], vector<16xf32>,
      %add3A_292 = arith.addf %gather3A_288, %gather3A_290 : vector<16xf32>
      %sub3A_293 = arith.subf %add3A_292, %gather3A_291 : vector<16xf32>
      %mul3A_294 = arith.mulf %sub3A_293, %sub3A_293 : vector<16xf32>
      %add3A_295 = arith.addf %add3A_281, %mul3A_294 : vector<16xf32>
      %add3A_296 = arith.constant 13 : i32
      %add3A_297 = vector.broadcast %add3A_296 : i32 to vector<16xi32>
      %add3A_298 = arith.addi %iota3A, %add3A_297 : vector<16xi32>
      %and3A_299 = arith.constant 31 : i32
      %and3A_300 = vector.broadcast %and3A_299 : i32 to vector<16xi32>
      %and3A_301 = arith.andi %add3A_298, %and3A_300 : vector<16xi32>
      %gather3A_302 = tpu.vector_load_idx %arg12[%add3A_101, %and3A_301] : memref<128x32xf32, #tpu.memory_space<vmem>>[vector<16xi32>, vector<16xi32>], vector<16xf32>,
      %add3A_303 = arith.addi %shift_left3A_114, %and3A_301 : vector<16xi32>
      %gather3A_304 = tpu.vector_load_idx %arg15[%shift_right_arithmetic3A_108, %add3A_303] : memref<250x128xf32, #tpu.memory_space<vmem>>[vector<16xi32>, vector<16xi32>], vector<16xf32>,
      %gather3A_305 = tpu.vector_load_idx %arg14[%add3A_101, %and3A_301] : memref<128x32xf32, #tpu.memory_space<vmem>>[vector<16xi32>, vector<16xi32>], vector<16xf32>,
      %add3A_306 = arith.addf %gather3A_302, %gather3A_304 : vector<16xf32>
      %sub3A_307 = arith.subf %add3A_306, %gather3A_305 : vector<16xf32>
      %mul3A_308 = arith.mulf %sub3A_307, %sub3A_307 : vector<16xf32>
      %add3A_309 = arith.addf %add3A_295, %mul3A_308 : vector<16xf32>
      %add3A_310 = arith.constant 14 : i32
      %add3A_311 = vector.broadcast %add3A_310 : i32 to vector<16xi32>
      %add3A_312 = arith.addi %iota3A, %add3A_311 : vector<16xi32>
      %and3A_313 = arith.constant 31 : i32
      %and3A_314 = vector.broadcast %and3A_313 : i32 to vector<16xi32>
      %and3A_315 = arith.andi %add3A_312, %and3A_314 : vector<16xi32>
      %gather3A_316 = tpu.vector_load_idx %arg12[%add3A_101, %and3A_315] : memref<128x32xf32, #tpu.memory_space<vmem>>[vector<16xi32>, vector<16xi32>], vector<16xf32>,
      %add3A_317 = arith.addi %shift_left3A_114, %and3A_315 : vector<16xi32>
      %gather3A_318 = tpu.vector_load_idx %arg15[%shift_right_arithmetic3A_108, %add3A_317] : memref<250x128xf32, #tpu.memory_space<vmem>>[vector<16xi32>, vector<16xi32>], vector<16xf32>,
      %gather3A_319 = tpu.vector_load_idx %arg14[%add3A_101, %and3A_315] : memref<128x32xf32, #tpu.memory_space<vmem>>[vector<16xi32>, vector<16xi32>], vector<16xf32>,
      %add3A_320 = arith.addf %gather3A_316, %gather3A_318 : vector<16xf32>
      %sub3A_321 = arith.subf %add3A_320, %gather3A_319 : vector<16xf32>
      %mul3A_322 = arith.mulf %sub3A_321, %sub3A_321 : vector<16xf32>
      %add3A_323 = arith.addf %add3A_309, %mul3A_322 : vector<16xf32>
      %add3A_324 = arith.constant 15 : i32
      %add3A_325 = vector.broadcast %add3A_324 : i32 to vector<16xi32>
      %add3A_326 = arith.addi %iota3A, %add3A_325 : vector<16xi32>
      %and3A_327 = arith.constant 31 : i32
      %and3A_328 = vector.broadcast %and3A_327 : i32 to vector<16xi32>
      %and3A_329 = arith.andi %add3A_326, %and3A_328 : vector<16xi32>
      %gather3A_330 = tpu.vector_load_idx %arg12[%add3A_101, %and3A_329] : memref<128x32xf32, #tpu.memory_space<vmem>>[vector<16xi32>, vector<16xi32>], vector<16xf32>,
      %add3A_331 = arith.addi %shift_left3A_114, %and3A_329 : vector<16xi32>
      %gather3A_332 = tpu.vector_load_idx %arg15[%shift_right_arithmetic3A_108, %add3A_331] : memref<250x128xf32, #tpu.memory_space<vmem>>[vector<16xi32>, vector<16xi32>], vector<16xf32>,
      %gather3A_333 = tpu.vector_load_idx %arg14[%add3A_101, %and3A_329] : memref<128x32xf32, #tpu.memory_space<vmem>>[vector<16xi32>, vector<16xi32>], vector<16xf32>,
      %add3A_334 = arith.addf %gather3A_330, %gather3A_332 : vector<16xf32>
      %sub3A_335 = arith.subf %add3A_334, %gather3A_333 : vector<16xf32>
      %mul3A_336 = arith.mulf %sub3A_335, %sub3A_335 : vector<16xf32>
      %add3A_337 = arith.addf %add3A_323, %mul3A_336 : vector<16xf32>
      %add3A_338 = arith.constant 16 : i32
      %add3A_339 = vector.broadcast %add3A_338 : i32 to vector<16xi32>
      %add3A_340 = arith.addi %iota3A, %add3A_339 : vector<16xi32>
      %and3A_341 = arith.constant 31 : i32
      %and3A_342 = vector.broadcast %and3A_341 : i32 to vector<16xi32>
      %and3A_343 = arith.andi %add3A_340, %and3A_342 : vector<16xi32>
      %gather3A_344 = tpu.vector_load_idx %arg12[%add3A_101, %and3A_343] : memref<128x32xf32, #tpu.memory_space<vmem>>[vector<16xi32>, vector<16xi32>], vector<16xf32>,
      %add3A_345 = arith.addi %shift_left3A_114, %and3A_343 : vector<16xi32>
      %gather3A_346 = tpu.vector_load_idx %arg15[%shift_right_arithmetic3A_108, %add3A_345] : memref<250x128xf32, #tpu.memory_space<vmem>>[vector<16xi32>, vector<16xi32>], vector<16xf32>,
      %gather3A_347 = tpu.vector_load_idx %arg14[%add3A_101, %and3A_343] : memref<128x32xf32, #tpu.memory_space<vmem>>[vector<16xi32>, vector<16xi32>], vector<16xf32>,
      %add3A_348 = arith.addf %gather3A_344, %gather3A_346 : vector<16xf32>
      %sub3A_349 = arith.subf %add3A_348, %gather3A_347 : vector<16xf32>
      %mul3A_350 = arith.mulf %sub3A_349, %sub3A_349 : vector<16xf32>
      %add3A_351 = arith.addf %add3A_337, %mul3A_350 : vector<16xf32>
      %add3A_352 = arith.constant 17 : i32
      %add3A_353 = vector.broadcast %add3A_352 : i32 to vector<16xi32>
      %add3A_354 = arith.addi %iota3A, %add3A_353 : vector<16xi32>
      %and3A_355 = arith.constant 31 : i32
      %and3A_356 = vector.broadcast %and3A_355 : i32 to vector<16xi32>
      %and3A_357 = arith.andi %add3A_354, %and3A_356 : vector<16xi32>
      %gather3A_358 = tpu.vector_load_idx %arg12[%add3A_101, %and3A_357] : memref<128x32xf32, #tpu.memory_space<vmem>>[vector<16xi32>, vector<16xi32>], vector<16xf32>,
      %add3A_359 = arith.addi %shift_left3A_114, %and3A_357 : vector<16xi32>
      %gather3A_360 = tpu.vector_load_idx %arg15[%shift_right_arithmetic3A_108, %add3A_359] : memref<250x128xf32, #tpu.memory_space<vmem>>[vector<16xi32>, vector<16xi32>], vector<16xf32>,
      %gather3A_361 = tpu.vector_load_idx %arg14[%add3A_101, %and3A_357] : memref<128x32xf32, #tpu.memory_space<vmem>>[vector<16xi32>, vector<16xi32>], vector<16xf32>,
      %add3A_362 = arith.addf %gather3A_358, %gather3A_360 : vector<16xf32>
      %sub3A_363 = arith.subf %add3A_362, %gather3A_361 : vector<16xf32>
      %mul3A_364 = arith.mulf %sub3A_363, %sub3A_363 : vector<16xf32>
      %add3A_365 = arith.addf %add3A_351, %mul3A_364 : vector<16xf32>
      %add3A_366 = arith.constant 18 : i32
      %add3A_367 = vector.broadcast %add3A_366 : i32 to vector<16xi32>
      %add3A_368 = arith.addi %iota3A, %add3A_367 : vector<16xi32>
      %and3A_369 = arith.constant 31 : i32
      %and3A_370 = vector.broadcast %and3A_369 : i32 to vector<16xi32>
      %and3A_371 = arith.andi %add3A_368, %and3A_370 : vector<16xi32>
      %gather3A_372 = tpu.vector_load_idx %arg12[%add3A_101, %and3A_371] : memref<128x32xf32, #tpu.memory_space<vmem>>[vector<16xi32>, vector<16xi32>], vector<16xf32>,
      %add3A_373 = arith.addi %shift_left3A_114, %and3A_371 : vector<16xi32>
      %gather3A_374 = tpu.vector_load_idx %arg15[%shift_right_arithmetic3A_108, %add3A_373] : memref<250x128xf32, #tpu.memory_space<vmem>>[vector<16xi32>, vector<16xi32>], vector<16xf32>,
      %gather3A_375 = tpu.vector_load_idx %arg14[%add3A_101, %and3A_371] : memref<128x32xf32, #tpu.memory_space<vmem>>[vector<16xi32>, vector<16xi32>], vector<16xf32>,
      %add3A_376 = arith.addf %gather3A_372, %gather3A_374 : vector<16xf32>
      %sub3A_377 = arith.subf %add3A_376, %gather3A_375 : vector<16xf32>
      %mul3A_378 = arith.mulf %sub3A_377, %sub3A_377 : vector<16xf32>
      %add3A_379 = arith.addf %add3A_365, %mul3A_378 : vector<16xf32>
      %add3A_380 = arith.constant 19 : i32
      %add3A_381 = vector.broadcast %add3A_380 : i32 to vector<16xi32>
      %add3A_382 = arith.addi %iota3A, %add3A_381 : vector<16xi32>
      %and3A_383 = arith.constant 31 : i32
      %and3A_384 = vector.broadcast %and3A_383 : i32 to vector<16xi32>
      %and3A_385 = arith.andi %add3A_382, %and3A_384 : vector<16xi32>
      %gather3A_386 = tpu.vector_load_idx %arg12[%add3A_101, %and3A_385] : memref<128x32xf32, #tpu.memory_space<vmem>>[vector<16xi32>, vector<16xi32>], vector<16xf32>,
      %add3A_387 = arith.addi %shift_left3A_114, %and3A_385 : vector<16xi32>
      %gather3A_388 = tpu.vector_load_idx %arg15[%shift_right_arithmetic3A_108, %add3A_387] : memref<250x128xf32, #tpu.memory_space<vmem>>[vector<16xi32>, vector<16xi32>], vector<16xf32>,
      %gather3A_389 = tpu.vector_load_idx %arg14[%add3A_101, %and3A_385] : memref<128x32xf32, #tpu.memory_space<vmem>>[vector<16xi32>, vector<16xi32>], vector<16xf32>,
      %add3A_390 = arith.addf %gather3A_386, %gather3A_388 : vector<16xf32>
      %sub3A_391 = arith.subf %add3A_390, %gather3A_389 : vector<16xf32>
      %mul3A_392 = arith.mulf %sub3A_391, %sub3A_391 : vector<16xf32>
      %add3A_393 = arith.addf %add3A_379, %mul3A_392 : vector<16xf32>
      %add3A_394 = arith.constant 20 : i32
      %add3A_395 = vector.broadcast %add3A_394 : i32 to vector<16xi32>
      %add3A_396 = arith.addi %iota3A, %add3A_395 : vector<16xi32>
      %and3A_397 = arith.constant 31 : i32
      %and3A_398 = vector.broadcast %and3A_397 : i32 to vector<16xi32>
      %and3A_399 = arith.andi %add3A_396, %and3A_398 : vector<16xi32>
      %gather3A_400 = tpu.vector_load_idx %arg12[%add3A_101, %and3A_399] : memref<128x32xf32, #tpu.memory_space<vmem>>[vector<16xi32>, vector<16xi32>], vector<16xf32>,
      %add3A_401 = arith.addi %shift_left3A_114, %and3A_399 : vector<16xi32>
      %gather3A_402 = tpu.vector_load_idx %arg15[%shift_right_arithmetic3A_108, %add3A_401] : memref<250x128xf32, #tpu.memory_space<vmem>>[vector<16xi32>, vector<16xi32>], vector<16xf32>,
      %gather3A_403 = tpu.vector_load_idx %arg14[%add3A_101, %and3A_399] : memref<128x32xf32, #tpu.memory_space<vmem>>[vector<16xi32>, vector<16xi32>], vector<16xf32>,
      %add3A_404 = arith.addf %gather3A_400, %gather3A_402 : vector<16xf32>
      %sub3A_405 = arith.subf %add3A_404, %gather3A_403 : vector<16xf32>
      %mul3A_406 = arith.mulf %sub3A_405, %sub3A_405 : vector<16xf32>
      %add3A_407 = arith.addf %add3A_393, %mul3A_406 : vector<16xf32>
      %add3A_408 = arith.constant 21 : i32
      %add3A_409 = vector.broadcast %add3A_408 : i32 to vector<16xi32>
      %add3A_410 = arith.addi %iota3A, %add3A_409 : vector<16xi32>
      %and3A_411 = arith.constant 31 : i32
      %and3A_412 = vector.broadcast %and3A_411 : i32 to vector<16xi32>
      %and3A_413 = arith.andi %add3A_410, %and3A_412 : vector<16xi32>
      %gather3A_414 = tpu.vector_load_idx %arg12[%add3A_101, %and3A_413] : memref<128x32xf32, #tpu.memory_space<vmem>>[vector<16xi32>, vector<16xi32>], vector<16xf32>,
      %add3A_415 = arith.addi %shift_left3A_114, %and3A_413 : vector<16xi32>
      %gather3A_416 = tpu.vector_load_idx %arg15[%shift_right_arithmetic3A_108, %add3A_415] : memref<250x128xf32, #tpu.memory_space<vmem>>[vector<16xi32>, vector<16xi32>], vector<16xf32>,
      %gather3A_417 = tpu.vector_load_idx %arg14[%add3A_101, %and3A_413] : memref<128x32xf32, #tpu.memory_space<vmem>>[vector<16xi32>, vector<16xi32>], vector<16xf32>,
      %add3A_418 = arith.addf %gather3A_414, %gather3A_416 : vector<16xf32>
      %sub3A_419 = arith.subf %add3A_418, %gather3A_417 : vector<16xf32>
      %mul3A_420 = arith.mulf %sub3A_419, %sub3A_419 : vector<16xf32>
      %add3A_421 = arith.addf %add3A_407, %mul3A_420 : vector<16xf32>
      %add3A_422 = arith.constant 22 : i32
      %add3A_423 = vector.broadcast %add3A_422 : i32 to vector<16xi32>
      %add3A_424 = arith.addi %iota3A, %add3A_423 : vector<16xi32>
      %and3A_425 = arith.constant 31 : i32
      %and3A_426 = vector.broadcast %and3A_425 : i32 to vector<16xi32>
      %and3A_427 = arith.andi %add3A_424, %and3A_426 : vector<16xi32>
      %gather3A_428 = tpu.vector_load_idx %arg12[%add3A_101, %and3A_427] : memref<128x32xf32, #tpu.memory_space<vmem>>[vector<16xi32>, vector<16xi32>], vector<16xf32>,
      %add3A_429 = arith.addi %shift_left3A_114, %and3A_427 : vector<16xi32>
      %gather3A_430 = tpu.vector_load_idx %arg15[%shift_right_arithmetic3A_108, %add3A_429] : memref<250x128xf32, #tpu.memory_space<vmem>>[vector<16xi32>, vector<16xi32>], vector<16xf32>,
      %gather3A_431 = tpu.vector_load_idx %arg14[%add3A_101, %and3A_427] : memref<128x32xf32, #tpu.memory_space<vmem>>[vector<16xi32>, vector<16xi32>], vector<16xf32>,
      %add3A_432 = arith.addf %gather3A_428, %gather3A_430 : vector<16xf32>
      %sub3A_433 = arith.subf %add3A_432, %gather3A_431 : vector<16xf32>
      %mul3A_434 = arith.mulf %sub3A_433, %sub3A_433 : vector<16xf32>
      %add3A_435 = arith.addf %add3A_421, %mul3A_434 : vector<16xf32>
      %add3A_436 = arith.constant 23 : i32
      %add3A_437 = vector.broadcast %add3A_436 : i32 to vector<16xi32>
      %add3A_438 = arith.addi %iota3A, %add3A_437 : vector<16xi32>
      %and3A_439 = arith.constant 31 : i32
      %and3A_440 = vector.broadcast %and3A_439 : i32 to vector<16xi32>
      %and3A_441 = arith.andi %add3A_438, %and3A_440 : vector<16xi32>
      %gather3A_442 = tpu.vector_load_idx %arg12[%add3A_101, %and3A_441] : memref<128x32xf32, #tpu.memory_space<vmem>>[vector<16xi32>, vector<16xi32>], vector<16xf32>,
      %add3A_443 = arith.addi %shift_left3A_114, %and3A_441 : vector<16xi32>
      %gather3A_444 = tpu.vector_load_idx %arg15[%shift_right_arithmetic3A_108, %add3A_443] : memref<250x128xf32, #tpu.memory_space<vmem>>[vector<16xi32>, vector<16xi32>], vector<16xf32>,
      %gather3A_445 = tpu.vector_load_idx %arg14[%add3A_101, %and3A_441] : memref<128x32xf32, #tpu.memory_space<vmem>>[vector<16xi32>, vector<16xi32>], vector<16xf32>,
      %add3A_446 = arith.addf %gather3A_442, %gather3A_444 : vector<16xf32>
      %sub3A_447 = arith.subf %add3A_446, %gather3A_445 : vector<16xf32>
      %mul3A_448 = arith.mulf %sub3A_447, %sub3A_447 : vector<16xf32>
      %add3A_449 = arith.addf %add3A_435, %mul3A_448 : vector<16xf32>
      %add3A_450 = arith.constant 24 : i32
      %add3A_451 = vector.broadcast %add3A_450 : i32 to vector<16xi32>
      %add3A_452 = arith.addi %iota3A, %add3A_451 : vector<16xi32>
      %and3A_453 = arith.constant 31 : i32
      %and3A_454 = vector.broadcast %and3A_453 : i32 to vector<16xi32>
      %and3A_455 = arith.andi %add3A_452, %and3A_454 : vector<16xi32>
      %gather3A_456 = tpu.vector_load_idx %arg12[%add3A_101, %and3A_455] : memref<128x32xf32, #tpu.memory_space<vmem>>[vector<16xi32>, vector<16xi32>], vector<16xf32>,
      %add3A_457 = arith.addi %shift_left3A_114, %and3A_455 : vector<16xi32>
      %gather3A_458 = tpu.vector_load_idx %arg15[%shift_right_arithmetic3A_108, %add3A_457] : memref<250x128xf32, #tpu.memory_space<vmem>>[vector<16xi32>, vector<16xi32>], vector<16xf32>,
      %gather3A_459 = tpu.vector_load_idx %arg14[%add3A_101, %and3A_455] : memref<128x32xf32, #tpu.memory_space<vmem>>[vector<16xi32>, vector<16xi32>], vector<16xf32>,
      %add3A_460 = arith.addf %gather3A_456, %gather3A_458 : vector<16xf32>
      %sub3A_461 = arith.subf %add3A_460, %gather3A_459 : vector<16xf32>
      %mul3A_462 = arith.mulf %sub3A_461, %sub3A_461 : vector<16xf32>
      %add3A_463 = arith.addf %add3A_449, %mul3A_462 : vector<16xf32>
      %add3A_464 = arith.constant 25 : i32
      %add3A_465 = vector.broadcast %add3A_464 : i32 to vector<16xi32>
      %add3A_466 = arith.addi %iota3A, %add3A_465 : vector<16xi32>
      %and3A_467 = arith.constant 31 : i32
      %and3A_468 = vector.broadcast %and3A_467 : i32 to vector<16xi32>
      %and3A_469 = arith.andi %add3A_466, %and3A_468 : vector<16xi32>
      %gather3A_470 = tpu.vector_load_idx %arg12[%add3A_101, %and3A_469] : memref<128x32xf32, #tpu.memory_space<vmem>>[vector<16xi32>, vector<16xi32>], vector<16xf32>,
      %add3A_471 = arith.addi %shift_left3A_114, %and3A_469 : vector<16xi32>
      %gather3A_472 = tpu.vector_load_idx %arg15[%shift_right_arithmetic3A_108, %add3A_471] : memref<250x128xf32, #tpu.memory_space<vmem>>[vector<16xi32>, vector<16xi32>], vector<16xf32>,
      %gather3A_473 = tpu.vector_load_idx %arg14[%add3A_101, %and3A_469] : memref<128x32xf32, #tpu.memory_space<vmem>>[vector<16xi32>, vector<16xi32>], vector<16xf32>,
      %add3A_474 = arith.addf %gather3A_470, %gather3A_472 : vector<16xf32>
      %sub3A_475 = arith.subf %add3A_474, %gather3A_473 : vector<16xf32>
      %mul3A_476 = arith.mulf %sub3A_475, %sub3A_475 : vector<16xf32>
      %add3A_477 = arith.addf %add3A_463, %mul3A_476 : vector<16xf32>
      %add3A_478 = arith.constant 26 : i32
      %add3A_479 = vector.broadcast %add3A_478 : i32 to vector<16xi32>
      %add3A_480 = arith.addi %iota3A, %add3A_479 : vector<16xi32>
      %and3A_481 = arith.constant 31 : i32
      %and3A_482 = vector.broadcast %and3A_481 : i32 to vector<16xi32>
      %and3A_483 = arith.andi %add3A_480, %and3A_482 : vector<16xi32>
      %gather3A_484 = tpu.vector_load_idx %arg12[%add3A_101, %and3A_483] : memref<128x32xf32, #tpu.memory_space<vmem>>[vector<16xi32>, vector<16xi32>], vector<16xf32>,
      %add3A_485 = arith.addi %shift_left3A_114, %and3A_483 : vector<16xi32>
      %gather3A_486 = tpu.vector_load_idx %arg15[%shift_right_arithmetic3A_108, %add3A_485] : memref<250x128xf32, #tpu.memory_space<vmem>>[vector<16xi32>, vector<16xi32>], vector<16xf32>,
      %gather3A_487 = tpu.vector_load_idx %arg14[%add3A_101, %and3A_483] : memref<128x32xf32, #tpu.memory_space<vmem>>[vector<16xi32>, vector<16xi32>], vector<16xf32>,
      %add3A_488 = arith.addf %gather3A_484, %gather3A_486 : vector<16xf32>
      %sub3A_489 = arith.subf %add3A_488, %gather3A_487 : vector<16xf32>
      %mul3A_490 = arith.mulf %sub3A_489, %sub3A_489 : vector<16xf32>
      %add3A_491 = arith.addf %add3A_477, %mul3A_490 : vector<16xf32>
      %add3A_492 = arith.constant 27 : i32
      %add3A_493 = vector.broadcast %add3A_492 : i32 to vector<16xi32>
      %add3A_494 = arith.addi %iota3A, %add3A_493 : vector<16xi32>
      %and3A_495 = arith.constant 31 : i32
      %and3A_496 = vector.broadcast %and3A_495 : i32 to vector<16xi32>
      %and3A_497 = arith.andi %add3A_494, %and3A_496 : vector<16xi32>
      %gather3A_498 = tpu.vector_load_idx %arg12[%add3A_101, %and3A_497] : memref<128x32xf32, #tpu.memory_space<vmem>>[vector<16xi32>, vector<16xi32>], vector<16xf32>,
      %add3A_499 = arith.addi %shift_left3A_114, %and3A_497 : vector<16xi32>
      %gather3A_500 = tpu.vector_load_idx %arg15[%shift_right_arithmetic3A_108, %add3A_499] : memref<250x128xf32, #tpu.memory_space<vmem>>[vector<16xi32>, vector<16xi32>], vector<16xf32>,
      %gather3A_501 = tpu.vector_load_idx %arg14[%add3A_101, %and3A_497] : memref<128x32xf32, #tpu.memory_space<vmem>>[vector<16xi32>, vector<16xi32>], vector<16xf32>,
      %add3A_502 = arith.addf %gather3A_498, %gather3A_500 : vector<16xf32>
      %sub3A_503 = arith.subf %add3A_502, %gather3A_501 : vector<16xf32>
      %mul3A_504 = arith.mulf %sub3A_503, %sub3A_503 : vector<16xf32>
      %add3A_505 = arith.addf %add3A_491, %mul3A_504 : vector<16xf32>
      %add3A_506 = arith.constant 28 : i32
      %add3A_507 = vector.broadcast %add3A_506 : i32 to vector<16xi32>
      %add3A_508 = arith.addi %iota3A, %add3A_507 : vector<16xi32>
      %and3A_509 = arith.constant 31 : i32
      %and3A_510 = vector.broadcast %and3A_509 : i32 to vector<16xi32>
      %and3A_511 = arith.andi %add3A_508, %and3A_510 : vector<16xi32>
      %gather3A_512 = tpu.vector_load_idx %arg12[%add3A_101, %and3A_511] : memref<128x32xf32, #tpu.memory_space<vmem>>[vector<16xi32>, vector<16xi32>], vector<16xf32>,
      %add3A_513 = arith.addi %shift_left3A_114, %and3A_511 : vector<16xi32>
      %gather3A_514 = tpu.vector_load_idx %arg15[%shift_right_arithmetic3A_108, %add3A_513] : memref<250x128xf32, #tpu.memory_space<vmem>>[vector<16xi32>, vector<16xi32>], vector<16xf32>,
      %gather3A_515 = tpu.vector_load_idx %arg14[%add3A_101, %and3A_511] : memref<128x32xf32, #tpu.memory_space<vmem>>[vector<16xi32>, vector<16xi32>], vector<16xf32>,
      %add3A_516 = arith.addf %gather3A_512, %gather3A_514 : vector<16xf32>
      %sub3A_517 = arith.subf %add3A_516, %gather3A_515 : vector<16xf32>
      %mul3A_518 = arith.mulf %sub3A_517, %sub3A_517 : vector<16xf32>
      %add3A_519 = arith.addf %add3A_505, %mul3A_518 : vector<16xf32>
      %add3A_520 = arith.constant 29 : i32
      %add3A_521 = vector.broadcast %add3A_520 : i32 to vector<16xi32>
      %add3A_522 = arith.addi %iota3A, %add3A_521 : vector<16xi32>
      %and3A_523 = arith.constant 31 : i32
      %and3A_524 = vector.broadcast %and3A_523 : i32 to vector<16xi32>
      %and3A_525 = arith.andi %add3A_522, %and3A_524 : vector<16xi32>
      %gather3A_526 = tpu.vector_load_idx %arg12[%add3A_101, %and3A_525] : memref<128x32xf32, #tpu.memory_space<vmem>>[vector<16xi32>, vector<16xi32>], vector<16xf32>,
      %add3A_527 = arith.addi %shift_left3A_114, %and3A_525 : vector<16xi32>
      %gather3A_528 = tpu.vector_load_idx %arg15[%shift_right_arithmetic3A_108, %add3A_527] : memref<250x128xf32, #tpu.memory_space<vmem>>[vector<16xi32>, vector<16xi32>], vector<16xf32>,
      %gather3A_529 = tpu.vector_load_idx %arg14[%add3A_101, %and3A_525] : memref<128x32xf32, #tpu.memory_space<vmem>>[vector<16xi32>, vector<16xi32>], vector<16xf32>,
      %add3A_530 = arith.addf %gather3A_526, %gather3A_528 : vector<16xf32>
      %sub3A_531 = arith.subf %add3A_530, %gather3A_529 : vector<16xf32>
      %mul3A_532 = arith.mulf %sub3A_531, %sub3A_531 : vector<16xf32>
      %add3A_533 = arith.addf %add3A_519, %mul3A_532 : vector<16xf32>
      %add3A_534 = arith.constant 30 : i32
      %add3A_535 = vector.broadcast %add3A_534 : i32 to vector<16xi32>
      %add3A_536 = arith.addi %iota3A, %add3A_535 : vector<16xi32>
      %and3A_537 = arith.constant 31 : i32
      %and3A_538 = vector.broadcast %and3A_537 : i32 to vector<16xi32>
      %and3A_539 = arith.andi %add3A_536, %and3A_538 : vector<16xi32>
      %gather3A_540 = tpu.vector_load_idx %arg12[%add3A_101, %and3A_539] : memref<128x32xf32, #tpu.memory_space<vmem>>[vector<16xi32>, vector<16xi32>], vector<16xf32>,
      %add3A_541 = arith.addi %shift_left3A_114, %and3A_539 : vector<16xi32>
      %gather3A_542 = tpu.vector_load_idx %arg15[%shift_right_arithmetic3A_108, %add3A_541] : memref<250x128xf32, #tpu.memory_space<vmem>>[vector<16xi32>, vector<16xi32>], vector<16xf32>,
      %gather3A_543 = tpu.vector_load_idx %arg14[%add3A_101, %and3A_539] : memref<128x32xf32, #tpu.memory_space<vmem>>[vector<16xi32>, vector<16xi32>], vector<16xf32>,
      %add3A_544 = arith.addf %gather3A_540, %gather3A_542 : vector<16xf32>
      %sub3A_545 = arith.subf %add3A_544, %gather3A_543 : vector<16xf32>
      %mul3A_546 = arith.mulf %sub3A_545, %sub3A_545 : vector<16xf32>
      %add3A_547 = arith.addf %add3A_533, %mul3A_546 : vector<16xf32>
      %add3A_548 = arith.constant 31 : i32
      %add3A_549 = vector.broadcast %add3A_548 : i32 to vector<16xi32>
      %add3A_550 = arith.addi %iota3A, %add3A_549 : vector<16xi32>
      %and3A_551 = arith.constant 31 : i32
      %and3A_552 = vector.broadcast %and3A_551 : i32 to vector<16xi32>
      %and3A_553 = arith.andi %add3A_550, %and3A_552 : vector<16xi32>
      %gather3A_554 = tpu.vector_load_idx %arg12[%add3A_101, %and3A_553] : memref<128x32xf32, #tpu.memory_space<vmem>>[vector<16xi32>, vector<16xi32>], vector<16xf32>,
      %add3A_555 = arith.addi %shift_left3A_114, %and3A_553 : vector<16xi32>
      %gather3A_556 = tpu.vector_load_idx %arg15[%shift_right_arithmetic3A_108, %add3A_555] : memref<250x128xf32, #tpu.memory_space<vmem>>[vector<16xi32>, vector<16xi32>], vector<16xf32>,
      %gather3A_557 = tpu.vector_load_idx %arg14[%add3A_101, %and3A_553] : memref<128x32xf32, #tpu.memory_space<vmem>>[vector<16xi32>, vector<16xi32>], vector<16xf32>,
      %add3A_558 = arith.addf %gather3A_554, %gather3A_556 : vector<16xf32>
      %sub3A_559 = arith.subf %add3A_558, %gather3A_557 : vector<16xf32>
      %mul3A_560 = arith.mulf %sub3A_559, %sub3A_559 : vector<16xf32>
      %add3A_561 = arith.addf %add3A_547, %mul3A_560 : vector<16xf32>
      %max3A = arith.constant 1.000000e-30 : f32
      %max3A_562 = vector.broadcast %max3A : f32 to vector<16xf32>
      %max3A_563 = arith.maximumf %add3A_561, %max3A_562 : vector<16xf32>
      %bitcast3A = vector.bitcast %max3A_563 : vector<16xf32> to vector<16xi32>
      %shift_right_arithmetic3A_564 = arith.constant 1 : i32
      %shift_right_arithmetic3A_565 = vector.broadcast %shift_right_arithmetic3A_564 : i32 to vector<16xi32>
      %shift_right_arithmetic3A_566 = arith.shrsi %bitcast3A, %shift_right_arithmetic3A_565 : vector<16xi32>
      %sub3A_567 = arith.constant 1597463007 : i32
      %sub3A_568 = vector.broadcast %sub3A_567 : i32 to vector<16xi32>
      %sub3A_569 = arith.subi %sub3A_568, %shift_right_arithmetic3A_566 : vector<16xi32>
      %bitcast3A_570 = vector.bitcast %sub3A_569 : vector<16xi32> to vector<16xf32>
      %mul3A_571 = arith.constant 5.000000e-01 : f32
      %mul3A_572 = vector.broadcast %mul3A_571 : f32 to vector<16xf32>
      %mul3A_573 = arith.mulf %mul3A_572, %max3A_563 : vector<16xf32>
      %mul3A_574 = arith.mulf %mul3A_573, %bitcast3A_570 : vector<16xf32>
      %mul3A_575 = arith.mulf %mul3A_574, %bitcast3A_570 : vector<16xf32>
      %sub3A_576 = arith.constant 1.500000e+00 : f32
      %sub3A_577 = vector.broadcast %sub3A_576 : f32 to vector<16xf32>
      %sub3A_578 = arith.subf %sub3A_577, %mul3A_575 : vector<16xf32>
      %mul3A_579 = arith.mulf %bitcast3A_570, %sub3A_578 : vector<16xf32>
      %mul3A_580 = arith.constant 5.000000e-01 : f32
      %mul3A_581 = vector.broadcast %mul3A_580 : f32 to vector<16xf32>
      %mul3A_582 = arith.mulf %mul3A_581, %max3A_563 : vector<16xf32>
      %mul3A_583 = arith.mulf %mul3A_582, %mul3A_579 : vector<16xf32>
      %mul3A_584 = arith.mulf %mul3A_583, %mul3A_579 : vector<16xf32>
      %sub3A_585 = arith.constant 1.500000e+00 : f32
      %sub3A_586 = vector.broadcast %sub3A_585 : f32 to vector<16xf32>
      %sub3A_587 = arith.subf %sub3A_586, %mul3A_584 : vector<16xf32>
      %mul3A_588 = arith.mulf %mul3A_579, %sub3A_587 : vector<16xf32>
      %mul3A_589 = arith.constant 5.000000e-01 : f32
      %mul3A_590 = vector.broadcast %mul3A_589 : f32 to vector<16xf32>
      %mul3A_591 = arith.mulf %mul3A_590, %max3A_563 : vector<16xf32>
      %mul3A_592 = arith.mulf %mul3A_591, %mul3A_588 : vector<16xf32>
      %mul3A_593 = arith.mulf %mul3A_592, %mul3A_588 : vector<16xf32>
      %sub3A_594 = arith.constant 1.500000e+00 : f32
      %sub3A_595 = vector.broadcast %sub3A_594 : f32 to vector<16xf32>
      %sub3A_596 = arith.subf %sub3A_595, %mul3A_593 : vector<16xf32>
      %mul3A_597 = arith.mulf %mul3A_588, %sub3A_596 : vector<16xf32>
      %mul3A_598 = arith.mulf %add3A_561, %mul3A_597 : vector<16xf32>
      %swap3A = arith.index_cast %add3A_105 : i32 to index
      %swap3A_599 = tpu.vector_load %arg16[%swap3A] {strides = array<i32>} : memref<512xf32, #tpu.memory_space<vmem>>, vector<16xf32>,
      tpu.vector_store %arg16[%swap3A], %mul3A_598 {strides = array<i32>} : memref<512xf32, #tpu.memory_space<vmem>>, vector<16xf32>,
    }
    %scan3A_96 = arith.constant 8 : i32
    "tpu.region"() ({
      %run_scoped3A = tpu.sem_alloc : memref<!tpu.dma_semaphore, #tpu.memory_space<semaphore_mem>>
      %dma_start3A = tpu.memref_slice %arg7[%mul3A_2] : memref<16384xf32, #tpu.memory_space<hbm>> -> memref<512xf32, #tpu.memory_space<hbm>>
      %dma_start3A_97 = tpu.memref_slice %arg7[%mul3A_2] : memref<16384xf32, #tpu.memory_space<hbm>> -> memref<512xf32, #tpu.memory_space<hbm>>
      tpu.enqueue_dma source(%arg16 : memref<512xf32, #tpu.memory_space<vmem>>) target(%dma_start3A_97 : memref<512xf32, #tpu.memory_space<hbm>>) target_semaphore(%run_scoped3A : memref<!tpu.dma_semaphore, #tpu.memory_space<semaphore_mem>>)
      %dma_wait3A_98 = tpu.memref_slice %arg7[%mul3A_2] : memref<16384xf32, #tpu.memory_space<hbm>> -> memref<512xf32, #tpu.memory_space<hbm>>
      %dma_wait3A_99 = tpu.memref_slice %arg7[%mul3A_2] : memref<16384xf32, #tpu.memory_space<hbm>> -> memref<512xf32, #tpu.memory_space<hbm>>
      tpu.wait_dma2 semaphore(%run_scoped3A : memref<!tpu.dma_semaphore, #tpu.memory_space<semaphore_mem>>) src(%arg16 : memref<512xf32, #tpu.memory_space<vmem>>) dst(%dma_wait3A_99 : memref<512xf32, #tpu.memory_space<hbm>>)
      tpu.yield
    }) : () -> ()
    return
  }
}

</mosaic_0001>

<sc_bundles>
// kernel: kernel.3.cloned.1.call-start
scs
__scs_entry_jumppad:
0x0: {  	(pc) =	sbr.rel $0x88, $3  }
0x1: {  	(tag) =	ssettag $0x0;
	lr =	simm.s32 $0x1  }
0x2: {  	[smem:$0x3F9C] =	sst lr;
	_ =	strace $0xD0000000  }
0x3: {  	_ = 	snop  }
0x4: {  	_ = 	snop  }
0x5: {  	_ = 	snop  }
0x6: {  	_ = 	snop  }
0x7: {  	_ = 	snop  }
__scs_overlays_trampoline_lowered:
0x8: {  	[smem:$0x3FAB] =	sst s0  }
0x9: {  	[smem:$0x3FAC] =	sst s1  }
0xa: {  	[smem:$0x3FAD] =	sst s2  }
0xb: {  	[smem:$0x3FAE] =	sst s3  }
0xc: {  	[smem:$0x3FAF] =	sst s4  }
0xd: {  	[smem:$0x3FB0] =	sst s5  }
0xe: {  	[smem:$0x3FB1] =	sst s6  }
0xf: {  	[smem:$0x3FB2] =	sst s7  }
0x10: {  	[smem:$0x3FB3] =	sst s8  }
0x11: {  	[smem:$0x3FB4] =	sst s9;
	s0 =	simm.s32 @!p0 $0x0  }
0x12: {  	s1 =	sld [smem:$0x3F9A];
	s0 =	simm.s32 @p0 $0x1  }
0x13: {  	[smem:$0x3FB5] =	sst s0;
	s0 =	simm.s32 @!p1 $0x0  }
0x14: {  	s2 =	sld [smem:$0x3F99];
	s0 =	simm.s32 @p1 $0x1  }
0x15: {  	[smem:$0x3FB6] =	sst s0;
	s0 =	simm.s32 @!p2 $0x0  }
0x16: {  	s3 =	sld [smem:$0x3FDB];
	s0 =	simm.s32 @p2 $0x1  }
0x17: {  	s4 =	simm.s32 $0x1BF5;
	[smem:$0x3FB8] =	sst s0  }
0x18: {  	s0 =	sld [smem:$0x3F9B];
	_ =	swait.ge [sflag:s4], $0x0  }
0x19: {  	s7 =	sld [smem:$0x3F9C]  }
0x1a: {  	s8 =	sadd.s32 $0xFFFFE003, lr  }
0x1b: {  	s9 =	sadd.s32 $0xFFFFFEF7, lr;
	s5 =	simm.s32 $0xFFFFFFFF;
	p2 =	slt.u32 s8, $0xFFFFF086  }
0x1c: {  	p1 =	slt.u32 s9, $0xF7A;
	s5 =	simm.s32 @!p2 $0x0  }
0x1d: {  	s5 =	simm.s32 @p1 $0x1;
	p0 =	seq.s32 s7, s2  }
0x1e: {  	s7 =	smul.u32 @!p0 $0xF7A, s2;
	p2 =	seq.s32 @!p0 s5, $0x0  }
0x1f: {  	s9 =	smul.u32 $0xF7A, s1;
	s8 =	simm.s32 @!p0 $0x1BF5;
	p2 =	por !p2, p0  }
0x20: {  	[sflag:s8] =	ssyncset.s32 @!p0 $0xFFFFF086;
	s6 =	sadd.s32 @!p0 s3, s7;
	s7 =	simm.s32 @!p0 $0x108  }
0x21: {  	s3 =	sadd.s32 s3, s9;
	s6 =	sadd.s32 @!p0 $0x88, s6;
	s7 =	simm.s32 @p2 $0x1082  }
0x22: {  	[simem:s7], [sflag:s8] =	dma.local @!p0 [hbm:s6], $0xF7A  }
0x23: {  	s9 =	sor.u32 $0xD0000000, s2;
	s6 =	simm.s32 $0x108;
	_ =	swait.ge @!p0 [sflag:s8], $0x0  }
0x24: {  	s3 =	sadd.s32 $0x88, s3;
	s6 =	simm.s32 @!p1 $0x1082;
	[sflag:s4] =	ssyncset.s32 $0xFFFFF086  }
0x25: {  	[simem:s6], [sflag:s4] =	dma.local [hbm:s3], $0xF7A  }
0x26: {  	[smem:$0x3F9C] =	sst s1;
	(tag) =	ssettag s2;
	_ =	strace s9  }
0x27: {  	s1 =	sld [smem:$0x3FAC]  }
0x28: {  	s2 =	sld [smem:$0x3FAD]  }
0x29: {  	s4 =	sld [smem:$0x3FAF]  }
0x2a: {  	p0 =	seq.s32 s5, $0x0;
	s5 =	sld [smem:$0x3FB0]  }
0x2b: {  	s6 =	sld [smem:$0x3FB1]  }
0x2c: {  	s7 =	sld [smem:$0x3FB2]  }
0x2d: {  	s3 =	simm.s32 $0x108;
	s8 =	sld [smem:$0x3FB3]  }
0x2e: {  	s3 =	simm.s32 @!p0 $0x1082;
	s9 =	sld [smem:$0x3FB4]  }
0x2f: {  	lr =	sadd.s32 s0, s3;
	s0 =	sld [smem:$0x3FAB]  }
0x30: {  	s3 =	sld [smem:$0x3FAE]  }
0x31: {  	[smem:$0x3FB7] =	sst s10  }
0x32: {  	s10 =	sld [smem:$0x3FB5];
	_ =	sdelay $0x3  }
0x33: {  	p0 =	seq.s32 s10, $0x1;
	s10 =	sld [smem:$0x3FB7];
	_ =	sdelay $0x3  }
0x34: {  	[smem:$0x3FB7] =	sst s10  }
0x35: {  	s10 =	sld [smem:$0x3FB6];
	_ =	sdelay $0x3  }
0x36: {  	p1 =	seq.s32 s10, $0x1;
	s10 =	sld [smem:$0x3FB7];
	_ =	sdelay $0x3  }
0x37: {  	[smem:$0x3FB7] =	sst s10  }
0x38: {  	s10 =	sld [smem:$0x3FB8]  }
0x39: {  	_ = 	snop;
	(pc) =	sbr.ind lr, $3  }
0x3a: {  	_ = 	snop  }
0x3b: {  	_ = 	snop  }
0x3c: {  	p2 =	seq.s32 s10, $0x1;
	s10 =	sld [smem:$0x3FB7]  }
0x3d: {  	_ =	shalt  }
0x3e: {  	_ =	shalt  }
0x3f: {  	_ =	shalt  }
0x40: {  	_ =	shalt  }
0x41: {  	_ =	shalt  }
0x42: {  	_ =	shalt  }
0x43: {  	_ =	shalt  }
0x44: {  	_ =	shalt  }
0x45: {  	_ =	shalt  }
0x46: {  	_ =	shalt  }
0x47: {  	_ =	shalt  }
0x48: {  	_ =	shalt  }
0x49: {  	_ =	shalt  }
0x4a: {  	_ =	shalt  }
0x4b: {  	_ =	shalt  }
0x4c: {  	_ =	shalt  }
0x4d: {  	_ =	shalt  }
0x4e: {  	_ =	shalt  }
0x4f: {  	_ =	shalt  }
0x50: {  	_ =	shalt  }
0x51: {  	_ =	shalt  }
0x52: {  	_ =	shalt  }
0x53: {  	_ =	shalt  }
0x54: {  	_ =	shalt  }
0x55: {  	_ =	shalt  }
0x56: {  	_ =	shalt  }
0x57: {  	_ =	shalt  }
0x58: {  	_ =	shalt  }
0x59: {  	_ =	shalt  }
0x5a: {  	_ =	shalt  }
0x5b: {  	_ =	shalt  }
0x5c: {  	_ =	shalt  }
0x5d: {  	_ =	shalt  }
0x5e: {  	_ =	shalt  }
0x5f: {  	_ =	shalt  }
0x60: {  	_ =	shalt  }
0x61: {  	_ =	shalt  }
0x62: {  	_ =	shalt  }
0x63: {  	_ =	shalt  }
0x64: {  	_ =	shalt  }
0x65: {  	_ =	shalt  }
0x66: {  	_ =	shalt  }
0x67: {  	_ =	shalt  }
0x68: {  	_ =	shalt  }
0x69: {  	_ =	shalt  }
0x6a: {  	_ =	shalt  }
0x6b: {  	_ =	shalt  }
0x6c: {  	_ =	shalt  }
0x6d: {  	_ =	shalt  }
0x6e: {  	_ =	shalt  }
0x6f: {  	_ =	shalt  }
0x70: {  	_ =	shalt  }
0x71: {  	_ =	shalt  }
0x72: {  	_ =	shalt  }
0x73: {  	_ =	shalt  }
0x74: {  	_ =	shalt  }
0x75: {  	_ =	shalt  }
0x76: {  	_ =	shalt  }
0x77: {  	_ =	shalt  }
0x78: {  	_ =	shalt  }
0x79: {  	_ =	shalt  }
0x7a: {  	_ =	shalt  }
0x7b: {  	_ =	shalt  }
0x7c: {  	_ =	shalt  }
0x7d: {  	_ =	shalt  }
0x7e: {  	_ =	shalt  }
0x7f: {  	_ =	shalt  }
0x80: {  	_ =	shalt  }
0x81: {  	_ =	shalt  }
0x82: {  	_ =	shalt  }
0x83: {  	_ =	shalt  }
0x84: {  	_ =	shalt  }
0x85: {  	_ =	shalt  }
0x86: {  	_ =	shalt  }
0x87: {  	_ =	shalt  }
.Lfunc_end0:
.L_simem_size_0:
called_computation_lowered:
.L_overlay_start_0:
0x88: {  	s2 =	sld [smem:$0x3FD9]  }
0x89: {  	s3 =	sld [smem:$0x3FFE];
	_ =	sdelay $0x1  }
0x8a: {  	s1 =	srdreg.scid  }
0x8b: {  	s0 =	sand.u32 $0x1, s1  }
0x8c: {  	s17 =	sshll.u32 s0, $0xA;
	s2 =	sadd.s32 s3, s2  }
0x8d: {  	s2 =	sadd.s32 s2, s17  }
0x8e: {  	[smem:$0x3FC3] =	sst s2  }
0x8f: {  	_ = 	snop  }
0x90: {  	s2 =	sld [smem:$0x3FC9]  }
0x91: {  	s18 =	sld [smem:$0x3FC8]  }
0x92: {  	s4 =	sld [smem:$0x3FC7]  }
0x93: {  	s5 =	sld [smem:$0x3FD0];
	(tm) =	ssettm $0x1  }
0x94: {  	s6 =	sld [smem:$0x3FFB];
	_ =	sdelay $0x3  }
0x95: {  	_ =	strace s6  }
0x96: {  	s6 =	sld [smem:$0x3FFC];
	_ =	sdelay $0x3  }
0x97: {  	_ =	strace s6  }
0x98: {  	s6 =	sld [smem:$0x3FFD];
	_ =	sdelay $0x3  }
0x99: {  	_ =	strace s6  }
0x9a: {  	_ =	strace $0x8FFFFFFF  }
0x9b: {  	s19 =	sld [smem:$0x3FDB];
	_ =	sdelay $0x1  }
0x9c: {  	s7 =	simm.s32 $_scs_section_size  }
0x9d: {  	s8 =	simm.s32 $_size__tile_overlayer_lowered;
	s9 =	simm.s32 $_tile_overlayer_lowered  }
0x9e: {  	s22 =	simm.s32 $0x1BFF;
	s21 =	sshll.u32 s9, $0x1;
	s6 =	sadd.s32 s7, s19  }
0x9f: {  	s10 =	simm.s32 $0x0;
	s20 =	sshll.u32 s8, $0x1;
	s8 =	sadd.s32 s21, s6  }
0xa0: {  	[timem:s10], [sflag:s22] =	dma.local [hbm:s8], s20  }
0xa1: {  	_ =	swait.ge [sflag:s22], s20  }
0xa2: {  	s7 =	ssub.s32 $0x0, s20;
	[sflag:s22] =	ssyncset.done $0x0  }
0xa3: {  	[sflag:s22] =	ssyncadd.s32 s7;
	_ =	sdelay $0x1  }
0xa4: {  	s23 =	simm.s32 $0x1B8B  }
0xa5: {  	_ =	swait.ge [sflag:s23], $0x1  }
0xa6: {  	[sflag:s23] =	ssyncset.done $0x0  }
0xa7: {  	s25 =	simm.s32 $0x1B8E;
	s24 =	sld [smem:$0x3FFE];
	[sflag:s23] =	ssyncadd.s32 $0xFFFFFFFF  }
0xa8: {  	s26 =	simm.s32 $execute0_lowered;
	[smem:$0x3FD2] =	sst s25  }
0xa9: {  	s8 =	sshll.u32 s26, $0x1;
	_ =	strace $0x80000046;
	[dreg:$0x1] =	wrdreg $0xFFFFFFFF  }
0xaa: {  	s28 =	simm.s32 $_size_execute0_lowered;
	s6 =	sadd.s32 s6, s8;
	[dreg:$0x0] =	wrdreg $0x0  }
0xab: {  	s8 =	sshll.u32 s28, $0x1;
	[dreg:$0x2] =	wrdreg s6  }
0xac: {  	[dreg:$0x3] =	wrdreg s8  }
0xad: {  	[dreg:$0x4] =	wrdreg $0xC0  }
0xae: {  	_ =	task [dreg:s10], $0x5FFFF  }
0xaf: {  	[dreg:$0x1] =	wrdreg $0xFFFFFFFF  }
0xb0: {  	[dreg:$0x0] =	wrdreg $0x60  }
0xb1: {  	[dreg:$0x2] =	wrdreg s2  }
0xb2: {  	[dreg:$0x3] =	wrdreg s18  }
0xb3: {  	[dreg:$0x4] =	wrdreg s4  }
0xb4: {  	[dreg:$0x5] =	wrdreg s24  }
0xb5: {  	[dreg:$0x6] =	wrdreg s5  }
0xb6: {  	[dreg:$0x7] =	wrdreg $0x9  }
0xb7: {  	_ =	task.clear_ibuf [dreg:s10], $0x8FFFF;
	_ =	strace $0x90000046  }
0xb8: {  	s29 =	simm.s32 $0x9;
	_ =	strace $0x80000048  }
0xb9: {  	_ =	swait.ge [sflag:s29], $0x1  }
0xba: {  	[sflag:s29] =	ssyncadd.s32 $0xFFFFFFFF  }
0xbb: {  	_ =	strace $0x90000048  }
0xbc: {  	_ =	sfence  }
0xbd: {  	s30 =	sld [smem:$0x0];
	_ =	sdelay $0x2  }
0xbe: {  	s31 =	sshll.u32 s1, $0xD;
	s1 =	sshrl.u32 s1, $0x2  }
0xbf: {  	s3 =	sand.u32 $0x4000, s31;
	s1 =	sadd.s32 s1, s30  }
0xc0: {  	s0 =	sor.u32 s3, s0;
	s1 =	sshll.u32 s1, $0x11  }
0xc1: {  	s0 =	sor.u32 s1, s0  }
0xc2: {  	s0 =	sadd.s32 $0x8F2B, s0  }
0xc3: {  	[sflag:s0] =	ssyncadd.remote.s32 $0x1  }
0xc4: {  	_ =	sfence.sel $0xFFFF  }
0xc5: {  	[dreg:$0x0] =	wrdreg $0xFFFFFFFF;
	(pc) =	sbr.abs _section_cstart, $3  }
0xc6: {  	[dreg:$0x1] =	wrdreg $0xFFFFFFFF  }
0xc7: {  	_ =	task.clear_ibuf [dreg:s10], $0x2FFFF;
	_ =	strace $0x9FFFFFFF  }
0xc8: {  	(tm) =	ssettm $0x7FFFFFFF  }
0xc9: {  	_ =	shalt  }
tec
execute0_lowered:
.L_overlay_start_1:
0x0: {  	(tag) =	ssettag $0x1  }
0x1: {  	v19 =	vlaneseq.u32  }
0x2: {  	v7 =	vimm.s32 $0x14131211;
	v1 =	vimm.s32 $0x18171615;
	v2 =	vimm.s32 $0x1C1B1A19  }
0x3: {  	v3 =	vimm.s32 $0x1F1E1D;
	vm0 =	vcmask $0x1F10;
	v34 =	vimm.s32 $0x1001F1E  }
0x4: {  	v8 =	vimm.s32 $0x16151413;
	v9 =	vimm.s32 $0x1A191817;
	v10 =	vimm.s32 $0x1E1D1C1B  }
0x5: {  	v11 =	vimm.s32 $0x201001F;
	v12 =	vimm.s32 $0x3020100;
	v13 =	vimm.s32 $0x1F1E1D1C  }
0x6: {  	v14 =	vimm.s32 $0x17161514;
	v15 =	vimm.s32 $0x1B1A1918;
	v18 =	vimm.s32 $0x4030201  }
0x7: {  	v42 =	vimm.s32 $0x76543210;
	v43 =	vimm.s32 $0x87654321;
	v45 =	vimm.s32 $0x98765432  }
0x8: {  	v49 =	vimm.s32 $0xA9876543;
	v56 =	vimm.s32 $0x43218765;
	v57 =	vimm.s32 $0x54329876  }
0x9: {  	v58 =	vimm.s32 $0x6543A987;
	vm15 =	vcmask $0x2F10;
	v59 =	vimm.s32 $0xB0A0908  }
0xa: {  	vm1 =	vcmask $0x3F30;
	v46 =	vmul.u32 $0x80, v19;
	v0 =	vadd.s32 $0x1, v19  }
0xb: {  	v61 =	vadd.s32 $0x2, v19;
	v44 =	vadd.s32 $0x3, v19;
	v62 =	vadd.s32 $0x4, v19  }
0xc: {  	v63 =	vadd.s32 $0x5, v19;
	v4 =	vadd.s32 $0x6, v19;
	v5 =	vadd.s32 $0x7, v19  }
0xd: {  	v6 =	vadd.s32 $0x8, v19;
	v20 =	vadd.s32 $0x9, v19;
	v21 =	vadd.s32 $0xA, v19  }
0xe: {  	v38 =	vadd.s32 $0xB, v19;
	v22 =	vadd.s32 $0xC, v19;
	v37 =	vadd.s32 $0xD, v19  }
0xf: {  	v23 =	vadd.s32 $0xE, v19;
	v24 =	vadd.s32 $0xF, v19;
	v1 =	vunpack.c.0.s8.s32 v1;
	[tilespmem:$0x1FE00] =	vst v0  }
0x10: {  	v2 =	vunpack.c.0.s8.s32 v2;
	v3 =	vunpack.c.0.s8.s32 v3;
	v8 =	vunpack.c.0.s8.s32 v8;
	[tilespmem:$0x1FE10] =	vst v61  }
0x11: {  	s5 =	rddreg [dreg:$0x0];
	v9 =	vunpack.c.0.s8.s32 v9;
	v10 =	vunpack.c.0.s8.s32 v10;
	v11 =	vunpack.c.0.s8.s32 v11;
	[tilespmem:$0x1FE20] =	vst v62  }
0x12: {  	s7 =	rddreg [dreg:$0x1];
	v12 =	vunpack.c.0.s8.s32 v12;
	v13 =	vunpack.c.0.s8.s32 v13;
	v14 =	vunpack.c.0.s8.s32 v14;
	[tilespmem:$0x1FE40] =	vst v4  }
0x13: {  	s6 =	rddreg [dreg:$0x2];
	v15 =	vunpack.c.0.s8.s32 v15;
	v48 =	vunpack.c.l.s4.s8 v45;
	[tilespmem:$0x1FE50] =	vst v5;
	v0 =	vunpack.c.0.s8.s32 v7  }
0x14: {  	s4 =	rddreg [dreg:$0x3];
	v4 =	vimm.s32 $0x15141312;
	v5 =	vimm.s32 $0x19181716;
	v7 =	vimm.s32 $0x1D1C1B1A  }
0x15: {  	s8 =	rddreg [dreg:$0x4];
	s1 =	simm.s32 $0x0;
	[tilespmem:$0x1FE30] =	vst v63;
	v63 =	vor.u32 $0x10, v19;
	v4 =	vunpack.c.0.s8.s32 v4;
	v5 =	vunpack.c.0.s8.s32 v5  }
0x16: {  	[smem:$0x7FF] =	sst s1;
	[tilespmem:$0x1FE60] =	vst v6;
	v6 =	vsel vm0, v3, v2;
	v33 =	vunpack.c.0.s8.s32 v7;
	v7 =	vunpack.c.0.s8.s32 v34  }
0x17: {  	s0 =	rddreg [dreg:$0x5];
	v8 =	vsel vm0, v9, v8;
	v17 =	vsel vm0, v11, v10;
	v12 =	vsel vm0, v12, v13;
	_ =	strace $0x80000047;
	[tilespmem:$0x1FE70] =	vst v63  }
0x18: {  	v14 =	vsel vm0, v15, v14;
	v41 =	vsel vm0, v10, v9;
	v47 =	vsel vm0, v13, v15;
	[tilespmem:$0x1FE80] =	vst v46  }
0x19: {  	[tilespmem:$0x1FE90] =	vst v44;
	v0 =	vsel vm0, v1, v0;
	v28 =	vcombine.low v14, v12;
	v12 =	vunpack.c.0.s8.s32 v18  }
0x1a: {  	[tilespmem:$0x1FEA0] =	vst v20;
	v14 =	vimm.s32 $0x5040302;
	v1 =	vsel vm0, v2, v1;
	v29 =	vcombine.low v8, v17  }
0x1b: {  	[tilespmem:$0x1FEB0] =	vst v21;
	v25 =	vcombine.low v0, v6;
	v32 =	vsel vm0, v5, v4;
	v16 =	vsel vm0, v7, v33  }
0x1c: {  	[tilespmem:$0x1FEC0] =	vst v38;
	v35 =	vunpack.c.0.s8.s32 v14;
	v14 =	vimm.s32 $0x6050403;
	v4 =	vsel vm0, v33, v5  }
0x1d: {  	[tilespmem:$0x1FED0] =	vst v22;
	v5 =	vunpack.c.l.s4.s8 v49;
	v18 =	vcombine.low v32, v16;
	v8 =	vsel vm0, v12, v3  }
0x1e: {  	[tilespmem:$0x1FF80] =	vst v23;
	v36 =	vunpack.c.0.s8.s32 v14;
	v2 =	vsel vm0, v35, v7;
	v40 =	vcombine.low v1, v8  }
0x1f: {  	[tilespmem:$0x1FF90] =	vst v24;
	v1 =	vunpack.c.0.s8.s32 v48;
	v8 =	vimm.s32 $0x32107654;
	v54 =	vunpack.c.0.s8.s32 v5  }
0x20: {  	[tilespmem:$0x1FFC0] =	vst v37;
	v5 =	vunpack.c.l.s4.s8 v58;
	v50 =	vcombine.low v4, v2;
	v0 =	vsel vm0, v36, v11  }
0x21: {  	v19 =	vmovc v29;
	[tilespmem:$0x1FF10] =	vst v28;
	v2 =	vunpack.c.l.s4.s8 v42;
	v4 =	vunpack.c.l.s4.s8 v43;
	v52 =	vunpack.c.l.s4.s8 v8  }
0x22: {  	[tilespmem:$0x1FF20] =	vst v19;
	v8 =	vimm.s32 $0xE0D0C0B;
	v14 =	vcombine.low v41, v0;
	v53 =	vand.u32 $0xF, v1  }
0x23: {  	[tilespmem:$0x1FFA0] =	vst v25;
	v1 =	vand.u32 $0xF, v54;
	v5 =	vunpack.c.0.s8.s32 v5;
	v8 =	vunpack.c.0.s8.s32 v8  }
0x24: {  	[tilespmem:$0x1FF40] =	vst v18;
	v2 =	vunpack.c.0.s8.s32 v2;
	v4 =	vunpack.c.0.s8.s32 v4;
	v43 =	vcombine.low v16, v53  }
0x25: {  	[tilespmem:$0x1FFF0] =	vst v40;
	v55 =	vunpack.c.0.s8.s32 v52;
	v17 =	vcombine.low v17, v1;
	v5 =	vand.u32 $0xF, v5  }
0x26: {  	s2 =	srdreg.scid;
	s13 =	simm.s32 $0x400;
	[tilespmem:$0x1FFE0] =	vst v50;
	v32 =	vcombine.low v47, v2;
	v51 =	vand.u32 $0xF, v4;
	v2 =	vunpack.c.l.s4.s8 v56  }
0x27: {  	s14 =	simm.s32 $0x3;
	s15 =	simm.s32 $0x1;
	s16 =	simm.s32 $0x600;
	[tilespmem:$0x1FEE0] =	vst v14;
	v0 =	vand.u32 $0xF, v55;
	v4 =	vunpack.c.l.s4.s8 v57;
	v5 =	vsel vm15, v5, v11  }
0x28: {  	s17 =	simm.s32 $0x8600;
	s18 =	simm.s32 $0x2;
	s19 =	simm.s32 $0x4600;
	[tilespmem:$0x1FF00] =	vst v17;
	v33 =	vcombine.low v6, v51;
	v0 =	vsel vm15, v0, v13;
	v6 =	vunpack.c.0.s8.s32 v59  }
0x29: {  	s20 =	simm.s32 $0xC600;
	s21 =	simm.s32 $0x18600;
	s3 =	sadd.s32 $0x1400, s4;
	[tilespmem:$0x1FFD0] =	vst v43;
	v11 =	vsel vm1, v8, v5;
	v2 =	vunpack.c.0.s8.s32 v2;
	v4 =	vunpack.c.0.s8.s32 v4  }
0x2a: {  	s22 =	simm.s32 $0x0;
	s9 =	sand.u32 $0x1, s2;
	s2 =	stileid.u32;
	v61 =	vimm.s32 $0xC0B0A09;
	v62 =	vimm.s32 $0xD0C0B0A;
	[tilespmem:$0x1FEF0] =	vst v11;
	v41 =	vsel vm1, v6, v0  }
0x2b: {  	s10 =	ssub.s32 $0x2, s9;
	s12 =	sshll.u32 s2, $0x7;
	s9 =	sshll.u32 s9, $0x6;
	[tilespmem:$0x1FF60] =	vst v32;
	v2 =	vand.u32 $0xF, v2;
	v60 =	vand.u32 $0xF, v4;
	v4 =	vunpack.c.0.s8.s32 v61  }
0x2c: {  	s4 =	sadd.s32 $0x400, s4;
	s11 =	sshrl.u32 s10, $0x1;
	s9 =	sor.u32 s9, s12;
	[tilespmem:$0x1FF70] =	vst v33;
	v2 =	vsel vm15, v2, v3;
	v3 =	vsel vm15, v60, v7;
	v7 =	vunpack.c.0.s8.s32 v62  }
0x2d: {  	s12 =	simm.s32 $0x200;
	s10 =	ssub.s32 s10, s11;
	s5 =	sadd.s32 s5, s9;
	[tilespmem:$0x1FFB0] =	vst v41;
	v29 =	vsel vm1, v4, v2  }
0x2e: {  	s6 =	sadd.s32 s6, s9;
	s7 =	sadd.s32 s7, s9;
	s8 =	sadd.s32 s8, s9;
	v45 =	vsel vm1, v7, v3;
	[tilespmem:$0x1FF30] =	vst v29  }
0x2f: {  	s11 =	simm.s32 $0x4;
	s9 =	smax.u32 s10, $0x1;
	s10 =	simm.s32 $0x10600;
	v9 =	vmov v28;
	v42 =	vlaneseq.u32;
	[tilespmem:$0x1FF50] =	vst v45  }
.LBB2_1:
0x30: {  	[tilespmem:s10], [sflag:$0x3] =	stream.linear.gather [hbm4b:s4+s1], $0x7D00, $0x38;
	[tilespmem:$0x18800] =	vst v63  }
0x31: {  	_ = 	snop  }
0x32: {  	[tilespmem:s1], [sflag:$0x4] =	stream.linear.gather [hbm4b:s5+s1], $0x200, $0x38;
	[tilespmem:$0x18800] =	vst v63  }
0x33: {  	_ =	swait.ge [sflag:s11], $0x200  }
0x34: {  	[sflag:s11] =	ssyncset.done $0x0  }
0x35: {  	[sflag:s11] =	ssyncadd.s32 $0xFFFFFE00  }
0x36: {  	[tilespmem:s12], [sflag:$0x4] =	stream.linear.gather [hbm4b:s6+s1], $0x200, $0x38;
	[tilespmem:$0x18800] =	vst v63  }
0x37: {  	_ =	swait.ge [sflag:s11], $0x200  }
0x38: {  	[sflag:s11] =	ssyncset.done $0x0  }
0x39: {  	[sflag:s11] =	ssyncadd.s32 $0xFFFFFE00  }
0x3a: {  	[tilespmem:s13], [sflag:$0x4] =	stream.linear.gather [hbm4b:s7+s1], $0x200, $0x38;
	[tilespmem:$0x18800] =	vst v63  }
0x3b: {  	_ =	swait.ge [sflag:s11], $0x200  }
0x3c: {  	[sflag:s11] =	ssyncset.done $0x0  }
0x3d: {  	s23 =	sand.u32 $0x70, s1;
	[sflag:s11] =	ssyncadd.s32 $0xFFFFFE00  }
0x3e: {  	v0 =	vld [tilespmem:s23+$0x0]  }
0x3f: {  	v1 =	vld [tilespmem:s23+$0x200]  }
0x40: {  	s29 =	sand.u32 $0xF, s1  }
0x41: {  	v2 =	vmov s29  }
0x42: {  	vm0 =	veq.s32 v2, v42  }
0x43: {  	v0 =	vnsel vm0, $0x0, v0  }
0x44: {  	v1 =	vnsel vm0, $0x0, v1;
	(xrf0) =	vadd.scan.msk.s32 $0xffff, v0  }
0x45: {  	(xrf0) =	vadd.scan.msk.s32 $0xffff, v1;
	_ =	sdelay $0x4  }
0x46: {  	v0, _, _ =	vpop (xrf0)  }
0x47: {  	(v2sf) =	vpush v0, $0xF;
	v0, _, _ =	vpop (xrf0)  }
0x48: {  	(v2sf) =	vpush v0, $0xF;
	_ =	sdelay $0xd  }
0x49: {  	s30 =	spop (v2sf)  }
0x4a: {  	s23 =	sshll.u32 s30, $0x4;
	s24 =	spop (v2sf)  }
0x4b: {  	s23 =	sand.u32 $0x1FFFFFF0, s23;
	s24 =	sshll.u32 s24, $0x4  }
0x4c: {  	s25 =	simm.s32 $0x1;
	s23 =	sadd.s32 s3, s23;
	s24 =	sand.u32 $0x1FFFFFF0, s24  }
0x4d: {  	[tilespmem:s16], [sflag:$0x1] =	stream.linear.gather [hbm4b:s23+s1], $0x80, $0x38;
	[tilespmem:$0x18800] =	vst v63  }
0x4e: {  	s28 =	sand.u32 $0x70, s25;
	s31 =	sadd.s32 s3, s24  }
0x4f: {  	[tilespmem:s17], [sflag:$0x1] =	stream.linear.gather [hbm4b:s31+s1], $0x80, $0x38;
	[tilespmem:$0x18800] =	vst v63  }
0x50: {  	s26 =	simm.s32 $0x2;
	s24 =	simm.s32 $0x600;
	s23 =	simm.s32 $0x8600;
	v0 =	vld [tilespmem:s28+$0x0]  }
.LBB2_2:
0x51: {  	p0 =	sne.s32 s26, $0x7F;
	v1 =	vld [tilespmem:s28+$0x200]  }
0x52: {  	s28 =	sand.u32 $0xF, s25;
	s25 =	smov.u32 s26  }
0x53: {  	v2 =	vmov s28  }
0x54: {  	vm0 =	veq.s32 v2, v42  }
0x55: {  	v0 =	vnsel vm0, $0x0, v0  }
0x56: {  	v1 =	vnsel vm0, $0x0, v1;
	(xrf0) =	vadd.scan.msk.s32 $0xffff, v0  }
0x57: {  	(xrf0) =	vadd.scan.msk.s32 $0xffff, v1;
	_ =	sdelay $0x4  }
0x58: {  	v0, _, _ =	vpop (xrf0)  }
0x59: {  	(v2sf) =	vpush v0, $0xF;
	v0, _, _ =	vpop (xrf0)  }
0x5a: {  	(v2sf) =	vpush v0, $0xF;
	_ =	sdelay $0xd  }
0x5b: {  	s28 =	spop (v2sf)  }
0x5c: {  	s28 =	sshll.u32 s28, $0x4;
	s29 =	spop (v2sf)  }
0x5d: {  	s24 =	sadd.s32 $0x80, s24;
	s28 =	sand.u32 $0x1FFFFFF0, s28;
	s29 =	sshll.u32 s29, $0x4  }
.Ltmp0:
0x5e: {  	s28 =	sadd.s32 s3, s28;
	s29 =	sand.u32 $0x1FFFFFF0, s29;
	(pc) =	sbr.rel @p0 .LBB2_2-.Ltmp0, $4  }
0x5f: {  	[tilespmem:s24], [sflag:$0x1] =	stream.linear.gather [hbm4b:s28+s1], $0x80, $0x38;
	[tilespmem:$0x18800] =	vst v63  }
0x60: {  	s23 =	sadd.s32 $0x80, s23;
	s28 =	sand.u32 $0x70, s26;
	s29 =	sadd.s32 s3, s29  }
0x61: {  	[tilespmem:s23], [sflag:$0x1] =	stream.linear.gather [hbm4b:s29+s1], $0x80, $0x38;
	[tilespmem:$0x18800] =	vst v63  }
0x62: {  	s26 =	sadd.s32 $0x1, s26;
	v0 =	vld [tilespmem:s28+$0x0]  }
0x63: {  	v1 =	vld [tilespmem:s28+$0x200]  }
0x64: {  	s25 =	sand.u32 $0xF, s25  }
0x65: {  	v4 =	vlaneseq.u32;
	v2 =	vmov s25  }
0x66: {  	vm0 =	veq.s32 v2, v4  }
0x67: {  	v0 =	vnsel vm0, $0x0, v0  }
0x68: {  	v1 =	vnsel vm0, $0x0, v1;
	(xrf0) =	vadd.scan.msk.s32 $0xffff, v0  }
0x69: {  	(xrf0) =	vadd.scan.msk.s32 $0xffff, v1;
	_ =	sdelay $0x4  }
0x6a: {  	v0, _, _ =	vpop (xrf0)  }
0x6b: {  	(v2sf) =	vpush v0, $0xF;
	v0, _, _ =	vpop (xrf0)  }
0x6c: {  	(v2sf) =	vpush v0, $0xF;
	_ =	sdelay $0xd  }
0x6d: {  	s26 =	spop (v2sf)  }
0x6e: {  	s25 =	sshll.u32 s26, $0x4;
	s26 =	spop (v2sf)  }
0x6f: {  	s25 =	sand.u32 $0x1FFFFFF0, s25;
	s26 =	sshll.u32 s26, $0x4  }
0x70: {  	s24 =	sadd.s32 $0x80, s24;
	s25 =	sadd.s32 s3, s25;
	s26 =	sand.u32 $0x1FFFFFF0, s26  }
0x71: {  	[tilespmem:s24], [sflag:$0x1] =	stream.linear.gather [hbm4b:s25+s1], $0x80, $0x38;
	[tilespmem:$0x18800] =	vst v63  }
0x72: {  	s23 =	sadd.s32 $0x80, s23;
	s30 =	sadd.s32 s3, s26  }
0x73: {  	[tilespmem:s23], [sflag:$0x1] =	stream.linear.gather [hbm4b:s30+s1], $0x80, $0x38;
	[tilespmem:$0x18800] =	vst v63  }
0x74: {  	_ =	swait.ge [sflag:s14], $0x7D00  }
0x75: {  	[sflag:s14] =	ssyncset.done $0x0  }
0x76: {  	[sflag:s14] =	ssyncadd.s32 $0xFFFF8300  }
0x77: {  	_ =	swait.ge [sflag:s15], $0x4000  }
0x78: {  	[sflag:s15] =	ssyncset.done $0x0  }
0x79: {  	[sflag:s15] =	ssyncadd.s32 $0xFFFFC000  }
0x7a: {  	_ =	swait.ge [sflag:s15], $0x4000  }
0x7b: {  	s23 =	simm.s32 $0x0;
	[sflag:s15] =	ssyncset.done $0x0  }
0x7c: {  	s31 =	sand.u32 $0x70, s23;
	[sflag:s15] =	ssyncadd.s32 $0xFFFFC000  }
0x7d: {  	v0 =	vld [tilespmem:s31+$0x80]  }
0x7e: {  	v1 =	vld [tilespmem:s31+$0x280]  }
0x7f: {  	s25 =	sand.u32 $0xF, s23  }
0x80: {  	v2 =	vmov s25  }
0x81: {  	vm15 =	veq.s32 v2, v4  }
0x82: {  	v0 =	vnsel vm15, $0x0, v0  }
0x83: {  	v1 =	vnsel vm15, $0x0, v1;
	(xrf0) =	vadd.scan.msk.s32 $0xffff, v0  }
0x84: {  	(xrf0) =	vadd.scan.msk.s32 $0xffff, v1;
	_ =	sdelay $0x4  }
0x85: {  	v0, _, _ =	vpop (xrf0)  }
0x86: {  	(v2sf) =	vpush v0, $0xF;
	v0, _, _ =	vpop (xrf0)  }
0x87: {  	(v2sf) =	vpush v0, $0xF;
	_ =	sdelay $0xd  }
0x88: {  	s26 =	spop (v2sf)  }
0x89: {  	s24 =	sshll.u32 s26, $0x4;
	s30 =	spop (v2sf)  }
0x8a: {  	s25 =	simm.s32 $0x4600;
	s24 =	sand.u32 $0x1FFFFFF0, s24;
	s31 =	sshll.u32 s30, $0x4  }
0x8b: {  	v5 =	vld [tilespmem:$0x1FE00];
	s26 =	simm.s32 $0x1;
	s24 =	sadd.s32 s3, s24;
	s28 =	sand.u32 $0x1FFFFFF0, s31  }
0x8c: {  	v6 =	vld [tilespmem:$0x1FE10];
	[tilespmem:s25], [sflag:$0x2] =	stream.linear.gather [hbm4b:s24+s23], $0x80, $0x38  }
0x8d: {  	v7 =	vld [tilespmem:$0x1FE40];
	s29 =	sand.u32 $0x70, s26;
	s24 =	simm.s32 $0xC600;
	s28 =	sadd.s32 s3, s28  }
0x8e: {  	v27 =	vmov v38;
	v10 =	vld [tilespmem:$0x1FE50];
	[tilespmem:s24], [sflag:$0x2] =	stream.linear.gather [hbm4b:s28+s23], $0x80, $0x38  }
0x8f: {  	v36 =	vmovc v18;
	v38 =	vmovc v25;
	v28 =	vmov v24;
	v30 =	vmov v23;
	v3 =	vlaneseq.u32;
	s28 =	simm.s32 $0x2;
	v0 =	vld [tilespmem:s29+$0x80]  }
.LBB2_4:
0x90: {  	p0 =	sne.s32 s28, $0x7F;
	v1 =	vld [tilespmem:s29+$0x280]  }
0x91: {  	s29 =	sand.u32 $0xF, s26;
	s26 =	smov.u32 s28  }
0x92: {  	v2 =	vmov s29  }
0x93: {  	vm0 =	veq.s32 v2, v3  }
0x94: {  	v0 =	vnsel vm0, $0x0, v0  }
0x95: {  	v1 =	vnsel vm0, $0x0, v1;
	(xrf0) =	vadd.scan.msk.s32 $0xffff, v0  }
0x96: {  	(xrf0) =	vadd.scan.msk.s32 $0xffff, v1;
	_ =	sdelay $0x4  }
0x97: {  	v0, _, _ =	vpop (xrf0)  }
0x98: {  	(v2sf) =	vpush v0, $0xF;
	v0, _, _ =	vpop (xrf0)  }
0x99: {  	(v2sf) =	vpush v0, $0xF;
	_ =	sdelay $0xd  }
0x9a: {  	s29 =	spop (v2sf)  }
0x9b: {  	s29 =	sshll.u32 s29, $0x4;
	s30 =	spop (v2sf)  }
0x9c: {  	s25 =	sadd.s32 $0x80, s25;
	s29 =	sand.u32 $0x1FFFFFF0, s29;
	s30 =	sshll.u32 s30, $0x4  }
.Ltmp1:
0x9d: {  	s29 =	sadd.s32 s3, s29;
	s30 =	sand.u32 $0x1FFFFFF0, s30;
	(pc) =	sbr.rel @p0 .LBB2_4-.Ltmp1, $4  }
0x9e: {  	[tilespmem:s25], [sflag:$0x2] =	stream.linear.gather [hbm4b:s29+s23], $0x80, $0x38;
	[tilespmem:$0x18800] =	vst v63  }
0x9f: {  	s24 =	sadd.s32 $0x80, s24;
	s29 =	sand.u32 $0x70, s28;
	s30 =	sadd.s32 s3, s30  }
0xa0: {  	[tilespmem:s24], [sflag:$0x2] =	stream.linear.gather [hbm4b:s30+s23], $0x80, $0x38;
	[tilespmem:$0x18800] =	vst v63  }
0xa1: {  	s28 =	sadd.s32 $0x1, s28;
	v0 =	vld [tilespmem:s29+$0x80]  }
0xa2: {  	v1 =	vld [tilespmem:s29+$0x280]  }
0xa3: {  	s26 =	sand.u32 $0xF, s26  }
0xa4: {  	v3 =	vlaneseq.u32;
	v2 =	vmov s26  }
0xa5: {  	vm0 =	veq.s32 v2, v3  }
0xa6: {  	v0 =	vnsel vm0, $0x0, v0  }
0xa7: {  	v1 =	vnsel vm0, $0x0, v1;
	(xrf0) =	vadd.scan.msk.s32 $0xffff, v0  }
0xa8: {  	(xrf0) =	vadd.scan.msk.s32 $0xffff, v1;
	_ =	sdelay $0x4  }
0xa9: {  	v0, _, _ =	vpop (xrf0)  }
0xaa: {  	(v2sf) =	vpush v0, $0xF;
	v0, _, _ =	vpop (xrf0)  }
0xab: {  	(v2sf) =	vpush v0, $0xF;
	_ =	sdelay $0xc  }
0xac: {  	v0 =	vmov s23  }
0xad: {  	v0 =	vshll.u32 v0, $0x7;
	s28 =	spop (v2sf)  }
0xae: {  	v21 =	vor.u32 v46, v0;
	s26 =	sshll.u32 s28, $0x4;
	s28 =	spop (v2sf)  }
0xaf: {  	v0 =	vor.u32 v11, v21;
	s26 =	sand.u32 $0x1FFFFFF0, s26;
	s28 =	sshll.u32 s28, $0x4  }
0xb0: {  	s25 =	sadd.s32 $0x80, s25;
	v2 =	vor.u32 v45, v21;
	s26 =	sadd.s32 s3, s26;
	s28 =	sand.u32 $0x1FFFFFF0, s28  }
0xb1: {  	[tilespmem:s25], [sflag:$0x2] =	stream.linear.gather [hbm4b:s26+s23], $0x80, $0x38;
	[tilespmem:$0x18800] =	vst v63  }
0xb2: {  	s24 =	sadd.s32 $0x80, s24;
	s29 =	sadd.s32 s3, s28  }
0xb3: {  	[tilespmem:s24], [sflag:$0x2] =	stream.linear.gather [hbm4b:s29+s23], $0x80, $0x38;
	[tilespmem:$0x18800] =	vst v63  }
0xb4: {  	v1 =	vld.idx.msk [tilespmem:v0+s16+$0x0], $0xffff  }
0xb5: {  	v4 =	vor.u32 v29, v21;
	[tilespmem:$0x1FD30] =	vst v0;
	v0 =	vld.idx.msk [tilespmem:v2+s16+$0x0], $0xffff;
	_ =	sdelay $0x4  }
0xb6: {  	v12 =	vor.u32 v41, v21;
	[tilespmem:$0x1FD40] =	vst v0;
	v0 =	vld.idx.msk [tilespmem:v4+s16+$0x0], $0xffff;
	_ =	sdelay $0x4  }
0xb7: {  	v11 =	vor.u32 v17, v21;
	[tilespmem:$0x1FD20] =	vst v0;
	v0 =	vld.idx.msk [tilespmem:v12+s16+$0x0], $0xffff;
	_ =	sdelay $0x4  }
0xb8: {  	v15 =	vor.u32 v43, v21;
	[tilespmem:$0x1FD00] =	vst v0;
	v0 =	vld.idx.msk [tilespmem:v11+s16+$0x0], $0xffff;
	_ =	sdelay $0x3  }
0xb9: {  	[tilespmem:$0x1FD50] =	vst v1  }
0xba: {  	v1 =	vor.u32 v33, v21;
	[tilespmem:$0x1FCE0] =	vst v0;
	v0 =	vld.idx.msk [tilespmem:v15+s16+$0x0], $0xffff;
	_ =	sdelay $0x3  }
0xbb: {  	[tilespmem:$0x1FD10] =	vst v2  }
0xbc: {  	v2 =	vor.u32 v32, v21;
	[tilespmem:$0x1FCC0] =	vst v0;
	v0 =	vld.idx.msk [tilespmem:v1+s16+$0x0], $0xffff;
	_ =	sdelay $0x4  }
0xbd: {  	v33 =	vor.u32 v14, v21;
	[tilespmem:$0x1FCA0] =	vst v0;
	v0 =	vld.idx.msk [tilespmem:v2+s16+$0x0], $0xffff;
	_ =	sdelay $0x4  }
0xbe: {  	v34 =	vmov v14;
	v14 =	vor.u32 v50, v21;
	[tilespmem:$0x1FC80] =	vst v0;
	v0 =	vld.idx.msk [tilespmem:v33+s16+$0x0], $0xffff;
	_ =	sdelay $0x3  }
0xbf: {  	[tilespmem:$0x1FCD0] =	vst v12  }
0xc0: {  	v12 =	vor.u32 v40, v21;
	[tilespmem:$0x1FC60] =	vst v0;
	v0 =	vld.idx.msk [tilespmem:v14+s16+$0x0], $0xffff;
	_ =	sdelay $0x4  }
0xc1: {  	v39 =	vor.u32 v9, v21;
	[tilespmem:$0x1FC40] =	vst v0;
	v0 =	vld.idx.msk [tilespmem:v12+s16+$0x0], $0xffff;
	_ =	sdelay $0x4  }
0xc2: {  	v17 =	vor.u32 v19, v21;
	[tilespmem:$0x1FC30] =	vst v0;
	v0 =	vld.idx.msk [tilespmem:v39+s16+$0x0], $0xffff;
	_ =	sdelay $0x4  }
0xc3: {  	v19 =	vor.u32 v36, v21;
	[tilespmem:$0x1FC20] =	vst v0;
	v0 =	vld.idx.msk [tilespmem:v17+s16+$0x0], $0xffff;
	_ =	sdelay $0x2  }
0xc4: {  	v31 =	vld [tilespmem:$0x1FE70]  }
0xc5: {  	v29 =	vld [tilespmem:$0x1FE30]  }
0xc6: {  	v42 =	vor.u32 v38, v21;
	[tilespmem:$0x1FC10] =	vst v0;
	v0 =	vld.idx.msk [tilespmem:v19+s16+$0x0], $0xffff  }
0xc7: {  	v25 =	vld [tilespmem:$0x1FE20]  }
0xc8: {  	v24 =	vld [tilespmem:$0x1FE90]  }
0xc9: {  	v22 =	vor.u32 v37, v21  }
0xca: {  	v26 =	vld [tilespmem:$0x1FED0];
	v23 =	vor.u32 v29, v21  }
0xcb: {  	v44 =	vor.u32 v31, v21;
	[tilespmem:$0x1FC00] =	vst v0;
	v0 =	vld.idx.msk [tilespmem:v42+s16+$0x0], $0xffff  }
0xcc: {  	s30 =	simm.s32 $0x400;
	v16 =	vld [tilespmem:$0x1FEA0];
	v48 =	vor.u32 v25, v21  }
0xcd: {  	v49 =	vor.u32 v24, v21;
	v35 =	vld [tilespmem:s30+$0x0]  }
0xce: {  	v51 =	vor.u32 v6, v21;
	v52 =	vld.idx.msk [tilespmem:v22+s16+$0x0], $0xffff  }
0xcf: {  	v53 =	vor.u32 v5, v21;
	v54 =	vld.idx.msk [tilespmem:v23+s16+$0x0], $0xffff  }
0xd0: {  	[tilespmem:$0x1FBF0] =	vst v0;
	v0 =	vld.idx.msk [tilespmem:v44+s16+$0x0], $0xffff  }
0xd1: {  	v55 =	vor.u32 v3, v21;
	v56 =	vld.idx.msk [tilespmem:v48+s16+$0x0], $0xffff  }
0xd2: {  	v58 =	vld.idx.msk [tilespmem:v49+s16+$0x0], $0xffff  }
0xd3: {  	v60 =	vld.idx.msk [tilespmem:v51+s16+$0x0], $0xffff  }
0xd4: {  	v61 =	vld.idx.msk [tilespmem:v53+s17+$0x0], $0xffff;
	v35 =	vshll.u32 v35, $0x5  }
0xd5: {  	v53 =	vld.idx.msk [tilespmem:v53+s16+$0x0], $0xffff;
	[tilespmem:$0x1FBE0] =	vst v0;
	v0 =	vor.u32 v24, v35  }
0xd6: {  	v63 =	vld.idx.msk [tilespmem:v55+s16+$0x0], $0xffff  }
0xd7: {  	v55 =	vld.idx.msk [tilespmem:v55+s17+$0x0], $0xffff;
	v57 =	vor.u32 v3, v35  }
0xd8: {  	v51 =	vld.idx.msk [tilespmem:v51+s17+$0x0], $0xffff;
	v59 =	vor.u32 v5, v35  }
0xd9: {  	v49 =	vld.idx.msk [tilespmem:v49+s17+$0x0], $0xffff;
	v62 =	vor.u32 v6, v35  }
0xda: {  	v3 =	vld.idx.msk [tilespmem:v0+s10+$0x0], $0xffff;
	v0 =	vor.u32 v7, v35  }
0xdb: {  	v48 =	vld.idx.msk [tilespmem:v48+s17+$0x0], $0xffff  }
0xdc: {  	v57 =	vld.idx.msk [tilespmem:v57+s10+$0x0], $0xffff  }
0xdd: {  	[tilespmem:$0x1FC70] =	vst v1;
	v59 =	vld.idx.msk [tilespmem:v59+s10+$0x0], $0xffff;
	v1 =	vor.u32 v25, v35  }
0xde: {  	v62 =	vld.idx.msk [tilespmem:v62+s10+$0x0], $0xffff  }
0xdf: {  	v13 =	vmov v7;
	v9 =	vor.u32 v26, v21;
	v7 =	vld.idx.msk [tilespmem:v0+s10+$0x0], $0xffff  }
0xe0: {  	[tilespmem:$0x1FC90] =	vst v15;
	v0 =	vor.u32 v13, v21;
	v13 =	vld [tilespmem:$0x1FE60]  }
0xe1: {  	v20 =	vor.u32 v28, v21;
	[tilespmem:$0x1FC50] =	vst v2;
	v57 =	vadd.f32 v57, v63;
	v15 =	vld [tilespmem:$0x1FEB0];
	v2 =	vor.u32 v29, v35  }
0xe2: {  	[tilespmem:$0x1FCF0] =	vst v4;
	v53 =	vadd.f32 v59, v53;
	v4 =	vld.idx.msk [tilespmem:v1+s10+$0x0], $0xffff;
	v1 =	vor.u32 v10, v35  }
0xe3: {  	v47 =	vor.u32 v30, v21;
	v23 =	vld.idx.msk [tilespmem:v23+s17+$0x0], $0xffff;
	v60 =	vadd.f32 v62, v60;
	v55 =	vsub.f32 v57, v55  }
0xe4: {  	v8 =	vor.u32 v27, v21;
	[tilespmem:$0x1FCB0] =	vst v11;
	v11 =	vld.idx.msk [tilespmem:v9+s16+$0x0], $0xffff;
	v53 =	vsub.f32 v53, v61  }
0xe5: {  	v9 =	vld.idx.msk [tilespmem:v9+s17+$0x0], $0xffff;
	v51 =	vsub.f32 v60, v51;
	v55 =	vmul.f32 v55, v55;
	v59 =	vor.u32 v13, v21  }
0xe6: {  	v5 =	vor.u32 v15, v21;
	v6 =	vld.idx.msk [tilespmem:v2+s10+$0x0], $0xffff;
	v2 =	vor.u32 v16, v21;
	v21 =	vor.u32 v10, v21  }
0xe7: {  	v53 =	vmul.f32 v53, v53;
	v1 =	vld.idx.msk [tilespmem:v1+s10+$0x0], $0xffff;
	v3 =	vadd.f32 v3, v58;
	v58 =	vor.u32 v13, v35  }
0xe8: {  	v4 =	vadd.f32 v4, v56;
	v60 =	vld.idx.msk [tilespmem:v0+s16+$0x0], $0xffff  }
0xe9: {  	v53 =	vadd.f32 v53, v55;
	v3 =	vsub.f32 v3, v49;
	v49 =	vmul.f32 v51, v51;
	v0 =	vld.idx.msk [tilespmem:v0+s17+$0x0], $0xffff  }
0xea: {  	v61 =	vor.u32 v16, v35;
	v4 =	vsub.f32 v4, v48;
	v56 =	vld.idx.msk [tilespmem:v59+s16+$0x0], $0xffff  }
0xeb: {  	v6 =	vadd.f32 v6, v54;
	v49 =	vadd.f32 v49, v53;
	v3 =	vmul.f32 v3, v3;
	v51 =	vld.idx.msk [tilespmem:v21+s16+$0x0], $0xffff  }
0xec: {  	v48 =	vld.idx.msk [tilespmem:v58+s10+$0x0], $0xffff  }
0xed: {  	v4 =	vmul.f32 v4, v4;
	v6 =	vsub.f32 v6, v23;
	v3 =	vadd.f32 v3, v49;
	v21 =	vld.idx.msk [tilespmem:v21+s17+$0x0], $0xffff  }
0xee: {  	v57 =	vld.idx.msk [tilespmem:v2+s16+$0x0], $0xffff;
	v54 =	vor.u32 v15, v35;
	v7 =	vadd.f32 v7, v60  }
0xef: {  	v55 =	vor.u32 v26, v35;
	v6 =	vmul.f32 v6, v6;
	v3 =	vadd.f32 v4, v3;
	v58 =	vld.idx.msk [tilespmem:v59+s17+$0x0], $0xffff  }
0xf0: {  	v23 =	vld.idx.msk [tilespmem:v61+s10+$0x0], $0xffff;
	v0 =	vsub.f32 v7, v0;
	v1 =	vadd.f32 v1, v51  }
0xf1: {  	v62 =	vld.idx.msk [tilespmem:v5+s16+$0x0], $0xffff;
	v3 =	vadd.f32 v6, v3  }
0xf2: {  	v2 =	vld.idx.msk [tilespmem:v2+s17+$0x0], $0xffff;
	v0 =	vmul.f32 v0, v0;
	v7 =	vadd.f32 v48, v56;
	v1 =	vsub.f32 v1, v21  }
0xf3: {  	v53 =	vor.u32 v27, v35;
	v4 =	vld.idx.msk [tilespmem:v54+s10+$0x0], $0xffff;
	v59 =	vor.u32 v37, v35  }
0xf4: {  	v0 =	vadd.f32 v0, v3;
	v3 =	vsub.f32 v7, v58;
	v7 =	vld.idx.msk [tilespmem:v55+s10+$0x0], $0xffff;
	v1 =	vmul.f32 v1, v1  }
0xf5: {  	v5 =	vld.idx.msk [tilespmem:v5+s17+$0x0], $0xffff;
	v21 =	vadd.f32 v23, v57  }
0xf6: {  	v63 =	vld.idx.msk [tilespmem:v8+s16+$0x0], $0xffff;
	v0 =	vadd.f32 v1, v0;
	v1 =	vmul.f32 v3, v3;
	v3 =	vor.u32 v31, v35  }
0xf7: {  	v8 =	vld.idx.msk [tilespmem:v8+s17+$0x0], $0xffff;
	v23 =	vor.u32 v30, v35  }
0xf8: {  	v6 =	vld.idx.msk [tilespmem:v53+s10+$0x0], $0xffff;
	v4 =	vadd.f32 v4, v62;
	v2 =	vsub.f32 v21, v2  }
0xf9: {  	v48 =	vld.idx.msk [tilespmem:v59+s10+$0x0], $0xffff;
	v7 =	vadd.f32 v7, v11;
	v0 =	vadd.f32 v1, v0  }
0xfa: {  	v11 =	vld [tilespmem:$0x1FBE0];
	v1 =	vmul.f32 v2, v2;
	v2 =	vsub.f32 v4, v5;
	v4 =	vor.u32 v38, v35  }
0xfb: {  	v3 =	vld.idx.msk [tilespmem:v3+s10+$0x0], $0xffff  }
0xfc: {  	v21 =	vld.idx.msk [tilespmem:v23+s10+$0x0], $0xffff  }
0xfd: {  	v6 =	vadd.f32 v6, v63;
	v23 =	vld [tilespmem:$0x1FF20]  }
0xfe: {  	v5 =	vld.idx.msk [tilespmem:v22+s17+$0x0], $0xffff;
	v0 =	vadd.f32 v1, v0  }
0xff: {  	v1 =	vmul.f32 v2, v2;
	v2 =	vsub.f32 v6, v8;
	v6 =	vor.u32 v36, v35;
	v4 =	vld.idx.msk [tilespmem:v4+s10+$0x0], $0xffff  }
0x100: {  	v22 =	vadd.f32 v48, v52;
	v3 =	vadd.f32 v3, v11;
	v11 =	vld [tilespmem:$0x1FBF0]  }
0x101: {  	v0 =	vadd.f32 v1, v0;
	v1 =	vmul.f32 v2, v2;
	v2 =	vsub.f32 v7, v9;
	_ =	sdelay $0x1  }
0x102: {  	v0 =	vadd.f32 v1, v0;
	v1 =	vmul.f32 v2, v2;
	v2 =	vsub.f32 v22, v5;
	v22 =	vld [tilespmem:$0x1FF10]  }
0x103: {  	v7 =	vor.u32 v23, v35;
	v6 =	vld.idx.msk [tilespmem:v6+s10+$0x0], $0xffff  }
0x104: {  	v4 =	vadd.f32 v4, v11;
	v11 =	vld [tilespmem:$0x1FC00]  }
0x105: {  	v46 =	vld.idx.msk [tilespmem:v20+s16+$0x0], $0xffff;
	v62 =	vor.u32 v28, v35  }
0x106: {  	v18 =	vld.idx.msk [tilespmem:v47+s16+$0x0], $0xffff  }
0x107: {  	v8 =	vld.idx.msk [tilespmem:v47+s17+$0x0], $0xffff  }
0x108: {  	v7 =	vld.idx.msk [tilespmem:v7+s10+$0x0], $0xffff;
	v5 =	vor.u32 v22, v35  }
0x109: {  	v6 =	vadd.f32 v6, v11;
	v11 =	vld [tilespmem:$0x1FC10]  }
0x10a: {  	v10 =	vld.idx.msk [tilespmem:v62+s10+$0x0], $0xffff  }
0x10b: {  	v9 =	vld.idx.msk [tilespmem:v20+s17+$0x0], $0xffff;
	v20 =	vadd.f32 v21, v18  }
0x10c: {  	v0 =	vadd.f32 v1, v0  }
0x10d: {  	v1 =	vmul.f32 v2, v2;
	v2 =	vsub.f32 v20, v8;
	v8 =	vor.u32 v40, v35;
	v5 =	vld.idx.msk [tilespmem:v5+s10+$0x0], $0xffff  }
0x10e: {  	v7 =	vadd.f32 v7, v11;
	v11 =	vld [tilespmem:$0x1FC20];
	_ =	sdelay $0x1  }
0x10f: {  	v10 =	vadd.f32 v10, v46  }
0x110: {  	v21 =	vld.idx.msk [tilespmem:v44+s17+$0x0], $0xffff;
	v0 =	vadd.f32 v1, v0  }
0x111: {  	v1 =	vmul.f32 v2, v2;
	v2 =	vsub.f32 v10, v9;
	v9 =	vor.u32 v50, v35;
	v8 =	vld.idx.msk [tilespmem:v8+s10+$0x0], $0xffff  }
0x112: {  	v5 =	vadd.f32 v5, v11;
	v11 =	vld [tilespmem:$0x1FC30];
	_ =	sdelay $0x2  }
0x113: {  	v20 =	vld.idx.msk [tilespmem:v42+s17+$0x0], $0xffff;
	v0 =	vadd.f32 v1, v0  }
0x114: {  	v1 =	vmul.f32 v2, v2;
	v2 =	vsub.f32 v3, v21;
	v3 =	vor.u32 v34, v35;
	v9 =	vld.idx.msk [tilespmem:v9+s10+$0x0], $0xffff  }
0x115: {  	v8 =	vadd.f32 v8, v11;
	v11 =	vld [tilespmem:$0x1FC40];
	_ =	sdelay $0x1  }
0x116: {  	v17 =	vld.idx.msk [tilespmem:v17+s17+$0x0], $0xffff  }
0x117: {  	v10 =	vld.idx.msk [tilespmem:v19+s17+$0x0], $0xffff  }
0x118: {  	v0 =	vadd.f32 v1, v0;
	v3 =	vld.idx.msk [tilespmem:v3+s10+$0x0], $0xffff  }
0x119: {  	v1 =	vmul.f32 v2, v2;
	v2 =	vsub.f32 v4, v20;
	v9 =	vadd.f32 v9, v11;
	v11 =	vld [tilespmem:$0x1FC60];
	_ =	sdelay $0x1  }
0x11a: {  	v19 =	vld.idx.msk [tilespmem:v39+s17+$0x0], $0xffff;
	v0 =	vadd.f32 v1, v0;
	v1 =	vmul.f32 v2, v2  }
0x11b: {  	v2 =	vsub.f32 v6, v10  }
0x11c: {  	v4 =	vor.u32 v32, v35;
	v0 =	vadd.f32 v1, v0;
	v10 =	vld.idx.msk [tilespmem:v12+s17+$0x0], $0xffff  }
0x11d: {  	v1 =	vmul.f32 v2, v2;
	v2 =	vsub.f32 v7, v17;
	v3 =	vadd.f32 v3, v11;
	v11 =	vld [tilespmem:$0x1FC70]  }
0x11e: {  	v20 =	vld [tilespmem:$0x1FF70]  }
0x11f: {  	v0 =	vadd.f32 v1, v0;
	v1 =	vmul.f32 v2, v2;
	v2 =	vsub.f32 v5, v19;
	_ =	sdelay $0x1  }
0x120: {  	v0 =	vadd.f32 v1, v0;
	v1 =	vmul.f32 v2, v2;
	v2 =	vsub.f32 v8, v10;
	v10 =	vld [tilespmem:$0x1FC50]  }
0x121: {  	v4 =	vld.idx.msk [tilespmem:v4+s10+$0x0], $0xffff  }
0x122: {  	v6 =	vor.u32 v20, v35;
	v17 =	vld.idx.msk [tilespmem:v14+s17+$0x0], $0xffff  }
0x123: {  	v14 =	vld.idx.msk [tilespmem:v33+s17+$0x0], $0xffff  }
0x124: {  	v12 =	vld.idx.msk [tilespmem:v11+s17+$0x0], $0xffff  }
0x125: {  	v11 =	vld [tilespmem:$0x1FC80]  }
0x126: {  	v19 =	vld [tilespmem:$0x1FF00]  }
0x127: {  	v6 =	vld.idx.msk [tilespmem:v6+s10+$0x0], $0xffff;
	v0 =	vadd.f32 v1, v0;
	v1 =	vmul.f32 v2, v2;
	v2 =	vsub.f32 v9, v17  }
0x128: {  	v7 =	vor.u32 v43, v35;
	v10 =	vld.idx.msk [tilespmem:v10+s17+$0x0], $0xffff  }
0x129: {  	v0 =	vadd.f32 v1, v0;
	v1 =	vmul.f32 v2, v2;
	v2 =	vsub.f32 v3, v14;
	v14 =	vld [tilespmem:$0x1FCA0]  }
0x12a: {  	v4 =	vadd.f32 v4, v11;
	v11 =	vld [tilespmem:$0x1FC90]  }
0x12b: {  	v5 =	vor.u32 v19, v35  }
0x12c: {  	v18 =	vld [tilespmem:$0x1FCC0]  }
0x12d: {  	v7 =	vld.idx.msk [tilespmem:v7+s10+$0x0], $0xffff;
	v8 =	vor.u32 v41, v35  }
0x12e: {  	v0 =	vadd.f32 v1, v0;
	v1 =	vmul.f32 v2, v2;
	v2 =	vsub.f32 v4, v10;
	v10 =	vld [tilespmem:$0x1FCB0]  }
0x12f: {  	v17 =	vld [tilespmem:$0x1FF30];
	v6 =	vadd.f32 v6, v14  }
0x130: {  	v5 =	vld.idx.msk [tilespmem:v5+s10+$0x0], $0xffff  }
0x131: {  	v0 =	vadd.f32 v1, v0;
	v1 =	vmul.f32 v2, v2;
	v2 =	vsub.f32 v6, v12;
	v6 =	vld [tilespmem:$0x1FCD0]  }
0x132: {  	v11 =	vld.idx.msk [tilespmem:v11+s17+$0x0], $0xffff  }
0x133: {  	v8 =	vld.idx.msk [tilespmem:v8+s10+$0x0], $0xffff  }
0x134: {  	v14 =	vld [tilespmem:$0x1FEF0]  }
0x135: {  	v7 =	vadd.f32 v7, v18;
	v12 =	vld [tilespmem:$0x1FCE0]  }
0x136: {  	v10 =	vld.idx.msk [tilespmem:v10+s17+$0x0], $0xffff  }
0x137: {  	v0 =	vadd.f32 v1, v0;
	v1 =	vmul.f32 v2, v2;
	v2 =	vsub.f32 v7, v11;
	v7 =	vld [tilespmem:$0x1FCF0]  }
0x138: {  	v9 =	vor.u32 v17, v35;
	v11 =	vld [tilespmem:$0x1FD00];
	_ =	sdelay $0x1  }
0x139: {  	v5 =	vadd.f32 v5, v12;
	v6 =	vld.idx.msk [tilespmem:v6+s17+$0x0], $0xffff  }
0x13a: {  	v3 =	vor.u32 v45, v35  }
0x13b: {  	v0 =	vadd.f32 v1, v0;
	v1 =	vmul.f32 v2, v2;
	v2 =	vsub.f32 v5, v10;
	v5 =	vld [tilespmem:$0x1FD10]  }
0x13c: {  	v9 =	vld.idx.msk [tilespmem:v9+s10+$0x0], $0xffff;
	v4 =	vor.u32 v14, v35;
	v8 =	vadd.f32 v8, v11  }
0x13d: {  	v10 =	vld [tilespmem:$0x1FD20]  }
0x13e: {  	v0 =	vadd.f32 v1, v0;
	v1 =	vmul.f32 v2, v2;
	v2 =	vsub.f32 v8, v6;
	v6 =	vld [tilespmem:$0x1FD30]  }
0x13f: {  	v7 =	vld.idx.msk [tilespmem:v7+s17+$0x0], $0xffff  }
0x140: {  	v3 =	vld.idx.msk [tilespmem:v3+s10+$0x0], $0xffff  }
0x141: {  	v4 =	vld.idx.msk [tilespmem:v4+s10+$0x0], $0xffff  }
0x142: {  	v9 =	vadd.f32 v9, v10;
	v8 =	vld [tilespmem:$0x1FD40]  }
0x143: {  	v5 =	vld.idx.msk [tilespmem:v5+s17+$0x0], $0xffff  }
0x144: {  	v0 =	vadd.f32 v1, v0;
	v1 =	vmul.f32 v2, v2;
	v2 =	vsub.f32 v9, v7;
	v7 =	vld [tilespmem:$0x1FD50];
	_ =	sdelay $0x1  }
0x145: {  	v6 =	vld.idx.msk [tilespmem:v6+s17+$0x0], $0xffff  }
0x146: {  	v3 =	vadd.f32 v3, v8  }
0x147: {  	v0 =	vadd.f32 v1, v0  }
0x148: {  	v1 =	vmul.f32 v2, v2;
	v2 =	vsub.f32 v3, v5;
	v4 =	vadd.f32 v4, v7;
	_ =	sdelay $0x1  }
0x149: {  	v0 =	vadd.f32 v1, v0;
	v1 =	vmul.f32 v2, v2;
	v2 =	vsub.f32 v4, v6;
	_ =	sdelay $0x1  }
0x14a: {  	v0 =	vadd.f32 v1, v0;
	v1 =	vmul.f32 v2, v2;
	_ =	sdelay $0x1  }
0x14b: {  	v0 =	vadd.f32 v1, v0;
	_ =	sdelay $0x1  }
0x14c: {  	v1 =	vmax.f32 v0, $1.000000000e-30  }
0x14d: {  	v2 =	vshra.s32 v1, $0x1;
	v1 =	vmul.f32 $5.000000000e-01, v1  }
0x14e: {  	v2 =	vsub.s32 $0x5F3759DF, v2  }
0x14f: {  	v3 =	vmul.f32 v2, v1;
	_ =	sdelay $0x1  }
0x150: {  	v3 =	vmul.f32 v2, v3;
	_ =	sdelay $0x1  }
0x151: {  	v3 =	vsub.f32 $1.500000000e+00, v3;
	_ =	sdelay $0x1  }
0x152: {  	v2 =	vmul.f32 v2, v3;
	_ =	sdelay $0x1  }
0x153: {  	v3 =	vmul.f32 v2, v1;
	_ =	sdelay $0x1  }
0x154: {  	v3 =	vmul.f32 v3, v2;
	_ =	sdelay $0x1  }
0x155: {  	v3 =	vsub.f32 $1.500000000e+00, v3;
	_ =	sdelay $0x1  }
0x156: {  	v2 =	vmul.f32 v3, v2;
	_ =	sdelay $0x1  }
0x157: {  	v4 =	vld [tilespmem:$0x1FE80];
	v1 =	vmul.f32 v2, v1;
	_ =	sdelay $0x1  }
0x158: {  	s31 =	simm.s32 $0x10;
	v1 =	vmul.f32 v1, v2  }
0x159: {  	v3 =	vmov s31  }
0x15a: {  	v3 =	vshll.u32 v3, $0x7;
	v1 =	vsub.f32 $1.500000000e+00, v1  }
0x15b: {  	v18 =	vor.u32 v4, v3  }
0x15c: {  	v3 =	vor.u32 v14, v18;
	v1 =	vmul.f32 v1, v2;
	_ =	sdelay $0x1  }
0x15d: {  	v0 =	vmul.f32 v1, v0  }
0x15e: {  	s23 =	simm.s32 $0x18600  }
0x15f: {  	[tilespmem:s23+$0x0] =	vst v0  }
0x160: {  	v2 =	vor.u32 v45, v18;
	v0 =	vld.idx.msk [tilespmem:v3+s16+$0x0], $0xffff;
	_ =	sdelay $0x4  }
0x161: {  	v60 =	vmov v37;
	v37 =	vor.u32 v17, v18;
	[tilespmem:$0x1FD70] =	vst v0;
	v0 =	vld.idx.msk [tilespmem:v2+s16+$0x0], $0xffff;
	_ =	sdelay $0x4  }
0x162: {  	v39 =	vor.u32 v41, v18;
	[tilespmem:$0x1FD90] =	vst v0;
	v0 =	vld.idx.msk [tilespmem:v37+s16+$0x0], $0xffff;
	_ =	sdelay $0x4  }
0x163: {  	v41 =	vor.u32 v19, v18;
	[tilespmem:$0x1FDA0] =	vst v0;
	v0 =	vld.idx.msk [tilespmem:v39+s16+$0x0], $0xffff;
	_ =	sdelay $0x4  }
0x164: {  	v43 =	vor.u32 v43, v18;
	[tilespmem:$0x1FDB0] =	vst v0;
	v0 =	vld.idx.msk [tilespmem:v41+s16+$0x0], $0xffff  }
0x165: {  	v11 =	vld [tilespmem:$0x1FE50]  }
0x166: {  	v49 =	vor.u32 v34, v18  }
0x167: {  	v51 =	vor.u32 v50, v18  }
0x168: {  	v53 =	vor.u32 v40, v18  }
0x169: {  	v45 =	vor.u32 v20, v18;
	[tilespmem:$0x1FDC0] =	vst v0;
	v0 =	vld.idx.msk [tilespmem:v43+s16+$0x0], $0xffff  }
0x16a: {  	v55 =	vor.u32 v22, v18;
	v19 =	vor.u32 v11, v18;
	v11 =	vld [tilespmem:$0x1FE40]  }
0x16b: {  	v57 =	vor.u32 v23, v18;
	v50 =	vld.idx.msk [tilespmem:v49+s16+$0x0], $0xffff  }
0x16c: {  	v59 =	vor.u32 v36, v18;
	v52 =	vld.idx.msk [tilespmem:v51+s16+$0x0], $0xffff  }
0x16d: {  	v61 =	vor.u32 v38, v18;
	v54 =	vld.idx.msk [tilespmem:v53+s16+$0x0], $0xffff  }
0x16e: {  	v47 =	vor.u32 v32, v18;
	[tilespmem:$0x1FDD0] =	vst v0;
	v0 =	vld.idx.msk [tilespmem:v45+s16+$0x0], $0xffff  }
0x16f: {  	v63 =	vor.u32 v31, v18;
	v56 =	vld.idx.msk [tilespmem:v55+s16+$0x0], $0xffff  }
0x170: {  	v5 =	vor.u32 v60, v18;
	v58 =	vld.idx.msk [tilespmem:v57+s16+$0x0], $0xffff  }
0x171: {  	v7 =	vor.u32 v26, v18;
	v60 =	vld.idx.msk [tilespmem:v59+s16+$0x0], $0xffff  }
0x172: {  	v9 =	vor.u32 v27, v18;
	v62 =	vld.idx.msk [tilespmem:v61+s16+$0x0], $0xffff  }
0x173: {  	v12 =	vor.u32 v15, v18;
	[tilespmem:$0x1FDE0] =	vst v0;
	v0 =	vld.idx.msk [tilespmem:v47+s16+$0x0], $0xffff  }
0x174: {  	v14 =	vor.u32 v16, v18;
	v1 =	vld.idx.msk [tilespmem:v63+s16+$0x0], $0xffff  }
0x175: {  	v6 =	vld.idx.msk [tilespmem:v5+s16+$0x0], $0xffff  }
0x176: {  	v16 =	vor.u32 v13, v18;
	v8 =	vld.idx.msk [tilespmem:v7+s16+$0x0], $0xffff  }
0x177: {  	[tilespmem:$0x1FD60] =	vst v3;
	v3 =	vor.u32 v30, v18;
	v10 =	vld.idx.msk [tilespmem:v9+s16+$0x0], $0xffff  }
0x178: {  	v13 =	vld.idx.msk [tilespmem:v12+s16+$0x0], $0xffff;
	[tilespmem:$0x1FDF0] =	vst v0;
	v0 =	vor.u32 v28, v18  }
0x179: {  	s24 =	simm.s32 $0x410;
	v15 =	vld.idx.msk [tilespmem:v14+s16+$0x0], $0xffff  }
0x17a: {  	v20 =	vor.u32 v11, v18;
	v11 =	vld [tilespmem:s24+$0x0]  }
0x17b: {  	v17 =	vld.idx.msk [tilespmem:v16+s16+$0x0], $0xffff  }
0x17c: {  	v46 =	vmov v24;
	v21 =	vor.u32 v29, v18;
	v4 =	vld.idx.msk [tilespmem:v3+s16+$0x0], $0xffff  }
0x17d: {  	s25 =	simm.s32 $0x20;
	v33 =	vmov v25;
	v22 =	vor.u32 v25, v18;
	v23 =	vor.u32 v24, v18;
	[tilespmem:$0x1FD80] =	vst v2;
	v2 =	vld.idx.msk [tilespmem:v0+s16+$0x0], $0xffff  }
.LBB2_6:
0x17e: {  	v38 =	vld [tilespmem:$0x1FE10]  }
0x17f: {  	v25 =	vld.idx.msk [tilespmem:v19+s16+$0x0], $0xffff  }
0x180: {  	v32 =	vld [tilespmem:$0x1FE00]  }
0x181: {  	v27 =	vld.idx.msk [tilespmem:v20+s16+$0x0], $0xffff  }
0x182: {  	v28 =	vld.idx.msk [tilespmem:v21+s16+$0x0], $0xffff  }
0x183: {  	v29 =	vld.idx.msk [tilespmem:v22+s16+$0x0], $0xffff  }
0x184: {  	v31 =	vld.idx.msk [tilespmem:v23+s16+$0x0], $0xffff  }
0x185: {  	v48 =	vld [tilespmem:$0x1FE40]  }
0x186: {  	v23 =	vld.idx.msk [tilespmem:v23+s17+$0x0], $0xffff  }
0x187: {  	v22 =	vld.idx.msk [tilespmem:v22+s17+$0x0], $0xffff  }
0x188: {  	v21 =	vld.idx.msk [tilespmem:v21+s17+$0x0], $0xffff  }
0x189: {  	v20 =	vld.idx.msk [tilespmem:v20+s17+$0x0], $0xffff  }
0x18a: {  	v19 =	vld.idx.msk [tilespmem:v19+s17+$0x0], $0xffff  }
0x18b: {  	v16 =	vld.idx.msk [tilespmem:v16+s17+$0x0], $0xffff  }
0x18c: {  	v14 =	vld.idx.msk [tilespmem:v14+s17+$0x0], $0xffff  }
0x18d: {  	v12 =	vld.idx.msk [tilespmem:v12+s17+$0x0], $0xffff  }
0x18e: {  	v9 =	vld.idx.msk [tilespmem:v9+s17+$0x0], $0xffff;
	v24 =	vor.u32 v38, v18  }
0x18f: {  	v7 =	vld.idx.msk [tilespmem:v7+s17+$0x0], $0xffff;
	v26 =	vor.u32 v32, v18  }
0x190: {  	v30 =	vlaneseq.u32;
	v5 =	vld.idx.msk [tilespmem:v5+s17+$0x0], $0xffff;
	v11 =	vshll.u32 v11, $0x5  }
0x191: {  	v18 =	vor.u32 v30, v18;
	v42 =	vor.u32 v46, v11;
	v46 =	vld [tilespmem:$0x1FE30]  }
0x192: {  	v30 =	vor.u32 v30, v11;
	v44 =	vor.u32 v33, v11;
	v33 =	vor.u32 v48, v11;
	v48 =	vld [tilespmem:$0x1FE50]  }
0x193: {  	v32 =	vor.u32 v32, v11;
	v34 =	vld.idx.msk [tilespmem:v24+s16+$0x0], $0xffff  }
0x194: {  	v36 =	vld.idx.msk [tilespmem:v26+s17+$0x0], $0xffff  }
0x195: {  	v38 =	vor.u32 v38, v11;
	v26 =	vld.idx.msk [tilespmem:v26+s16+$0x0], $0xffff  }
0x196: {  	v40 =	vld.idx.msk [tilespmem:v18+s16+$0x0], $0xffff  }
0x197: {  	v30 =	vld.idx.msk [tilespmem:v30+s10+$0x0], $0xffff  }
0x198: {  	v32 =	vld.idx.msk [tilespmem:v32+s10+$0x0], $0xffff  }
0x199: {  	v42 =	vld.idx.msk [tilespmem:v42+s10+$0x0], $0xffff  }
0x19a: {  	v38 =	vld.idx.msk [tilespmem:v38+s10+$0x0], $0xffff  }
0x19b: {  	v18 =	vld.idx.msk [tilespmem:v18+s17+$0x0], $0xffff;
	v46 =	vor.u32 v46, v11  }
0x19c: {  	v44 =	vld.idx.msk [tilespmem:v44+s10+$0x0], $0xffff  }
0x19d: {  	v26 =	vadd.f32 v32, v26;
	v32 =	vor.u32 v48, v11;
	v48 =	vld [tilespmem:$0x1FE60]  }
0x19e: {  	v31 =	vadd.f32 v42, v31;
	v42 =	vld [tilespmem:$0x1FEA0]  }
0x19f: {  	v24 =	vld.idx.msk [tilespmem:v24+s17+$0x0], $0xffff;
	v30 =	vadd.f32 v30, v40  }
0x1a0: {  	v34 =	vadd.f32 v38, v34;
	v38 =	vld.idx.msk [tilespmem:v46+s10+$0x0], $0xffff  }
0x1a1: {  	v40 =	vld [tilespmem:$0x1FEB0];
	v18 =	vsub.f32 v30, v18;
	v26 =	vsub.f32 v26, v36  }
0x1a2: {  	v29 =	vadd.f32 v44, v29;
	v44 =	vld [tilespmem:$0x1FEC0];
	v30 =	vor.u32 v48, v11  }
0x1a3: {  	v33 =	vld.idx.msk [tilespmem:v33+s10+$0x0], $0xffff;
	v18 =	vmul.f32 v18, v18;
	v26 =	vmul.f32 v26, v26;
	v36 =	vor.u32 v42, v11  }
0x1a4: {  	v3 =	vld.idx.msk [tilespmem:v3+s17+$0x0], $0xffff;
	v24 =	vsub.f32 v34, v24  }
0x1a5: {  	v18 =	vadd.f32 v26, v18;
	v26 =	vadd.f32 v38, v28;
	v38 =	vld [tilespmem:$0x1FFC0]  }
0x1a6: {  	v23 =	vsub.f32 v31, v23;
	v24 =	vmul.f32 v24, v24;
	v32 =	vld.idx.msk [tilespmem:v32+s10+$0x0], $0xffff;
	v34 =	vor.u32 v40, v11  }
0x1a7: {  	v22 =	vsub.f32 v29, v22;
	v28 =	vld.idx.msk [tilespmem:v30+s10+$0x0], $0xffff;
	v30 =	vor.u32 v44, v11  }
0x1a8: {  	v23 =	vmul.f32 v23, v23;
	v18 =	vadd.f32 v24, v18;
	v24 =	vadd.f32 v33, v27;
	v27 =	vld.idx.msk [tilespmem:v36+s10+$0x0], $0xffff  }
0x1a9: {  	v22 =	vmul.f32 v22, v22;
	v36 =	vld [tilespmem:$0x1FED0]  }
0x1aa: {  	v0 =	vld.idx.msk [tilespmem:v0+s17+$0x0], $0xffff;
	v21 =	vsub.f32 v26, v21;
	v18 =	vadd.f32 v23, v18;
	v26 =	vor.u32 v38, v11  }
0x1ab: {  	v23 =	vadd.f32 v32, v25;
	v25 =	vld.idx.msk [tilespmem:v34+s10+$0x0], $0xffff  }
0x1ac: {  	v18 =	vadd.f32 v22, v18;
	v22 =	vld.idx.msk [tilespmem:v30+s10+$0x0], $0xffff  }
0x1ad: {  	v17 =	vadd.f32 v28, v17;
	v30 =	vld [tilespmem:$0x1FF80]  }
0x1ae: {  	v29 =	vor.u32 v36, v11;
	v15 =	vadd.f32 v27, v15;
	v27 =	vld [tilespmem:$0x1FF90]  }
0x1af: {  	v16 =	vsub.f32 v17, v16;
	v17 =	vld.idx.msk [tilespmem:v26+s10+$0x0], $0xffff  }
0x1b0: {  	v20 =	vsub.f32 v24, v20;
	v24 =	vld [tilespmem:$0x1FFA0]  }
0x1b1: {  	v21 =	vmul.f32 v21, v21;
	v32 =	vld [tilespmem:$0x1FFE0]  }
0x1b2: {  	v20 =	vmul.f32 v20, v20;
	v13 =	vadd.f32 v25, v13;
	v25 =	vld [tilespmem:$0x1FE70]  }
0x1b3: {  	v19 =	vsub.f32 v23, v19;
	v18 =	vadd.f32 v21, v18;
	v34 =	vor.u32 v30, v11;
	v21 =	vld.idx.msk [tilespmem:v29+s10+$0x0], $0xffff  }
0x1b4: {  	v23 =	vor.u32 v27, v11;
	v10 =	vadd.f32 v22, v10;
	v22 =	vld [tilespmem:$0x1FF40];
	v6 =	vadd.f32 v17, v6  }
0x1b5: {  	v19 =	vmul.f32 v19, v19;
	v18 =	vadd.f32 v20, v18;
	v17 =	vld [tilespmem:$0x1FF60]  }
0x1b6: {  	v5 =	vsub.f32 v6, v5;
	v6 =	vld.idx.msk [tilespmem:v63+s17+$0x0], $0xffff  }
0x1b7: {  	v14 =	vsub.f32 v15, v14;
	v18 =	vadd.f32 v19, v18;
	v16 =	vmul.f32 v16, v16;
	v63 =	vld [tilespmem:$0x1FF50]  }
0x1b8: {  	v20 =	vor.u32 v25, v11;
	v15 =	vld.idx.msk [tilespmem:v34+s10+$0x0], $0xffff  }
0x1b9: {  	v12 =	vsub.f32 v13, v12;
	v14 =	vmul.f32 v14, v14;
	v16 =	vadd.f32 v16, v18;
	v13 =	vld.idx.msk [tilespmem:v23+s10+$0x0], $0xffff  }
0x1ba: {  	v19 =	vor.u32 v24, v11;
	v9 =	vsub.f32 v10, v9;
	v23 =	vld [tilespmem:$0x1FF20]  }
0x1bb: {  	v12 =	vmul.f32 v12, v12;
	v14 =	vadd.f32 v14, v16;
	v8 =	vadd.f32 v21, v8;
	v21 =	vld [tilespmem:$0x1FF10]  }
0x1bc: {  	v18 =	vor.u32 v22, v11;
	v34 =	vld [tilespmem:$0x1FFF0]  }
0x1bd: {  	v9 =	vmul.f32 v9, v9;
	v10 =	vld.idx.msk [tilespmem:v20+s10+$0x0], $0xffff;
	v12 =	vadd.f32 v12, v14  }
0x1be: {  	v20 =	vld [tilespmem:$0x1FF00];
	v7 =	vsub.f32 v8, v7  }
0x1bf: {  	v8 =	vld.idx.msk [tilespmem:v19+s10+$0x0], $0xffff;
	v9 =	vadd.f32 v9, v12;
	v16 =	vor.u32 v23, v11  }
0x1c0: {  	v19 =	vld [tilespmem:$0x1FEE0];
	v7 =	vmul.f32 v7, v7;
	v4 =	vadd.f32 v15, v4;
	v14 =	vor.u32 v21, v11  }
0x1c1: {  	v2 =	vadd.f32 v13, v2;
	v12 =	vld.idx.msk [tilespmem:v18+s10+$0x0], $0xffff;
	v13 =	vor.u32 v34, v11  }
0x1c2: {  	v5 =	vmul.f32 v5, v5;
	v7 =	vadd.f32 v7, v9;
	v3 =	vsub.f32 v4, v3;
	v4 =	vld.idx.msk [tilespmem:v61+s17+$0x0], $0xffff  }
0x1c3: {  	v1 =	vadd.f32 v10, v1;
	v0 =	vsub.f32 v2, v0;
	v2 =	vld.idx.msk [tilespmem:v59+s17+$0x0], $0xffff  }
0x1c4: {  	v5 =	vadd.f32 v5, v7;
	v3 =	vmul.f32 v3, v3;
	v9 =	vld.idx.msk [tilespmem:v16+s10+$0x0], $0xffff  }
0x1c5: {  	v10 =	vor.u32 v32, v11;
	v1 =	vsub.f32 v1, v6;
	v7 =	vadd.f32 v8, v62;
	v8 =	vld.idx.msk [tilespmem:v14+s10+$0x0], $0xffff  }
0x1c6: {  	v0 =	vmul.f32 v0, v0;
	v6 =	vadd.f32 v12, v60;
	v12 =	vld.idx.msk [tilespmem:v13+s10+$0x0], $0xffff;
	v3 =	vadd.f32 v3, v5  }
0x1c7: {  	v5 =	vld.idx.msk [tilespmem:v57+s17+$0x0], $0xffff  }
0x1c8: {  	v1 =	vmul.f32 v1, v1;
	v16 =	vld [tilespmem:$0x1FF70];
	v0 =	vadd.f32 v0, v3;
	v3 =	vsub.f32 v7, v4  }
0x1c9: {  	v14 =	vor.u32 v19, v11;
	v2 =	vsub.f32 v6, v2;
	v4 =	vld.idx.msk [tilespmem:v55+s17+$0x0], $0xffff  }
0x1ca: {  	v7 =	vadd.f32 v9, v58;
	v9 =	vld.idx.msk [tilespmem:v10+s10+$0x0], $0xffff;
	v0 =	vadd.f32 v1, v0;
	v1 =	vmul.f32 v3, v3  }
0x1cb: {  	v13 =	vor.u32 v17, v11;
	v3 =	vld.idx.msk [tilespmem:v53+s17+$0x0], $0xffff;
	v6 =	vadd.f32 v8, v56  }
0x1cc: {  	v60 =	vld [tilespmem:$0x1FFD0];
	v0 =	vadd.f32 v1, v0;
	v1 =	vmul.f32 v2, v2;
	v2 =	vsub.f32 v7, v5  }
0x1cd: {  	v5 =	vld.idx.msk [tilespmem:v51+s17+$0x0], $0xffff;
	v7 =	vadd.f32 v12, v54  }
0x1ce: {  	v61 =	vld [tilespmem:$0x1FFB0];
	v0 =	vadd.f32 v1, v0;
	v1 =	vmul.f32 v2, v2;
	v2 =	vsub.f32 v6, v4  }
0x1cf: {  	v10 =	vor.u32 v16, v11;
	v8 =	vld.idx.msk [tilespmem:v14+s10+$0x0], $0xffff;
	v6 =	vadd.f32 v9, v52  }
0x1d0: {  	v12 =	vld.idx.msk [tilespmem:v13+s10+$0x0], $0xffff;
	v0 =	vadd.f32 v1, v0;
	v1 =	vmul.f32 v2, v2;
	v2 =	vsub.f32 v7, v3  }
0x1d1: {  	v14 =	vor.u32 v60, v11;
	v4 =	vld.idx.msk [tilespmem:v49+s17+$0x0], $0xffff  }
0x1d2: {  	v0 =	vadd.f32 v1, v0;
	v1 =	vmul.f32 v2, v2;
	v2 =	vsub.f32 v6, v5;
	v6 =	vld [tilespmem:$0x1FDF0]  }
0x1d3: {  	v62 =	vld [tilespmem:$0x1FF30]  }
0x1d4: {  	v3 =	vld.idx.msk [tilespmem:v47+s17+$0x0], $0xffff;
	v7 =	vadd.f32 v8, v50  }
0x1d5: {  	v9 =	vld.idx.msk [tilespmem:v10+s10+$0x0], $0xffff  }
0x1d6: {  	v0 =	vadd.f32 v1, v0;
	v1 =	vmul.f32 v2, v2;
	v2 =	vsub.f32 v7, v4;
	v7 =	vld [tilespmem:$0x1FDE0]  }
0x1d7: {  	v13 =	vor.u32 v20, v11;
	v8 =	vld.idx.msk [tilespmem:v14+s10+$0x0], $0xffff;
	v6 =	vadd.f32 v12, v6  }
0x1d8: {  	v10 =	vor.u32 v61, v11;
	v5 =	vld.idx.msk [tilespmem:v45+s17+$0x0], $0xffff  }
0x1d9: {  	v0 =	vadd.f32 v1, v0;
	v1 =	vmul.f32 v2, v2;
	v2 =	vsub.f32 v6, v3;
	v6 =	vld [tilespmem:$0x1FDD0]  }
0x1da: {  	v15 =	vld [tilespmem:$0x1FEF0]  }
0x1db: {  	v4 =	vld.idx.msk [tilespmem:v43+s17+$0x0], $0xffff;
	v7 =	vadd.f32 v9, v7  }
0x1dc: {  	v12 =	vld.idx.msk [tilespmem:v13+s10+$0x0], $0xffff  }
0x1dd: {  	v0 =	vadd.f32 v1, v0;
	v1 =	vmul.f32 v2, v2;
	v2 =	vsub.f32 v7, v5;
	v7 =	vld [tilespmem:$0x1FDC0]  }
0x1de: {  	v14 =	vor.u32 v62, v11;
	v9 =	vld.idx.msk [tilespmem:v10+s10+$0x0], $0xffff;
	v6 =	vadd.f32 v8, v6  }
0x1df: {  	v3 =	vld.idx.msk [tilespmem:v41+s17+$0x0], $0xffff  }
0x1e0: {  	v0 =	vadd.f32 v1, v0;
	v1 =	vmul.f32 v2, v2;
	v2 =	vsub.f32 v6, v4;
	v6 =	vld [tilespmem:$0x1FDB0];
	_ =	sdelay $0x1  }
0x1e1: {  	v5 =	vld.idx.msk [tilespmem:v39+s17+$0x0], $0xffff;
	v7 =	vadd.f32 v12, v7  }
0x1e2: {  	v13 =	vor.u32 v63, v11;
	v8 =	vld.idx.msk [tilespmem:v14+s10+$0x0], $0xffff  }
0x1e3: {  	v0 =	vadd.f32 v1, v0;
	v1 =	vmul.f32 v2, v2;
	v2 =	vsub.f32 v7, v3;
	v3 =	vld [tilespmem:$0x1FD80]  }
0x1e4: {  	v10 =	vor.u32 v15, v11;
	v7 =	vld [tilespmem:$0x1FDA0];
	v6 =	vadd.f32 v9, v6  }
0x1e5: {  	v4 =	vld.idx.msk [tilespmem:v37+s17+$0x0], $0xffff  }
0x1e6: {  	v0 =	vadd.f32 v1, v0;
	v1 =	vmul.f32 v2, v2;
	v2 =	vsub.f32 v6, v5;
	v5 =	vld [tilespmem:$0x1FD60];
	_ =	sdelay $0x1  }
0x1e7: {  	v11 =	vld.idx.msk [tilespmem:v13+s10+$0x0], $0xffff  }
0x1e8: {  	v9 =	vld.idx.msk [tilespmem:v10+s10+$0x0], $0xffff;
	v7 =	vadd.f32 v8, v7  }
0x1e9: {  	v6 =	vld [tilespmem:$0x1FD90]  }
0x1ea: {  	v0 =	vadd.f32 v1, v0;
	v1 =	vmul.f32 v2, v2;
	v2 =	vsub.f32 v7, v4;
	v4 =	vld [tilespmem:$0x1FD70]  }
0x1eb: {  	v3 =	vld.idx.msk [tilespmem:v3+s17+$0x0], $0xffff;
	_ =	sdelay $0x1  }
0x1ec: {  	v5 =	vld.idx.msk [tilespmem:v5+s17+$0x0], $0xffff  }
0x1ed: {  	v6 =	vadd.f32 v11, v6  }
0x1ee: {  	v0 =	vadd.f32 v1, v0  }
0x1ef: {  	v1 =	vmul.f32 v2, v2;
	v4 =	vadd.f32 v9, v4;
	v2 =	vsub.f32 v6, v3;
	_ =	sdelay $0x1  }
0x1f0: {  	v0 =	vadd.f32 v1, v0;
	v1 =	vmul.f32 v2, v2;
	v2 =	vsub.f32 v4, v5;
	_ =	sdelay $0x1  }
0x1f1: {  	v0 =	vadd.f32 v1, v0;
	v1 =	vmul.f32 v2, v2;
	_ =	sdelay $0x1  }
0x1f2: {  	v0 =	vadd.f32 v1, v0;
	_ =	sdelay $0x1  }
0x1f3: {  	v1 =	vmax.f32 v0, $1.000000000e-30  }
0x1f4: {  	v2 =	vshra.s32 v1, $0x1;
	v1 =	vmul.f32 $5.000000000e-01, v1  }
0x1f5: {  	v2 =	vsub.s32 $0x5F3759DF, v2  }
0x1f6: {  	v3 =	vmul.f32 v2, v1;
	_ =	sdelay $0x1  }
0x1f7: {  	v3 =	vmul.f32 v2, v3;
	_ =	sdelay $0x1  }
0x1f8: {  	v3 =	vsub.f32 $1.500000000e+00, v3;
	_ =	sdelay $0x1  }
0x1f9: {  	v2 =	vmul.f32 v2, v3;
	_ =	sdelay $0x1  }
0x1fa: {  	v3 =	vmul.f32 v2, v1;
	_ =	sdelay $0x1  }
0x1fb: {  	v3 =	vmul.f32 v3, v2;
	_ =	sdelay $0x1  }
0x1fc: {  	v3 =	vsub.f32 $1.500000000e+00, v3;
	_ =	sdelay $0x1  }
0x1fd: {  	v2 =	vmul.f32 v3, v2;
	_ =	sdelay $0x1  }
0x1fe: {  	v35 =	vld [tilespmem:$0x1FE80];
	v1 =	vmul.f32 v2, v1;
	_ =	sdelay $0x1  }
0x1ff: {  	v1 =	vmul.f32 v1, v2  }
0x200: {  	v3 =	vmov s25  }
0x201: {  	v3 =	vshll.u32 v3, $0x7;
	v1 =	vsub.f32 $1.500000000e+00, v1  }
0x202: {  	v18 =	vor.u32 v35, v3  }
0x203: {  	v3 =	vor.u32 v15, v18;
	v1 =	vmul.f32 v1, v2;
	_ =	sdelay $0x1  }
0x204: {  	v0 =	vmul.f32 v1, v0  }
0x205: {  	s23 =	sadd.s32 $0x10, s23  }
0x206: {  	[tilespmem:s23+$0x0] =	vst v0  }
0x207: {  	v2 =	vor.u32 v63, v18;
	v0 =	vld.idx.msk [tilespmem:v3+s16+$0x0], $0xffff;
	_ =	sdelay $0x4  }
0x208: {  	v37 =	vor.u32 v62, v18;
	[tilespmem:$0x1FD70] =	vst v0;
	v0 =	vld.idx.msk [tilespmem:v2+s16+$0x0], $0xffff;
	_ =	sdelay $0x4  }
0x209: {  	v39 =	vor.u32 v61, v18;
	[tilespmem:$0x1FD90] =	vst v0;
	v0 =	vld.idx.msk [tilespmem:v37+s16+$0x0], $0xffff;
	_ =	sdelay $0x4  }
0x20a: {  	v41 =	vor.u32 v20, v18;
	[tilespmem:$0x1FDA0] =	vst v0;
	v0 =	vld.idx.msk [tilespmem:v39+s16+$0x0], $0xffff;
	_ =	sdelay $0x4  }
0x20b: {  	v43 =	vor.u32 v60, v18;
	[tilespmem:$0x1FDB0] =	vst v0;
	v0 =	vld.idx.msk [tilespmem:v41+s16+$0x0], $0xffff  }
0x20c: {  	v11 =	vld [tilespmem:$0x1FE40]  }
0x20d: {  	v46 =	vld [tilespmem:$0x1FE90];
	v49 =	vor.u32 v19, v18  }
0x20e: {  	v33 =	vld [tilespmem:$0x1FE20];
	v51 =	vor.u32 v32, v18  }
0x20f: {  	v10 =	vld [tilespmem:$0x1FE50];
	v53 =	vor.u32 v34, v18  }
0x210: {  	v45 =	vor.u32 v16, v18;
	[tilespmem:$0x1FDC0] =	vst v0;
	v0 =	vld.idx.msk [tilespmem:v43+s16+$0x0], $0xffff  }
0x211: {  	v55 =	vor.u32 v21, v18;
	v20 =	vor.u32 v11, v18;
	v11 =	vld [tilespmem:$0x1FE30]  }
0x212: {  	v57 =	vor.u32 v23, v18;
	v50 =	vld.idx.msk [tilespmem:v49+s16+$0x0], $0xffff  }
0x213: {  	v59 =	vor.u32 v22, v18;
	v52 =	vld.idx.msk [tilespmem:v51+s16+$0x0], $0xffff  }
0x214: {  	v61 =	vor.u32 v24, v18;
	v54 =	vld.idx.msk [tilespmem:v53+s16+$0x0], $0xffff  }
0x215: {  	v47 =	vor.u32 v17, v18;
	[tilespmem:$0x1FDD0] =	vst v0;
	v0 =	vld.idx.msk [tilespmem:v45+s16+$0x0], $0xffff  }
0x216: {  	v63 =	vor.u32 v25, v18;
	v56 =	vld.idx.msk [tilespmem:v55+s16+$0x0], $0xffff  }
0x217: {  	v5 =	vor.u32 v38, v18;
	v58 =	vld.idx.msk [tilespmem:v57+s16+$0x0], $0xffff  }
0x218: {  	v7 =	vor.u32 v36, v18;
	v60 =	vld.idx.msk [tilespmem:v59+s16+$0x0], $0xffff  }
0x219: {  	v9 =	vor.u32 v44, v18;
	v62 =	vld.idx.msk [tilespmem:v61+s16+$0x0], $0xffff  }
0x21a: {  	v12 =	vor.u32 v40, v18;
	[tilespmem:$0x1FDE0] =	vst v0;
	v0 =	vld.idx.msk [tilespmem:v47+s16+$0x0], $0xffff  }
0x21b: {  	v14 =	vor.u32 v42, v18;
	v1 =	vld.idx.msk [tilespmem:v63+s16+$0x0], $0xffff  }
0x21c: {  	v6 =	vld.idx.msk [tilespmem:v5+s16+$0x0], $0xffff  }
0x21d: {  	v16 =	vor.u32 v48, v18;
	v8 =	vld.idx.msk [tilespmem:v7+s16+$0x0], $0xffff  }
0x21e: {  	v19 =	vor.u32 v10, v18;
	[tilespmem:$0x1FD60] =	vst v3;
	v3 =	vor.u32 v30, v18;
	v10 =	vld.idx.msk [tilespmem:v9+s16+$0x0], $0xffff  }
0x21f: {  	p0 =	sne.s32 s25, $0x70;
	v13 =	vld.idx.msk [tilespmem:v12+s16+$0x0], $0xffff;
	[tilespmem:$0x1FDF0] =	vst v0;
	v0 =	vor.u32 v27, v18  }
.Ltmp2:
0x220: {  	s24 =	sadd.s32 $0x10, s24;
	v15 =	vld.idx.msk [tilespmem:v14+s16+$0x0], $0xffff;
	(pc) =	sbr.rel @p0 .LBB2_6-.Ltmp2, $4  }
0x221: {  	v21 =	vor.u32 v11, v18;
	v11 =	vld [tilespmem:s24+$0x0]  }
0x222: {  	v17 =	vld.idx.msk [tilespmem:v16+s16+$0x0], $0xffff  }
0x223: {  	v4 =	vld.idx.msk [tilespmem:v3+s16+$0x0], $0xffff  }
0x224: {  	s25 =	sadd.s32 $0x10, s25;
	v22 =	vor.u32 v33, v18;
	v23 =	vor.u32 v46, v18;
	[tilespmem:$0x1FD80] =	vst v2;
	v2 =	vld.idx.msk [tilespmem:v0+s16+$0x0], $0xffff  }
0x225: {  	_ =	sdelay $0x1  }
0x226: {  	v27 =	vld [tilespmem:$0x1FE00]  }
0x227: {  	v32 =	vld [tilespmem:$0x1FE10]  }
0x228: {  	v36 =	vld.idx.msk [tilespmem:v23+s16+$0x0], $0xffff  }
0x229: {  	v38 =	vld [tilespmem:$0x1FE40]  }
0x22a: {  	v23 =	vld.idx.msk [tilespmem:v23+s17+$0x0], $0xffff  }
0x22b: {  	v16 =	vld.idx.msk [tilespmem:v16+s17+$0x0], $0xffff  }
0x22c: {  	v14 =	vld.idx.msk [tilespmem:v14+s17+$0x0], $0xffff  }
0x22d: {  	v12 =	vld.idx.msk [tilespmem:v12+s17+$0x0], $0xffff  }
0x22e: {  	v42 =	vlaneseq.u32;
	v9 =	vld.idx.msk [tilespmem:v9+s17+$0x0], $0xffff  }
0x22f: {  	v7 =	vld.idx.msk [tilespmem:v7+s17+$0x0], $0xffff;
	v25 =	vor.u32 v42, v18  }
0x230: {  	v5 =	vld.idx.msk [tilespmem:v5+s17+$0x0], $0xffff;
	v11 =	vshll.u32 v11, $0x5  }
0x231: {  	v3 =	vld.idx.msk [tilespmem:v3+s17+$0x0], $0xffff;
	v26 =	vor.u32 v42, v11  }
0x232: {  	v0 =	vld.idx.msk [tilespmem:v0+s17+$0x0], $0xffff;
	v31 =	vor.u32 v46, v11  }
0x233: {  	v40 =	vor.u32 v33, v11;
	v46 =	vld [tilespmem:$0x1FE30]  }
0x234: {  	v30 =	vld.idx.msk [tilespmem:v25+s16+$0x0], $0xffff  }
0x235: {  	v25 =	vld.idx.msk [tilespmem:v25+s17+$0x0], $0xffff  }
0x236: {  	v24 =	vor.u32 v27, v18;
	v26 =	vld.idx.msk [tilespmem:v26+s10+$0x0], $0xffff  }
0x237: {  	v31 =	vld.idx.msk [tilespmem:v31+s10+$0x0], $0xffff  }
0x238: {  	v27 =	vor.u32 v27, v11;
	v29 =	vor.u32 v32, v11;
	v18 =	vor.u32 v32, v18;
	v32 =	vld.idx.msk [tilespmem:v40+s10+$0x0], $0xffff  }
0x239: {  	v40 =	vld.idx.msk [tilespmem:v22+s16+$0x0], $0xffff  }
0x23a: {  	v22 =	vld.idx.msk [tilespmem:v22+s17+$0x0], $0xffff  }
0x23b: {  	v28 =	vld.idx.msk [tilespmem:v24+s17+$0x0], $0xffff  }
0x23c: {  	v34 =	vor.u32 v46, v11;
	v24 =	vld.idx.msk [tilespmem:v24+s16+$0x0], $0xffff  }
0x23d: {  	v38 =	vor.u32 v38, v11;
	v27 =	vld.idx.msk [tilespmem:v27+s10+$0x0], $0xffff  }
0x23e: {  	v29 =	vld.idx.msk [tilespmem:v29+s10+$0x0], $0xffff  }
0x23f: {  	v48 =	vld.idx.msk [tilespmem:v18+s16+$0x0], $0xffff  }
0x240: {  	v18 =	vld.idx.msk [tilespmem:v18+s17+$0x0], $0xffff  }
0x241: {  	v34 =	vld.idx.msk [tilespmem:v34+s10+$0x0], $0xffff;
	v26 =	vadd.f32 v26, v30  }
0x242: {  	v30 =	vld.idx.msk [tilespmem:v38+s10+$0x0], $0xffff  }
0x243: {  	v25 =	vsub.f32 v26, v25;
	v26 =	vld.idx.msk [tilespmem:v21+s16+$0x0], $0xffff  }
0x244: {  	v21 =	vld.idx.msk [tilespmem:v21+s17+$0x0], $0xffff  }
0x245: {  	v24 =	vadd.f32 v27, v24;
	v27 =	vld [tilespmem:$0x1FE50]  }
0x246: {  	v32 =	vadd.f32 v32, v40;
	v29 =	vadd.f32 v29, v48;
	v48 =	vld [tilespmem:$0x1FEA0]  }
0x247: {  	v24 =	vsub.f32 v24, v28;
	v28 =	vadd.f32 v31, v36;
	v31 =	vld [tilespmem:$0x1FE60]  }
0x248: {  	v18 =	vsub.f32 v29, v18;
	v29 =	vld.idx.msk [tilespmem:v20+s16+$0x0], $0xffff  }
0x249: {  	v22 =	vsub.f32 v32, v22;
	v32 =	vld [tilespmem:$0x1FFC0]  }
0x24a: {  	v25 =	vmul.f32 v25, v25;
	v24 =	vmul.f32 v24, v24;
	v23 =	vsub.f32 v28, v23;
	v28 =	vld [tilespmem:$0x1FEB0]  }
0x24b: {  	v20 =	vld.idx.msk [tilespmem:v20+s17+$0x0], $0xffff;
	v27 =	vor.u32 v27, v11  }
0x24c: {  	v18 =	vmul.f32 v18, v18;
	v33 =	vor.u32 v48, v11;
	v24 =	vadd.f32 v24, v25;
	v25 =	vld.idx.msk [tilespmem:v19+s16+$0x0], $0xffff  }
0x24d: {  	v26 =	vadd.f32 v34, v26;
	v31 =	vor.u32 v31, v11;
	v29 =	vadd.f32 v30, v29;
	v30 =	vld [tilespmem:$0x1FEC0]  }
0x24e: {  	v23 =	vmul.f32 v23, v23;
	v19 =	vld.idx.msk [tilespmem:v19+s17+$0x0], $0xffff  }
0x24f: {  	v21 =	vsub.f32 v26, v21;
	v26 =	vld [tilespmem:$0x1FED0];
	v18 =	vadd.f32 v18, v24;
	v28 =	vor.u32 v28, v11  }
0x250: {  	v27 =	vld.idx.msk [tilespmem:v27+s10+$0x0], $0xffff  }
0x251: {  	v18 =	vadd.f32 v23, v18;
	v23 =	vld.idx.msk [tilespmem:v33+s10+$0x0], $0xffff  }
0x252: {  	v22 =	vmul.f32 v22, v22;
	v24 =	vld.idx.msk [tilespmem:v31+s10+$0x0], $0xffff;
	v30 =	vor.u32 v30, v11  }
0x253: {  	v21 =	vmul.f32 v21, v21;
	v31 =	vld [tilespmem:$0x1FE70]  }
0x254: {  	v20 =	vsub.f32 v29, v20;
	v26 =	vor.u32 v26, v11;
	v18 =	vadd.f32 v22, v18;
	v22 =	vld.idx.msk [tilespmem:v28+s10+$0x0], $0xffff  }
0x255: {  	v25 =	vadd.f32 v27, v25;
	v27 =	vld [tilespmem:$0x1FF90]  }
0x256: {  	v20 =	vmul.f32 v20, v20;
	v18 =	vadd.f32 v21, v18;
	v28 =	vld [tilespmem:$0x1FFA0]  }
0x257: {  	v17 =	vadd.f32 v24, v17;
	v24 =	vor.u32 v32, v11;
	v19 =	vsub.f32 v25, v19;
	v21 =	vld.idx.msk [tilespmem:v30+s10+$0x0], $0xffff  }
0x258: {  	v25 =	vld [tilespmem:$0x1FF80]  }
0x259: {  	v18 =	vadd.f32 v20, v18;
	v16 =	vsub.f32 v17, v16;
	v17 =	vld.idx.msk [tilespmem:v26+s10+$0x0], $0xffff;
	v19 =	vmul.f32 v19, v19  }
0x25a: {  	v29 =	vld [tilespmem:$0x1FF60];
	v15 =	vadd.f32 v23, v15;
	v20 =	vor.u32 v27, v11  }
0x25b: {  	v30 =	vld [tilespmem:$0x1FF70];
	v18 =	vadd.f32 v19, v18;
	v19 =	vor.u32 v31, v11  }
0x25c: {  	v14 =	vsub.f32 v15, v14;
	v16 =	vmul.f32 v16, v16;
	v15 =	vld.idx.msk [tilespmem:v24+s10+$0x0], $0xffff  }
0x25d: {  	v13 =	vadd.f32 v22, v13;
	v22 =	vld [tilespmem:$0x1FF30];
	v23 =	vor.u32 v25, v11;
	v10 =	vadd.f32 v21, v10  }
0x25e: {  	v16 =	vadd.f32 v16, v18;
	v18 =	vld [tilespmem:$0x1FF40];
	v8 =	vadd.f32 v17, v8;
	v17 =	vor.u32 v28, v11  }
0x25f: {  	v9 =	vsub.f32 v10, v9;
	v10 =	vld.idx.msk [tilespmem:v20+s10+$0x0], $0xffff  }
0x260: {  	v14 =	vmul.f32 v14, v14;
	v12 =	vsub.f32 v13, v12;
	v7 =	vsub.f32 v8, v7;
	v8 =	vld.idx.msk [tilespmem:v19+s10+$0x0], $0xffff  }
0x261: {  	v19 =	vld [tilespmem:$0x1FF20];
	v6 =	vadd.f32 v15, v6  }
0x262: {  	v12 =	vmul.f32 v12, v12;
	v14 =	vadd.f32 v14, v16;
	v13 =	vld.idx.msk [tilespmem:v23+s10+$0x0], $0xffff  }
0x263: {  	v5 =	vsub.f32 v6, v5;
	v6 =	vld.idx.msk [tilespmem:v17+s10+$0x0], $0xffff  }
0x264: {  	v9 =	vmul.f32 v9, v9;
	v12 =	vadd.f32 v12, v14;
	v17 =	vld [tilespmem:$0x1FF10]  }
0x265: {  	v14 =	vld [tilespmem:$0x1FEE0];
	v15 =	vor.u32 v18, v11  }
0x266: {  	v7 =	vmul.f32 v7, v7;
	v9 =	vadd.f32 v9, v12;
	v12 =	vld.idx.msk [tilespmem:v63+s17+$0x0], $0xffff  }
0x267: {  	v63 =	vld [tilespmem:$0x1FFF0];
	v4 =	vadd.f32 v13, v4;
	v13 =	vor.u32 v19, v11  }
0x268: {  	v7 =	vadd.f32 v7, v9;
	v9 =	vld.idx.msk [tilespmem:v61+s17+$0x0], $0xffff  }
0x269: {  	v2 =	vadd.f32 v10, v2;
	v61 =	vld [tilespmem:$0x1FFE0];
	v10 =	vor.u32 v17, v11  }
0x26a: {  	v5 =	vmul.f32 v5, v5;
	v3 =	vsub.f32 v4, v3;
	v4 =	vld.idx.msk [tilespmem:v15+s10+$0x0], $0xffff  }
0x26b: {  	v16 =	vld [tilespmem:$0x1FF00];
	v1 =	vadd.f32 v8, v1  }
0x26c: {  	v0 =	vsub.f32 v2, v0;
	v5 =	vadd.f32 v5, v7;
	v3 =	vmul.f32 v3, v3;
	v2 =	vld.idx.msk [tilespmem:v13+s10+$0x0], $0xffff  }
0x26d: {  	v8 =	vor.u32 v63, v11;
	v6 =	vadd.f32 v6, v62;
	v1 =	vsub.f32 v1, v12;
	v13 =	vld.idx.msk [tilespmem:v59+s17+$0x0], $0xffff  }
0x26e: {  	v0 =	vmul.f32 v0, v0;
	v7 =	vor.u32 v61, v11;
	v3 =	vadd.f32 v3, v5;
	v5 =	vld.idx.msk [tilespmem:v10+s10+$0x0], $0xffff  }
0x26f: {  	v12 =	vld.idx.msk [tilespmem:v57+s17+$0x0], $0xffff;
	v4 =	vadd.f32 v4, v60;
	v10 =	vor.u32 v14, v11  }
0x270: {  	v1 =	vmul.f32 v1, v1;
	v60 =	vld [tilespmem:$0x1FFD0];
	v0 =	vadd.f32 v0, v3;
	v3 =	vsub.f32 v6, v9  }
0x271: {  	v9 =	vld.idx.msk [tilespmem:v55+s17+$0x0], $0xffff;
	v2 =	vadd.f32 v2, v58  }
0x272: {  	v6 =	vld.idx.msk [tilespmem:v8+s10+$0x0], $0xffff;
	v0 =	vadd.f32 v1, v0;
	v1 =	vsub.f32 v4, v13;
	v3 =	vmul.f32 v3, v3  }
0x273: {  	v8 =	vor.u32 v29, v11;
	v4 =	vld.idx.msk [tilespmem:v7+s10+$0x0], $0xffff;
	v5 =	vadd.f32 v5, v56  }
0x274: {  	v0 =	vadd.f32 v3, v0;
	v2 =	vsub.f32 v2, v12;
	v3 =	vld.idx.msk [tilespmem:v10+s10+$0x0], $0xffff;
	v1 =	vmul.f32 v1, v1  }
0x275: {  	v10 =	vor.u32 v60, v11;
	v12 =	vld.idx.msk [tilespmem:v51+s17+$0x0], $0xffff  }
0x276: {  	v13 =	vld.idx.msk [tilespmem:v53+s17+$0x0], $0xffff;
	v0 =	vadd.f32 v1, v0;
	v1 =	vsub.f32 v5, v9;
	v2 =	vmul.f32 v2, v2  }
0x277: {  	v62 =	vld [tilespmem:$0x1FFB0];
	v7 =	vor.u32 v30, v11  }
0x278: {  	v5 =	vld.idx.msk [tilespmem:v8+s10+$0x0], $0xffff;
	v4 =	vadd.f32 v4, v52;
	v0 =	vadd.f32 v2, v0;
	v1 =	vmul.f32 v1, v1  }
0x279: {  	v6 =	vadd.f32 v6, v54;
	v9 =	vld.idx.msk [tilespmem:v49+s17+$0x0], $0xffff  }
0x27a: {  	v8 =	vor.u32 v16, v11;
	v0 =	vadd.f32 v1, v0;
	v1 =	vsub.f32 v4, v12;
	v4 =	vld.idx.msk [tilespmem:v10+s10+$0x0], $0xffff  }
0x27b: {  	v2 =	vsub.f32 v6, v13;
	v10 =	vld [tilespmem:$0x1FDF0]  }
0x27c: {  	v6 =	vld.idx.msk [tilespmem:v7+s10+$0x0], $0xffff  }
0x27d: {  	v7 =	vor.u32 v62, v11;
	v13 =	vld.idx.msk [tilespmem:v47+s17+$0x0], $0xffff;
	v3 =	vadd.f32 v3, v50;
	v2 =	vmul.f32 v2, v2  }
0x27e: {  	v23 =	vld [tilespmem:$0x1FF50]  }
0x27f: {  	v0 =	vadd.f32 v2, v0;
	v2 =	vsub.f32 v3, v9;
	v3 =	vld.idx.msk [tilespmem:v8+s10+$0x0], $0xffff  }
0x280: {  	v1 =	vmul.f32 v1, v1;
	v8 =	vld [tilespmem:$0x1FDE0];
	v5 =	vadd.f32 v5, v10  }
0x281: {  	v12 =	vld.idx.msk [tilespmem:v45+s17+$0x0], $0xffff  }
0x282: {  	v0 =	vadd.f32 v1, v0;
	v10 =	vor.u32 v22, v11;
	v1 =	vsub.f32 v5, v13;
	v5 =	vld.idx.msk [tilespmem:v7+s10+$0x0], $0xffff  }
0x283: {  	v7 =	vld [tilespmem:$0x1FDD0]  }
0x284: {  	v13 =	vld [tilespmem:$0x1FEF0]  }
0x285: {  	v9 =	vld.idx.msk [tilespmem:v43+s17+$0x0], $0xffff;
	v2 =	vmul.f32 v2, v2;
	v6 =	vadd.f32 v6, v8;
	v8 =	vor.u32 v23, v11;
	_ =	sdelay $0x1  }
0x286: {  	v0 =	vadd.f32 v2, v0;
	v2 =	vsub.f32 v6, v12;
	v6 =	vld.idx.msk [tilespmem:v10+s10+$0x0], $0xffff  }
0x287: {  	v1 =	vmul.f32 v1, v1;
	v10 =	vld [tilespmem:$0x1FDC0];
	v4 =	vadd.f32 v4, v7  }
0x288: {  	v7 =	vor.u32 v13, v11;
	v11 =	vld.idx.msk [tilespmem:v41+s17+$0x0], $0xffff  }
0x289: {  	v0 =	vadd.f32 v1, v0;
	v1 =	vsub.f32 v4, v9;
	v4 =	vld.idx.msk [tilespmem:v8+s10+$0x0], $0xffff  }
0x28a: {  	v8 =	vld [tilespmem:$0x1FDB0];
	_ =	sdelay $0x1  }
0x28b: {  	v2 =	vmul.f32 v2, v2;
	v3 =	vadd.f32 v3, v10;
	v10 =	vld.idx.msk [tilespmem:v39+s17+$0x0], $0xffff;
	_ =	sdelay $0x1  }
0x28c: {  	v0 =	vadd.f32 v2, v0;
	v2 =	vsub.f32 v3, v11;
	v3 =	vld.idx.msk [tilespmem:v7+s10+$0x0], $0xffff  }
0x28d: {  	v1 =	vmul.f32 v1, v1;
	v7 =	vld [tilespmem:$0x1FDA0];
	v5 =	vadd.f32 v5, v8;
	_ =	sdelay $0x1  }
0x28e: {  	v0 =	vadd.f32 v1, v0;
	v1 =	vsub.f32 v5, v10;
	v5 =	vld [tilespmem:$0x1FD90];
	_ =	sdelay $0x2  }
0x28f: {  	v6 =	vadd.f32 v6, v7;
	v7 =	vld [tilespmem:$0x1FD80]  }
0x290: {  	v8 =	vld.idx.msk [tilespmem:v37+s17+$0x0], $0xffff  }
0x291: {  	v4 =	vadd.f32 v4, v5;
	v5 =	vld [tilespmem:$0x1FD60];
	_ =	sdelay $0x2  }
0x292: {  	v2 =	vmul.f32 v2, v2;
	_ =	sdelay $0x1  }
0x293: {  	v0 =	vadd.f32 v2, v0;
	v2 =	vsub.f32 v6, v8;
	v6 =	vld [tilespmem:$0x1FD70]  }
0x294: {  	v7 =	vld.idx.msk [tilespmem:v7+s17+$0x0], $0xffff;
	_ =	sdelay $0x1  }
0x295: {  	v1 =	vmul.f32 v1, v1;
	v5 =	vld.idx.msk [tilespmem:v5+s17+$0x0], $0xffff;
	_ =	sdelay $0x1  }
0x296: {  	v0 =	vadd.f32 v1, v0  }
0x297: {  	v2 =	vmul.f32 v2, v2;
	v3 =	vadd.f32 v3, v6;
	v1 =	vsub.f32 v4, v7;
	_ =	sdelay $0x1  }
0x298: {  	v0 =	vadd.f32 v2, v0;
	v1 =	vmul.f32 v1, v1;
	v2 =	vsub.f32 v3, v5;
	_ =	sdelay $0x1  }
0x299: {  	v0 =	vadd.f32 v1, v0;
	v1 =	vmul.f32 v2, v2;
	_ =	sdelay $0x1  }
0x29a: {  	v0 =	vadd.f32 v1, v0;
	_ =	sdelay $0x1  }
0x29b: {  	v1 =	vmax.f32 v0, $1.000000000e-30  }
0x29c: {  	v2 =	vshra.s32 v1, $0x1;
	v1 =	vmul.f32 $5.000000000e-01, v1  }
0x29d: {  	v2 =	vsub.s32 $0x5F3759DF, v2  }
0x29e: {  	v3 =	vmul.f32 v2, v1;
	_ =	sdelay $0x1  }
0x29f: {  	v3 =	vmul.f32 v2, v3;
	_ =	sdelay $0x1  }
0x2a0: {  	v3 =	vsub.f32 $1.500000000e+00, v3;
	_ =	sdelay $0x1  }
0x2a1: {  	v2 =	vmul.f32 v2, v3;
	_ =	sdelay $0x1  }
0x2a2: {  	v3 =	vmul.f32 v2, v1;
	_ =	sdelay $0x1  }
0x2a3: {  	v3 =	vmul.f32 v3, v2;
	_ =	sdelay $0x1  }
0x2a4: {  	v3 =	vsub.f32 $1.500000000e+00, v3;
	_ =	sdelay $0x1  }
0x2a5: {  	v2 =	vmul.f32 v3, v2;
	_ =	sdelay $0x1  }
0x2a6: {  	v1 =	vmul.f32 v2, v1;
	_ =	sdelay $0x1  }
0x2a7: {  	v1 =	vmul.f32 v1, v2;
	_ =	sdelay $0x1  }
0x2a8: {  	v1 =	vsub.f32 $1.500000000e+00, v1;
	_ =	sdelay $0x1  }
0x2a9: {  	v1 =	vmul.f32 v1, v2;
	_ =	sdelay $0x1  }
0x2aa: {  	v0 =	vmul.f32 v1, v0  }
0x2ab: {  	s23 =	sadd.s32 $0x10, s23  }
0x2ac: {  	[tilespmem:s23+$0x0] =	vst v0  }
0x2ad: {  	_ =	swait.ge [sflag:s18], $0x4000  }
0x2ae: {  	[sflag:s18] =	ssyncset.done $0x0  }
0x2af: {  	[sflag:s18] =	ssyncadd.s32 $0xFFFFC000  }
0x2b0: {  	_ =	swait.ge [sflag:s18], $0x4000  }
0x2b1: {  	s23 =	simm.s32 $0x0;
	[sflag:s18] =	ssyncset.done $0x0  }
0x2b2: {  	s24 =	sand.u32 $0x70, s23;
	[sflag:s18] =	ssyncadd.s32 $0xFFFFC000  }
0x2b3: {  	v0 =	vld [tilespmem:s24+$0x100]  }
0x2b4: {  	v1 =	vld [tilespmem:s24+$0x300]  }
0x2b5: {  	s30 =	sand.u32 $0xF, s23  }
0x2b6: {  	v2 =	vmov s30  }
0x2b7: {  	vm0 =	veq.s32 v2, v42  }
0x2b8: {  	v0 =	vnsel vm0, $0x0, v0  }
0x2b9: {  	(xrf0) =	vadd.scan.msk.s32 $0xffff, v0;
	v0 =	vnsel vm0, $0x0, v1  }
0x2ba: {  	(xrf0) =	vadd.scan.msk.s32 $0xffff, v0;
	_ =	sdelay $0x4  }
0x2bb: {  	v0, _, _ =	vpop (xrf0)  }
0x2bc: {  	(v2sf) =	vpush v0, $0xF;
	v0, _, _ =	vpop (xrf0)  }
0x2bd: {  	(v2sf) =	vpush v0, $0xF;
	_ =	sdelay $0xd  }
0x2be: {  	s31 =	spop (v2sf)  }
0x2bf: {  	s24 =	sshll.u32 s31, $0x4;
	s25 =	spop (v2sf)  }
0x2c0: {  	s24 =	sand.u32 $0x1FFFFFF0, s24;
	s26 =	sshll.u32 s25, $0x4;
	s25 =	simm.s32 $0x600  }
0x2c1: {  	s24 =	sadd.s32 s3, s24;
	s28 =	sand.u32 $0x1FFFFFF0, s26;
	s26 =	simm.s32 $0x1  }
0x2c2: {  	[tilespmem:s25], [sflag:$0x1] =	stream.linear.gather [hbm4b:s24+s23], $0x80, $0x38;
	[tilespmem:$0x18800] =	vst v63  }
0x2c3: {  	s24 =	simm.s32 $0x8600;
	s28 =	sadd.s32 s3, s28;
	s29 =	sand.u32 $0x70, s26  }
0x2c4: {  	v26 =	vmovc v46;
	v15 =	vmovc v19;
	v45 =	vmov v30;
	v43 =	vmov v60;
	v41 =	vmov v62;
	[tilespmem:s24], [sflag:$0x1] =	stream.linear.gather [hbm4b:s28+s23], $0x80, $0x38;
	[tilespmem:$0x18800] =	vst v63  }
0x2c5: {  	v9 =	vmovc v14;
	v37 =	vmovc v23;
	v8 =	vmov v28;
	v7 =	vmov v17;
	v3 =	vlaneseq.u32;
	s28 =	simm.s32 $0x2;
	v0 =	vld [tilespmem:s29+$0x100]  }
.LBB2_8:
0x2c6: {  	p0 =	sne.s32 s28, $0x7F;
	v1 =	vld [tilespmem:s29+$0x300]  }
0x2c7: {  	s29 =	sand.u32 $0xF, s26;
	s26 =	smov.u32 s28  }
0x2c8: {  	v2 =	vmov s29  }
0x2c9: {  	vm0 =	veq.s32 v2, v3  }
0x2ca: {  	v0 =	vnsel vm0, $0x0, v0  }
0x2cb: {  	v1 =	vnsel vm0, $0x0, v1;
	(xrf0) =	vadd.scan.msk.s32 $0xffff, v0  }
0x2cc: {  	(xrf0) =	vadd.scan.msk.s32 $0xffff, v1;
	_ =	sdelay $0x4  }
0x2cd: {  	v0, _, _ =	vpop (xrf0)  }
0x2ce: {  	(v2sf) =	vpush v0, $0xF;
	v0, _, _ =	vpop (xrf0)  }
0x2cf: {  	(v2sf) =	vpush v0, $0xF;
	_ =	sdelay $0xd  }
0x2d0: {  	s29 =	spop (v2sf)  }
0x2d1: {  	s29 =	sshll.u32 s29, $0x4;
	s30 =	spop (v2sf)  }
0x2d2: {  	s25 =	sadd.s32 $0x80, s25;
	s29 =	sand.u32 $0x1FFFFFF0, s29;
	s30 =	sshll.u32 s30, $0x4  }
.Ltmp3:
0x2d3: {  	s29 =	sadd.s32 s3, s29;
	s30 =	sand.u32 $0x1FFFFFF0, s30;
	(pc) =	sbr.rel @p0 .LBB2_8-.Ltmp3, $4  }
0x2d4: {  	[tilespmem:s25], [sflag:$0x1] =	stream.linear.gather [hbm4b:s29+s23], $0x80, $0x38;
	[tilespmem:$0x18800] =	vst v63  }
0x2d5: {  	s24 =	sadd.s32 $0x80, s24;
	s29 =	sand.u32 $0x70, s28;
	s30 =	sadd.s32 s3, s30  }
0x2d6: {  	[tilespmem:s24], [sflag:$0x1] =	stream.linear.gather [hbm4b:s30+s23], $0x80, $0x38;
	[tilespmem:$0x18800] =	vst v63  }
0x2d7: {  	s28 =	sadd.s32 $0x1, s28;
	v0 =	vld [tilespmem:s29+$0x100]  }
0x2d8: {  	v1 =	vld [tilespmem:s29+$0x300]  }
0x2d9: {  	s26 =	sand.u32 $0xF, s26  }
0x2da: {  	v48 =	vlaneseq.u32;
	v2 =	vmov s26  }
0x2db: {  	vm0 =	veq.s32 v2, v48  }
0x2dc: {  	v0 =	vnsel vm0, $0x0, v0  }
0x2dd: {  	v1 =	vnsel vm0, $0x0, v1;
	(xrf0) =	vadd.scan.msk.s32 $0xffff, v0  }
0x2de: {  	(xrf0) =	vadd.scan.msk.s32 $0xffff, v1;
	_ =	sdelay $0x4  }
0x2df: {  	v0, _, _ =	vpop (xrf0)  }
0x2e0: {  	(v2sf) =	vpush v0, $0xF;
	v0, _, _ =	vpop (xrf0)  }
0x2e1: {  	(v2sf) =	vpush v0, $0xF;
	_ =	sdelay $0xc  }
0x2e2: {  	v0 =	vmov s23  }
0x2e3: {  	v0 =	vshll.u32 v0, $0x7;
	s28 =	spop (v2sf)  }
0x2e4: {  	v21 =	vor.u32 v35, v0;
	s26 =	sshll.u32 s28, $0x4;
	s28 =	spop (v2sf)  }
0x2e5: {  	v0 =	vor.u32 v13, v21;
	s26 =	sand.u32 $0x1FFFFFF0, s26;
	s28 =	sshll.u32 s28, $0x4  }
0x2e6: {  	s25 =	sadd.s32 $0x80, s25;
	v2 =	vor.u32 v37, v21;
	s26 =	sadd.s32 s3, s26;
	s28 =	sand.u32 $0x1FFFFFF0, s28  }
0x2e7: {  	[tilespmem:s25], [sflag:$0x1] =	stream.linear.gather [hbm4b:s26+s23], $0x80, $0x38;
	[tilespmem:$0x18800] =	vst v63  }
0x2e8: {  	s24 =	sadd.s32 $0x80, s24;
	s29 =	sadd.s32 s3, s28  }
0x2e9: {  	[tilespmem:s24], [sflag:$0x1] =	stream.linear.gather [hbm4b:s29+s23], $0x80, $0x38;
	[tilespmem:$0x18800] =	vst v63  }
0x2ea: {  	v1 =	vld.idx.msk [tilespmem:v0+s19+$0x0], $0xffff  }
0x2eb: {  	v3 =	vor.u32 v22, v21;
	[tilespmem:$0x1FB10] =	vst v0;
	v0 =	vld.idx.msk [tilespmem:v2+s19+$0x0], $0xffff;
	_ =	sdelay $0x4  }
0x2ec: {  	v4 =	vor.u32 v41, v21;
	[tilespmem:$0x1FB20] =	vst v0;
	v0 =	vld.idx.msk [tilespmem:v3+s19+$0x0], $0xffff;
	_ =	sdelay $0x4  }
0x2ed: {  	v5 =	vor.u32 v16, v21;
	[tilespmem:$0x1FB00] =	vst v0;
	v0 =	vld.idx.msk [tilespmem:v4+s19+$0x0], $0xffff;
	_ =	sdelay $0x4  }
0x2ee: {  	v6 =	vor.u32 v43, v21;
	[tilespmem:$0x1FAE0] =	vst v0;
	v0 =	vld.idx.msk [tilespmem:v5+s19+$0x0], $0xffff;
	_ =	sdelay $0x3  }
0x2ef: {  	[tilespmem:$0x1FB30] =	vst v1  }
0x2f0: {  	v1 =	vor.u32 v45, v21;
	[tilespmem:$0x1FAC0] =	vst v0;
	v0 =	vld.idx.msk [tilespmem:v6+s19+$0x0], $0xffff;
	_ =	sdelay $0x3  }
0x2f1: {  	[tilespmem:$0x1FAF0] =	vst v2  }
0x2f2: {  	v2 =	vor.u32 v29, v21;
	[tilespmem:$0x1FAA0] =	vst v0;
	v0 =	vld.idx.msk [tilespmem:v1+s19+$0x0], $0xffff;
	_ =	sdelay $0x4  }
0x2f3: {  	v14 =	vor.u32 v9, v21;
	[tilespmem:$0x1FA80] =	vst v0;
	v0 =	vld.idx.msk [tilespmem:v2+s19+$0x0], $0xffff;
	_ =	sdelay $0x4  }
0x2f4: {  	v11 =	vor.u32 v61, v21;
	[tilespmem:$0x1FA60] =	vst v0;
	v0 =	vld.idx.msk [tilespmem:v14+s19+$0x0], $0xffff;
	_ =	sdelay $0x4  }
0x2f5: {  	v10 =	vor.u32 v63, v21;
	[tilespmem:$0x1FA40] =	vst v0;
	v0 =	vld.idx.msk [tilespmem:v11+s19+$0x0], $0xffff;
	_ =	sdelay $0x4  }
0x2f6: {  	v39 =	vor.u32 v7, v21;
	[tilespmem:$0x1FA20] =	vst v0;
	v0 =	vld.idx.msk [tilespmem:v10+s19+$0x0], $0xffff;
	_ =	sdelay $0x1  }
0x2f7: {  	v46 =	vld [tilespmem:$0x1FE90];
	_ =	sdelay $0x1  }
0x2f8: {  	v33 =	vld [tilespmem:$0x1FE20];
	v22 =	vor.u32 v32, v21  }
0x2f9: {  	v17 =	vor.u32 v15, v21;
	[tilespmem:$0x1FA10] =	vst v0;
	v0 =	vld.idx.msk [tilespmem:v39+s19+$0x0], $0xffff  }
0x2fa: {  	v36 =	vld [tilespmem:$0x1FEC0];
	v23 =	vor.u32 v26, v21  }
0x2fb: {  	s30 =	simm.s32 $0x480;
	v40 =	vld [tilespmem:$0x1FEA0];
	v38 =	vor.u32 v46, v21  }
0x2fc: {  	v42 =	vor.u32 v48, v21;
	v24 =	vld [tilespmem:s30+$0x0]  }
0x2fd: {  	v29 =	vld.idx.msk [tilespmem:v22+s19+$0x0], $0xffff  }
0x2fe: {  	v19 =	vor.u32 v18, v21;
	[tilespmem:$0x1FA00] =	vst v0;
	v0 =	vld.idx.msk [tilespmem:v17+s19+$0x0], $0xffff  }
0x2ff: {  	v44 =	vor.u32 v31, v21;
	v7 =	vmov v31;
	v31 =	vld.idx.msk [tilespmem:v23+s19+$0x0], $0xffff  }
0x300: {  	v49 =	vld.idx.msk [tilespmem:v38+s19+$0x0], $0xffff  }
0x301: {  	v54 =	vld.idx.msk [tilespmem:v42+s19+$0x0], $0xffff  }
0x302: {  	v34 =	vmov v26;
	[tilespmem:$0x1FA90] =	vst v5;
	v26 =	vld.idx.msk [tilespmem:v38+s20+$0x0], $0xffff  }
0x303: {  	v5 =	vor.u32 v8, v21;
	[tilespmem:$0x1F9F0] =	vst v0;
	v0 =	vld.idx.msk [tilespmem:v19+s19+$0x0], $0xffff  }
0x304: {  	v38 =	vld [tilespmem:$0x1FEB0]  }
0x305: {  	v23 =	vld.idx.msk [tilespmem:v23+s20+$0x0], $0xffff;
	v35 =	vshll.u32 v24, $0x5  }
0x306: {  	v24 =	vld.idx.msk [tilespmem:v42+s20+$0x0], $0xffff;
	v48 =	vor.u32 v48, v35  }
0x307: {  	[tilespmem:$0x1FA50] =	vst v1;
	v55 =	vor.u32 v46, v35;
	v1 =	vld [tilespmem:$0x1FE00]  }
0x308: {  	[tilespmem:$0x1F9E0] =	vst v0;
	v0 =	vld.idx.msk [tilespmem:v5+s19+$0x0], $0xffff  }
0x309: {  	v42 =	vld [tilespmem:$0x1FED0];
	v56 =	vor.u32 v33, v35  }
0x30a: {  	v57 =	vor.u32 v34, v35;
	v34 =	vld [tilespmem:$0x1FE60]  }
0x30b: {  	v48 =	vld.idx.msk [tilespmem:v48+s10+$0x0], $0xffff  }
0x30c: {  	v55 =	vld.idx.msk [tilespmem:v55+s10+$0x0], $0xffff;
	v30 =	vor.u32 v1, v21  }
0x30d: {  	[tilespmem:$0x1F9D0] =	vst v0;
	v0 =	vld [tilespmem:$0x1FE10]  }
0x30e: {  	v56 =	vld.idx.msk [tilespmem:v56+s10+$0x0], $0xffff;
	v50 =	vor.u32 v1, v35  }
0x30f: {  	v59 =	vor.u32 v42, v21;
	v57 =	vld.idx.msk [tilespmem:v57+s10+$0x0], $0xffff  }
0x310: {  	v47 =	vor.u32 v25, v21;
	[tilespmem:$0x1FAD0] =	vst v3;
	v3 =	vmov v25;
	v25 =	vor.u32 v33, v21;
	v1 =	vld [tilespmem:$0x1FE40]  }
0x311: {  	v52 =	vld.idx.msk [tilespmem:v30+s20+$0x0], $0xffff  }
0x312: {  	v30 =	vld.idx.msk [tilespmem:v30+s19+$0x0], $0xffff;
	v28 =	vor.u32 v0, v21  }
0x313: {  	v50 =	vld.idx.msk [tilespmem:v50+s10+$0x0], $0xffff;
	v53 =	vor.u32 v0, v35  }
0x314: {  	v62 =	vor.u32 v40, v21;
	[tilespmem:$0x1FAB0] =	vst v4;
	v4 =	vld.idx.msk [tilespmem:v59+s19+$0x0], $0xffff  }
0x315: {  	[tilespmem:$0x1FA30] =	vst v2;
	v2 =	vmov v32;
	v32 =	vld.idx.msk [tilespmem:v25+s19+$0x0], $0xffff  }
0x316: {  	v0 =	vld [tilespmem:$0x1FE50]  }
0x317: {  	v48 =	vadd.f32 v48, v54;
	v58 =	vor.u32 v1, v35;
	v51 =	vld.idx.msk [tilespmem:v28+s19+$0x0], $0xffff  }
0x318: {  	v30 =	vadd.f32 v50, v30;
	v50 =	vor.u32 v34, v21;
	v53 =	vld.idx.msk [tilespmem:v53+s10+$0x0], $0xffff  }
0x319: {  	v24 =	vsub.f32 v48, v24;
	v48 =	vld.idx.msk [tilespmem:v62+s19+$0x0], $0xffff;
	v1 =	vor.u32 v1, v21  }
0x31a: {  	v28 =	vld.idx.msk [tilespmem:v28+s20+$0x0], $0xffff  }
0x31b: {  	v20 =	vor.u32 v27, v21;
	[tilespmem:$0x1FA70] =	vst v6;
	v6 =	vmov v63;
	v25 =	vld.idx.msk [tilespmem:v25+s20+$0x0], $0xffff;
	v63 =	vor.u32 v0, v35  }
0x31c: {  	v60 =	vor.u32 v36, v21;
	v9 =	vmov v61;
	v61 =	vor.u32 v38, v21;
	v58 =	vld.idx.msk [tilespmem:v58+s10+$0x0], $0xffff  }
0x31d: {  	v32 =	vadd.f32 v56, v32;
	v56 =	vld.idx.msk [tilespmem:v50+s19+$0x0], $0xffff;
	v21 =	vor.u32 v0, v21;
	v51 =	vadd.f32 v53, v51  }
0x31e: {  	v30 =	vsub.f32 v30, v52;
	v0 =	vld.idx.msk [tilespmem:v1+s20+$0x0], $0xffff  }
0x31f: {  	v49 =	vadd.f32 v55, v49;
	v55 =	vor.u32 v34, v35;
	v28 =	vsub.f32 v51, v28;
	v51 =	vld.idx.msk [tilespmem:v1+s19+$0x0], $0xffff  }
0x320: {  	v24 =	vmul.f32 v24, v24;
	v30 =	vmul.f32 v30, v30;
	v52 =	vld.idx.msk [tilespmem:v63+s10+$0x0], $0xffff;
	v63 =	vor.u32 v40, v35  }
0x321: {  	v26 =	vsub.f32 v49, v26;
	v49 =	vor.u32 v38, v35;
	v53 =	vld.idx.msk [tilespmem:v61+s19+$0x0], $0xffff  }
0x322: {  	v24 =	vadd.f32 v30, v24;
	v30 =	vld.idx.msk [tilespmem:v21+s19+$0x0], $0xffff;
	v28 =	vmul.f32 v28, v28  }
0x323: {  	v31 =	vadd.f32 v57, v31;
	v25 =	vsub.f32 v32, v25;
	v21 =	vld.idx.msk [tilespmem:v21+s20+$0x0], $0xffff  }
0x324: {  	v26 =	vmul.f32 v26, v26;
	v24 =	vadd.f32 v28, v24;
	v28 =	vld.idx.msk [tilespmem:v55+s10+$0x0], $0xffff;
	v55 =	vadd.f32 v58, v51  }
0x325: {  	v57 =	vor.u32 v36, v35;
	v23 =	vsub.f32 v31, v23;
	v58 =	vld.idx.msk [tilespmem:v63+s10+$0x0], $0xffff  }
0x326: {  	v25 =	vmul.f32 v25, v25;
	v24 =	vadd.f32 v26, v24;
	v0 =	vsub.f32 v55, v0;
	v55 =	vld.idx.msk [tilespmem:v49+s10+$0x0], $0xffff  }
0x327: {  	v32 =	vor.u32 v2, v35;
	v50 =	vld.idx.msk [tilespmem:v50+s20+$0x0], $0xffff;
	v30 =	vadd.f32 v52, v30  }
0x328: {  	v54 =	vld.idx.msk [tilespmem:v60+s19+$0x0], $0xffff;
	v23 =	vmul.f32 v23, v23;
	v24 =	vadd.f32 v25, v24  }
0x329: {  	v63 =	vld.idx.msk [tilespmem:v62+s20+$0x0], $0xffff;
	v21 =	vsub.f32 v30, v21  }
0x32a: {  	v28 =	vadd.f32 v28, v56;
	v0 =	vmul.f32 v0, v0;
	v23 =	vadd.f32 v23, v24;
	v24 =	vld.idx.msk [tilespmem:v57+s10+$0x0], $0xffff  }
0x32b: {  	v52 =	vld.idx.msk [tilespmem:v61+s20+$0x0], $0xffff;
	v26 =	vadd.f32 v58, v48;
	v25 =	vadd.f32 v55, v53;
	v55 =	vor.u32 v8, v35  }
0x32c: {  	v32 =	vld.idx.msk [tilespmem:v32+s10+$0x0], $0xffff;
	v21 =	vmul.f32 v21, v21;
	v0 =	vadd.f32 v0, v23;
	v23 =	vsub.f32 v28, v50  }
0x32d: {  	v50 =	vld.idx.msk [tilespmem:v60+s20+$0x0], $0xffff  }
0x32e: {  	v2 =	vld [tilespmem:$0x1F9D0];
	v0 =	vadd.f32 v21, v0;
	v21 =	vmul.f32 v23, v23;
	v23 =	vsub.f32 v26, v63  }
0x32f: {  	v63 =	vld.idx.msk [tilespmem:v59+s20+$0x0], $0xffff;
	v59 =	vor.u32 v18, v35;
	v24 =	vadd.f32 v24, v54  }
0x330: {  	v0 =	vadd.f32 v21, v0;
	v21 =	vmul.f32 v23, v23;
	v23 =	vsub.f32 v25, v52;
	v25 =	vld.idx.msk [tilespmem:v55+s10+$0x0], $0xffff  }
0x331: {  	v31 =	vor.u32 v42, v35  }
0x332: {  	v22 =	vld.idx.msk [tilespmem:v22+s20+$0x0], $0xffff;
	v0 =	vadd.f32 v21, v0;
	v21 =	vmul.f32 v23, v23;
	v23 =	vsub.f32 v24, v50  }
0x333: {  	v29 =	vadd.f32 v32, v29;
	v32 =	vld [tilespmem:$0x1FF10];
	v30 =	vor.u32 v3, v35  }
0x334: {  	v24 =	vld.idx.msk [tilespmem:v59+s10+$0x0], $0xffff;
	v0 =	vadd.f32 v21, v0;
	v21 =	vmul.f32 v23, v23;
	v23 =	vor.u32 v15, v35  }
0x335: {  	v25 =	vadd.f32 v25, v2;
	v2 =	vld [tilespmem:$0x1F9E0]  }
0x336: {  	v28 =	vld.idx.msk [tilespmem:v31+s10+$0x0], $0xffff  }
0x337: {  	v12 =	vld.idx.msk [tilespmem:v47+s19+$0x0], $0xffff  }
0x338: {  	v62 =	vor.u32 v7, v35;
	v30 =	vld.idx.msk [tilespmem:v30+s10+$0x0], $0xffff  }
0x339: {  	v0 =	vadd.f32 v21, v0;
	v21 =	vsub.f32 v29, v22;
	v22 =	vor.u32 v32, v35;
	v23 =	vld.idx.msk [tilespmem:v23+s10+$0x0], $0xffff  }
0x33a: {  	v24 =	vadd.f32 v24, v2;
	v2 =	vld [tilespmem:$0x1F9F0]  }
0x33b: {  	v1 =	vadd.f32 v28, v4  }
0x33c: {  	v61 =	vld.idx.msk [tilespmem:v47+s20+$0x0], $0xffff  }
0x33d: {  	v26 =	vld.idx.msk [tilespmem:v62+s10+$0x0], $0xffff;
	v1 =	vsub.f32 v1, v63  }
0x33e: {  	v49 =	vor.u32 v6, v35;
	v22 =	vld.idx.msk [tilespmem:v22+s10+$0x0], $0xffff  }
0x33f: {  	v62 =	vadd.f32 v30, v12;
	v50 =	vmovc v18;
	v1 =	vmul.f32 v1, v1;
	v18 =	vadd.f32 v23, v2;
	v2 =	vld [tilespmem:$0x1FA00];
	_ =	sdelay $0x1  }
0x340: {  	v0 =	vadd.f32 v1, v0;
	v1 =	vmul.f32 v21, v21;
	v21 =	vsub.f32 v62, v61  }
0x341: {  	v16 =	vld.idx.msk [tilespmem:v44+s19+$0x0], $0xffff;
	v56 =	vmov v27;
	v57 =	vor.u32 v27, v35  }
0x342: {  	v27 =	vld.idx.msk [tilespmem:v49+s10+$0x0], $0xffff;
	v0 =	vadd.f32 v1, v0;
	v1 =	vmul.f32 v21, v21;
	v21 =	vor.u32 v9, v35  }
0x343: {  	v22 =	vadd.f32 v22, v2;
	v2 =	vld [tilespmem:$0x1FA10];
	_ =	sdelay $0x3  }
0x344: {  	v21 =	vld.idx.msk [tilespmem:v21+s10+$0x0], $0xffff  }
0x345: {  	v26 =	vadd.f32 v26, v16;
	v16 =	vadd.f32 v27, v2;
	v2 =	vld [tilespmem:$0x1FA20];
	_ =	sdelay $0x1  }
0x346: {  	v53 =	vld [tilespmem:$0x1FEE0];
	_ =	sdelay $0x2  }
0x347: {  	v21 =	vadd.f32 v21, v2;
	v2 =	vld [tilespmem:$0x1FA30];
	_ =	sdelay $0x1  }
0x348: {  	v13 =	vld.idx.msk [tilespmem:v20+s19+$0x0], $0xffff;
	v54 =	vor.u32 v53, v35  }
0x349: {  	v23 =	vld.idx.msk [tilespmem:v10+s20+$0x0], $0xffff  }
0x34a: {  	v20 =	vld.idx.msk [tilespmem:v20+s20+$0x0], $0xffff  }
0x34b: {  	v57 =	vld.idx.msk [tilespmem:v57+s10+$0x0], $0xffff  }
0x34c: {  	v55 =	vld [tilespmem:$0x1FF60]  }
0x34d: {  	v61 =	vld.idx.msk [tilespmem:v54+s10+$0x0], $0xffff  }
0x34e: {  	v16 =	vsub.f32 v16, v23;
	v23 =	vld.idx.msk [tilespmem:v2+s20+$0x0], $0xffff  }
0x34f: {  	v2 =	vld [tilespmem:$0x1FA40]  }
0x350: {  	v63 =	vld.idx.msk [tilespmem:v44+s20+$0x0], $0xffff  }
0x351: {  	v28 =	vadd.f32 v57, v13  }
0x352: {  	v51 =	vld.idx.msk [tilespmem:v5+s20+$0x0], $0xffff  }
0x353: {  	v19 =	vld.idx.msk [tilespmem:v19+s20+$0x0], $0xffff;
	v20 =	vsub.f32 v28, v20  }
0x354: {  	v48 =	vmov v15;
	v57 =	vor.u32 v55, v35;
	v15 =	vadd.f32 v61, v2;
	v2 =	vld [tilespmem:$0x1FA50]  }
0x355: {  	v0 =	vadd.f32 v1, v0;
	v1 =	vmul.f32 v20, v20;
	v20 =	vsub.f32 v26, v63  }
0x356: {  	v17 =	vld.idx.msk [tilespmem:v17+s20+$0x0], $0xffff  }
0x357: {  	v0 =	vadd.f32 v1, v0;
	v1 =	vmul.f32 v20, v20;
	v20 =	vsub.f32 v25, v51  }
0x358: {  	v59 =	vld.idx.msk [tilespmem:v39+s20+$0x0], $0xffff  }
0x359: {  	v19 =	vsub.f32 v24, v19;
	v0 =	vadd.f32 v1, v0;
	v1 =	vmul.f32 v20, v20  }
0x35a: {  	v25 =	vld.idx.msk [tilespmem:v57+s10+$0x0], $0xffff  }
0x35b: {  	v0 =	vadd.f32 v1, v0;
	v1 =	vmul.f32 v19, v19;
	v17 =	vsub.f32 v18, v17;
	v19 =	vld.idx.msk [tilespmem:v11+s20+$0x0], $0xffff  }
0x35c: {  	v12 =	vld.idx.msk [tilespmem:v2+s20+$0x0], $0xffff  }
0x35d: {  	v0 =	vadd.f32 v1, v0;
	v1 =	vmul.f32 v17, v17;
	v17 =	vsub.f32 v22, v59;
	v2 =	vld [tilespmem:$0x1FA60];
	_ =	sdelay $0x1  }
0x35e: {  	v0 =	vadd.f32 v1, v0;
	v1 =	vmul.f32 v17, v17;
	_ =	sdelay $0x1  }
0x35f: {  	v0 =	vadd.f32 v1, v0  }
0x360: {  	v1 =	vmul.f32 v16, v16;
	v16 =	vsub.f32 v21, v19;
	v21 =	vadd.f32 v25, v2;
	v2 =	vld [tilespmem:$0x1FA70];
	_ =	sdelay $0x1  }
0x361: {  	v20 =	vor.u32 v45, v35;
	_ =	sdelay $0x4  }
0x362: {  	v20 =	vld.idx.msk [tilespmem:v20+s10+$0x0], $0xffff  }
0x363: {  	v10 =	vld.idx.msk [tilespmem:v2+s20+$0x0], $0xffff  }
0x364: {  	v2 =	vld [tilespmem:$0x1FA80];
	_ =	sdelay $0x4  }
0x365: {  	v13 =	vadd.f32 v20, v2;
	v2 =	vld [tilespmem:$0x1FA90];
	_ =	sdelay $0x1  }
0x366: {  	v18 =	vor.u32 v43, v35;
	_ =	sdelay $0x4  }
0x367: {  	v18 =	vld.idx.msk [tilespmem:v18+s10+$0x0], $0xffff  }
0x368: {  	v52 =	vmov v8;
	v8 =	vld.idx.msk [tilespmem:v2+s20+$0x0], $0xffff  }
0x369: {  	v2 =	vld [tilespmem:$0x1FAA0];
	_ =	sdelay $0x1  }
0x36a: {  	v62 =	vld [tilespmem:$0x1FF00];
	_ =	sdelay $0x2  }
0x36b: {  	v11 =	vadd.f32 v18, v2;
	v2 =	vld [tilespmem:$0x1FAB0];
	_ =	sdelay $0x1  }
0x36c: {  	v22 =	vor.u32 v62, v35;
	_ =	sdelay $0x4  }
0x36d: {  	v22 =	vld.idx.msk [tilespmem:v22+s10+$0x0], $0xffff  }
0x36e: {  	v44 =	vmov v6;
	v6 =	vld.idx.msk [tilespmem:v2+s20+$0x0], $0xffff  }
0x36f: {  	v2 =	vld [tilespmem:$0x1FAC0];
	_ =	sdelay $0x4  }
0x370: {  	v31 =	vmov v9;
	v9 =	vadd.f32 v22, v2;
	v2 =	vld [tilespmem:$0x1FAD0]  }
0x371: {  	v63 =	vld [tilespmem:$0x1FF30];
	v17 =	vor.u32 v41, v35;
	_ =	sdelay $0x3  }
0x372: {  	v14 =	vld.idx.msk [tilespmem:v14+s20+$0x0], $0xffff  }
0x373: {  	v0 =	vadd.f32 v1, v0;
	v19 =	vor.u32 v63, v35;
	v1 =	vmul.f32 v16, v16;
	v16 =	vld.idx.msk [tilespmem:v17+s10+$0x0], $0xffff  }
0x374: {  	v20 =	vld [tilespmem:$0x1FEF0]  }
0x375: {  	v4 =	vld.idx.msk [tilespmem:v2+s20+$0x0], $0xffff  }
0x376: {  	v2 =	vld [tilespmem:$0x1FAE0]  }
0x377: {  	v58 =	vmov v3;
	v3 =	vld [tilespmem:$0x1FB00]  }
0x378: {  	v14 =	vsub.f32 v15, v14;
	v18 =	vld.idx.msk [tilespmem:v19+s10+$0x0], $0xffff;
	_ =	sdelay $0x1  }
0x379: {  	v0 =	vadd.f32 v1, v0;
	v15 =	vor.u32 v37, v35;
	v1 =	vmul.f32 v14, v14  }
0x37a: {  	v60 =	vmovc v7;
	v14 =	vsub.f32 v21, v23;
	v17 =	vor.u32 v20, v35;
	v7 =	vadd.f32 v16, v2;
	v2 =	vld [tilespmem:$0x1FAF0]  }
0x37b: {  	v0 =	vadd.f32 v1, v0  }
0x37c: {  	v1 =	vmul.f32 v14, v14;
	v12 =	vsub.f32 v13, v12;
	v5 =	vadd.f32 v18, v3;
	v3 =	vld [tilespmem:$0x1FB10];
	_ =	sdelay $0x1  }
0x37d: {  	v0 =	vadd.f32 v1, v0;
	v13 =	vld.idx.msk [tilespmem:v15+s10+$0x0], $0xffff;
	v1 =	vmul.f32 v12, v12  }
0x37e: {  	v10 =	vsub.f32 v11, v10;
	v11 =	vld.idx.msk [tilespmem:v17+s10+$0x0], $0xffff  }
0x37f: {  	v0 =	vadd.f32 v1, v0;
	v6 =	vsub.f32 v7, v6;
	v7 =	vld [tilespmem:$0x1FB20]  }
0x380: {  	v1 =	vmul.f32 v10, v10;
	v8 =	vsub.f32 v9, v8;
	v4 =	vsub.f32 v5, v4;
	v5 =	vld [tilespmem:$0x1FB30]  }
0x381: {  	v2 =	vld.idx.msk [tilespmem:v2+s20+$0x0], $0xffff  }
0x382: {  	v0 =	vadd.f32 v1, v0;
	v1 =	vmul.f32 v8, v8  }
0x383: {  	v3 =	vld.idx.msk [tilespmem:v3+s20+$0x0], $0xffff  }
0x384: {  	v0 =	vadd.f32 v1, v0;
	v1 =	vmul.f32 v6, v6;
	v7 =	vadd.f32 v13, v7  }
0x385: {  	v5 =	vadd.f32 v11, v5  }
0x386: {  	v0 =	vadd.f32 v1, v0;
	v1 =	vmul.f32 v4, v4;
	v2 =	vsub.f32 v7, v2;
	_ =	sdelay $0x1  }
0x387: {  	v0 =	vadd.f32 v1, v0;
	v1 =	vmul.f32 v2, v2;
	v2 =	vsub.f32 v5, v3;
	_ =	sdelay $0x1  }
0x388: {  	v0 =	vadd.f32 v1, v0;
	v1 =	vmul.f32 v2, v2;
	_ =	sdelay $0x1  }
0x389: {  	v0 =	vadd.f32 v1, v0;
	_ =	sdelay $0x1  }
0x38a: {  	v1 =	vmax.f32 v0, $1.000000000e-30  }
0x38b: {  	v2 =	vshra.s32 v1, $0x1;
	v1 =	vmul.f32 $5.000000000e-01, v1  }
0x38c: {  	v2 =	vsub.s32 $0x5F3759DF, v2  }
0x38d: {  	v3 =	vmul.f32 v2, v1;
	_ =	sdelay $0x1  }
0x38e: {  	v3 =	vmul.f32 v2, v3;
	_ =	sdelay $0x1  }
0x38f: {  	v3 =	vsub.f32 $1.500000000e+00, v3;
	_ =	sdelay $0x1  }
0x390: {  	v2 =	vmul.f32 v2, v3;
	_ =	sdelay $0x1  }
0x391: {  	v3 =	vmul.f32 v2, v1;
	_ =	sdelay $0x1  }
0x392: {  	v3 =	vmul.f32 v3, v2;
	_ =	sdelay $0x1  }
0x393: {  	v3 =	vsub.f32 $1.500000000e+00, v3;
	_ =	sdelay $0x1  }
0x394: {  	v2 =	vmul.f32 v3, v2;
	_ =	sdelay $0x1  }
0x395: {  	v4 =	vld [tilespmem:$0x1FE80];
	v1 =	vmul.f32 v2, v1;
	_ =	sdelay $0x1  }
0x396: {  	s31 =	simm.s32 $0x10;
	v1 =	vmul.f32 v1, v2  }
0x397: {  	v3 =	vmov s31  }
0x398: {  	v3 =	vshll.u32 v3, $0x7;
	v1 =	vsub.f32 $1.500000000e+00, v1  }
0x399: {  	v18 =	vor.u32 v4, v3  }
0x39a: {  	v3 =	vor.u32 v20, v18;
	v1 =	vmul.f32 v1, v2;
	_ =	sdelay $0x1  }
0x39b: {  	v0 =	vmul.f32 v1, v0  }
0x39c: {  	s23 =	simm.s32 $0x18680  }
0x39d: {  	[tilespmem:s23+$0x0] =	vst v0  }
0x39e: {  	v2 =	vor.u32 v37, v18;
	v0 =	vld.idx.msk [tilespmem:v3+s19+$0x0], $0xffff;
	_ =	sdelay $0x4  }
0x39f: {  	v37 =	vor.u32 v63, v18;
	[tilespmem:$0x1FB50] =	vst v0;
	v0 =	vld.idx.msk [tilespmem:v2+s19+$0x0], $0xffff;
	_ =	sdelay $0x4  }
0x3a0: {  	v39 =	vor.u32 v41, v18;
	[tilespmem:$0x1FB70] =	vst v0;
	v0 =	vld.idx.msk [tilespmem:v37+s19+$0x0], $0xffff;
	_ =	sdelay $0x4  }
0x3a1: {  	v41 =	vor.u32 v62, v18;
	[tilespmem:$0x1FB80] =	vst v0;
	v0 =	vld.idx.msk [tilespmem:v39+s19+$0x0], $0xffff;
	_ =	sdelay $0x3  }
0x3a2: {  	v11 =	vld [tilespmem:$0x1FE50]  }
0x3a3: {  	v43 =	vor.u32 v43, v18;
	[tilespmem:$0x1FB90] =	vst v0;
	v0 =	vld.idx.msk [tilespmem:v41+s19+$0x0], $0xffff;
	_ =	sdelay $0x1  }
0x3a4: {  	v49 =	vor.u32 v53, v18  }
0x3a5: {  	v17 =	vld [tilespmem:$0x1FE30];
	v51 =	vor.u32 v31, v18  }
0x3a6: {  	v53 =	vor.u32 v44, v18;
	v19 =	vor.u32 v11, v18;
	v11 =	vld [tilespmem:$0x1FE40]  }
0x3a7: {  	v45 =	vor.u32 v45, v18;
	[tilespmem:$0x1FBA0] =	vst v0;
	v0 =	vld.idx.msk [tilespmem:v43+s19+$0x0], $0xffff  }
0x3a8: {  	v57 =	vor.u32 v48, v18;
	v1 =	vld [tilespmem:$0x1FFC0]  }
0x3a9: {  	v59 =	vor.u32 v50, v18;
	v50 =	vld.idx.msk [tilespmem:v49+s19+$0x0], $0xffff  }
0x3aa: {  	v61 =	vor.u32 v52, v18;
	v52 =	vld.idx.msk [tilespmem:v51+s19+$0x0], $0xffff  }
0x3ab: {  	v7 =	vor.u32 v42, v18;
	v54 =	vld.idx.msk [tilespmem:v53+s19+$0x0], $0xffff  }
0x3ac: {  	v47 =	vor.u32 v55, v18;
	[tilespmem:$0x1FBB0] =	vst v0;
	v0 =	vld.idx.msk [tilespmem:v45+s19+$0x0], $0xffff  }
0x3ad: {  	v9 =	vor.u32 v36, v18;
	[tilespmem:$0x1FB40] =	vst v3;
	v3 =	vor.u32 v58, v18;
	v58 =	vld.idx.msk [tilespmem:v57+s19+$0x0], $0xffff  }
0x3ae: {  	v12 =	vor.u32 v38, v18;
	v63 =	vor.u32 v60, v18;
	v60 =	vld.idx.msk [tilespmem:v59+s19+$0x0], $0xffff  }
0x3af: {  	v14 =	vor.u32 v40, v18;
	v62 =	vld.idx.msk [tilespmem:v61+s19+$0x0], $0xffff  }
0x3b0: {  	v8 =	vld.idx.msk [tilespmem:v7+s19+$0x0], $0xffff  }
0x3b1: {  	v16 =	vor.u32 v34, v18;
	[tilespmem:$0x1FBC0] =	vst v0;
	v0 =	vld.idx.msk [tilespmem:v47+s19+$0x0], $0xffff  }
0x3b2: {  	v10 =	vld.idx.msk [tilespmem:v9+s19+$0x0], $0xffff  }
0x3b3: {  	v13 =	vld.idx.msk [tilespmem:v12+s19+$0x0], $0xffff  }
0x3b4: {  	s24 =	simm.s32 $0x490;
	v15 =	vld.idx.msk [tilespmem:v14+s19+$0x0], $0xffff;
	v5 =	vor.u32 v1, v18  }
0x3b5: {  	v55 =	vor.u32 v32, v18;
	v20 =	vor.u32 v11, v18;
	v11 =	vld [tilespmem:s24+$0x0]  }
0x3b6: {  	v21 =	vor.u32 v17, v18;
	v17 =	vld.idx.msk [tilespmem:v16+s19+$0x0], $0xffff;
	[tilespmem:$0x1FBD0] =	vst v0;
	v0 =	vor.u32 v56, v18  }
0x3b7: {  	v1 =	vld.idx.msk [tilespmem:v63+s19+$0x0], $0xffff  }
0x3b8: {  	v4 =	vld.idx.msk [tilespmem:v3+s19+$0x0], $0xffff  }
0x3b9: {  	v6 =	vld.idx.msk [tilespmem:v5+s19+$0x0], $0xffff  }
0x3ba: {  	v56 =	vld.idx.msk [tilespmem:v55+s19+$0x0], $0xffff  }
0x3bb: {  	s25 =	simm.s32 $0x20;
	v22 =	vor.u32 v33, v18;
	v23 =	vor.u32 v46, v18;
	[tilespmem:$0x1FB60] =	vst v2;
	v2 =	vld.idx.msk [tilespmem:v0+s19+$0x0], $0xffff  }
.LBB2_10:
0x3bc: {  	v38 =	vld [tilespmem:$0x1FE10]  }
0x3bd: {  	v25 =	vld.idx.msk [tilespmem:v19+s19+$0x0], $0xffff  }
0x3be: {  	v32 =	vld [tilespmem:$0x1FE00]  }
0x3bf: {  	v27 =	vld.idx.msk [tilespmem:v20+s19+$0x0], $0xffff  }
0x3c0: {  	v28 =	vld.idx.msk [tilespmem:v21+s19+$0x0], $0xffff  }
0x3c1: {  	v29 =	vld.idx.msk [tilespmem:v22+s19+$0x0], $0xffff  }
0x3c2: {  	v31 =	vld.idx.msk [tilespmem:v23+s19+$0x0], $0xffff  }
0x3c3: {  	v48 =	vld [tilespmem:$0x1FE40]  }
0x3c4: {  	v23 =	vld.idx.msk [tilespmem:v23+s20+$0x0], $0xffff  }
0x3c5: {  	v22 =	vld.idx.msk [tilespmem:v22+s20+$0x0], $0xffff  }
0x3c6: {  	v35 =	vld [tilespmem:$0x1FE60]  }
0x3c7: {  	v21 =	vld.idx.msk [tilespmem:v21+s20+$0x0], $0xffff  }
0x3c8: {  	v20 =	vld.idx.msk [tilespmem:v20+s20+$0x0], $0xffff  }
0x3c9: {  	v19 =	vld.idx.msk [tilespmem:v19+s20+$0x0], $0xffff  }
0x3ca: {  	v16 =	vld.idx.msk [tilespmem:v16+s20+$0x0], $0xffff  }
0x3cb: {  	v14 =	vld.idx.msk [tilespmem:v14+s20+$0x0], $0xffff  }
0x3cc: {  	v12 =	vld.idx.msk [tilespmem:v12+s20+$0x0], $0xffff  }
0x3cd: {  	v9 =	vld.idx.msk [tilespmem:v9+s20+$0x0], $0xffff;
	v24 =	vor.u32 v38, v18  }
0x3ce: {  	v7 =	vld.idx.msk [tilespmem:v7+s20+$0x0], $0xffff;
	v26 =	vor.u32 v32, v18  }
0x3cf: {  	v30 =	vlaneseq.u32;
	v5 =	vld.idx.msk [tilespmem:v5+s20+$0x0], $0xffff;
	v11 =	vshll.u32 v11, $0x5  }
0x3d0: {  	v18 =	vor.u32 v30, v18;
	v42 =	vor.u32 v46, v11;
	v46 =	vld [tilespmem:$0x1FE30]  }
0x3d1: {  	v30 =	vor.u32 v30, v11;
	v44 =	vor.u32 v33, v11;
	v33 =	vor.u32 v48, v11;
	v48 =	vld [tilespmem:$0x1FE50]  }
0x3d2: {  	v32 =	vor.u32 v32, v11;
	v34 =	vld.idx.msk [tilespmem:v24+s19+$0x0], $0xffff  }
0x3d3: {  	v36 =	vld.idx.msk [tilespmem:v26+s20+$0x0], $0xffff  }
0x3d4: {  	v38 =	vor.u32 v38, v11;
	v26 =	vld.idx.msk [tilespmem:v26+s19+$0x0], $0xffff  }
0x3d5: {  	v40 =	vld.idx.msk [tilespmem:v18+s19+$0x0], $0xffff  }
0x3d6: {  	v30 =	vld.idx.msk [tilespmem:v30+s10+$0x0], $0xffff  }
0x3d7: {  	v32 =	vld.idx.msk [tilespmem:v32+s10+$0x0], $0xffff  }
0x3d8: {  	v42 =	vld.idx.msk [tilespmem:v42+s10+$0x0], $0xffff  }
0x3d9: {  	v38 =	vld.idx.msk [tilespmem:v38+s10+$0x0], $0xffff;
	v46 =	vor.u32 v46, v11  }
0x3da: {  	v18 =	vld.idx.msk [tilespmem:v18+s20+$0x0], $0xffff  }
0x3db: {  	v24 =	vld.idx.msk [tilespmem:v24+s20+$0x0], $0xffff  }
0x3dc: {  	v44 =	vld.idx.msk [tilespmem:v44+s10+$0x0], $0xffff;
	v30 =	vadd.f32 v30, v40  }
0x3dd: {  	v26 =	vadd.f32 v32, v26;
	v32 =	vor.u32 v48, v11;
	v31 =	vadd.f32 v42, v31;
	v42 =	vld [tilespmem:$0x1FEB0]  }
0x3de: {  	v34 =	vadd.f32 v38, v34;
	v38 =	vld.idx.msk [tilespmem:v46+s10+$0x0], $0xffff  }
0x3df: {  	v48 =	vld [tilespmem:$0x1FEA0];
	v18 =	vsub.f32 v30, v18;
	v26 =	vsub.f32 v26, v36  }
0x3e0: {  	v40 =	vld [tilespmem:$0x1FEC0];
	v30 =	vor.u32 v35, v11;
	v24 =	vsub.f32 v34, v24  }
0x3e1: {  	v23 =	vsub.f32 v31, v23;
	v31 =	vld [tilespmem:$0x1FFC0];
	v18 =	vmul.f32 v18, v18;
	v26 =	vmul.f32 v26, v26  }
0x3e2: {  	v32 =	vld.idx.msk [tilespmem:v32+s10+$0x0], $0xffff;
	v34 =	vor.u32 v42, v11  }
0x3e3: {  	v3 =	vld.idx.msk [tilespmem:v3+s20+$0x0], $0xffff;
	v24 =	vmul.f32 v24, v24;
	v18 =	vadd.f32 v26, v18  }
0x3e4: {  	v33 =	vld.idx.msk [tilespmem:v33+s10+$0x0], $0xffff;
	v29 =	vadd.f32 v44, v29;
	v36 =	vor.u32 v48, v11  }
0x3e5: {  	v23 =	vmul.f32 v23, v23;
	v26 =	vadd.f32 v38, v28;
	v28 =	vld.idx.msk [tilespmem:v30+s10+$0x0], $0xffff;
	v18 =	vadd.f32 v24, v18  }
0x3e6: {  	v22 =	vsub.f32 v29, v22;
	v38 =	vld [tilespmem:$0x1FED0];
	v30 =	vor.u32 v40, v11  }
0x3e7: {  	v18 =	vadd.f32 v23, v18;
	v23 =	vadd.f32 v32, v25;
	v25 =	vld.idx.msk [tilespmem:v34+s10+$0x0], $0xffff;
	v34 =	vor.u32 v31, v11  }
0x3e8: {  	v0 =	vld.idx.msk [tilespmem:v0+s20+$0x0], $0xffff  }
0x3e9: {  	v22 =	vmul.f32 v22, v22;
	v24 =	vadd.f32 v33, v27;
	v27 =	vld.idx.msk [tilespmem:v36+s10+$0x0], $0xffff  }
0x3ea: {  	v17 =	vadd.f32 v28, v17;
	v28 =	vld [tilespmem:$0x1FF80]  }
0x3eb: {  	v29 =	vor.u32 v38, v11;
	v18 =	vadd.f32 v22, v18;
	v22 =	vld.idx.msk [tilespmem:v30+s10+$0x0], $0xffff  }
0x3ec: {  	v21 =	vsub.f32 v26, v21;
	v16 =	vsub.f32 v17, v16;
	v17 =	vld.idx.msk [tilespmem:v34+s10+$0x0], $0xffff  }
0x3ed: {  	v13 =	vadd.f32 v25, v13;
	v25 =	vld [tilespmem:$0x1FE70]  }
0x3ee: {  	v21 =	vmul.f32 v21, v21;
	v20 =	vsub.f32 v24, v20;
	v15 =	vadd.f32 v27, v15;
	v27 =	vld [tilespmem:$0x1FFA0]  }
0x3ef: {  	v19 =	vsub.f32 v23, v19;
	v34 =	vld [tilespmem:$0x1FFE0];
	v36 =	vor.u32 v28, v11  }
0x3f0: {  	v20 =	vmul.f32 v20, v20;
	v18 =	vadd.f32 v21, v18;
	v21 =	vld.idx.msk [tilespmem:v29+s10+$0x0], $0xffff  }
0x3f1: {  	v19 =	vmul.f32 v19, v19;
	v29 =	vld [tilespmem:$0x1FF90]  }
0x3f2: {  	v18 =	vadd.f32 v20, v18;
	v10 =	vadd.f32 v22, v10;
	v22 =	vld [tilespmem:$0x1FF40];
	v20 =	vor.u32 v25, v11  }
0x3f3: {  	v16 =	vmul.f32 v16, v16;
	v6 =	vadd.f32 v17, v6;
	v17 =	vld [tilespmem:$0x1FF00]  }
0x3f4: {  	v14 =	vsub.f32 v15, v14;
	v18 =	vadd.f32 v19, v18;
	v19 =	vor.u32 v27, v11;
	v15 =	vld.idx.msk [tilespmem:v36+s10+$0x0], $0xffff  }
0x3f5: {  	v12 =	vsub.f32 v13, v12;
	v5 =	vsub.f32 v6, v5;
	v6 =	vld.idx.msk [tilespmem:v63+s20+$0x0], $0xffff  }
0x3f6: {  	v14 =	vmul.f32 v14, v14;
	v16 =	vadd.f32 v16, v18;
	v23 =	vor.u32 v29, v11;
	v36 =	vld [tilespmem:$0x1FFF0]  }
0x3f7: {  	v9 =	vsub.f32 v10, v9;
	v8 =	vadd.f32 v21, v8;
	v18 =	vor.u32 v22, v11;
	v10 =	vld.idx.msk [tilespmem:v20+s10+$0x0], $0xffff  }
0x3f8: {  	v12 =	vmul.f32 v12, v12;
	v14 =	vadd.f32 v14, v16;
	v20 =	vld [tilespmem:$0x1FF20]  }
0x3f9: {  	v7 =	vsub.f32 v8, v7;
	v8 =	vld.idx.msk [tilespmem:v19+s10+$0x0], $0xffff  }
0x3fa: {  	v9 =	vmul.f32 v9, v9;
	v12 =	vadd.f32 v12, v14;
	v19 =	vld [tilespmem:$0x1FF10]  }
0x3fb: {  	v13 =	vld.idx.msk [tilespmem:v23+s10+$0x0], $0xffff  }
0x3fc: {  	v9 =	vadd.f32 v9, v12;
	v12 =	vld.idx.msk [tilespmem:v18+s10+$0x0], $0xffff  }
0x3fd: {  	v21 =	vld [tilespmem:$0x1FF30];
	v4 =	vadd.f32 v15, v4  }
0x3fe: {  	v7 =	vmul.f32 v7, v7;
	v15 =	vld [tilespmem:$0x1FEE0];
	v16 =	vor.u32 v20, v11  }
0x3ff: {  	v3 =	vsub.f32 v4, v3;
	v4 =	vld.idx.msk [tilespmem:v61+s20+$0x0], $0xffff;
	v14 =	vor.u32 v19, v11;
	v1 =	vadd.f32 v10, v1  }
0x400: {  	v5 =	vmul.f32 v5, v5;
	v7 =	vadd.f32 v7, v9;
	v61 =	vld [tilespmem:$0x1FF70];
	v2 =	vadd.f32 v13, v2  }
0x401: {  	v13 =	vor.u32 v36, v11;
	v1 =	vsub.f32 v1, v6;
	v6 =	vadd.f32 v12, v60;
	v60 =	vld [tilespmem:$0x1FF60]  }
0x402: {  	v5 =	vadd.f32 v5, v7;
	v3 =	vmul.f32 v3, v3;
	v0 =	vsub.f32 v2, v0;
	v2 =	vld.idx.msk [tilespmem:v59+s20+$0x0], $0xffff  }
0x403: {  	v10 =	vor.u32 v34, v11;
	v9 =	vld.idx.msk [tilespmem:v16+s10+$0x0], $0xffff  }
0x404: {  	v7 =	vadd.f32 v8, v62;
	v3 =	vadd.f32 v3, v5;
	v8 =	vld.idx.msk [tilespmem:v14+s10+$0x0], $0xffff;
	v0 =	vmul.f32 v0, v0  }
0x405: {  	v5 =	vld.idx.msk [tilespmem:v57+s20+$0x0], $0xffff  }
0x406: {  	v1 =	vmul.f32 v1, v1;
	v12 =	vld.idx.msk [tilespmem:v13+s10+$0x0], $0xffff;
	v0 =	vadd.f32 v0, v3;
	v3 =	vsub.f32 v7, v4  }
0x407: {  	v14 =	vor.u32 v15, v11;
	v4 =	vld.idx.msk [tilespmem:v55+s20+$0x0], $0xffff;
	v2 =	vsub.f32 v6, v2  }
0x408: {  	v0 =	vadd.f32 v1, v0;
	v1 =	vmul.f32 v3, v3;
	v7 =	vadd.f32 v9, v58;
	v9 =	vld.idx.msk [tilespmem:v10+s10+$0x0], $0xffff  }
0x409: {  	v13 =	vor.u32 v60, v11;
	v3 =	vld.idx.msk [tilespmem:v53+s20+$0x0], $0xffff;
	v6 =	vadd.f32 v8, v56  }
0x40a: {  	v62 =	vld [tilespmem:$0x1FFD0];
	v0 =	vadd.f32 v1, v0;
	v1 =	vmul.f32 v2, v2;
	v2 =	vsub.f32 v7, v5  }
0x40b: {  	v5 =	vld.idx.msk [tilespmem:v51+s20+$0x0], $0xffff;
	v7 =	vadd.f32 v12, v54  }
0x40c: {  	v63 =	vld [tilespmem:$0x1FFB0];
	v0 =	vadd.f32 v1, v0;
	v1 =	vmul.f32 v2, v2;
	v2 =	vsub.f32 v6, v4  }
0x40d: {  	v10 =	vor.u32 v61, v11;
	v8 =	vld.idx.msk [tilespmem:v14+s10+$0x0], $0xffff;
	v6 =	vadd.f32 v9, v52  }
0x40e: {  	v12 =	vld.idx.msk [tilespmem:v13+s10+$0x0], $0xffff;
	v0 =	vadd.f32 v1, v0;
	v1 =	vmul.f32 v2, v2;
	v2 =	vsub.f32 v7, v3  }
0x40f: {  	v14 =	vor.u32 v62, v11;
	v4 =	vld.idx.msk [tilespmem:v49+s20+$0x0], $0xffff  }
0x410: {  	v0 =	vadd.f32 v1, v0;
	v1 =	vmul.f32 v2, v2;
	v2 =	vsub.f32 v6, v5;
	v6 =	vld [tilespmem:$0x1FBD0]  }
0x411: {  	v23 =	vld [tilespmem:$0x1FF50]  }
0x412: {  	v3 =	vld.idx.msk [tilespmem:v47+s20+$0x0], $0xffff;
	v7 =	vadd.f32 v8, v50  }
0x413: {  	v9 =	vld.idx.msk [tilespmem:v10+s10+$0x0], $0xffff  }
0x414: {  	v0 =	vadd.f32 v1, v0;
	v1 =	vmul.f32 v2, v2;
	v2 =	vsub.f32 v7, v4;
	v7 =	vld [tilespmem:$0x1FBC0]  }
0x415: {  	v13 =	vor.u32 v17, v11;
	v8 =	vld.idx.msk [tilespmem:v14+s10+$0x0], $0xffff;
	v6 =	vadd.f32 v12, v6  }
0x416: {  	v10 =	vor.u32 v63, v11;
	v5 =	vld.idx.msk [tilespmem:v45+s20+$0x0], $0xffff  }
0x417: {  	v0 =	vadd.f32 v1, v0;
	v1 =	vmul.f32 v2, v2;
	v2 =	vsub.f32 v6, v3;
	v6 =	vld [tilespmem:$0x1FBB0]  }
0x418: {  	v16 =	vld [tilespmem:$0x1FEF0]  }
0x419: {  	v4 =	vld.idx.msk [tilespmem:v43+s20+$0x0], $0xffff;
	v7 =	vadd.f32 v9, v7  }
0x41a: {  	v12 =	vld.idx.msk [tilespmem:v13+s10+$0x0], $0xffff  }
0x41b: {  	v0 =	vadd.f32 v1, v0;
	v1 =	vmul.f32 v2, v2;
	v2 =	vsub.f32 v7, v5;
	v7 =	vld [tilespmem:$0x1FBA0]  }
0x41c: {  	v14 =	vor.u32 v21, v11;
	v9 =	vld.idx.msk [tilespmem:v10+s10+$0x0], $0xffff;
	v6 =	vadd.f32 v8, v6  }
0x41d: {  	v3 =	vld.idx.msk [tilespmem:v41+s20+$0x0], $0xffff  }
0x41e: {  	v0 =	vadd.f32 v1, v0;
	v1 =	vmul.f32 v2, v2;
	v2 =	vsub.f32 v6, v4;
	v6 =	vld [tilespmem:$0x1FB90];
	_ =	sdelay $0x1  }
0x41f: {  	v5 =	vld.idx.msk [tilespmem:v39+s20+$0x0], $0xffff;
	v7 =	vadd.f32 v12, v7  }
0x420: {  	v13 =	vor.u32 v23, v11;
	v8 =	vld.idx.msk [tilespmem:v14+s10+$0x0], $0xffff  }
0x421: {  	v0 =	vadd.f32 v1, v0;
	v1 =	vmul.f32 v2, v2;
	v2 =	vsub.f32 v7, v3;
	v3 =	vld [tilespmem:$0x1FB60]  }
0x422: {  	v10 =	vor.u32 v16, v11;
	v7 =	vld [tilespmem:$0x1FB80];
	v6 =	vadd.f32 v9, v6  }
0x423: {  	v4 =	vld.idx.msk [tilespmem:v37+s20+$0x0], $0xffff  }
0x424: {  	v0 =	vadd.f32 v1, v0;
	v1 =	vmul.f32 v2, v2;
	v2 =	vsub.f32 v6, v5;
	v5 =	vld [tilespmem:$0x1FB40];
	_ =	sdelay $0x1  }
0x425: {  	v11 =	vld.idx.msk [tilespmem:v13+s10+$0x0], $0xffff  }
0x426: {  	v9 =	vld.idx.msk [tilespmem:v10+s10+$0x0], $0xffff;
	v7 =	vadd.f32 v8, v7  }
0x427: {  	v6 =	vld [tilespmem:$0x1FB70]  }
0x428: {  	v0 =	vadd.f32 v1, v0;
	v1 =	vmul.f32 v2, v2;
	v2 =	vsub.f32 v7, v4;
	v4 =	vld [tilespmem:$0x1FB50]  }
0x429: {  	v3 =	vld.idx.msk [tilespmem:v3+s20+$0x0], $0xffff;
	_ =	sdelay $0x1  }
0x42a: {  	v5 =	vld.idx.msk [tilespmem:v5+s20+$0x0], $0xffff  }
0x42b: {  	v6 =	vadd.f32 v11, v6  }
0x42c: {  	v0 =	vadd.f32 v1, v0  }
0x42d: {  	v1 =	vmul.f32 v2, v2;
	v4 =	vadd.f32 v9, v4;
	v2 =	vsub.f32 v6, v3;
	_ =	sdelay $0x1  }
0x42e: {  	v0 =	vadd.f32 v1, v0;
	v1 =	vmul.f32 v2, v2;
	v2 =	vsub.f32 v4, v5;
	_ =	sdelay $0x1  }
0x42f: {  	v0 =	vadd.f32 v1, v0;
	v1 =	vmul.f32 v2, v2;
	_ =	sdelay $0x1  }
0x430: {  	v0 =	vadd.f32 v1, v0;
	_ =	sdelay $0x1  }
0x431: {  	v1 =	vmax.f32 v0, $1.000000000e-30  }
0x432: {  	v2 =	vshra.s32 v1, $0x1;
	v1 =	vmul.f32 $5.000000000e-01, v1  }
0x433: {  	v2 =	vsub.s32 $0x5F3759DF, v2  }
0x434: {  	v3 =	vmul.f32 v2, v1;
	_ =	sdelay $0x1  }
0x435: {  	v3 =	vmul.f32 v2, v3;
	_ =	sdelay $0x1  }
0x436: {  	v3 =	vsub.f32 $1.500000000e+00, v3;
	_ =	sdelay $0x1  }
0x437: {  	v2 =	vmul.f32 v2, v3;
	_ =	sdelay $0x1  }
0x438: {  	v3 =	vmul.f32 v2, v1;
	_ =	sdelay $0x1  }
0x439: {  	v3 =	vmul.f32 v3, v2;
	_ =	sdelay $0x1  }
0x43a: {  	v3 =	vsub.f32 $1.500000000e+00, v3;
	_ =	sdelay $0x1  }
0x43b: {  	v2 =	vmul.f32 v3, v2;
	_ =	sdelay $0x1  }
0x43c: {  	v44 =	vld [tilespmem:$0x1FE80];
	v1 =	vmul.f32 v2, v1;
	_ =	sdelay $0x1  }
0x43d: {  	v1 =	vmul.f32 v1, v2  }
0x43e: {  	v3 =	vmov s25  }
0x43f: {  	v3 =	vshll.u32 v3, $0x7;
	v1 =	vsub.f32 $1.500000000e+00, v1  }
0x440: {  	v18 =	vor.u32 v44, v3  }
0x441: {  	v3 =	vor.u32 v16, v18;
	v1 =	vmul.f32 v1, v2;
	_ =	sdelay $0x1  }
0x442: {  	v0 =	vmul.f32 v1, v0  }
0x443: {  	s23 =	sadd.s32 $0x10, s23  }
0x444: {  	[tilespmem:s23+$0x0] =	vst v0  }
0x445: {  	v2 =	vor.u32 v23, v18;
	v0 =	vld.idx.msk [tilespmem:v3+s19+$0x0], $0xffff;
	_ =	sdelay $0x4  }
0x446: {  	v37 =	vor.u32 v21, v18;
	[tilespmem:$0x1FB50] =	vst v0;
	v0 =	vld.idx.msk [tilespmem:v2+s19+$0x0], $0xffff;
	_ =	sdelay $0x4  }
0x447: {  	v39 =	vor.u32 v63, v18;
	[tilespmem:$0x1FB70] =	vst v0;
	v0 =	vld.idx.msk [tilespmem:v37+s19+$0x0], $0xffff;
	_ =	sdelay $0x4  }
0x448: {  	v41 =	vor.u32 v17, v18;
	[tilespmem:$0x1FB80] =	vst v0;
	v0 =	vld.idx.msk [tilespmem:v39+s19+$0x0], $0xffff;
	_ =	sdelay $0x4  }
0x449: {  	v43 =	vor.u32 v62, v18;
	[tilespmem:$0x1FB90] =	vst v0;
	v0 =	vld.idx.msk [tilespmem:v41+s19+$0x0], $0xffff  }
0x44a: {  	v11 =	vld [tilespmem:$0x1FE40]  }
0x44b: {  	v46 =	vld [tilespmem:$0x1FE90];
	v49 =	vor.u32 v15, v18  }
0x44c: {  	v33 =	vld [tilespmem:$0x1FE20];
	v51 =	vor.u32 v34, v18  }
0x44d: {  	v10 =	vld [tilespmem:$0x1FE50];
	v53 =	vor.u32 v36, v18  }
0x44e: {  	v45 =	vor.u32 v61, v18;
	[tilespmem:$0x1FBA0] =	vst v0;
	v0 =	vld.idx.msk [tilespmem:v43+s19+$0x0], $0xffff  }
0x44f: {  	v55 =	vor.u32 v19, v18;
	v57 =	vor.u32 v20, v18;
	v20 =	vor.u32 v11, v18;
	v11 =	vld [tilespmem:$0x1FE30]  }
0x450: {  	v50 =	vld.idx.msk [tilespmem:v49+s19+$0x0], $0xffff  }
0x451: {  	v59 =	vor.u32 v22, v18;
	v52 =	vld.idx.msk [tilespmem:v51+s19+$0x0], $0xffff  }
0x452: {  	v61 =	vor.u32 v27, v18;
	v54 =	vld.idx.msk [tilespmem:v53+s19+$0x0], $0xffff  }
0x453: {  	v47 =	vor.u32 v60, v18;
	[tilespmem:$0x1FBB0] =	vst v0;
	v0 =	vld.idx.msk [tilespmem:v45+s19+$0x0], $0xffff  }
0x454: {  	v63 =	vor.u32 v25, v18;
	v56 =	vld.idx.msk [tilespmem:v55+s19+$0x0], $0xffff  }
0x455: {  	v5 =	vor.u32 v31, v18;
	v58 =	vld.idx.msk [tilespmem:v57+s19+$0x0], $0xffff  }
0x456: {  	v7 =	vor.u32 v38, v18;
	v60 =	vld.idx.msk [tilespmem:v59+s19+$0x0], $0xffff  }
0x457: {  	v9 =	vor.u32 v40, v18;
	v62 =	vld.idx.msk [tilespmem:v61+s19+$0x0], $0xffff  }
0x458: {  	v12 =	vor.u32 v42, v18;
	[tilespmem:$0x1FBC0] =	vst v0;
	v0 =	vld.idx.msk [tilespmem:v47+s19+$0x0], $0xffff  }
0x459: {  	v14 =	vor.u32 v48, v18;
	v1 =	vld.idx.msk [tilespmem:v63+s19+$0x0], $0xffff  }
0x45a: {  	v6 =	vld.idx.msk [tilespmem:v5+s19+$0x0], $0xffff  }
0x45b: {  	v16 =	vor.u32 v35, v18;
	v8 =	vld.idx.msk [tilespmem:v7+s19+$0x0], $0xffff  }
0x45c: {  	v19 =	vor.u32 v10, v18;
	[tilespmem:$0x1FB40] =	vst v3;
	v3 =	vor.u32 v28, v18;
	v10 =	vld.idx.msk [tilespmem:v9+s19+$0x0], $0xffff  }
0x45d: {  	p0 =	sne.s32 s25, $0x70;
	v13 =	vld.idx.msk [tilespmem:v12+s19+$0x0], $0xffff;
	[tilespmem:$0x1FBD0] =	vst v0;
	v0 =	vor.u32 v29, v18  }
.Ltmp4:
0x45e: {  	s24 =	sadd.s32 $0x10, s24;
	v15 =	vld.idx.msk [tilespmem:v14+s19+$0x0], $0xffff;
	(pc) =	sbr.rel @p0 .LBB2_10-.Ltmp4, $4  }
0x45f: {  	v21 =	vor.u32 v11, v18;
	v11 =	vld [tilespmem:s24+$0x0]  }
0x460: {  	v17 =	vld.idx.msk [tilespmem:v16+s19+$0x0], $0xffff  }
0x461: {  	v4 =	vld.idx.msk [tilespmem:v3+s19+$0x0], $0xffff  }
0x462: {  	s25 =	sadd.s32 $0x10, s25;
	v22 =	vor.u32 v33, v18;
	v23 =	vor.u32 v46, v18;
	[tilespmem:$0x1FB60] =	vst v2;
	v2 =	vld.idx.msk [tilespmem:v0+s19+$0x0], $0xffff  }
0x463: {  	_ =	sdelay $0x1  }
0x464: {  	v27 =	vld [tilespmem:$0x1FE00]  }
0x465: {  	v32 =	vld [tilespmem:$0x1FE10]  }
0x466: {  	v36 =	vld.idx.msk [tilespmem:v23+s19+$0x0], $0xffff  }
0x467: {  	v38 =	vld [tilespmem:$0x1FE40]  }
0x468: {  	v23 =	vld.idx.msk [tilespmem:v23+s20+$0x0], $0xffff  }
0x469: {  	v16 =	vld.idx.msk [tilespmem:v16+s20+$0x0], $0xffff  }
0x46a: {  	v14 =	vld.idx.msk [tilespmem:v14+s20+$0x0], $0xffff  }
0x46b: {  	v12 =	vld.idx.msk [tilespmem:v12+s20+$0x0], $0xffff  }
0x46c: {  	v42 =	vlaneseq.u32;
	v9 =	vld.idx.msk [tilespmem:v9+s20+$0x0], $0xffff  }
0x46d: {  	v7 =	vld.idx.msk [tilespmem:v7+s20+$0x0], $0xffff;
	v25 =	vor.u32 v42, v18  }
0x46e: {  	v5 =	vld.idx.msk [tilespmem:v5+s20+$0x0], $0xffff;
	v11 =	vshll.u32 v11, $0x5  }
0x46f: {  	v3 =	vld.idx.msk [tilespmem:v3+s20+$0x0], $0xffff;
	v26 =	vor.u32 v42, v11  }
0x470: {  	v0 =	vld.idx.msk [tilespmem:v0+s20+$0x0], $0xffff;
	v31 =	vor.u32 v46, v11  }
0x471: {  	v40 =	vor.u32 v33, v11;
	v46 =	vld [tilespmem:$0x1FE30]  }
0x472: {  	v30 =	vld.idx.msk [tilespmem:v25+s19+$0x0], $0xffff  }
0x473: {  	v25 =	vld.idx.msk [tilespmem:v25+s20+$0x0], $0xffff  }
0x474: {  	v24 =	vor.u32 v27, v18;
	v26 =	vld.idx.msk [tilespmem:v26+s10+$0x0], $0xffff  }
0x475: {  	v31 =	vld.idx.msk [tilespmem:v31+s10+$0x0], $0xffff  }
0x476: {  	v27 =	vor.u32 v27, v11;
	v29 =	vor.u32 v32, v11;
	v18 =	vor.u32 v32, v18;
	v32 =	vld.idx.msk [tilespmem:v40+s10+$0x0], $0xffff  }
0x477: {  	v40 =	vld.idx.msk [tilespmem:v22+s19+$0x0], $0xffff  }
0x478: {  	v22 =	vld.idx.msk [tilespmem:v22+s20+$0x0], $0xffff  }
0x479: {  	v28 =	vld.idx.msk [tilespmem:v24+s20+$0x0], $0xffff  }
0x47a: {  	v34 =	vor.u32 v46, v11;
	v24 =	vld.idx.msk [tilespmem:v24+s19+$0x0], $0xffff  }
0x47b: {  	v38 =	vor.u32 v38, v11;
	v27 =	vld.idx.msk [tilespmem:v27+s10+$0x0], $0xffff  }
0x47c: {  	v29 =	vld.idx.msk [tilespmem:v29+s10+$0x0], $0xffff  }
0x47d: {  	v48 =	vld.idx.msk [tilespmem:v18+s19+$0x0], $0xffff  }
0x47e: {  	v18 =	vld.idx.msk [tilespmem:v18+s20+$0x0], $0xffff  }
0x47f: {  	v34 =	vld.idx.msk [tilespmem:v34+s10+$0x0], $0xffff;
	v26 =	vadd.f32 v26, v30  }
0x480: {  	v30 =	vld.idx.msk [tilespmem:v38+s10+$0x0], $0xffff  }
0x481: {  	v25 =	vsub.f32 v26, v25;
	v26 =	vld.idx.msk [tilespmem:v21+s19+$0x0], $0xffff  }
0x482: {  	v21 =	vld.idx.msk [tilespmem:v21+s20+$0x0], $0xffff  }
0x483: {  	v24 =	vadd.f32 v27, v24;
	v27 =	vld [tilespmem:$0x1FE50]  }
0x484: {  	v32 =	vadd.f32 v32, v40;
	v29 =	vadd.f32 v29, v48;
	v48 =	vld [tilespmem:$0x1FEA0]  }
0x485: {  	v24 =	vsub.f32 v24, v28;
	v28 =	vadd.f32 v31, v36;
	v31 =	vld [tilespmem:$0x1FE60]  }
0x486: {  	v18 =	vsub.f32 v29, v18;
	v29 =	vld.idx.msk [tilespmem:v20+s19+$0x0], $0xffff  }
0x487: {  	v22 =	vsub.f32 v32, v22;
	v32 =	vld [tilespmem:$0x1FFC0]  }
0x488: {  	v25 =	vmul.f32 v25, v25;
	v24 =	vmul.f32 v24, v24;
	v23 =	vsub.f32 v28, v23;
	v28 =	vld [tilespmem:$0x1FEB0]  }
0x489: {  	v20 =	vld.idx.msk [tilespmem:v20+s20+$0x0], $0xffff;
	v27 =	vor.u32 v27, v11  }
0x48a: {  	v18 =	vmul.f32 v18, v18;
	v33 =	vor.u32 v48, v11;
	v24 =	vadd.f32 v24, v25;
	v25 =	vld.idx.msk [tilespmem:v19+s19+$0x0], $0xffff  }
0x48b: {  	v26 =	vadd.f32 v34, v26;
	v31 =	vor.u32 v31, v11;
	v29 =	vadd.f32 v30, v29;
	v30 =	vld [tilespmem:$0x1FEC0]  }
0x48c: {  	v23 =	vmul.f32 v23, v23;
	v19 =	vld.idx.msk [tilespmem:v19+s20+$0x0], $0xffff  }
0x48d: {  	v21 =	vsub.f32 v26, v21;
	v26 =	vld [tilespmem:$0x1FED0];
	v18 =	vadd.f32 v18, v24;
	v28 =	vor.u32 v28, v11  }
0x48e: {  	v27 =	vld.idx.msk [tilespmem:v27+s10+$0x0], $0xffff  }
0x48f: {  	v18 =	vadd.f32 v23, v18;
	v23 =	vld.idx.msk [tilespmem:v33+s10+$0x0], $0xffff  }
0x490: {  	v22 =	vmul.f32 v22, v22;
	v24 =	vld.idx.msk [tilespmem:v31+s10+$0x0], $0xffff;
	v30 =	vor.u32 v30, v11  }
0x491: {  	v21 =	vmul.f32 v21, v21;
	v31 =	vld [tilespmem:$0x1FE70]  }
0x492: {  	v20 =	vsub.f32 v29, v20;
	v26 =	vor.u32 v26, v11;
	v18 =	vadd.f32 v22, v18;
	v22 =	vld.idx.msk [tilespmem:v28+s10+$0x0], $0xffff  }
0x493: {  	v25 =	vadd.f32 v27, v25;
	v27 =	vld [tilespmem:$0x1FF90]  }
0x494: {  	v20 =	vmul.f32 v20, v20;
	v18 =	vadd.f32 v21, v18;
	v28 =	vld [tilespmem:$0x1FFA0]  }
0x495: {  	v17 =	vadd.f32 v24, v17;
	v24 =	vor.u32 v32, v11;
	v19 =	vsub.f32 v25, v19;
	v21 =	vld.idx.msk [tilespmem:v30+s10+$0x0], $0xffff  }
0x496: {  	v25 =	vld [tilespmem:$0x1FF80]  }
0x497: {  	v18 =	vadd.f32 v20, v18;
	v16 =	vsub.f32 v17, v16;
	v17 =	vld.idx.msk [tilespmem:v26+s10+$0x0], $0xffff;
	v19 =	vmul.f32 v19, v19  }
0x498: {  	v29 =	vld [tilespmem:$0x1FF60];
	v15 =	vadd.f32 v23, v15;
	v20 =	vor.u32 v27, v11  }
0x499: {  	v30 =	vld [tilespmem:$0x1FF70];
	v18 =	vadd.f32 v19, v18;
	v19 =	vor.u32 v31, v11  }
0x49a: {  	v14 =	vsub.f32 v15, v14;
	v16 =	vmul.f32 v16, v16;
	v15 =	vld.idx.msk [tilespmem:v24+s10+$0x0], $0xffff  }
0x49b: {  	v13 =	vadd.f32 v22, v13;
	v22 =	vld [tilespmem:$0x1FF30];
	v23 =	vor.u32 v25, v11;
	v10 =	vadd.f32 v21, v10  }
0x49c: {  	v16 =	vadd.f32 v16, v18;
	v18 =	vld [tilespmem:$0x1FF40];
	v8 =	vadd.f32 v17, v8;
	v17 =	vor.u32 v28, v11  }
0x49d: {  	v9 =	vsub.f32 v10, v9;
	v10 =	vld.idx.msk [tilespmem:v20+s10+$0x0], $0xffff  }
0x49e: {  	v14 =	vmul.f32 v14, v14;
	v12 =	vsub.f32 v13, v12;
	v7 =	vsub.f32 v8, v7;
	v8 =	vld.idx.msk [tilespmem:v19+s10+$0x0], $0xffff  }
0x49f: {  	v19 =	vld [tilespmem:$0x1FF20];
	v6 =	vadd.f32 v15, v6  }
0x4a0: {  	v12 =	vmul.f32 v12, v12;
	v14 =	vadd.f32 v14, v16;
	v13 =	vld.idx.msk [tilespmem:v23+s10+$0x0], $0xffff  }
0x4a1: {  	v5 =	vsub.f32 v6, v5;
	v6 =	vld.idx.msk [tilespmem:v17+s10+$0x0], $0xffff  }
0x4a2: {  	v9 =	vmul.f32 v9, v9;
	v12 =	vadd.f32 v12, v14;
	v17 =	vld [tilespmem:$0x1FF10]  }
0x4a3: {  	v14 =	vld [tilespmem:$0x1FEE0];
	v15 =	vor.u32 v18, v11  }
0x4a4: {  	v7 =	vmul.f32 v7, v7;
	v9 =	vadd.f32 v9, v12;
	v12 =	vld.idx.msk [tilespmem:v63+s20+$0x0], $0xffff  }
0x4a5: {  	v63 =	vld [tilespmem:$0x1FFF0];
	v4 =	vadd.f32 v13, v4;
	v13 =	vor.u32 v19, v11  }
0x4a6: {  	v7 =	vadd.f32 v7, v9;
	v9 =	vld.idx.msk [tilespmem:v61+s20+$0x0], $0xffff  }
0x4a7: {  	v2 =	vadd.f32 v10, v2;
	v61 =	vld [tilespmem:$0x1FFE0];
	v10 =	vor.u32 v17, v11  }
0x4a8: {  	v5 =	vmul.f32 v5, v5;
	v3 =	vsub.f32 v4, v3;
	v4 =	vld.idx.msk [tilespmem:v15+s10+$0x0], $0xffff  }
0x4a9: {  	v16 =	vld [tilespmem:$0x1FF00];
	v1 =	vadd.f32 v8, v1  }
0x4aa: {  	v0 =	vsub.f32 v2, v0;
	v5 =	vadd.f32 v5, v7;
	v3 =	vmul.f32 v3, v3;
	v2 =	vld.idx.msk [tilespmem:v13+s10+$0x0], $0xffff  }
0x4ab: {  	v8 =	vor.u32 v63, v11;
	v6 =	vadd.f32 v6, v62;
	v1 =	vsub.f32 v1, v12;
	v13 =	vld.idx.msk [tilespmem:v59+s20+$0x0], $0xffff  }
0x4ac: {  	v0 =	vmul.f32 v0, v0;
	v7 =	vor.u32 v61, v11;
	v3 =	vadd.f32 v3, v5;
	v5 =	vld.idx.msk [tilespmem:v10+s10+$0x0], $0xffff  }
0x4ad: {  	v12 =	vld.idx.msk [tilespmem:v57+s20+$0x0], $0xffff;
	v4 =	vadd.f32 v4, v60;
	v10 =	vor.u32 v14, v11  }
0x4ae: {  	v1 =	vmul.f32 v1, v1;
	v60 =	vld [tilespmem:$0x1FFD0];
	v0 =	vadd.f32 v0, v3;
	v3 =	vsub.f32 v6, v9  }
0x4af: {  	v9 =	vld.idx.msk [tilespmem:v55+s20+$0x0], $0xffff;
	v2 =	vadd.f32 v2, v58  }
0x4b0: {  	v6 =	vld.idx.msk [tilespmem:v8+s10+$0x0], $0xffff;
	v0 =	vadd.f32 v1, v0;
	v1 =	vsub.f32 v4, v13;
	v3 =	vmul.f32 v3, v3  }
0x4b1: {  	v8 =	vor.u32 v29, v11;
	v4 =	vld.idx.msk [tilespmem:v7+s10+$0x0], $0xffff;
	v5 =	vadd.f32 v5, v56  }
0x4b2: {  	v0 =	vadd.f32 v3, v0;
	v2 =	vsub.f32 v2, v12;
	v3 =	vld.idx.msk [tilespmem:v10+s10+$0x0], $0xffff;
	v1 =	vmul.f32 v1, v1  }
0x4b3: {  	v10 =	vor.u32 v60, v11;
	v12 =	vld.idx.msk [tilespmem:v51+s20+$0x0], $0xffff  }
0x4b4: {  	v13 =	vld.idx.msk [tilespmem:v53+s20+$0x0], $0xffff;
	v0 =	vadd.f32 v1, v0;
	v1 =	vsub.f32 v5, v9;
	v2 =	vmul.f32 v2, v2  }
0x4b5: {  	v62 =	vld [tilespmem:$0x1FFB0];
	v7 =	vor.u32 v30, v11  }
0x4b6: {  	v5 =	vld.idx.msk [tilespmem:v8+s10+$0x0], $0xffff;
	v4 =	vadd.f32 v4, v52;
	v0 =	vadd.f32 v2, v0;
	v1 =	vmul.f32 v1, v1  }
0x4b7: {  	v6 =	vadd.f32 v6, v54;
	v9 =	vld.idx.msk [tilespmem:v49+s20+$0x0], $0xffff  }
0x4b8: {  	v8 =	vor.u32 v16, v11;
	v0 =	vadd.f32 v1, v0;
	v1 =	vsub.f32 v4, v12;
	v4 =	vld.idx.msk [tilespmem:v10+s10+$0x0], $0xffff  }
0x4b9: {  	v2 =	vsub.f32 v6, v13;
	v10 =	vld [tilespmem:$0x1FBD0]  }
0x4ba: {  	v6 =	vld.idx.msk [tilespmem:v7+s10+$0x0], $0xffff  }
0x4bb: {  	v7 =	vor.u32 v62, v11;
	v13 =	vld.idx.msk [tilespmem:v47+s20+$0x0], $0xffff;
	v3 =	vadd.f32 v3, v50;
	v2 =	vmul.f32 v2, v2  }
0x4bc: {  	v23 =	vld [tilespmem:$0x1FF50]  }
0x4bd: {  	v0 =	vadd.f32 v2, v0;
	v2 =	vsub.f32 v3, v9;
	v3 =	vld.idx.msk [tilespmem:v8+s10+$0x0], $0xffff  }
0x4be: {  	v1 =	vmul.f32 v1, v1;
	v8 =	vld [tilespmem:$0x1FBC0];
	v5 =	vadd.f32 v5, v10  }
0x4bf: {  	v12 =	vld.idx.msk [tilespmem:v45+s20+$0x0], $0xffff  }
0x4c0: {  	v0 =	vadd.f32 v1, v0;
	v10 =	vor.u32 v22, v11;
	v1 =	vsub.f32 v5, v13;
	v5 =	vld.idx.msk [tilespmem:v7+s10+$0x0], $0xffff  }
0x4c1: {  	v7 =	vld [tilespmem:$0x1FBB0]  }
0x4c2: {  	v13 =	vld [tilespmem:$0x1FEF0]  }
0x4c3: {  	v9 =	vld.idx.msk [tilespmem:v43+s20+$0x0], $0xffff;
	v2 =	vmul.f32 v2, v2;
	v6 =	vadd.f32 v6, v8;
	v8 =	vor.u32 v23, v11;
	_ =	sdelay $0x1  }
0x4c4: {  	v0 =	vadd.f32 v2, v0;
	v2 =	vsub.f32 v6, v12;
	v6 =	vld.idx.msk [tilespmem:v10+s10+$0x0], $0xffff  }
0x4c5: {  	v1 =	vmul.f32 v1, v1;
	v10 =	vld [tilespmem:$0x1FBA0];
	v4 =	vadd.f32 v4, v7  }
0x4c6: {  	v7 =	vor.u32 v13, v11;
	v11 =	vld.idx.msk [tilespmem:v41+s20+$0x0], $0xffff  }
0x4c7: {  	v0 =	vadd.f32 v1, v0;
	v1 =	vsub.f32 v4, v9;
	v4 =	vld.idx.msk [tilespmem:v8+s10+$0x0], $0xffff  }
0x4c8: {  	v8 =	vld [tilespmem:$0x1FB90];
	_ =	sdelay $0x1  }
0x4c9: {  	v2 =	vmul.f32 v2, v2;
	v3 =	vadd.f32 v3, v10;
	v10 =	vld.idx.msk [tilespmem:v39+s20+$0x0], $0xffff;
	_ =	sdelay $0x1  }
0x4ca: {  	v0 =	vadd.f32 v2, v0;
	v2 =	vsub.f32 v3, v11;
	v3 =	vld.idx.msk [tilespmem:v7+s10+$0x0], $0xffff  }
0x4cb: {  	v1 =	vmul.f32 v1, v1;
	v7 =	vld [tilespmem:$0x1FB80];
	v5 =	vadd.f32 v5, v8;
	_ =	sdelay $0x1  }
0x4cc: {  	v0 =	vadd.f32 v1, v0;
	v1 =	vsub.f32 v5, v10;
	v5 =	vld [tilespmem:$0x1FB70];
	_ =	sdelay $0x2  }
0x4cd: {  	v6 =	vadd.f32 v6, v7;
	v7 =	vld [tilespmem:$0x1FB60]  }
0x4ce: {  	v8 =	vld.idx.msk [tilespmem:v37+s20+$0x0], $0xffff  }
0x4cf: {  	v4 =	vadd.f32 v4, v5;
	v5 =	vld [tilespmem:$0x1FB40];
	_ =	sdelay $0x2  }
0x4d0: {  	v2 =	vmul.f32 v2, v2;
	_ =	sdelay $0x1  }
0x4d1: {  	v0 =	vadd.f32 v2, v0;
	v2 =	vsub.f32 v6, v8;
	v6 =	vld [tilespmem:$0x1FB50]  }
0x4d2: {  	v7 =	vld.idx.msk [tilespmem:v7+s20+$0x0], $0xffff;
	_ =	sdelay $0x1  }
0x4d3: {  	v1 =	vmul.f32 v1, v1;
	v5 =	vld.idx.msk [tilespmem:v5+s20+$0x0], $0xffff;
	_ =	sdelay $0x1  }
0x4d4: {  	v0 =	vadd.f32 v1, v0  }
0x4d5: {  	v2 =	vmul.f32 v2, v2;
	v3 =	vadd.f32 v3, v6;
	v1 =	vsub.f32 v4, v7;
	_ =	sdelay $0x1  }
0x4d6: {  	v0 =	vadd.f32 v2, v0;
	v1 =	vmul.f32 v1, v1;
	v2 =	vsub.f32 v3, v5;
	_ =	sdelay $0x1  }
0x4d7: {  	v0 =	vadd.f32 v1, v0;
	v1 =	vmul.f32 v2, v2;
	_ =	sdelay $0x1  }
0x4d8: {  	v0 =	vadd.f32 v1, v0;
	_ =	sdelay $0x1  }
0x4d9: {  	v1 =	vmax.f32 v0, $1.000000000e-30  }
0x4da: {  	v2 =	vshra.s32 v1, $0x1;
	v1 =	vmul.f32 $5.000000000e-01, v1  }
0x4db: {  	v2 =	vsub.s32 $0x5F3759DF, v2  }
0x4dc: {  	v3 =	vmul.f32 v2, v1;
	_ =	sdelay $0x1  }
0x4dd: {  	v3 =	vmul.f32 v2, v3;
	_ =	sdelay $0x1  }
0x4de: {  	v3 =	vsub.f32 $1.500000000e+00, v3;
	_ =	sdelay $0x1  }
0x4df: {  	v2 =	vmul.f32 v2, v3;
	_ =	sdelay $0x1  }
0x4e0: {  	v3 =	vmul.f32 v2, v1;
	_ =	sdelay $0x1  }
0x4e1: {  	v3 =	vmul.f32 v3, v2;
	_ =	sdelay $0x1  }
0x4e2: {  	v3 =	vsub.f32 $1.500000000e+00, v3;
	_ =	sdelay $0x1  }
0x4e3: {  	v2 =	vmul.f32 v3, v2;
	_ =	sdelay $0x1  }
0x4e4: {  	v1 =	vmul.f32 v2, v1;
	_ =	sdelay $0x1  }
0x4e5: {  	v1 =	vmul.f32 v1, v2;
	_ =	sdelay $0x1  }
0x4e6: {  	v1 =	vsub.f32 $1.500000000e+00, v1;
	_ =	sdelay $0x1  }
0x4e7: {  	v1 =	vmul.f32 v1, v2;
	_ =	sdelay $0x1  }
0x4e8: {  	v0 =	vmul.f32 v1, v0  }
0x4e9: {  	s23 =	sadd.s32 $0x10, s23  }
0x4ea: {  	[tilespmem:s23+$0x0] =	vst v0  }
0x4eb: {  	_ =	swait.ge [sflag:s15], $0x4000  }
0x4ec: {  	[sflag:s15] =	ssyncset.done $0x0  }
0x4ed: {  	[sflag:s15] =	ssyncadd.s32 $0xFFFFC000  }
0x4ee: {  	_ =	swait.ge [sflag:s15], $0x4000  }
0x4ef: {  	s23 =	simm.s32 $0x0;
	[sflag:s15] =	ssyncset.done $0x0  }
0x4f0: {  	s24 =	sand.u32 $0x70, s23;
	[sflag:s15] =	ssyncadd.s32 $0xFFFFC000  }
0x4f1: {  	v0 =	vld [tilespmem:s24+$0x180]  }
0x4f2: {  	v1 =	vld [tilespmem:s24+$0x380]  }
0x4f3: {  	s30 =	sand.u32 $0xF, s23  }
0x4f4: {  	v2 =	vmov s30  }
0x4f5: {  	vm0 =	veq.s32 v2, v42  }
0x4f6: {  	v0 =	vnsel vm0, $0x0, v0  }
0x4f7: {  	(xrf0) =	vadd.scan.msk.s32 $0xffff, v0;
	v0 =	vnsel vm0, $0x0, v1  }
0x4f8: {  	(xrf0) =	vadd.scan.msk.s32 $0xffff, v0;
	_ =	sdelay $0x4  }
0x4f9: {  	v0, _, _ =	vpop (xrf0)  }
0x4fa: {  	(v2sf) =	vpush v0, $0xF;
	v0, _, _ =	vpop (xrf0)  }
0x4fb: {  	(v2sf) =	vpush v0, $0xF;
	_ =	sdelay $0xd  }
0x4fc: {  	s31 =	spop (v2sf)  }
0x4fd: {  	s24 =	sshll.u32 s31, $0x4;
	s25 =	spop (v2sf)  }
0x4fe: {  	s24 =	sand.u32 $0x1FFFFFF0, s24;
	s26 =	sshll.u32 s25, $0x4;
	s25 =	simm.s32 $0x4600  }
0x4ff: {  	s24 =	sadd.s32 s3, s24;
	s28 =	sand.u32 $0x1FFFFFF0, s26;
	s26 =	simm.s32 $0x1  }
0x500: {  	[tilespmem:s25], [sflag:$0x2] =	stream.linear.gather [hbm4b:s24+s23], $0x80, $0x38;
	[tilespmem:$0x18800] =	vst v63  }
0x501: {  	s24 =	simm.s32 $0xC600;
	s28 =	sadd.s32 s3, s28;
	s29 =	sand.u32 $0x70, s26  }
0x502: {  	v26 =	vmovc v46;
	v15 =	vmovc v19;
	v45 =	vmov v30;
	v43 =	vmov v60;
	v41 =	vmov v62;
	[tilespmem:s24], [sflag:$0x2] =	stream.linear.gather [hbm4b:s28+s23], $0x80, $0x38;
	[tilespmem:$0x18800] =	vst v63  }
0x503: {  	v9 =	vmovc v14;
	v37 =	vmovc v23;
	v8 =	vmov v28;
	v7 =	vmov v17;
	v3 =	vlaneseq.u32;
	s28 =	simm.s32 $0x2;
	v0 =	vld [tilespmem:s29+$0x180]  }
.LBB2_12:
0x504: {  	p0 =	sne.s32 s28, $0x7F;
	v1 =	vld [tilespmem:s29+$0x380]  }
0x505: {  	s29 =	sand.u32 $0xF, s26;
	s26 =	smov.u32 s28  }
0x506: {  	v2 =	vmov s29  }
0x507: {  	vm0 =	veq.s32 v2, v3  }
0x508: {  	v0 =	vnsel vm0, $0x0, v0  }
0x509: {  	v1 =	vnsel vm0, $0x0, v1;
	(xrf0) =	vadd.scan.msk.s32 $0xffff, v0  }
0x50a: {  	(xrf0) =	vadd.scan.msk.s32 $0xffff, v1;
	_ =	sdelay $0x4  }
0x50b: {  	v0, _, _ =	vpop (xrf0)  }
0x50c: {  	(v2sf) =	vpush v0, $0xF;
	v0, _, _ =	vpop (xrf0)  }
0x50d: {  	(v2sf) =	vpush v0, $0xF;
	_ =	sdelay $0xd  }
0x50e: {  	s29 =	spop (v2sf)  }
0x50f: {  	s29 =	sshll.u32 s29, $0x4;
	s30 =	spop (v2sf)  }
0x510: {  	s25 =	sadd.s32 $0x80, s25;
	s29 =	sand.u32 $0x1FFFFFF0, s29;
	s30 =	sshll.u32 s30, $0x4  }
.Ltmp5:
0x511: {  	s29 =	sadd.s32 s3, s29;
	s30 =	sand.u32 $0x1FFFFFF0, s30;
	(pc) =	sbr.rel @p0 .LBB2_12-.Ltmp5, $4  }
0x512: {  	[tilespmem:s25], [sflag:$0x2] =	stream.linear.gather [hbm4b:s29+s23], $0x80, $0x38;
	[tilespmem:$0x18800] =	vst v63  }
0x513: {  	s24 =	sadd.s32 $0x80, s24;
	s29 =	sand.u32 $0x70, s28;
	s30 =	sadd.s32 s3, s30  }
0x514: {  	[tilespmem:s24], [sflag:$0x2] =	stream.linear.gather [hbm4b:s30+s23], $0x80, $0x38;
	[tilespmem:$0x18800] =	vst v63  }
0x515: {  	s28 =	sadd.s32 $0x1, s28;
	v0 =	vld [tilespmem:s29+$0x180]  }
0x516: {  	v1 =	vld [tilespmem:s29+$0x380]  }
0x517: {  	s26 =	sand.u32 $0xF, s26  }
0x518: {  	v48 =	vlaneseq.u32;
	v2 =	vmov s26  }
0x519: {  	vm0 =	veq.s32 v2, v48  }
0x51a: {  	v0 =	vnsel vm0, $0x0, v0  }
0x51b: {  	v1 =	vnsel vm0, $0x0, v1;
	(xrf0) =	vadd.scan.msk.s32 $0xffff, v0  }
0x51c: {  	(xrf0) =	vadd.scan.msk.s32 $0xffff, v1;
	_ =	sdelay $0x4  }
0x51d: {  	v0, _, _ =	vpop (xrf0)  }
0x51e: {  	(v2sf) =	vpush v0, $0xF;
	v0, _, _ =	vpop (xrf0)  }
0x51f: {  	(v2sf) =	vpush v0, $0xF;
	_ =	sdelay $0xc  }
0x520: {  	v0 =	vmov s23  }
0x521: {  	v0 =	vshll.u32 v0, $0x7;
	s28 =	spop (v2sf)  }
0x522: {  	v21 =	vor.u32 v44, v0;
	s26 =	sshll.u32 s28, $0x4;
	s28 =	spop (v2sf)  }
0x523: {  	v0 =	vor.u32 v13, v21;
	s26 =	sand.u32 $0x1FFFFFF0, s26;
	s28 =	sshll.u32 s28, $0x4  }
0x524: {  	s25 =	sadd.s32 $0x80, s25;
	v2 =	vor.u32 v37, v21;
	s26 =	sadd.s32 s3, s26;
	s28 =	sand.u32 $0x1FFFFFF0, s28  }
0x525: {  	[tilespmem:s25], [sflag:$0x2] =	stream.linear.gather [hbm4b:s26+s23], $0x80, $0x38;
	[tilespmem:$0x18800] =	vst v63  }
0x526: {  	s24 =	sadd.s32 $0x80, s24;
	s29 =	sadd.s32 s3, s28  }
0x527: {  	[tilespmem:s24], [sflag:$0x2] =	stream.linear.gather [hbm4b:s29+s23], $0x80, $0x38;
	[tilespmem:$0x18800] =	vst v63  }
0x528: {  	v1 =	vld.idx.msk [tilespmem:v0+s16+$0x0], $0xffff  }
0x529: {  	v3 =	vor.u32 v22, v21;
	[tilespmem:$0x1F910] =	vst v0;
	v0 =	vld.idx.msk [tilespmem:v2+s16+$0x0], $0xffff;
	_ =	sdelay $0x4  }
0x52a: {  	v4 =	vor.u32 v41, v21;
	[tilespmem:$0x1F920] =	vst v0;
	v0 =	vld.idx.msk [tilespmem:v3+s16+$0x0], $0xffff;
	_ =	sdelay $0x4  }
0x52b: {  	v5 =	vor.u32 v16, v21;
	[tilespmem:$0x1F900] =	vst v0;
	v0 =	vld.idx.msk [tilespmem:v4+s16+$0x0], $0xffff;
	_ =	sdelay $0x4  }
0x52c: {  	v6 =	vor.u32 v43, v21;
	[tilespmem:$0x1F8E0] =	vst v0;
	v0 =	vld.idx.msk [tilespmem:v5+s16+$0x0], $0xffff;
	_ =	sdelay $0x3  }
0x52d: {  	[tilespmem:$0x1F930] =	vst v1  }
0x52e: {  	v1 =	vor.u32 v45, v21;
	[tilespmem:$0x1F8C0] =	vst v0;
	v0 =	vld.idx.msk [tilespmem:v6+s16+$0x0], $0xffff;
	_ =	sdelay $0x3  }
0x52f: {  	[tilespmem:$0x1F8F0] =	vst v2  }
0x530: {  	v2 =	vor.u32 v29, v21;
	[tilespmem:$0x1F8A0] =	vst v0;
	v0 =	vld.idx.msk [tilespmem:v1+s16+$0x0], $0xffff;
	_ =	sdelay $0x4  }
0x531: {  	v14 =	vor.u32 v9, v21;
	[tilespmem:$0x1F880] =	vst v0;
	v0 =	vld.idx.msk [tilespmem:v2+s16+$0x0], $0xffff;
	_ =	sdelay $0x4  }
0x532: {  	v11 =	vor.u32 v61, v21;
	[tilespmem:$0x1F860] =	vst v0;
	v0 =	vld.idx.msk [tilespmem:v14+s16+$0x0], $0xffff;
	_ =	sdelay $0x4  }
0x533: {  	v10 =	vor.u32 v63, v21;
	[tilespmem:$0x1F840] =	vst v0;
	v0 =	vld.idx.msk [tilespmem:v11+s16+$0x0], $0xffff;
	_ =	sdelay $0x4  }
0x534: {  	v39 =	vor.u32 v7, v21;
	[tilespmem:$0x1F820] =	vst v0;
	v0 =	vld.idx.msk [tilespmem:v10+s16+$0x0], $0xffff;
	_ =	sdelay $0x3  }
0x535: {  	v46 =	vld [tilespmem:$0x1FE90]  }
0x536: {  	v17 =	vor.u32 v15, v21;
	[tilespmem:$0x1F810] =	vst v0;
	v0 =	vld.idx.msk [tilespmem:v39+s16+$0x0], $0xffff;
	_ =	sdelay $0x2  }
0x537: {  	v33 =	vld [tilespmem:$0x1FE20];
	v23 =	vor.u32 v26, v21  }
0x538: {  	v34 =	vld [tilespmem:$0x1FED0];
	v38 =	vor.u32 v46, v21  }
0x539: {  	s30 =	simm.s32 $0x500;
	v19 =	vor.u32 v18, v21;
	[tilespmem:$0x1F800] =	vst v0;
	v0 =	vld.idx.msk [tilespmem:v17+s16+$0x0], $0xffff  }
0x53a: {  	v40 =	vor.u32 v48, v21;
	v24 =	vld [tilespmem:s30+$0x0]  }
0x53b: {  	v36 =	vld [tilespmem:$0x1FEC0]  }
0x53c: {  	v44 =	vor.u32 v31, v21;
	v7 =	vmov v31;
	v31 =	vld.idx.msk [tilespmem:v23+s16+$0x0], $0xffff  }
0x53d: {  	v49 =	vld.idx.msk [tilespmem:v38+s16+$0x0], $0xffff  }
0x53e: {  	v42 =	vor.u32 v8, v21;
	[tilespmem:$0x1F7F0] =	vst v0;
	v0 =	vld.idx.msk [tilespmem:v19+s16+$0x0], $0xffff  }
0x53f: {  	v54 =	vld.idx.msk [tilespmem:v40+s16+$0x0], $0xffff;
	v35 =	vshll.u32 v24, $0x5  }
0x540: {  	v23 =	vld.idx.msk [tilespmem:v23+s17+$0x0], $0xffff;
	v48 =	vor.u32 v48, v35  }
0x541: {  	v24 =	vld.idx.msk [tilespmem:v40+s17+$0x0], $0xffff;
	v55 =	vor.u32 v46, v35  }
0x542: {  	[tilespmem:$0x1F850] =	vst v1;
	v56 =	vor.u32 v33, v35;
	v1 =	vld [tilespmem:$0x1FE00]  }
0x543: {  	[tilespmem:$0x1F7E0] =	vst v0;
	v0 =	vld.idx.msk [tilespmem:v42+s16+$0x0], $0xffff  }
0x544: {  	v47 =	vor.u32 v25, v21;
	[tilespmem:$0x1F8B0] =	vst v4;
	v40 =	vld [tilespmem:$0x1FEA0];
	v4 =	vmov v25;
	v25 =	vor.u32 v33, v21  }
0x545: {  	v48 =	vld.idx.msk [tilespmem:v48+s10+$0x0], $0xffff  }
0x546: {  	v55 =	vld.idx.msk [tilespmem:v55+s10+$0x0], $0xffff  }
0x547: {  	v56 =	vld.idx.msk [tilespmem:v56+s10+$0x0], $0xffff  }
0x548: {  	v30 =	vor.u32 v1, v21;
	[tilespmem:$0x1F7D0] =	vst v0;
	v0 =	vld [tilespmem:$0x1FE10]  }
0x549: {  	v22 =	vor.u32 v32, v21;
	[tilespmem:$0x1F8D0] =	vst v3;
	v3 =	vmov v32;
	v32 =	vld.idx.msk [tilespmem:v25+s16+$0x0], $0xffff  }
0x54a: {  	v50 =	vor.u32 v1, v35;
	v1 =	vld [tilespmem:$0x1FE40]  }
0x54b: {  	[tilespmem:$0x1F830] =	vst v2;
	v2 =	vmov v26;
	v26 =	vld.idx.msk [tilespmem:v38+s17+$0x0], $0xffff  }
0x54c: {  	v57 =	vor.u32 v2, v35;
	v2 =	vld [tilespmem:$0x1FE60]  }
0x54d: {  	v52 =	vld.idx.msk [tilespmem:v30+s17+$0x0], $0xffff;
	v28 =	vor.u32 v0, v21  }
0x54e: {  	v30 =	vld.idx.msk [tilespmem:v30+s16+$0x0], $0xffff;
	v53 =	vor.u32 v0, v35  }
0x54f: {  	v50 =	vld.idx.msk [tilespmem:v50+s10+$0x0], $0xffff  }
0x550: {  	v0 =	vld [tilespmem:$0x1FE50]  }
0x551: {  	v62 =	vor.u32 v40, v21;
	v38 =	vld [tilespmem:$0x1FEB0]  }
0x552: {  	v51 =	vld.idx.msk [tilespmem:v28+s16+$0x0], $0xffff  }
0x553: {  	v20 =	vor.u32 v27, v21;
	v58 =	vor.u32 v1, v35;
	v53 =	vld.idx.msk [tilespmem:v53+s10+$0x0], $0xffff  }
0x554: {  	v25 =	vld.idx.msk [tilespmem:v25+s17+$0x0], $0xffff;
	v48 =	vadd.f32 v48, v54;
	v30 =	vadd.f32 v50, v30;
	v50 =	vor.u32 v2, v21  }
0x555: {  	v59 =	vor.u32 v34, v21;
	[tilespmem:$0x1F870] =	vst v6;
	v6 =	vmov v63;
	v28 =	vld.idx.msk [tilespmem:v28+s17+$0x0], $0xffff;
	v63 =	vor.u32 v0, v35  }
0x556: {  	v60 =	vor.u32 v36, v21;
	v24 =	vsub.f32 v48, v24;
	v48 =	vld.idx.msk [tilespmem:v62+s16+$0x0], $0xffff;
	v1 =	vor.u32 v1, v21  }
0x557: {  	v9 =	vmov v61;
	v61 =	vor.u32 v38, v21;
	v57 =	vld.idx.msk [tilespmem:v57+s10+$0x0], $0xffff;
	v21 =	vor.u32 v0, v21  }
0x558: {  	v58 =	vld.idx.msk [tilespmem:v58+s10+$0x0], $0xffff;
	v30 =	vsub.f32 v30, v52;
	v51 =	vadd.f32 v53, v51  }
0x559: {  	v49 =	vadd.f32 v55, v49;
	v24 =	vmul.f32 v24, v24;
	v32 =	vadd.f32 v56, v32;
	v56 =	vld.idx.msk [tilespmem:v50+s16+$0x0], $0xffff  }
0x55a: {  	v55 =	vor.u32 v2, v35;
	v30 =	vmul.f32 v30, v30;
	v52 =	vld.idx.msk [tilespmem:v63+s10+$0x0], $0xffff;
	v28 =	vsub.f32 v51, v28  }
0x55b: {  	v63 =	vor.u32 v40, v35;
	v51 =	vld.idx.msk [tilespmem:v1+s16+$0x0], $0xffff  }
0x55c: {  	v26 =	vsub.f32 v49, v26;
	v24 =	vadd.f32 v30, v24;
	v30 =	vld.idx.msk [tilespmem:v21+s16+$0x0], $0xffff;
	v28 =	vmul.f32 v28, v28  }
0x55d: {  	v31 =	vadd.f32 v57, v31;
	v0 =	vld.idx.msk [tilespmem:v1+s17+$0x0], $0xffff  }
0x55e: {  	v25 =	vsub.f32 v32, v25;
	v26 =	vmul.f32 v26, v26;
	v21 =	vld.idx.msk [tilespmem:v21+s17+$0x0], $0xffff;
	v24 =	vadd.f32 v28, v24  }
0x55f: {  	v49 =	vor.u32 v38, v35;
	v23 =	vsub.f32 v31, v23;
	v28 =	vld.idx.msk [tilespmem:v55+s10+$0x0], $0xffff  }
0x560: {  	v25 =	vmul.f32 v25, v25;
	v55 =	vadd.f32 v58, v51;
	v58 =	vld.idx.msk [tilespmem:v63+s10+$0x0], $0xffff;
	v24 =	vadd.f32 v26, v24  }
0x561: {  	v50 =	vld.idx.msk [tilespmem:v50+s17+$0x0], $0xffff;
	v30 =	vadd.f32 v52, v30  }
0x562: {  	v23 =	vmul.f32 v23, v23;
	v53 =	vld.idx.msk [tilespmem:v61+s16+$0x0], $0xffff;
	v0 =	vsub.f32 v55, v0;
	v24 =	vadd.f32 v25, v24  }
0x563: {  	v32 =	vor.u32 v3, v35;
	v57 =	vor.u32 v36, v35;
	v63 =	vld.idx.msk [tilespmem:v62+s17+$0x0], $0xffff;
	v21 =	vsub.f32 v30, v21  }
0x564: {  	v55 =	vld.idx.msk [tilespmem:v49+s10+$0x0], $0xffff;
	v28 =	vadd.f32 v28, v56;
	v0 =	vmul.f32 v0, v0;
	v23 =	vadd.f32 v23, v24  }
0x565: {  	v29 =	vld.idx.msk [tilespmem:v22+s16+$0x0], $0xffff;
	v26 =	vadd.f32 v58, v48  }
0x566: {  	v21 =	vmul.f32 v21, v21;
	v48 =	vld.idx.msk [tilespmem:v61+s17+$0x0], $0xffff;
	v0 =	vadd.f32 v0, v23;
	v23 =	vsub.f32 v28, v50  }
0x567: {  	v54 =	vld.idx.msk [tilespmem:v60+s16+$0x0], $0xffff  }
0x568: {  	v24 =	vld.idx.msk [tilespmem:v57+s10+$0x0], $0xffff;
	v0 =	vadd.f32 v21, v0;
	v21 =	vmul.f32 v23, v23  }
0x569: {  	v32 =	vld.idx.msk [tilespmem:v32+s10+$0x0], $0xffff;
	v25 =	vadd.f32 v55, v53;
	v23 =	vsub.f32 v26, v63  }
0x56a: {  	v57 =	vld.idx.msk [tilespmem:v60+s17+$0x0], $0xffff;
	v0 =	vadd.f32 v21, v0  }
0x56b: {  	v21 =	vmul.f32 v23, v23;
	v23 =	vsub.f32 v25, v48;
	v48 =	vor.u32 v8, v35;
	_ =	sdelay $0x1  }
0x56c: {  	v24 =	vadd.f32 v24, v54  }
0x56d: {  	v12 =	vld.idx.msk [tilespmem:v47+s16+$0x0], $0xffff;
	v29 =	vadd.f32 v32, v29;
	v0 =	vadd.f32 v21, v0  }
0x56e: {  	v32 =	vmovc v2;
	v2 =	vld [tilespmem:$0x1F7D0];
	v21 =	vmul.f32 v23, v23;
	v23 =	vsub.f32 v24, v57;
	v57 =	vor.u32 v18, v35  }
0x56f: {  	v25 =	vld.idx.msk [tilespmem:v48+s10+$0x0], $0xffff  }
0x570: {  	v22 =	vld.idx.msk [tilespmem:v22+s17+$0x0], $0xffff;
	v52 =	vor.u32 v34, v35  }
0x571: {  	[tilespmem:$0x1F890] =	vst v5;
	v5 =	vld.idx.msk [tilespmem:v59+s16+$0x0], $0xffff  }
0x572: {  	v30 =	vor.u32 v4, v35;
	v50 =	vld [tilespmem:$0x1FF10]  }
0x573: {  	v0 =	vadd.f32 v21, v0;
	v21 =	vmul.f32 v23, v23;
	v23 =	vor.u32 v15, v35;
	v24 =	vld.idx.msk [tilespmem:v57+s10+$0x0], $0xffff  }
0x574: {  	v25 =	vadd.f32 v25, v2;
	v2 =	vld [tilespmem:$0x1F7E0]  }
0x575: {  	v52 =	vld.idx.msk [tilespmem:v52+s10+$0x0], $0xffff  }
0x576: {  	v49 =	vld.idx.msk [tilespmem:v59+s17+$0x0], $0xffff  }
0x577: {  	v30 =	vld.idx.msk [tilespmem:v30+s10+$0x0], $0xffff  }
0x578: {  	v0 =	vadd.f32 v21, v0;
	v21 =	vsub.f32 v29, v22;
	v22 =	vor.u32 v50, v35;
	v23 =	vld.idx.msk [tilespmem:v23+s10+$0x0], $0xffff  }
0x579: {  	v24 =	vadd.f32 v24, v2;
	v2 =	vld [tilespmem:$0x1F7F0]  }
0x57a: {  	v1 =	vadd.f32 v52, v5  }
0x57b: {  	v59 =	vld.idx.msk [tilespmem:v47+s17+$0x0], $0xffff  }
0x57c: {  	v26 =	vor.u32 v7, v35;
	v1 =	vsub.f32 v1, v49  }
0x57d: {  	v48 =	vor.u32 v6, v35;
	v22 =	vld.idx.msk [tilespmem:v22+s10+$0x0], $0xffff  }
0x57e: {  	v54 =	vmovc v18;
	v62 =	vadd.f32 v30, v12;
	v1 =	vmul.f32 v1, v1;
	v18 =	vadd.f32 v23, v2;
	v2 =	vld [tilespmem:$0x1F800];
	_ =	sdelay $0x1  }
0x57f: {  	v16 =	vld.idx.msk [tilespmem:v44+s16+$0x0], $0xffff;
	v0 =	vadd.f32 v1, v0;
	v1 =	vmul.f32 v21, v21;
	v21 =	vsub.f32 v62, v59  }
0x580: {  	v56 =	vmov v27;
	v55 =	vor.u32 v27, v35;
	v26 =	vld.idx.msk [tilespmem:v26+s10+$0x0], $0xffff  }
0x581: {  	v0 =	vadd.f32 v1, v0;
	v1 =	vmul.f32 v21, v21;
	v21 =	vor.u32 v9, v35;
	v27 =	vld.idx.msk [tilespmem:v48+s10+$0x0], $0xffff  }
0x582: {  	v22 =	vadd.f32 v22, v2;
	v2 =	vld [tilespmem:$0x1F810];
	_ =	sdelay $0x3  }
0x583: {  	v21 =	vld.idx.msk [tilespmem:v21+s10+$0x0], $0xffff  }
0x584: {  	v26 =	vadd.f32 v26, v16;
	v16 =	vadd.f32 v27, v2;
	v2 =	vld [tilespmem:$0x1F820];
	_ =	sdelay $0x1  }
0x585: {  	v29 =	vld [tilespmem:$0x1FEE0];
	_ =	sdelay $0x2  }
0x586: {  	v21 =	vadd.f32 v21, v2;
	v2 =	vld [tilespmem:$0x1F830];
	_ =	sdelay $0x1  }
0x587: {  	v13 =	vld.idx.msk [tilespmem:v20+s16+$0x0], $0xffff;
	v51 =	vor.u32 v29, v35  }
0x588: {  	v23 =	vld.idx.msk [tilespmem:v10+s17+$0x0], $0xffff  }
0x589: {  	v20 =	vld.idx.msk [tilespmem:v20+s17+$0x0], $0xffff  }
0x58a: {  	v53 =	vld [tilespmem:$0x1FF60]  }
0x58b: {  	v28 =	vld.idx.msk [tilespmem:v55+s10+$0x0], $0xffff  }
0x58c: {  	v59 =	vld.idx.msk [tilespmem:v51+s10+$0x0], $0xffff  }
0x58d: {  	v16 =	vsub.f32 v16, v23;
	v23 =	vld.idx.msk [tilespmem:v2+s17+$0x0], $0xffff  }
0x58e: {  	v2 =	vld [tilespmem:$0x1F840]  }
0x58f: {  	v63 =	vld.idx.msk [tilespmem:v44+s17+$0x0], $0xffff  }
0x590: {  	v28 =	vadd.f32 v28, v13  }
0x591: {  	v49 =	vld.idx.msk [tilespmem:v42+s17+$0x0], $0xffff  }
0x592: {  	v19 =	vld.idx.msk [tilespmem:v19+s17+$0x0], $0xffff;
	v20 =	vsub.f32 v28, v20  }
0x593: {  	v52 =	vmov v15;
	v55 =	vor.u32 v53, v35;
	v15 =	vadd.f32 v59, v2;
	v2 =	vld [tilespmem:$0x1F850]  }
0x594: {  	v0 =	vadd.f32 v1, v0;
	v1 =	vmul.f32 v20, v20;
	v20 =	vsub.f32 v26, v63  }
0x595: {  	v17 =	vld.idx.msk [tilespmem:v17+s17+$0x0], $0xffff  }
0x596: {  	v0 =	vadd.f32 v1, v0;
	v1 =	vmul.f32 v20, v20;
	v20 =	vsub.f32 v25, v49  }
0x597: {  	v57 =	vld.idx.msk [tilespmem:v39+s17+$0x0], $0xffff  }
0x598: {  	v0 =	vadd.f32 v1, v0;
	v1 =	vmul.f32 v20, v20;
	v19 =	vsub.f32 v24, v19  }
0x599: {  	v25 =	vld.idx.msk [tilespmem:v55+s10+$0x0], $0xffff  }
0x59a: {  	v0 =	vadd.f32 v1, v0;
	v1 =	vmul.f32 v19, v19;
	v19 =	vld.idx.msk [tilespmem:v11+s17+$0x0], $0xffff;
	v17 =	vsub.f32 v18, v17  }
0x59b: {  	v12 =	vld.idx.msk [tilespmem:v2+s17+$0x0], $0xffff  }
0x59c: {  	v0 =	vadd.f32 v1, v0;
	v1 =	vmul.f32 v17, v17;
	v17 =	vsub.f32 v22, v57;
	v2 =	vld [tilespmem:$0x1F860];
	_ =	sdelay $0x1  }
0x59d: {  	v0 =	vadd.f32 v1, v0;
	v1 =	vmul.f32 v17, v17;
	_ =	sdelay $0x1  }
0x59e: {  	v0 =	vadd.f32 v1, v0  }
0x59f: {  	v1 =	vmul.f32 v16, v16;
	v16 =	vsub.f32 v21, v19;
	v21 =	vadd.f32 v25, v2;
	v2 =	vld [tilespmem:$0x1F870];
	_ =	sdelay $0x1  }
0x5a0: {  	v20 =	vor.u32 v45, v35;
	_ =	sdelay $0x4  }
0x5a1: {  	v20 =	vld.idx.msk [tilespmem:v20+s10+$0x0], $0xffff  }
0x5a2: {  	v10 =	vld.idx.msk [tilespmem:v2+s17+$0x0], $0xffff  }
0x5a3: {  	v2 =	vld [tilespmem:$0x1F880];
	_ =	sdelay $0x4  }
0x5a4: {  	v13 =	vadd.f32 v20, v2;
	v2 =	vld [tilespmem:$0x1F890];
	_ =	sdelay $0x1  }
0x5a5: {  	v18 =	vor.u32 v43, v35;
	_ =	sdelay $0x4  }
0x5a6: {  	v18 =	vld.idx.msk [tilespmem:v18+s10+$0x0], $0xffff  }
0x5a7: {  	v61 =	vmov v8;
	v8 =	vld.idx.msk [tilespmem:v2+s17+$0x0], $0xffff  }
0x5a8: {  	v2 =	vld [tilespmem:$0x1F8A0];
	_ =	sdelay $0x1  }
0x5a9: {  	v62 =	vld [tilespmem:$0x1FF00];
	_ =	sdelay $0x2  }
0x5aa: {  	v11 =	vadd.f32 v18, v2;
	v2 =	vld [tilespmem:$0x1F8B0];
	_ =	sdelay $0x1  }
0x5ab: {  	v22 =	vor.u32 v62, v35;
	_ =	sdelay $0x4  }
0x5ac: {  	v22 =	vld.idx.msk [tilespmem:v22+s10+$0x0], $0xffff  }
0x5ad: {  	v44 =	vmov v6;
	v6 =	vld.idx.msk [tilespmem:v2+s17+$0x0], $0xffff  }
0x5ae: {  	v2 =	vld [tilespmem:$0x1F8C0];
	_ =	sdelay $0x4  }
0x5af: {  	v31 =	vmov v9;
	v9 =	vadd.f32 v22, v2;
	v2 =	vld [tilespmem:$0x1F8D0]  }
0x5b0: {  	v63 =	vld [tilespmem:$0x1FF30];
	v17 =	vor.u32 v41, v35;
	_ =	sdelay $0x3  }
0x5b1: {  	v14 =	vld.idx.msk [tilespmem:v14+s17+$0x0], $0xffff  }
0x5b2: {  	v0 =	vadd.f32 v1, v0;
	v19 =	vor.u32 v63, v35;
	v1 =	vmul.f32 v16, v16;
	v16 =	vld.idx.msk [tilespmem:v17+s10+$0x0], $0xffff  }
0x5b3: {  	v20 =	vld [tilespmem:$0x1FEF0]  }
0x5b4: {  	v58 =	vmov v4;
	v4 =	vld.idx.msk [tilespmem:v2+s17+$0x0], $0xffff  }
0x5b5: {  	v2 =	vld [tilespmem:$0x1F8E0]  }
0x5b6: {  	v3 =	vld [tilespmem:$0x1F900]  }
0x5b7: {  	v14 =	vsub.f32 v15, v14;
	v18 =	vld.idx.msk [tilespmem:v19+s10+$0x0], $0xffff;
	_ =	sdelay $0x1  }
0x5b8: {  	v0 =	vadd.f32 v1, v0;
	v15 =	vor.u32 v37, v35;
	v1 =	vmul.f32 v14, v14  }
0x5b9: {  	v60 =	vmovc v7;
	v14 =	vsub.f32 v21, v23;
	v17 =	vor.u32 v20, v35;
	v7 =	vadd.f32 v16, v2;
	v2 =	vld [tilespmem:$0x1F8F0]  }
0x5ba: {  	v0 =	vadd.f32 v1, v0  }
0x5bb: {  	v1 =	vmul.f32 v14, v14;
	v12 =	vsub.f32 v13, v12;
	v5 =	vadd.f32 v18, v3;
	v3 =	vld [tilespmem:$0x1F910];
	_ =	sdelay $0x1  }
0x5bc: {  	v0 =	vadd.f32 v1, v0;
	v13 =	vld.idx.msk [tilespmem:v15+s10+$0x0], $0xffff;
	v1 =	vmul.f32 v12, v12  }
0x5bd: {  	v10 =	vsub.f32 v11, v10;
	v11 =	vld.idx.msk [tilespmem:v17+s10+$0x0], $0xffff  }
0x5be: {  	v0 =	vadd.f32 v1, v0;
	v6 =	vsub.f32 v7, v6;
	v7 =	vld [tilespmem:$0x1F920]  }
0x5bf: {  	v1 =	vmul.f32 v10, v10;
	v8 =	vsub.f32 v9, v8;
	v4 =	vsub.f32 v5, v4;
	v5 =	vld [tilespmem:$0x1F930]  }
0x5c0: {  	v2 =	vld.idx.msk [tilespmem:v2+s17+$0x0], $0xffff  }
0x5c1: {  	v0 =	vadd.f32 v1, v0;
	v1 =	vmul.f32 v8, v8  }
0x5c2: {  	v3 =	vld.idx.msk [tilespmem:v3+s17+$0x0], $0xffff  }
0x5c3: {  	v0 =	vadd.f32 v1, v0;
	v1 =	vmul.f32 v6, v6;
	v7 =	vadd.f32 v13, v7  }
0x5c4: {  	v5 =	vadd.f32 v11, v5  }
0x5c5: {  	v0 =	vadd.f32 v1, v0;
	v1 =	vmul.f32 v4, v4;
	v2 =	vsub.f32 v7, v2;
	_ =	sdelay $0x1  }
0x5c6: {  	v0 =	vadd.f32 v1, v0;
	v1 =	vmul.f32 v2, v2;
	v2 =	vsub.f32 v5, v3;
	_ =	sdelay $0x1  }
0x5c7: {  	v0 =	vadd.f32 v1, v0;
	v1 =	vmul.f32 v2, v2;
	_ =	sdelay $0x1  }
0x5c8: {  	v0 =	vadd.f32 v1, v0;
	_ =	sdelay $0x1  }
0x5c9: {  	v1 =	vmax.f32 v0, $1.000000000e-30  }
0x5ca: {  	v2 =	vshra.s32 v1, $0x1;
	v1 =	vmul.f32 $5.000000000e-01, v1  }
0x5cb: {  	v2 =	vsub.s32 $0x5F3759DF, v2  }
0x5cc: {  	v3 =	vmul.f32 v2, v1;
	_ =	sdelay $0x1  }
0x5cd: {  	v3 =	vmul.f32 v2, v3;
	_ =	sdelay $0x1  }
0x5ce: {  	v3 =	vsub.f32 $1.500000000e+00, v3;
	_ =	sdelay $0x1  }
0x5cf: {  	v2 =	vmul.f32 v2, v3;
	_ =	sdelay $0x1  }
0x5d0: {  	v3 =	vmul.f32 v2, v1;
	_ =	sdelay $0x1  }
0x5d1: {  	v3 =	vmul.f32 v3, v2;
	_ =	sdelay $0x1  }
0x5d2: {  	v3 =	vsub.f32 $1.500000000e+00, v3;
	_ =	sdelay $0x1  }
0x5d3: {  	v2 =	vmul.f32 v3, v2;
	_ =	sdelay $0x1  }
0x5d4: {  	v4 =	vld [tilespmem:$0x1FE80];
	v1 =	vmul.f32 v2, v1;
	_ =	sdelay $0x1  }
0x5d5: {  	s31 =	simm.s32 $0x10;
	v1 =	vmul.f32 v1, v2  }
0x5d6: {  	v3 =	vmov s31  }
0x5d7: {  	v3 =	vshll.u32 v3, $0x7;
	v1 =	vsub.f32 $1.500000000e+00, v1  }
0x5d8: {  	v18 =	vor.u32 v4, v3  }
0x5d9: {  	v3 =	vor.u32 v20, v18;
	v1 =	vmul.f32 v1, v2;
	_ =	sdelay $0x1  }
0x5da: {  	v0 =	vmul.f32 v1, v0  }
0x5db: {  	s23 =	simm.s32 $0x18700  }
0x5dc: {  	[tilespmem:s23+$0x0] =	vst v0  }
0x5dd: {  	v48 =	vor.u32 v37, v18;
	v0 =	vld.idx.msk [tilespmem:v3+s16+$0x0], $0xffff;
	_ =	sdelay $0x4  }
0x5de: {  	v37 =	vor.u32 v63, v18;
	[tilespmem:$0x1F950] =	vst v0;
	v0 =	vld.idx.msk [tilespmem:v48+s16+$0x0], $0xffff;
	_ =	sdelay $0x4  }
0x5df: {  	v39 =	vor.u32 v41, v18;
	[tilespmem:$0x1F960] =	vst v0;
	v0 =	vld.idx.msk [tilespmem:v37+s16+$0x0], $0xffff;
	_ =	sdelay $0x4  }
0x5e0: {  	v41 =	vor.u32 v62, v18;
	[tilespmem:$0x1F970] =	vst v0;
	v0 =	vld.idx.msk [tilespmem:v39+s16+$0x0], $0xffff;
	_ =	sdelay $0x3  }
0x5e1: {  	v11 =	vld [tilespmem:$0x1FE50]  }
0x5e2: {  	v43 =	vor.u32 v43, v18;
	[tilespmem:$0x1F980] =	vst v0;
	v0 =	vld.idx.msk [tilespmem:v41+s16+$0x0], $0xffff;
	_ =	sdelay $0x1  }
0x5e3: {  	v49 =	vor.u32 v29, v18  }
0x5e4: {  	v17 =	vld [tilespmem:$0x1FE30];
	v51 =	vor.u32 v31, v18  }
0x5e5: {  	v47 =	vor.u32 v53, v18;
	v53 =	vor.u32 v44, v18;
	v19 =	vor.u32 v11, v18;
	v11 =	vld [tilespmem:$0x1FE40]  }
0x5e6: {  	v45 =	vor.u32 v45, v18;
	[tilespmem:$0x1F990] =	vst v0;
	v0 =	vld.idx.msk [tilespmem:v43+s16+$0x0], $0xffff  }
0x5e7: {  	v57 =	vor.u32 v52, v18;
	v1 =	vld [tilespmem:$0x1FFC0]  }
0x5e8: {  	v55 =	vor.u32 v50, v18;
	v59 =	vor.u32 v54, v18;
	v50 =	vld.idx.msk [tilespmem:v49+s16+$0x0], $0xffff  }
0x5e9: {  	v61 =	vor.u32 v61, v18;
	v52 =	vld.idx.msk [tilespmem:v51+s16+$0x0], $0xffff  }
0x5ea: {  	v7 =	vor.u32 v34, v18;
	v54 =	vld.idx.msk [tilespmem:v53+s16+$0x0], $0xffff  }
0x5eb: {  	[tilespmem:$0x1F9A0] =	vst v0;
	v0 =	vld.idx.msk [tilespmem:v45+s16+$0x0], $0xffff  }
0x5ec: {  	v9 =	vor.u32 v36, v18;
	[tilespmem:$0x1F940] =	vst v3;
	v3 =	vor.u32 v58, v18;
	v58 =	vld.idx.msk [tilespmem:v57+s16+$0x0], $0xffff  }
0x5ed: {  	v63 =	vor.u32 v60, v18;
	v12 =	vor.u32 v38, v18;
	v60 =	vld.idx.msk [tilespmem:v59+s16+$0x0], $0xffff  }
0x5ee: {  	v14 =	vor.u32 v40, v18;
	v62 =	vld.idx.msk [tilespmem:v61+s16+$0x0], $0xffff  }
0x5ef: {  	v8 =	vld.idx.msk [tilespmem:v7+s16+$0x0], $0xffff  }
0x5f0: {  	v16 =	vor.u32 v32, v18;
	[tilespmem:$0x1F9B0] =	vst v0;
	v0 =	vld.idx.msk [tilespmem:v47+s16+$0x0], $0xffff  }
0x5f1: {  	v10 =	vld.idx.msk [tilespmem:v9+s16+$0x0], $0xffff  }
0x5f2: {  	v13 =	vld.idx.msk [tilespmem:v12+s16+$0x0], $0xffff  }
0x5f3: {  	s24 =	simm.s32 $0x510;
	v15 =	vld.idx.msk [tilespmem:v14+s16+$0x0], $0xffff;
	v5 =	vor.u32 v1, v18  }
0x5f4: {  	v20 =	vor.u32 v11, v18;
	v11 =	vld [tilespmem:s24+$0x0]  }
0x5f5: {  	v21 =	vor.u32 v17, v18;
	v17 =	vld.idx.msk [tilespmem:v16+s16+$0x0], $0xffff;
	[tilespmem:$0x1F9C0] =	vst v0;
	v0 =	vor.u32 v56, v18  }
0x5f6: {  	v1 =	vld.idx.msk [tilespmem:v63+s16+$0x0], $0xffff  }
0x5f7: {  	v4 =	vld.idx.msk [tilespmem:v3+s16+$0x0], $0xffff  }
0x5f8: {  	v6 =	vld.idx.msk [tilespmem:v5+s16+$0x0], $0xffff  }
0x5f9: {  	v56 =	vld.idx.msk [tilespmem:v55+s16+$0x0], $0xffff  }
0x5fa: {  	s25 =	simm.s32 $0x20;
	v22 =	vor.u32 v33, v18;
	v23 =	vor.u32 v46, v18;
	v2 =	vld.idx.msk [tilespmem:v0+s16+$0x0], $0xffff  }
.LBB2_14:
0x5fb: {  	v38 =	vld [tilespmem:$0x1FE10]  }
0x5fc: {  	v25 =	vld.idx.msk [tilespmem:v19+s16+$0x0], $0xffff  }
0x5fd: {  	v32 =	vld [tilespmem:$0x1FE00]  }
0x5fe: {  	v27 =	vld.idx.msk [tilespmem:v20+s16+$0x0], $0xffff  }
0x5ff: {  	v28 =	vld.idx.msk [tilespmem:v21+s16+$0x0], $0xffff  }
0x600: {  	v29 =	vld.idx.msk [tilespmem:v22+s16+$0x0], $0xffff  }
0x601: {  	v31 =	vld.idx.msk [tilespmem:v23+s16+$0x0], $0xffff  }
0x602: {  	v23 =	vld.idx.msk [tilespmem:v23+s17+$0x0], $0xffff  }
0x603: {  	v22 =	vld.idx.msk [tilespmem:v22+s17+$0x0], $0xffff  }
0x604: {  	v21 =	vld.idx.msk [tilespmem:v21+s17+$0x0], $0xffff  }
0x605: {  	v20 =	vld.idx.msk [tilespmem:v20+s17+$0x0], $0xffff  }
0x606: {  	v19 =	vld.idx.msk [tilespmem:v19+s17+$0x0], $0xffff  }
0x607: {  	v30 =	vlaneseq.u32;
	v16 =	vld.idx.msk [tilespmem:v16+s17+$0x0], $0xffff;
	v24 =	vor.u32 v38, v18  }
0x608: {  	v14 =	vld.idx.msk [tilespmem:v14+s17+$0x0], $0xffff;
	v11 =	vshll.u32 v11, $0x5;
	v26 =	vor.u32 v32, v18;
	v18 =	vor.u32 v30, v18  }
0x609: {  	v12 =	vld.idx.msk [tilespmem:v12+s17+$0x0], $0xffff;
	v30 =	vor.u32 v30, v11  }
0x60a: {  	v42 =	vor.u32 v46, v11;
	v46 =	vld [tilespmem:$0x1FE30]  }
0x60b: {  	v44 =	vor.u32 v33, v11;
	v33 =	vld [tilespmem:$0x1FE40]  }
0x60c: {  	v34 =	vld.idx.msk [tilespmem:v24+s16+$0x0], $0xffff  }
0x60d: {  	v32 =	vor.u32 v32, v11;
	v40 =	vld.idx.msk [tilespmem:v18+s16+$0x0], $0xffff  }
0x60e: {  	v30 =	vld.idx.msk [tilespmem:v30+s10+$0x0], $0xffff  }
0x60f: {  	v38 =	vor.u32 v38, v11;
	v36 =	vld.idx.msk [tilespmem:v26+s17+$0x0], $0xffff  }
0x610: {  	v26 =	vld.idx.msk [tilespmem:v26+s16+$0x0], $0xffff  }
0x611: {  	v42 =	vld.idx.msk [tilespmem:v42+s10+$0x0], $0xffff  }
0x612: {  	v32 =	vld.idx.msk [tilespmem:v32+s10+$0x0], $0xffff  }
0x613: {  	v30 =	vadd.f32 v30, v40;
	v40 =	vld [tilespmem:$0x1FE50]  }
0x614: {  	v38 =	vld.idx.msk [tilespmem:v38+s10+$0x0], $0xffff  }
0x615: {  	v18 =	vld.idx.msk [tilespmem:v18+s17+$0x0], $0xffff;
	v46 =	vor.u32 v46, v11  }
0x616: {  	v33 =	vor.u32 v33, v11;
	v31 =	vadd.f32 v42, v31;
	v42 =	vld [tilespmem:$0x1FEA0]  }
0x617: {  	v24 =	vld.idx.msk [tilespmem:v24+s17+$0x0], $0xffff  }
0x618: {  	v26 =	vadd.f32 v32, v26;
	v32 =	vor.u32 v40, v11;
	v40 =	vld [tilespmem:$0x1FE60]  }
0x619: {  	v44 =	vld.idx.msk [tilespmem:v44+s10+$0x0], $0xffff;
	v34 =	vadd.f32 v38, v34  }
0x61a: {  	v38 =	vld.idx.msk [tilespmem:v46+s10+$0x0], $0xffff;
	v18 =	vsub.f32 v30, v18;
	v26 =	vsub.f32 v26, v36  }
0x61b: {  	v33 =	vld.idx.msk [tilespmem:v33+s10+$0x0], $0xffff;
	v36 =	vor.u32 v42, v11  }
0x61c: {  	v9 =	vld.idx.msk [tilespmem:v9+s17+$0x0], $0xffff;
	v24 =	vsub.f32 v34, v24;
	v18 =	vmul.f32 v18, v18;
	v26 =	vmul.f32 v26, v26  }
0x61d: {  	v30 =	vor.u32 v40, v11;
	v40 =	vld [tilespmem:$0x1FEB0]  }
0x61e: {  	v7 =	vld.idx.msk [tilespmem:v7+s17+$0x0], $0xffff;
	v24 =	vmul.f32 v24, v24;
	v18 =	vadd.f32 v26, v18  }
0x61f: {  	v29 =	vadd.f32 v44, v29;
	v44 =	vadd.f32 v38, v28;
	v38 =	vld [tilespmem:$0x1FEC0]  }
0x620: {  	v18 =	vadd.f32 v24, v18;
	v24 =	vadd.f32 v33, v27;
	v27 =	vld.idx.msk [tilespmem:v36+s10+$0x0], $0xffff  }
0x621: {  	v23 =	vsub.f32 v31, v23;
	v36 =	vld [tilespmem:$0x1FED0]  }
0x622: {  	v5 =	vld.idx.msk [tilespmem:v5+s17+$0x0], $0xffff;
	v34 =	vor.u32 v40, v11  }
0x623: {  	v22 =	vsub.f32 v29, v22;
	v23 =	vmul.f32 v23, v23;
	v32 =	vld.idx.msk [tilespmem:v32+s10+$0x0], $0xffff  }
0x624: {  	v28 =	vld.idx.msk [tilespmem:v30+s10+$0x0], $0xffff;
	v30 =	vor.u32 v38, v11  }
0x625: {  	v31 =	vld [tilespmem:$0x1FFC0];
	v22 =	vmul.f32 v22, v22;
	v21 =	vsub.f32 v44, v21;
	v18 =	vadd.f32 v23, v18  }
0x626: {  	v26 =	vld [tilespmem:$0x1FFA0];
	v29 =	vor.u32 v36, v11  }
0x627: {  	v21 =	vmul.f32 v21, v21;
	v20 =	vsub.f32 v24, v20;
	v18 =	vadd.f32 v22, v18;
	v44 =	vld.idx.msk [tilespmem:v34+s10+$0x0], $0xffff  }
0x628: {  	v23 =	vadd.f32 v32, v25;
	v15 =	vadd.f32 v27, v15;
	v27 =	vld [tilespmem:$0x1FF90]  }
0x629: {  	v20 =	vmul.f32 v20, v20;
	v18 =	vadd.f32 v21, v18;
	v22 =	vld.idx.msk [tilespmem:v30+s10+$0x0], $0xffff  }
0x62a: {  	v32 =	vor.u32 v31, v11;
	v19 =	vsub.f32 v23, v19;
	v17 =	vadd.f32 v28, v17;
	v28 =	vld [tilespmem:$0x1FF80]  }
0x62b: {  	v21 =	vld.idx.msk [tilespmem:v29+s10+$0x0], $0xffff  }
0x62c: {  	v18 =	vadd.f32 v20, v18;
	v19 =	vmul.f32 v19, v19;
	v13 =	vadd.f32 v44, v13;
	v44 =	vld [tilespmem:$0x1FE70]  }
0x62d: {  	v3 =	vld.idx.msk [tilespmem:v3+s17+$0x0], $0xffff;
	v23 =	vor.u32 v27, v11  }
0x62e: {  	v0 =	vld.idx.msk [tilespmem:v0+s17+$0x0], $0xffff;
	v18 =	vadd.f32 v19, v18;
	v19 =	vor.u32 v26, v11  }
0x62f: {  	v16 =	vsub.f32 v17, v16;
	v17 =	vld.idx.msk [tilespmem:v32+s10+$0x0], $0xffff  }
0x630: {  	v32 =	vld [tilespmem:$0x1FFE0];
	v34 =	vor.u32 v28, v11  }
0x631: {  	v10 =	vadd.f32 v22, v10;
	v8 =	vadd.f32 v21, v8;
	v22 =	vld [tilespmem:$0x1FF40];
	v20 =	vor.u32 v44, v11  }
0x632: {  	v14 =	vsub.f32 v15, v14;
	v16 =	vmul.f32 v16, v16;
	v12 =	vsub.f32 v13, v12;
	v13 =	vld.idx.msk [tilespmem:v23+s10+$0x0], $0xffff  }
0x633: {  	v7 =	vsub.f32 v8, v7;
	v8 =	vld.idx.msk [tilespmem:v19+s10+$0x0], $0xffff  }
0x634: {  	v14 =	vmul.f32 v14, v14;
	v16 =	vadd.f32 v16, v18;
	v19 =	vld [tilespmem:$0x1FF10]  }
0x635: {  	v15 =	vld.idx.msk [tilespmem:v34+s10+$0x0], $0xffff  }
0x636: {  	v9 =	vsub.f32 v10, v9;
	v14 =	vadd.f32 v14, v16;
	v12 =	vmul.f32 v12, v12;
	v10 =	vld.idx.msk [tilespmem:v20+s10+$0x0], $0xffff  }
0x637: {  	v18 =	vor.u32 v22, v11;
	v20 =	vld [tilespmem:$0x1FF20]  }
0x638: {  	v21 =	vld [tilespmem:$0x1FF30];
	v6 =	vadd.f32 v17, v6;
	v9 =	vmul.f32 v9, v9;
	v12 =	vadd.f32 v12, v14  }
0x639: {  	v7 =	vmul.f32 v7, v7;
	v34 =	vld [tilespmem:$0x1FFF0];
	v2 =	vadd.f32 v13, v2  }
0x63a: {  	v5 =	vsub.f32 v6, v5;
	v6 =	vld.idx.msk [tilespmem:v63+s17+$0x0], $0xffff;
	v14 =	vor.u32 v19, v11;
	v9 =	vadd.f32 v9, v12  }
0x63b: {  	v0 =	vsub.f32 v2, v0;
	v2 =	vld.idx.msk [tilespmem:v59+s17+$0x0], $0xffff;
	v4 =	vadd.f32 v15, v4  }
0x63c: {  	v5 =	vmul.f32 v5, v5;
	v12 =	vld.idx.msk [tilespmem:v18+s10+$0x0], $0xffff;
	v7 =	vadd.f32 v7, v9;
	v16 =	vor.u32 v20, v11  }
0x63d: {  	v15 =	vld [tilespmem:$0x1FEE0];
	v3 =	vsub.f32 v4, v3  }
0x63e: {  	v13 =	vor.u32 v34, v11;
	v4 =	vld.idx.msk [tilespmem:v61+s17+$0x0], $0xffff;
	v5 =	vadd.f32 v5, v7  }
0x63f: {  	v7 =	vadd.f32 v8, v62;
	v8 =	vld.idx.msk [tilespmem:v14+s10+$0x0], $0xffff;
	v3 =	vmul.f32 v3, v3;
	v1 =	vadd.f32 v10, v1  }
0x640: {  	v0 =	vmul.f32 v0, v0;
	v61 =	vld [tilespmem:$0x1FF70]  }
0x641: {  	v10 =	vor.u32 v32, v11;
	v3 =	vadd.f32 v3, v5;
	v1 =	vsub.f32 v1, v6;
	v9 =	vld.idx.msk [tilespmem:v16+s10+$0x0], $0xffff  }
0x642: {  	v6 =	vadd.f32 v12, v60;
	v60 =	vld [tilespmem:$0x1FF60]  }
0x643: {  	v5 =	vld.idx.msk [tilespmem:v57+s17+$0x0], $0xffff;
	v0 =	vadd.f32 v0, v3;
	v3 =	vsub.f32 v7, v4;
	v1 =	vmul.f32 v1, v1  }
0x644: {  	v12 =	vld.idx.msk [tilespmem:v13+s10+$0x0], $0xffff  }
0x645: {  	v4 =	vld.idx.msk [tilespmem:v55+s17+$0x0], $0xffff;
	v2 =	vsub.f32 v6, v2;
	v0 =	vadd.f32 v1, v0;
	v1 =	vmul.f32 v3, v3  }
0x646: {  	v14 =	vor.u32 v15, v11;
	v7 =	vadd.f32 v9, v58;
	v9 =	vld.idx.msk [tilespmem:v10+s10+$0x0], $0xffff  }
0x647: {  	v3 =	vld.idx.msk [tilespmem:v53+s17+$0x0], $0xffff;
	v13 =	vor.u32 v60, v11;
	v0 =	vadd.f32 v1, v0;
	v1 =	vmul.f32 v2, v2  }
0x648: {  	v62 =	vld [tilespmem:$0x1FFD0];
	v6 =	vadd.f32 v8, v56;
	v2 =	vsub.f32 v7, v5  }
0x649: {  	v0 =	vadd.f32 v1, v0;
	v5 =	vld.idx.msk [tilespmem:v51+s17+$0x0], $0xffff  }
0x64a: {  	v17 =	vld [tilespmem:$0x1FF00];
	v7 =	vadd.f32 v12, v54;
	v1 =	vmul.f32 v2, v2;
	v2 =	vsub.f32 v6, v4  }
0x64b: {  	v8 =	vld.idx.msk [tilespmem:v14+s10+$0x0], $0xffff;
	v10 =	vor.u32 v61, v11;
	v6 =	vadd.f32 v9, v52  }
0x64c: {  	v12 =	vld.idx.msk [tilespmem:v13+s10+$0x0], $0xffff;
	v0 =	vadd.f32 v1, v0;
	v1 =	vmul.f32 v2, v2;
	v2 =	vsub.f32 v7, v3  }
0x64d: {  	v14 =	vor.u32 v62, v11;
	v4 =	vld.idx.msk [tilespmem:v49+s17+$0x0], $0xffff  }
0x64e: {  	v0 =	vadd.f32 v1, v0;
	v1 =	vmul.f32 v2, v2;
	v2 =	vsub.f32 v6, v5;
	v6 =	vld [tilespmem:$0x1F9C0]  }
0x64f: {  	v63 =	vld [tilespmem:$0x1FFB0]  }
0x650: {  	v3 =	vld.idx.msk [tilespmem:v47+s17+$0x0], $0xffff  }
0x651: {  	v9 =	vld.idx.msk [tilespmem:v10+s10+$0x0], $0xffff;
	v7 =	vadd.f32 v8, v50  }
0x652: {  	v13 =	vor.u32 v17, v11;
	v8 =	vld.idx.msk [tilespmem:v14+s10+$0x0], $0xffff;
	v0 =	vadd.f32 v1, v0  }
0x653: {  	v1 =	vmul.f32 v2, v2;
	v2 =	vsub.f32 v7, v4;
	v7 =	vld [tilespmem:$0x1F9B0];
	v6 =	vadd.f32 v12, v6  }
0x654: {  	v10 =	vor.u32 v63, v11;
	v5 =	vld.idx.msk [tilespmem:v45+s17+$0x0], $0xffff  }
0x655: {  	v0 =	vadd.f32 v1, v0;
	v1 =	vmul.f32 v2, v2;
	v2 =	vsub.f32 v6, v3;
	v6 =	vld [tilespmem:$0x1F9A0]  }
0x656: {  	v23 =	vld [tilespmem:$0x1FF50]  }
0x657: {  	v4 =	vld.idx.msk [tilespmem:v43+s17+$0x0], $0xffff  }
0x658: {  	v12 =	vld.idx.msk [tilespmem:v13+s10+$0x0], $0xffff;
	v7 =	vadd.f32 v9, v7  }
0x659: {  	v0 =	vadd.f32 v1, v0;
	v9 =	vld.idx.msk [tilespmem:v10+s10+$0x0], $0xffff  }
0x65a: {  	v1 =	vmul.f32 v2, v2;
	v2 =	vsub.f32 v7, v5;
	v7 =	vld [tilespmem:$0x1F990];
	v6 =	vadd.f32 v8, v6  }
0x65b: {  	v14 =	vor.u32 v21, v11;
	v3 =	vld.idx.msk [tilespmem:v41+s17+$0x0], $0xffff  }
0x65c: {  	v0 =	vadd.f32 v1, v0;
	v1 =	vmul.f32 v2, v2;
	v2 =	vsub.f32 v6, v4;
	v6 =	vld [tilespmem:$0x1F980]  }
0x65d: {  	v16 =	vld [tilespmem:$0x1FEF0]  }
0x65e: {  	v5 =	vld.idx.msk [tilespmem:v39+s17+$0x0], $0xffff  }
0x65f: {  	v7 =	vadd.f32 v12, v7  }
0x660: {  	v35 =	vmov v48;
	v13 =	vor.u32 v23, v11;
	v0 =	vadd.f32 v1, v0  }
0x661: {  	v8 =	vld.idx.msk [tilespmem:v14+s10+$0x0], $0xffff;
	v1 =	vmul.f32 v2, v2;
	v2 =	vsub.f32 v7, v3;
	v6 =	vadd.f32 v9, v6  }
0x662: {  	v10 =	vor.u32 v16, v11;
	v7 =	vld [tilespmem:$0x1F970]  }
0x663: {  	v0 =	vadd.f32 v1, v0;
	v1 =	vmul.f32 v2, v2;
	v2 =	vsub.f32 v6, v5;
	v5 =	vld [tilespmem:$0x1F940]  }
0x664: {  	v4 =	vld.idx.msk [tilespmem:v37+s17+$0x0], $0xffff  }
0x665: {  	v11 =	vld.idx.msk [tilespmem:v13+s10+$0x0], $0xffff  }
0x666: {  	v3 =	vld.idx.msk [tilespmem:v35+s17+$0x0], $0xffff  }
0x667: {  	v7 =	vadd.f32 v8, v7;
	v6 =	vld [tilespmem:$0x1F960]  }
0x668: {  	v9 =	vld.idx.msk [tilespmem:v10+s10+$0x0], $0xffff  }
0x669: {  	v0 =	vadd.f32 v1, v0;
	v1 =	vmul.f32 v2, v2;
	v2 =	vsub.f32 v7, v4;
	v4 =	vld [tilespmem:$0x1F950];
	_ =	sdelay $0x1  }
0x66a: {  	v5 =	vld.idx.msk [tilespmem:v5+s17+$0x0], $0xffff  }
0x66b: {  	v6 =	vadd.f32 v11, v6  }
0x66c: {  	v0 =	vadd.f32 v1, v0  }
0x66d: {  	v1 =	vmul.f32 v2, v2;
	v4 =	vadd.f32 v9, v4;
	v2 =	vsub.f32 v6, v3;
	_ =	sdelay $0x1  }
0x66e: {  	v0 =	vadd.f32 v1, v0;
	v1 =	vmul.f32 v2, v2;
	v2 =	vsub.f32 v4, v5;
	_ =	sdelay $0x1  }
0x66f: {  	v0 =	vadd.f32 v1, v0;
	v1 =	vmul.f32 v2, v2;
	_ =	sdelay $0x1  }
0x670: {  	v0 =	vadd.f32 v1, v0;
	_ =	sdelay $0x1  }
0x671: {  	v1 =	vmax.f32 v0, $1.000000000e-30  }
0x672: {  	v2 =	vshra.s32 v1, $0x1;
	v1 =	vmul.f32 $5.000000000e-01, v1  }
0x673: {  	v2 =	vsub.s32 $0x5F3759DF, v2  }
0x674: {  	v3 =	vmul.f32 v2, v1;
	_ =	sdelay $0x1  }
0x675: {  	v3 =	vmul.f32 v2, v3;
	_ =	sdelay $0x1  }
0x676: {  	v3 =	vsub.f32 $1.500000000e+00, v3;
	_ =	sdelay $0x1  }
0x677: {  	v2 =	vmul.f32 v2, v3;
	_ =	sdelay $0x1  }
0x678: {  	v3 =	vmul.f32 v2, v1;
	_ =	sdelay $0x1  }
0x679: {  	v3 =	vmul.f32 v3, v2;
	_ =	sdelay $0x1  }
0x67a: {  	v3 =	vsub.f32 $1.500000000e+00, v3;
	_ =	sdelay $0x1  }
0x67b: {  	v2 =	vmul.f32 v3, v2;
	_ =	sdelay $0x1  }
0x67c: {  	v48 =	vld [tilespmem:$0x1FE80];
	v1 =	vmul.f32 v2, v1;
	_ =	sdelay $0x1  }
0x67d: {  	v1 =	vmul.f32 v1, v2  }
0x67e: {  	v3 =	vmov s25  }
0x67f: {  	v3 =	vshll.u32 v3, $0x7;
	v1 =	vsub.f32 $1.500000000e+00, v1  }
0x680: {  	v18 =	vor.u32 v48, v3  }
0x681: {  	v3 =	vor.u32 v16, v18;
	v1 =	vmul.f32 v1, v2;
	_ =	sdelay $0x1  }
0x682: {  	v0 =	vmul.f32 v1, v0  }
0x683: {  	s23 =	sadd.s32 $0x10, s23  }
0x684: {  	[tilespmem:s23+$0x0] =	vst v0  }
0x685: {  	v35 =	vmov v48;
	v48 =	vor.u32 v23, v18;
	v0 =	vld.idx.msk [tilespmem:v3+s16+$0x0], $0xffff;
	_ =	sdelay $0x4  }
0x686: {  	v37 =	vor.u32 v21, v18;
	[tilespmem:$0x1F950] =	vst v0;
	v0 =	vld.idx.msk [tilespmem:v48+s16+$0x0], $0xffff;
	_ =	sdelay $0x4  }
0x687: {  	v39 =	vor.u32 v63, v18;
	[tilespmem:$0x1F960] =	vst v0;
	v0 =	vld.idx.msk [tilespmem:v37+s16+$0x0], $0xffff;
	_ =	sdelay $0x4  }
0x688: {  	v41 =	vor.u32 v17, v18;
	[tilespmem:$0x1F970] =	vst v0;
	v0 =	vld.idx.msk [tilespmem:v39+s16+$0x0], $0xffff;
	_ =	sdelay $0x3  }
0x689: {  	v46 =	vld [tilespmem:$0x1FE90]  }
0x68a: {  	v43 =	vor.u32 v62, v18;
	[tilespmem:$0x1F980] =	vst v0;
	v0 =	vld.idx.msk [tilespmem:v41+s16+$0x0], $0xffff  }
0x68b: {  	v11 =	vld [tilespmem:$0x1FE40]  }
0x68c: {  	v33 =	vld [tilespmem:$0x1FE20];
	v49 =	vor.u32 v15, v18  }
0x68d: {  	v10 =	vld [tilespmem:$0x1FE50];
	v51 =	vor.u32 v32, v18  }
0x68e: {  	v53 =	vor.u32 v34, v18;
	v63 =	vor.u32 v44, v18;
	v44 =	vld [tilespmem:$0x1FE60]  }
0x68f: {  	v45 =	vor.u32 v61, v18;
	[tilespmem:$0x1F990] =	vst v0;
	v0 =	vld.idx.msk [tilespmem:v43+s16+$0x0], $0xffff  }
0x690: {  	v55 =	vor.u32 v19, v18;
	v57 =	vor.u32 v20, v18;
	v20 =	vor.u32 v11, v18;
	v11 =	vld [tilespmem:$0x1FE30]  }
0x691: {  	v50 =	vld.idx.msk [tilespmem:v49+s16+$0x0], $0xffff  }
0x692: {  	v59 =	vor.u32 v22, v18;
	v52 =	vld.idx.msk [tilespmem:v51+s16+$0x0], $0xffff  }
0x693: {  	v61 =	vor.u32 v26, v18;
	v54 =	vld.idx.msk [tilespmem:v53+s16+$0x0], $0xffff  }
0x694: {  	v47 =	vor.u32 v60, v18;
	[tilespmem:$0x1F9A0] =	vst v0;
	v0 =	vld.idx.msk [tilespmem:v45+s16+$0x0], $0xffff  }
0x695: {  	v56 =	vld.idx.msk [tilespmem:v55+s16+$0x0], $0xffff  }
0x696: {  	v5 =	vor.u32 v31, v18;
	v58 =	vld.idx.msk [tilespmem:v57+s16+$0x0], $0xffff  }
0x697: {  	v7 =	vor.u32 v36, v18;
	v60 =	vld.idx.msk [tilespmem:v59+s16+$0x0], $0xffff  }
0x698: {  	v9 =	vor.u32 v38, v18;
	v62 =	vld.idx.msk [tilespmem:v61+s16+$0x0], $0xffff  }
0x699: {  	v12 =	vor.u32 v40, v18;
	[tilespmem:$0x1F9B0] =	vst v0;
	v0 =	vld.idx.msk [tilespmem:v47+s16+$0x0], $0xffff  }
0x69a: {  	v14 =	vor.u32 v42, v18;
	v1 =	vld.idx.msk [tilespmem:v63+s16+$0x0], $0xffff  }
0x69b: {  	v6 =	vld.idx.msk [tilespmem:v5+s16+$0x0], $0xffff  }
0x69c: {  	v16 =	vor.u32 v44, v18;
	v8 =	vld.idx.msk [tilespmem:v7+s16+$0x0], $0xffff  }
0x69d: {  	v19 =	vor.u32 v10, v18;
	[tilespmem:$0x1F940] =	vst v3;
	v3 =	vor.u32 v28, v18;
	v10 =	vld.idx.msk [tilespmem:v9+s16+$0x0], $0xffff  }
0x69e: {  	p0 =	sne.s32 s25, $0x70;
	v13 =	vld.idx.msk [tilespmem:v12+s16+$0x0], $0xffff;
	[tilespmem:$0x1F9C0] =	vst v0;
	v0 =	vor.u32 v27, v18  }
.Ltmp6:
0x69f: {  	s24 =	sadd.s32 $0x10, s24;
	v15 =	vld.idx.msk [tilespmem:v14+s16+$0x0], $0xffff;
	(pc) =	sbr.rel @p0 .LBB2_14-.Ltmp6, $4  }
0x6a0: {  	v21 =	vor.u32 v11, v18;
	v11 =	vld [tilespmem:s24+$0x0]  }
0x6a1: {  	v17 =	vld.idx.msk [tilespmem:v16+s16+$0x0], $0xffff  }
0x6a2: {  	v4 =	vld.idx.msk [tilespmem:v3+s16+$0x0], $0xffff  }
0x6a3: {  	s25 =	sadd.s32 $0x10, s25;
	v22 =	vor.u32 v33, v18;
	v23 =	vor.u32 v46, v18;
	v2 =	vld.idx.msk [tilespmem:v0+s16+$0x0], $0xffff  }
0x6a4: {  	_ =	sdelay $0x1  }
0x6a5: {  	v27 =	vld [tilespmem:$0x1FE00]  }
0x6a6: {  	v32 =	vld [tilespmem:$0x1FE10]  }
0x6a7: {  	v36 =	vld.idx.msk [tilespmem:v23+s16+$0x0], $0xffff  }
0x6a8: {  	v38 =	vld [tilespmem:$0x1FE40]  }
0x6a9: {  	v23 =	vld.idx.msk [tilespmem:v23+s17+$0x0], $0xffff  }
0x6aa: {  	v40 =	vld.idx.msk [tilespmem:v22+s16+$0x0], $0xffff  }
0x6ab: {  	v22 =	vld.idx.msk [tilespmem:v22+s17+$0x0], $0xffff  }
0x6ac: {  	v16 =	vld.idx.msk [tilespmem:v16+s17+$0x0], $0xffff  }
0x6ad: {  	v26 =	vlaneseq.u32;
	v14 =	vld.idx.msk [tilespmem:v14+s17+$0x0], $0xffff  }
0x6ae: {  	v12 =	vld.idx.msk [tilespmem:v12+s17+$0x0], $0xffff;
	v25 =	vor.u32 v26, v18  }
0x6af: {  	v9 =	vld.idx.msk [tilespmem:v9+s17+$0x0], $0xffff;
	v11 =	vshll.u32 v11, $0x5  }
0x6b0: {  	v7 =	vld.idx.msk [tilespmem:v7+s17+$0x0], $0xffff;
	v26 =	vor.u32 v26, v11  }
0x6b1: {  	v5 =	vld.idx.msk [tilespmem:v5+s17+$0x0], $0xffff;
	v31 =	vor.u32 v46, v11  }
0x6b2: {  	v42 =	vor.u32 v33, v11;
	v46 =	vld [tilespmem:$0x1FE30]  }
0x6b3: {  	v24 =	vor.u32 v27, v18;
	v30 =	vld.idx.msk [tilespmem:v25+s16+$0x0], $0xffff  }
0x6b4: {  	v25 =	vld.idx.msk [tilespmem:v25+s17+$0x0], $0xffff  }
0x6b5: {  	v27 =	vor.u32 v27, v11;
	v26 =	vld.idx.msk [tilespmem:v26+s10+$0x0], $0xffff  }
0x6b6: {  	v29 =	vor.u32 v32, v11;
	v31 =	vld.idx.msk [tilespmem:v31+s10+$0x0], $0xffff  }
0x6b7: {  	v18 =	vor.u32 v32, v18;
	v32 =	vld.idx.msk [tilespmem:v42+s10+$0x0], $0xffff  }
0x6b8: {  	v28 =	vld.idx.msk [tilespmem:v24+s17+$0x0], $0xffff  }
0x6b9: {  	v24 =	vld.idx.msk [tilespmem:v24+s16+$0x0], $0xffff  }
0x6ba: {  	v34 =	vor.u32 v46, v11;
	v27 =	vld.idx.msk [tilespmem:v27+s10+$0x0], $0xffff  }
0x6bb: {  	v29 =	vld.idx.msk [tilespmem:v29+s10+$0x0], $0xffff  }
0x6bc: {  	v33 =	vld.idx.msk [tilespmem:v18+s16+$0x0], $0xffff  }
0x6bd: {  	v38 =	vor.u32 v38, v11;
	v26 =	vadd.f32 v26, v30;
	v30 =	vld [tilespmem:$0x1FE50]  }
0x6be: {  	v18 =	vld.idx.msk [tilespmem:v18+s17+$0x0], $0xffff  }
0x6bf: {  	v34 =	vld.idx.msk [tilespmem:v34+s10+$0x0], $0xffff  }
0x6c0: {  	v32 =	vadd.f32 v32, v40;
	v40 =	vld.idx.msk [tilespmem:v19+s16+$0x0], $0xffff  }
0x6c1: {  	v25 =	vsub.f32 v26, v25;
	v26 =	vld.idx.msk [tilespmem:v21+s16+$0x0], $0xffff  }
0x6c2: {  	v24 =	vadd.f32 v27, v24;
	v27 =	vor.u32 v30, v11;
	v30 =	vld.idx.msk [tilespmem:v38+s10+$0x0], $0xffff  }
0x6c3: {  	v42 =	vadd.f32 v31, v36;
	v36 =	vor.u32 v44, v11;
	v29 =	vadd.f32 v29, v33;
	v38 =	vld [tilespmem:$0x1FEA0]  }
0x6c4: {  	v21 =	vld.idx.msk [tilespmem:v21+s17+$0x0], $0xffff;
	v24 =	vsub.f32 v24, v28  }
0x6c5: {  	v23 =	vsub.f32 v42, v23;
	v42 =	vld [tilespmem:$0x1FEB0];
	v18 =	vsub.f32 v29, v18  }
0x6c6: {  	v25 =	vmul.f32 v25, v25;
	v29 =	vld.idx.msk [tilespmem:v20+s16+$0x0], $0xffff;
	v24 =	vmul.f32 v24, v24  }
0x6c7: {  	v20 =	vld.idx.msk [tilespmem:v20+s17+$0x0], $0xffff;
	v18 =	vmul.f32 v18, v18  }
0x6c8: {  	v26 =	vadd.f32 v34, v26;
	v34 =	vld.idx.msk [tilespmem:v36+s10+$0x0], $0xffff;
	v24 =	vadd.f32 v24, v25;
	v33 =	vor.u32 v38, v11  }
0x6c9: {  	v27 =	vld.idx.msk [tilespmem:v27+s10+$0x0], $0xffff  }
0x6ca: {  	v23 =	vmul.f32 v23, v23;
	v28 =	vor.u32 v42, v11;
	v36 =	vld [tilespmem:$0x1FEC0];
	v18 =	vadd.f32 v18, v24  }
0x6cb: {  	v19 =	vld.idx.msk [tilespmem:v19+s17+$0x0], $0xffff;
	v22 =	vsub.f32 v32, v22  }
0x6cc: {  	v29 =	vadd.f32 v30, v29;
	v18 =	vadd.f32 v23, v18;
	v23 =	vld [tilespmem:$0x1FED0]  }
0x6cd: {  	v22 =	vmul.f32 v22, v22;
	v21 =	vsub.f32 v26, v21;
	v38 =	vld.idx.msk [tilespmem:v33+s10+$0x0], $0xffff  }
0x6ce: {  	v20 =	vsub.f32 v29, v20;
	v25 =	vadd.f32 v27, v40;
	v27 =	vld [tilespmem:$0x1FFC0]  }
0x6cf: {  	v21 =	vmul.f32 v21, v21;
	v31 =	vor.u32 v36, v11;
	v40 =	vld.idx.msk [tilespmem:v28+s10+$0x0], $0xffff;
	v18 =	vadd.f32 v22, v18  }
0x6d0: {  	v17 =	vadd.f32 v34, v17;
	v20 =	vmul.f32 v20, v20;
	v28 =	vld [tilespmem:$0x1FF90]  }
0x6d1: {  	v3 =	vld.idx.msk [tilespmem:v3+s17+$0x0], $0xffff;
	v18 =	vadd.f32 v21, v18;
	v19 =	vsub.f32 v25, v19;
	v23 =	vor.u32 v23, v11  }
0x6d2: {  	v16 =	vsub.f32 v17, v16;
	v25 =	vld [tilespmem:$0x1FF80]  }
0x6d3: {  	v0 =	vld.idx.msk [tilespmem:v0+s17+$0x0], $0xffff;
	v18 =	vadd.f32 v20, v18;
	v19 =	vmul.f32 v19, v19;
	v22 =	vor.u32 v27, v11  }
0x6d4: {  	v16 =	vmul.f32 v16, v16;
	v42 =	vld.idx.msk [tilespmem:v31+s10+$0x0], $0xffff;
	v15 =	vadd.f32 v38, v15  }
0x6d5: {  	v17 =	vor.u32 v28, v11;
	v13 =	vadd.f32 v40, v13;
	v40 =	vld [tilespmem:$0x1FEF0];
	v18 =	vadd.f32 v19, v18  }
0x6d6: {  	v23 =	vld.idx.msk [tilespmem:v23+s10+$0x0], $0xffff  }
0x6d7: {  	v21 =	vor.u32 v25, v11;
	v14 =	vsub.f32 v15, v14;
	v16 =	vadd.f32 v16, v18;
	v18 =	vld [tilespmem:$0x1FFA0]  }
0x6d8: {  	v20 =	vld.idx.msk [tilespmem:v22+s10+$0x0], $0xffff  }
0x6d9: {  	v14 =	vmul.f32 v14, v14;
	v22 =	vld [tilespmem:$0x1FE70]  }
0x6da: {  	v10 =	vadd.f32 v42, v10;
	v12 =	vsub.f32 v13, v12;
	v17 =	vld.idx.msk [tilespmem:v17+s10+$0x0], $0xffff  }
0x6db: {  	v14 =	vadd.f32 v14, v16;
	v16 =	vld [tilespmem:$0x1FF40]  }
0x6dc: {  	v12 =	vmul.f32 v12, v12;
	v9 =	vsub.f32 v10, v9;
	v19 =	vld.idx.msk [tilespmem:v21+s10+$0x0], $0xffff  }
0x6dd: {  	v8 =	vadd.f32 v23, v8;
	v23 =	vld [tilespmem:$0x1FEE0]  }
0x6de: {  	v9 =	vmul.f32 v9, v9;
	v12 =	vadd.f32 v12, v14;
	v14 =	vld [tilespmem:$0x1F9C0]  }
0x6df: {  	v13 =	vor.u32 v18, v11;
	v6 =	vadd.f32 v20, v6;
	v20 =	vld [tilespmem:$0x1FF20]  }
0x6e0: {  	v15 =	vor.u32 v22, v11;
	v9 =	vadd.f32 v9, v12;
	v12 =	vld.idx.msk [tilespmem:v63+s17+$0x0], $0xffff  }
0x6e1: {  	v2 =	vadd.f32 v17, v2;
	v17 =	vld [tilespmem:$0x1FFF0]  }
0x6e2: {  	v7 =	vsub.f32 v8, v7;
	v63 =	vld [tilespmem:$0x1FF70];
	v10 =	vor.u32 v16, v11  }
0x6e3: {  	v4 =	vadd.f32 v19, v4;
	v19 =	vld [tilespmem:$0x1FF10]  }
0x6e4: {  	v7 =	vmul.f32 v7, v7;
	v5 =	vsub.f32 v6, v5;
	v13 =	vld.idx.msk [tilespmem:v13+s10+$0x0], $0xffff  }
0x6e5: {  	v15 =	vld.idx.msk [tilespmem:v15+s10+$0x0], $0xffff  }
0x6e6: {  	v7 =	vadd.f32 v7, v9;
	v5 =	vmul.f32 v5, v5;
	v9 =	vld.idx.msk [tilespmem:v61+s17+$0x0], $0xffff;
	v8 =	vor.u32 v20, v11  }
0x6e7: {  	v3 =	vsub.f32 v4, v3;
	v4 =	vor.u32 v17, v11;
	v10 =	vld.idx.msk [tilespmem:v10+s10+$0x0], $0xffff  }
0x6e8: {  	v5 =	vadd.f32 v5, v7;
	v7 =	vld.idx.msk [tilespmem:v59+s17+$0x0], $0xffff  }
0x6e9: {  	v0 =	vsub.f32 v2, v0;
	v3 =	vmul.f32 v3, v3;
	v13 =	vadd.f32 v13, v62;
	v62 =	vld [tilespmem:$0x1FF60]  }
0x6ea: {  	v6 =	vor.u32 v19, v11;
	v1 =	vadd.f32 v15, v1;
	v15 =	vld [tilespmem:$0x1FFE0]  }
0x6eb: {  	v0 =	vmul.f32 v0, v0;
	v3 =	vadd.f32 v3, v5;
	v8 =	vld.idx.msk [tilespmem:v8+s10+$0x0], $0xffff  }
0x6ec: {  	v5 =	vor.u32 v23, v11;
	v4 =	vld.idx.msk [tilespmem:v4+s10+$0x0], $0xffff  }
0x6ed: {  	v0 =	vadd.f32 v0, v3;
	v3 =	vsub.f32 v13, v9;
	v13 =	vld.idx.msk [tilespmem:v55+s17+$0x0], $0xffff  }
0x6ee: {  	v55 =	vld [tilespmem:$0x1FFB0]  }
0x6ef: {  	v6 =	vld.idx.msk [tilespmem:v6+s10+$0x0], $0xffff;
	v1 =	vsub.f32 v1, v12;
	v2 =	vor.u32 v15, v11  }
0x6f0: {  	v12 =	vld.idx.msk [tilespmem:v57+s17+$0x0], $0xffff  }
0x6f1: {  	v10 =	vadd.f32 v10, v60;
	v5 =	vld.idx.msk [tilespmem:v5+s10+$0x0], $0xffff;
	v1 =	vmul.f32 v1, v1  }
0x6f2: {  	v9 =	vor.u32 v62, v11;
	v4 =	vadd.f32 v4, v54;
	v54 =	vld [tilespmem:$0x1FF00]  }
0x6f3: {  	v0 =	vadd.f32 v1, v0;
	v1 =	vmul.f32 v3, v3;
	v3 =	vsub.f32 v10, v7;
	v10 =	vld.idx.msk [tilespmem:v53+s17+$0x0], $0xffff  }
0x6f4: {  	v8 =	vadd.f32 v8, v58;
	v2 =	vld.idx.msk [tilespmem:v2+s10+$0x0], $0xffff  }
0x6f5: {  	v53 =	vld [tilespmem:$0x1FFD0];
	v6 =	vadd.f32 v6, v56  }
0x6f6: {  	v0 =	vadd.f32 v1, v0;
	v1 =	vmul.f32 v3, v3;
	v3 =	vsub.f32 v8, v12;
	v12 =	vld.idx.msk [tilespmem:v51+s17+$0x0], $0xffff  }
0x6f7: {  	v56 =	vld [tilespmem:$0x1FF30]  }
0x6f8: {  	v9 =	vld.idx.msk [tilespmem:v9+s10+$0x0], $0xffff;
	v0 =	vadd.f32 v1, v0;
	v1 =	vmul.f32 v3, v3;
	v3 =	vsub.f32 v6, v13  }
0x6f9: {  	v13 =	vld.idx.msk [tilespmem:v49+s17+$0x0], $0xffff;
	v2 =	vadd.f32 v2, v52  }
0x6fa: {  	v0 =	vadd.f32 v1, v0;
	v1 =	vmul.f32 v3, v3;
	v3 =	vsub.f32 v4, v10;
	v10 =	vld.idx.msk [tilespmem:v47+s17+$0x0], $0xffff  }
0x6fb: {  	v8 =	vor.u32 v53, v11;
	v2 =	vsub.f32 v2, v12;
	v12 =	vld.idx.msk [tilespmem:v45+s17+$0x0], $0xffff  }
0x6fc: {  	v5 =	vadd.f32 v5, v50;
	v0 =	vadd.f32 v1, v0;
	v1 =	vmul.f32 v3, v3;
	v45 =	vld [tilespmem:$0x1FF50]  }
0x6fd: {  	v7 =	vor.u32 v63, v11  }
0x6fe: {  	v0 =	vadd.f32 v1, v0;
	v1 =	vmul.f32 v2, v2;
	v2 =	vsub.f32 v5, v13  }
0x6ff: {  	v6 =	vor.u32 v54, v11;
	v4 =	vor.u32 v55, v11;
	v9 =	vadd.f32 v9, v14  }
0x700: {  	v3 =	vor.u32 v56, v11;
	v8 =	vld.idx.msk [tilespmem:v8+s10+$0x0], $0xffff;
	v0 =	vadd.f32 v1, v0;
	v1 =	vmul.f32 v2, v2  }
0x701: {  	v2 =	vsub.f32 v9, v10;
	v9 =	vor.u32 v40, v11;
	v5 =	vor.u32 v45, v11;
	v11 =	vld [tilespmem:$0x1F9A0];
	_ =	sdelay $0x1  }
0x702: {  	v7 =	vld.idx.msk [tilespmem:v7+s10+$0x0], $0xffff  }
0x703: {  	v14 =	vld [tilespmem:$0x1F9B0]  }
0x704: {  	v6 =	vld.idx.msk [tilespmem:v6+s10+$0x0], $0xffff  }
0x705: {  	v8 =	vadd.f32 v8, v11;
	v11 =	vld [tilespmem:$0x1F990];
	_ =	sdelay $0x1  }
0x706: {  	v4 =	vld.idx.msk [tilespmem:v4+s10+$0x0], $0xffff  }
0x707: {  	v7 =	vadd.f32 v7, v14;
	v13 =	vld.idx.msk [tilespmem:v43+s17+$0x0], $0xffff  }
0x708: {  	v10 =	vld.idx.msk [tilespmem:v41+s17+$0x0], $0xffff;
	v0 =	vadd.f32 v1, v0  }
0x709: {  	v1 =	vmul.f32 v2, v2;
	v2 =	vsub.f32 v7, v12;
	v6 =	vadd.f32 v6, v11;
	v11 =	vld [tilespmem:$0x1F980];
	_ =	sdelay $0x1  }
0x70a: {  	v7 =	vld.idx.msk [tilespmem:v39+s17+$0x0], $0xffff;
	v0 =	vadd.f32 v1, v0;
	v1 =	vmul.f32 v2, v2  }
0x70b: {  	v2 =	vsub.f32 v8, v13  }
0x70c: {  	v0 =	vadd.f32 v1, v0  }
0x70d: {  	v3 =	vld.idx.msk [tilespmem:v3+s10+$0x0], $0xffff;
	v1 =	vmul.f32 v2, v2;
	v2 =	vsub.f32 v6, v10;
	v4 =	vadd.f32 v4, v11  }
0x70e: {  	v10 =	vld [tilespmem:$0x1F970]  }
0x70f: {  	v0 =	vadd.f32 v1, v0;
	v1 =	vmul.f32 v2, v2;
	v2 =	vsub.f32 v4, v7;
	v4 =	vld [tilespmem:$0x1F940]  }
0x710: {  	v8 =	vld.idx.msk [tilespmem:v37+s17+$0x0], $0xffff  }
0x711: {  	v9 =	vld.idx.msk [tilespmem:v9+s10+$0x0], $0xffff  }
0x712: {  	v5 =	vld.idx.msk [tilespmem:v5+s10+$0x0], $0xffff  }
0x713: {  	v3 =	vadd.f32 v3, v10;
	v7 =	vld [tilespmem:$0x1F960]  }
0x714: {  	v6 =	vld.idx.msk [tilespmem:v48+s17+$0x0], $0xffff  }
0x715: {  	v0 =	vadd.f32 v1, v0;
	v1 =	vmul.f32 v2, v2;
	v2 =	vsub.f32 v3, v8;
	v3 =	vld [tilespmem:$0x1F950];
	_ =	sdelay $0x1  }
0x716: {  	v4 =	vld.idx.msk [tilespmem:v4+s17+$0x0], $0xffff  }
0x717: {  	v5 =	vadd.f32 v5, v7  }
0x718: {  	v0 =	vadd.f32 v1, v0  }
0x719: {  	v1 =	vmul.f32 v2, v2;
	v3 =	vadd.f32 v9, v3;
	v2 =	vsub.f32 v5, v6;
	_ =	sdelay $0x1  }
0x71a: {  	v0 =	vadd.f32 v1, v0;
	v1 =	vmul.f32 v2, v2;
	v2 =	vsub.f32 v3, v4;
	_ =	sdelay $0x1  }
0x71b: {  	v0 =	vadd.f32 v1, v0;
	v1 =	vmul.f32 v2, v2;
	_ =	sdelay $0x1  }
0x71c: {  	v0 =	vadd.f32 v1, v0;
	_ =	sdelay $0x1  }
0x71d: {  	v1 =	vmax.f32 v0, $1.000000000e-30  }
0x71e: {  	v2 =	vshra.s32 v1, $0x1;
	v1 =	vmul.f32 $5.000000000e-01, v1  }
0x71f: {  	v2 =	vsub.s32 $0x5F3759DF, v2  }
0x720: {  	v3 =	vmul.f32 v2, v1;
	_ =	sdelay $0x1  }
0x721: {  	v3 =	vmul.f32 v2, v3;
	_ =	sdelay $0x1  }
0x722: {  	v3 =	vsub.f32 $1.500000000e+00, v3;
	_ =	sdelay $0x1  }
0x723: {  	v2 =	vmul.f32 v2, v3;
	_ =	sdelay $0x1  }
0x724: {  	v3 =	vmul.f32 v2, v1;
	_ =	sdelay $0x1  }
0x725: {  	v3 =	vmul.f32 v3, v2;
	_ =	sdelay $0x1  }
0x726: {  	v3 =	vsub.f32 $1.500000000e+00, v3;
	_ =	sdelay $0x1  }
0x727: {  	v2 =	vmul.f32 v3, v2;
	_ =	sdelay $0x1  }
0x728: {  	v1 =	vmul.f32 v2, v1;
	_ =	sdelay $0x1  }
0x729: {  	v1 =	vmul.f32 v1, v2;
	_ =	sdelay $0x1  }
0x72a: {  	v1 =	vsub.f32 $1.500000000e+00, v1;
	_ =	sdelay $0x1  }
0x72b: {  	v1 =	vmul.f32 v1, v2;
	_ =	sdelay $0x1  }
0x72c: {  	s24 =	simm.s32 $0x0;
	v0 =	vmul.f32 v1, v0  }
0x72d: {  	s23 =	sadd.s32 $0x10, s23;
	v1 =	vmov s24  }
0x72e: {  	[tilespmem:s23+$0x0] =	vst v0;
	v0 =	vshll.u32 v1, $0x7  }
0x72f: {  	v21 =	vor.u32 v35, v0  }
0x730: {  	_ =	swait.ge [sflag:s18], $0x4000;
	v0 =	vor.u32 v40, v21  }
0x731: {  	[sflag:s18] =	ssyncset.done $0x0;
	v2 =	vor.u32 v45, v21;
	[tilespmem:$0x1F710] =	vst v0  }
0x732: {  	[sflag:s18] =	ssyncadd.s32 $0xFFFFC000;
	[tilespmem:$0x1F6F0] =	vst v2  }
0x733: {  	_ =	swait.ge [sflag:s18], $0x4000  }
0x734: {  	[sflag:s18] =	ssyncset.done $0x0  }
0x735: {  	[sflag:s18] =	ssyncadd.s32 $0xFFFFC000  }
0x736: {  	v1 =	vld.idx.msk [tilespmem:v0+s19+$0x0], $0xffff  }
0x737: {  	v3 =	vor.u32 v56, v21;
	v0 =	vld.idx.msk [tilespmem:v2+s19+$0x0], $0xffff;
	_ =	sdelay $0x4  }
0x738: {  	v4 =	vor.u32 v55, v21;
	[tilespmem:$0x1F720] =	vst v0;
	v0 =	vld.idx.msk [tilespmem:v3+s19+$0x0], $0xffff;
	_ =	sdelay $0x4  }
0x739: {  	v5 =	vor.u32 v54, v21;
	[tilespmem:$0x1F700] =	vst v0;
	v0 =	vld.idx.msk [tilespmem:v4+s19+$0x0], $0xffff;
	_ =	sdelay $0x4  }
0x73a: {  	v37 =	vor.u32 v53, v21;
	[tilespmem:$0x1F6E0] =	vst v0;
	v0 =	vld.idx.msk [tilespmem:v5+s19+$0x0], $0xffff;
	_ =	sdelay $0x4  }
0x73b: {  	v13 =	vor.u32 v63, v21;
	[tilespmem:$0x1F6C0] =	vst v0;
	v0 =	vld.idx.msk [tilespmem:v37+s19+$0x0], $0xffff;
	_ =	sdelay $0x4  }
0x73c: {  	v33 =	vor.u32 v62, v21;
	[tilespmem:$0x1F6A0] =	vst v0;
	v0 =	vld.idx.msk [tilespmem:v13+s19+$0x0], $0xffff;
	_ =	sdelay $0x4  }
0x73d: {  	v14 =	vor.u32 v23, v21;
	[tilespmem:$0x1F680] =	vst v0;
	v0 =	vld.idx.msk [tilespmem:v33+s19+$0x0], $0xffff;
	_ =	sdelay $0x4  }
0x73e: {  	v36 =	vor.u32 v15, v21;
	[tilespmem:$0x1F670] =	vst v0;
	v0 =	vld.idx.msk [tilespmem:v14+s19+$0x0], $0xffff;
	_ =	sdelay $0x4  }
0x73f: {  	v38 =	vor.u32 v17, v21;
	[tilespmem:$0x1F660] =	vst v0;
	v0 =	vld.idx.msk [tilespmem:v36+s19+$0x0], $0xffff;
	_ =	sdelay $0x4  }
0x740: {  	v39 =	vor.u32 v19, v21;
	[tilespmem:$0x1F650] =	vst v0;
	v0 =	vld.idx.msk [tilespmem:v38+s19+$0x0], $0xffff;
	_ =	sdelay $0x4  }
0x741: {  	v17 =	vor.u32 v20, v21;
	[tilespmem:$0x1F640] =	vst v0;
	v0 =	vld.idx.msk [tilespmem:v39+s19+$0x0], $0xffff;
	_ =	sdelay $0x3  }
0x742: {  	v42 =	vor.u32 v18, v21  }
0x743: {  	v41 =	vmov v19;
	v19 =	vor.u32 v16, v21;
	[tilespmem:$0x1F630] =	vst v0;
	v0 =	vld.idx.msk [tilespmem:v17+s19+$0x0], $0xffff  }
0x744: {  	v34 =	vmov v44;
	v44 =	vor.u32 v22, v21;
	_ =	sdelay $0x1  }
0x745: {  	v47 =	vor.u32 v25, v21;
	v6 =	vld [tilespmem:$0x1FED0]  }
0x746: {  	v9 =	vor.u32 v27, v21;
	v43 =	vld.idx.msk [tilespmem:v42+s19+$0x0], $0xffff  }
0x747: {  	[tilespmem:$0x1F620] =	vst v0;
	v0 =	vld.idx.msk [tilespmem:v19+s19+$0x0], $0xffff  }
0x748: {  	s30 =	simm.s32 $0x580;
	v23 =	vor.u32 v46, v21;
	v15 =	vld.idx.msk [tilespmem:v44+s19+$0x0], $0xffff  }
0x749: {  	v57 =	vld [tilespmem:s30+$0x0]  }
0x74a: {  	v11 =	vld.idx.msk [tilespmem:v47+s19+$0x0], $0xffff;
	v2 =	vlaneseq.u32  }
0x74b: {  	v29 =	vld.idx.msk [tilespmem:v9+s19+$0x0], $0xffff;
	v24 =	vor.u32 v2, v21  }
0x74c: {  	[tilespmem:$0x1F610] =	vst v0;
	v0 =	vld [tilespmem:$0x1FE20]  }
0x74d: {  	v31 =	vld.idx.msk [tilespmem:v23+s19+$0x0], $0xffff  }
0x74e: {  	v23 =	vld.idx.msk [tilespmem:v23+s20+$0x0], $0xffff  }
0x74f: {  	[tilespmem:$0x1F6D0] =	vst v3;
	v3 =	vld [tilespmem:$0x1FE10]  }
0x750: {  	v54 =	vld.idx.msk [tilespmem:v24+s19+$0x0], $0xffff  }
0x751: {  	v7 =	vmov v25;
	v25 =	vor.u32 v0, v21;
	v0 =	vld [tilespmem:$0x1FE90]  }
0x752: {  	[tilespmem:$0x1F730] =	vst v1;
	v1 =	vmov v46;
	v35 =	vshll.u32 v57, $0x5;
	v24 =	vld.idx.msk [tilespmem:v24+s20+$0x0], $0xffff  }
0x753: {  	v59 =	vor.u32 v2, v35;
	v57 =	vor.u32 v1, v35;
	v1 =	vld [tilespmem:$0x1FE40]  }
0x754: {  	v12 =	vmovc v20;
	v8 =	vmov v28;
	v20 =	vor.u32 v28, v21;
	v2 =	vld [tilespmem:$0x1FEA0];
	v28 =	vor.u32 v3, v21  }
0x755: {  	v61 =	vor.u32 v3, v35;
	v3 =	vld [tilespmem:$0x1FEB0]  }
0x756: {  	v26 =	vor.u32 v0, v21;
	v0 =	vld [tilespmem:$0x1FE00]  }
0x757: {  	[tilespmem:$0x1F6B0] =	vst v4;
	v4 =	vld [tilespmem:$0x1FEC0]  }
0x758: {  	v48 =	vld.idx.msk [tilespmem:v59+s10+$0x0], $0xffff  }
0x759: {  	v59 =	vor.u32 v6, v21;
	v51 =	vld.idx.msk [tilespmem:v28+s19+$0x0], $0xffff  }
0x75a: {  	v53 =	vld.idx.msk [tilespmem:v61+s10+$0x0], $0xffff;
	v61 =	vor.u32 v3, v21  }
0x75b: {  	v58 =	vor.u32 v0, v21;
	v60 =	vor.u32 v0, v35;
	v0 =	vld [tilespmem:$0x1FE90]  }
0x75c: {  	[tilespmem:$0x1F690] =	vst v5;
	v28 =	vld.idx.msk [tilespmem:v28+s20+$0x0], $0xffff;
	v5 =	vor.u32 v1, v21  }
0x75d: {  	v57 =	vld.idx.msk [tilespmem:v57+s10+$0x0], $0xffff  }
0x75e: {  	v10 =	vld.idx.msk [tilespmem:v59+s19+$0x0], $0xffff  }
0x75f: {  	v51 =	vadd.f32 v53, v51;
	v53 =	vld.idx.msk [tilespmem:v61+s19+$0x0], $0xffff  }
0x760: {  	v62 =	vor.u32 v0, v35;
	v0 =	vld [tilespmem:$0x1FE20]  }
0x761: {  	v28 =	vsub.f32 v51, v28;
	v51 =	vld.idx.msk [tilespmem:v5+s19+$0x0], $0xffff  }
0x762: {  	v32 =	vld.idx.msk [tilespmem:v25+s19+$0x0], $0xffff  }
0x763: {  	v30 =	vld.idx.msk [tilespmem:v58+s19+$0x0], $0xffff  }
0x764: {  	v50 =	vld.idx.msk [tilespmem:v60+s10+$0x0], $0xffff  }
0x765: {  	v63 =	vor.u32 v0, v35;
	v0 =	vld [tilespmem:$0x1FE50]  }
0x766: {  	v49 =	vld.idx.msk [tilespmem:v26+s19+$0x0], $0xffff  }
0x767: {  	v52 =	vld.idx.msk [tilespmem:v58+s20+$0x0], $0xffff;
	v58 =	vor.u32 v1, v35  }
0x768: {  	v55 =	vld.idx.msk [tilespmem:v62+s10+$0x0], $0xffff;
	v62 =	vor.u32 v2, v21  }
0x769: {  	v48 =	vadd.f32 v48, v54;
	v26 =	vld.idx.msk [tilespmem:v26+s20+$0x0], $0xffff  }
0x76a: {  	v30 =	vadd.f32 v50, v30;
	v56 =	vld.idx.msk [tilespmem:v63+s10+$0x0], $0xffff;
	v63 =	vor.u32 v0, v35  }
0x76b: {  	v24 =	vsub.f32 v48, v24;
	v25 =	vld.idx.msk [tilespmem:v25+s20+$0x0], $0xffff;
	v50 =	vor.u32 v34, v21  }
0x76c: {  	v60 =	vor.u32 v4, v21;
	v58 =	vld.idx.msk [tilespmem:v58+s10+$0x0], $0xffff;
	v30 =	vsub.f32 v30, v52;
	v21 =	vor.u32 v0, v21  }
0x76d: {  	v48 =	vld.idx.msk [tilespmem:v62+s19+$0x0], $0xffff;
	v49 =	vadd.f32 v55, v49;
	v55 =	vor.u32 v34, v35  }
0x76e: {  	v24 =	vmul.f32 v24, v24;
	v30 =	vmul.f32 v30, v30;
	v0 =	vld.idx.msk [tilespmem:v5+s20+$0x0], $0xffff  }
0x76f: {  	v28 =	vmul.f32 v28, v28;
	v26 =	vsub.f32 v49, v26;
	v49 =	vor.u32 v3, v35;
	v52 =	vld.idx.msk [tilespmem:v63+s10+$0x0], $0xffff  }
0x770: {  	v24 =	vadd.f32 v30, v24;
	v32 =	vadd.f32 v56, v32;
	v56 =	vld.idx.msk [tilespmem:v50+s19+$0x0], $0xffff;
	v63 =	vor.u32 v2, v35  }
0x771: {  	v30 =	vld.idx.msk [tilespmem:v21+s19+$0x0], $0xffff  }
0x772: {  	v24 =	vadd.f32 v28, v24;
	v28 =	vld.idx.msk [tilespmem:v55+s10+$0x0], $0xffff;
	v55 =	vadd.f32 v58, v51  }
0x773: {  	v31 =	vadd.f32 v57, v31;
	v26 =	vmul.f32 v26, v26;
	v21 =	vld.idx.msk [tilespmem:v21+s20+$0x0], $0xffff;
	v25 =	vsub.f32 v32, v25  }
0x774: {  	v57 =	vor.u32 v4, v35;
	v0 =	vsub.f32 v55, v0;
	v55 =	vld.idx.msk [tilespmem:v49+s10+$0x0], $0xffff  }
0x775: {  	v23 =	vsub.f32 v31, v23;
	v24 =	vadd.f32 v26, v24;
	v25 =	vmul.f32 v25, v25;
	v58 =	vld.idx.msk [tilespmem:v63+s10+$0x0], $0xffff  }
0x776: {  	v50 =	vld.idx.msk [tilespmem:v50+s20+$0x0], $0xffff  }
0x777: {  	v23 =	vmul.f32 v23, v23;
	v54 =	vld.idx.msk [tilespmem:v60+s19+$0x0], $0xffff;
	v30 =	vadd.f32 v52, v30;
	v24 =	vadd.f32 v25, v24  }
0x778: {  	v31 =	vor.u32 v6, v35;
	v28 =	vadd.f32 v28, v56;
	v63 =	vld.idx.msk [tilespmem:v62+s20+$0x0], $0xffff  }
0x779: {  	v0 =	vmul.f32 v0, v0;
	v21 =	vsub.f32 v30, v21;
	v23 =	vadd.f32 v23, v24;
	v24 =	vld.idx.msk [tilespmem:v57+s10+$0x0], $0xffff  }
0x77a: {  	v52 =	vor.u32 v27, v35;
	v25 =	vadd.f32 v55, v53;
	v26 =	vadd.f32 v58, v48;
	v48 =	vld.idx.msk [tilespmem:v61+s20+$0x0], $0xffff  }
0x77b: {  	v53 =	vld.idx.msk [tilespmem:v59+s20+$0x0], $0xffff;
	v21 =	vmul.f32 v21, v21;
	v0 =	vadd.f32 v0, v23;
	v23 =	vsub.f32 v28, v50  }
0x77c: {  	v59 =	vor.u32 v16, v35;
	v50 =	vld.idx.msk [tilespmem:v60+s20+$0x0], $0xffff  }
0x77d: {  	v46 =	vld.idx.msk [tilespmem:v20+s19+$0x0], $0xffff;
	v0 =	vadd.f32 v21, v0;
	v21 =	vmul.f32 v23, v23;
	v23 =	vsub.f32 v26, v63  }
0x77e: {  	v2 =	vld [tilespmem:$0x1F610];
	v30 =	vor.u32 v7, v35;
	v24 =	vadd.f32 v24, v54  }
0x77f: {  	v28 =	vld.idx.msk [tilespmem:v31+s10+$0x0], $0xffff;
	v0 =	vadd.f32 v21, v0;
	v21 =	vmul.f32 v23, v23;
	v23 =	vsub.f32 v25, v48  }
0x780: {  	v31 =	vor.u32 v8, v35;
	v32 =	vld.idx.msk [tilespmem:v52+s10+$0x0], $0xffff;
	v52 =	vor.u32 v22, v35;
	v60 =	vmov v22  }
0x781: {  	v22 =	vld.idx.msk [tilespmem:v9+s20+$0x0], $0xffff;
	v0 =	vadd.f32 v21, v0;
	v21 =	vmul.f32 v23, v23;
	v23 =	vsub.f32 v24, v50  }
0x782: {  	v24 =	vld.idx.msk [tilespmem:v59+s10+$0x0], $0xffff  }
0x783: {  	v20 =	vld.idx.msk [tilespmem:v20+s20+$0x0], $0xffff;
	v0 =	vadd.f32 v21, v0;
	v21 =	vmul.f32 v23, v23;
	v23 =	vor.u32 v12, v35  }
0x784: {  	v30 =	vld.idx.msk [tilespmem:v30+s10+$0x0], $0xffff  }
0x785: {  	v57 =	vld.idx.msk [tilespmem:v31+s10+$0x0], $0xffff;
	v29 =	vadd.f32 v32, v29  }
0x786: {  	v31 =	vld [tilespmem:$0x1FFF0];
	v0 =	vadd.f32 v21, v0  }
0x787: {  	v21 =	vsub.f32 v29, v22;
	v22 =	vor.u32 v41, v35;
	v24 =	vadd.f32 v24, v2;
	v2 =	vld [tilespmem:$0x1F620]  }
0x788: {  	v23 =	vld.idx.msk [tilespmem:v23+s10+$0x0], $0xffff  }
0x789: {  	v61 =	vld.idx.msk [tilespmem:v47+s20+$0x0], $0xffff;
	v1 =	vadd.f32 v28, v10  }
0x78a: {  	v55 =	vor.u32 v18, v35;
	v47 =	vld.idx.msk [tilespmem:v42+s20+$0x0], $0xffff  }
0x78b: {  	v42 =	vld [tilespmem:$0x1FFE0];
	v1 =	vsub.f32 v1, v53  }
0x78c: {  	v28 =	vadd.f32 v57, v46;
	v46 =	vor.u32 v31, v35;
	v22 =	vld.idx.msk [tilespmem:v22+s10+$0x0], $0xffff  }
0x78d: {  	v48 =	vmovc v18;
	v62 =	vadd.f32 v30, v11;
	v1 =	vmul.f32 v1, v1;
	v18 =	vadd.f32 v23, v2;
	v2 =	vld [tilespmem:$0x1F630]  }
0x78e: {  	v26 =	vld.idx.msk [tilespmem:v52+s10+$0x0], $0xffff  }
0x78f: {  	v25 =	vld.idx.msk [tilespmem:v55+s10+$0x0], $0xffff;
	v0 =	vadd.f32 v1, v0;
	v1 =	vmul.f32 v21, v21;
	v21 =	vsub.f32 v62, v61  }
0x790: {  	v29 =	vld [tilespmem:$0x1FEE0]  }
0x791: {  	v0 =	vadd.f32 v1, v0;
	v1 =	vmul.f32 v21, v21;
	v21 =	vor.u32 v42, v35;
	v27 =	vld.idx.msk [tilespmem:v46+s10+$0x0], $0xffff  }
0x792: {  	v22 =	vadd.f32 v22, v2;
	v2 =	vld [tilespmem:$0x1F640]  }
0x793: {  	v63 =	vld.idx.msk [tilespmem:v44+s20+$0x0], $0xffff  }
0x794: {  	v51 =	vld [tilespmem:$0x1FF60]  }
0x795: {  	v19 =	vld.idx.msk [tilespmem:v19+s20+$0x0], $0xffff  }
0x796: {  	v26 =	vadd.f32 v26, v15;
	v20 =	vsub.f32 v28, v20;
	v49 =	vor.u32 v29, v35;
	v21 =	vld.idx.msk [tilespmem:v21+s10+$0x0], $0xffff  }
0x797: {  	v50 =	vmov v16;
	v25 =	vadd.f32 v25, v43;
	v16 =	vadd.f32 v27, v2;
	v2 =	vld [tilespmem:$0x1F650]  }
0x798: {  	v17 =	vld.idx.msk [tilespmem:v17+s20+$0x0], $0xffff;
	v0 =	vadd.f32 v1, v0;
	v1 =	vmul.f32 v20, v20;
	v20 =	vsub.f32 v26, v63  }
0x799: {  	v54 =	vld.idx.msk [tilespmem:v39+s20+$0x0], $0xffff;
	v53 =	vor.u32 v51, v35  }
0x79a: {  	v55 =	vld [tilespmem:$0x1FF70];
	v0 =	vadd.f32 v1, v0;
	v1 =	vmul.f32 v20, v20;
	v20 =	vsub.f32 v25, v47  }
0x79b: {  	v19 =	vsub.f32 v24, v19;
	v57 =	vld.idx.msk [tilespmem:v49+s10+$0x0], $0xffff  }
0x79c: {  	v0 =	vadd.f32 v1, v0;
	v1 =	vmul.f32 v20, v20;
	v21 =	vadd.f32 v21, v2;
	v2 =	vld [tilespmem:$0x1F660];
	_ =	sdelay $0x1  }
0x79d: {  	v23 =	vld.idx.msk [tilespmem:v38+s20+$0x0], $0xffff;
	v0 =	vadd.f32 v1, v0;
	v1 =	vmul.f32 v19, v19  }
0x79e: {  	v25 =	vld.idx.msk [tilespmem:v53+s10+$0x0], $0xffff;
	v17 =	vsub.f32 v18, v17  }
0x79f: {  	v20 =	vor.u32 v55, v35;
	v19 =	vld.idx.msk [tilespmem:v36+s20+$0x0], $0xffff;
	v0 =	vadd.f32 v1, v0  }
0x7a0: {  	v1 =	vmul.f32 v17, v17;
	v17 =	vsub.f32 v22, v54;
	v15 =	vadd.f32 v57, v2;
	v2 =	vld [tilespmem:$0x1F670];
	_ =	sdelay $0x1  }
0x7a1: {  	v0 =	vadd.f32 v1, v0;
	v1 =	vmul.f32 v17, v17  }
0x7a2: {  	v16 =	vsub.f32 v16, v23  }
0x7a3: {  	v20 =	vld.idx.msk [tilespmem:v20+s10+$0x0], $0xffff;
	v0 =	vadd.f32 v1, v0  }
0x7a4: {  	v1 =	vmul.f32 v16, v16;
	v16 =	vsub.f32 v21, v19;
	v21 =	vadd.f32 v25, v2;
	v2 =	vld [tilespmem:$0x1F680];
	_ =	sdelay $0x1  }
0x7a5: {  	v59 =	vld [tilespmem:$0x1FFD0];
	_ =	sdelay $0x1  }
0x7a6: {  	v32 =	vmov v12;
	v12 =	vld.idx.msk [tilespmem:v13+s20+$0x0], $0xffff  }
0x7a7: {  	v13 =	vadd.f32 v20, v2;
	v2 =	vld [tilespmem:$0x1F690];
	_ =	sdelay $0x1  }
0x7a8: {  	v18 =	vor.u32 v59, v35;
	_ =	sdelay $0x4  }
0x7a9: {  	v18 =	vld.idx.msk [tilespmem:v18+s10+$0x0], $0xffff  }
0x7aa: {  	v56 =	vmov v8;
	v8 =	vld.idx.msk [tilespmem:v2+s20+$0x0], $0xffff  }
0x7ab: {  	v2 =	vld [tilespmem:$0x1F6A0];
	_ =	sdelay $0x1  }
0x7ac: {  	v61 =	vld [tilespmem:$0x1FF00];
	_ =	sdelay $0x2  }
0x7ad: {  	v11 =	vadd.f32 v18, v2;
	v2 =	vld [tilespmem:$0x1F6B0];
	_ =	sdelay $0x1  }
0x7ae: {  	v22 =	vor.u32 v61, v35;
	_ =	sdelay $0x4  }
0x7af: {  	v22 =	vld.idx.msk [tilespmem:v22+s10+$0x0], $0xffff  }
0x7b0: {  	v6 =	vld.idx.msk [tilespmem:v2+s20+$0x0], $0xffff  }
0x7b1: {  	v2 =	vld [tilespmem:$0x1F6C0];
	_ =	sdelay $0x1  }
0x7b2: {  	v62 =	vld [tilespmem:$0x1FFB0];
	_ =	sdelay $0x2  }
0x7b3: {  	v9 =	vadd.f32 v22, v2;
	v2 =	vld [tilespmem:$0x1F6D0]  }
0x7b4: {  	v63 =	vld [tilespmem:$0x1FF30]  }
0x7b5: {  	v17 =	vor.u32 v62, v35;
	_ =	sdelay $0x2  }
0x7b6: {  	v14 =	vld.idx.msk [tilespmem:v14+s20+$0x0], $0xffff  }
0x7b7: {  	v23 =	vld.idx.msk [tilespmem:v33+s20+$0x0], $0xffff;
	v19 =	vor.u32 v63, v35  }
0x7b8: {  	v0 =	vadd.f32 v1, v0;
	v1 =	vmul.f32 v16, v16;
	v16 =	vld.idx.msk [tilespmem:v17+s10+$0x0], $0xffff  }
0x7b9: {  	v4 =	vld.idx.msk [tilespmem:v2+s20+$0x0], $0xffff  }
0x7ba: {  	v2 =	vld [tilespmem:$0x1F6E0]  }
0x7bb: {  	v3 =	vld [tilespmem:$0x1F700]  }
0x7bc: {  	v14 =	vsub.f32 v15, v14;
	v18 =	vld.idx.msk [tilespmem:v19+s10+$0x0], $0xffff;
	_ =	sdelay $0x1  }
0x7bd: {  	v10 =	vld.idx.msk [tilespmem:v37+s20+$0x0], $0xffff;
	v0 =	vadd.f32 v1, v0;
	v15 =	vor.u32 v45, v35;
	v1 =	vmul.f32 v14, v14  }
0x7be: {  	v58 =	vmovc v7;
	v17 =	vor.u32 v40, v35;
	v14 =	vsub.f32 v21, v23;
	v7 =	vadd.f32 v16, v2;
	v2 =	vld [tilespmem:$0x1F6F0]  }
0x7bf: {  	v0 =	vadd.f32 v1, v0  }
0x7c0: {  	v1 =	vmul.f32 v14, v14;
	v12 =	vsub.f32 v13, v12;
	v5 =	vadd.f32 v18, v3;
	v3 =	vld [tilespmem:$0x1F710];
	_ =	sdelay $0x1  }
0x7c1: {  	v0 =	vadd.f32 v1, v0;
	v13 =	vld.idx.msk [tilespmem:v15+s10+$0x0], $0xffff;
	v1 =	vmul.f32 v12, v12  }
0x7c2: {  	v10 =	vsub.f32 v11, v10;
	v11 =	vld.idx.msk [tilespmem:v17+s10+$0x0], $0xffff  }
0x7c3: {  	v0 =	vadd.f32 v1, v0;
	v6 =	vsub.f32 v7, v6;
	v7 =	vld [tilespmem:$0x1F720]  }
0x7c4: {  	v1 =	vmul.f32 v10, v10;
	v8 =	vsub.f32 v9, v8;
	v4 =	vsub.f32 v5, v4;
	v5 =	vld [tilespmem:$0x1F730]  }
0x7c5: {  	v2 =	vld.idx.msk [tilespmem:v2+s20+$0x0], $0xffff  }
0x7c6: {  	v0 =	vadd.f32 v1, v0;
	v1 =	vmul.f32 v8, v8  }
0x7c7: {  	v3 =	vld.idx.msk [tilespmem:v3+s20+$0x0], $0xffff  }
0x7c8: {  	v0 =	vadd.f32 v1, v0;
	v1 =	vmul.f32 v6, v6;
	v7 =	vadd.f32 v13, v7  }
0x7c9: {  	v5 =	vadd.f32 v11, v5  }
0x7ca: {  	v0 =	vadd.f32 v1, v0;
	v1 =	vmul.f32 v4, v4;
	v2 =	vsub.f32 v7, v2;
	_ =	sdelay $0x1  }
0x7cb: {  	v0 =	vadd.f32 v1, v0;
	v1 =	vmul.f32 v2, v2;
	v2 =	vsub.f32 v5, v3;
	_ =	sdelay $0x1  }
0x7cc: {  	v0 =	vadd.f32 v1, v0;
	v1 =	vmul.f32 v2, v2;
	_ =	sdelay $0x1  }
0x7cd: {  	v0 =	vadd.f32 v1, v0;
	_ =	sdelay $0x1  }
0x7ce: {  	v1 =	vmax.f32 v0, $1.000000000e-30  }
0x7cf: {  	v2 =	vshra.s32 v1, $0x1;
	v1 =	vmul.f32 $5.000000000e-01, v1  }
0x7d0: {  	v2 =	vsub.s32 $0x5F3759DF, v2  }
0x7d1: {  	v3 =	vmul.f32 v2, v1;
	_ =	sdelay $0x1  }
0x7d2: {  	v3 =	vmul.f32 v2, v3;
	_ =	sdelay $0x1  }
0x7d3: {  	v3 =	vsub.f32 $1.500000000e+00, v3;
	_ =	sdelay $0x1  }
0x7d4: {  	v2 =	vmul.f32 v2, v3;
	_ =	sdelay $0x1  }
0x7d5: {  	v3 =	vmul.f32 v2, v1;
	_ =	sdelay $0x1  }
0x7d6: {  	v3 =	vmul.f32 v3, v2;
	_ =	sdelay $0x1  }
0x7d7: {  	v3 =	vsub.f32 $1.500000000e+00, v3;
	_ =	sdelay $0x1  }
0x7d8: {  	v2 =	vmul.f32 v3, v2;
	_ =	sdelay $0x1  }
0x7d9: {  	v4 =	vld [tilespmem:$0x1FE80];
	v1 =	vmul.f32 v2, v1;
	_ =	sdelay $0x1  }
0x7da: {  	s31 =	simm.s32 $0x10;
	v1 =	vmul.f32 v1, v2  }
0x7db: {  	v3 =	vmov s31  }
0x7dc: {  	v3 =	vshll.u32 v3, $0x7;
	v1 =	vsub.f32 $1.500000000e+00, v1  }
0x7dd: {  	v18 =	vor.u32 v4, v3  }
0x7de: {  	v3 =	vor.u32 v40, v18;
	v1 =	vmul.f32 v1, v2;
	_ =	sdelay $0x1  }
0x7df: {  	v0 =	vmul.f32 v1, v0  }
0x7e0: {  	s23 =	simm.s32 $0x18780  }
0x7e1: {  	[tilespmem:s23+$0x0] =	vst v0  }
0x7e2: {  	v35 =	vor.u32 v45, v18;
	v0 =	vld.idx.msk [tilespmem:v3+s19+$0x0], $0xffff;
	_ =	sdelay $0x4  }
0x7e3: {  	v37 =	vor.u32 v63, v18;
	[tilespmem:$0x1F750] =	vst v0;
	v0 =	vld.idx.msk [tilespmem:v35+s19+$0x0], $0xffff;
	_ =	sdelay $0x4  }
0x7e4: {  	v39 =	vor.u32 v62, v18;
	[tilespmem:$0x1F760] =	vst v0;
	v0 =	vld.idx.msk [tilespmem:v37+s19+$0x0], $0xffff;
	_ =	sdelay $0x3  }
0x7e5: {  	v44 =	vld [tilespmem:$0x1FE90]  }
0x7e6: {  	v52 =	vmov v41;
	v41 =	vor.u32 v61, v18;
	[tilespmem:$0x1F770] =	vst v0;
	v0 =	vld.idx.msk [tilespmem:v39+s19+$0x0], $0xffff  }
0x7e7: {  	v11 =	vld [tilespmem:$0x1FE50]  }
0x7e8: {  	v33 =	vld [tilespmem:$0x1FE20]  }
0x7e9: {  	v17 =	vld [tilespmem:$0x1FE30]  }
0x7ea: {  	v4 =	vld [tilespmem:$0x1FEA0];
	v49 =	vor.u32 v29, v18  }
0x7eb: {  	v43 =	vor.u32 v59, v18;
	[tilespmem:$0x1F780] =	vst v0;
	v0 =	vld.idx.msk [tilespmem:v41+s19+$0x0], $0xffff  }
0x7ec: {  	v47 =	vor.u32 v51, v18;
	v51 =	vor.u32 v42, v18;
	v19 =	vor.u32 v11, v18;
	v11 =	vld [tilespmem:$0x1FE40]  }
0x7ed: {  	v53 =	vor.u32 v31, v18;
	v2 =	vld [tilespmem:$0x1FEB0]  }
0x7ee: {  	v1 =	vld [tilespmem:$0x1FFC0]  }
0x7ef: {  	v57 =	vor.u32 v32, v18;
	v59 =	vor.u32 v50, v18;
	v50 =	vld.idx.msk [tilespmem:v49+s19+$0x0], $0xffff  }
0x7f0: {  	v45 =	vor.u32 v55, v18;
	[tilespmem:$0x1F790] =	vst v0;
	v0 =	vld.idx.msk [tilespmem:v43+s19+$0x0], $0xffff  }
0x7f1: {  	v55 =	vor.u32 v52, v18;
	v52 =	vld.idx.msk [tilespmem:v51+s19+$0x0], $0xffff  }
0x7f2: {  	v61 =	vor.u32 v48, v18;
	v54 =	vld.idx.msk [tilespmem:v53+s19+$0x0], $0xffff  }
0x7f3: {  	v5 =	vor.u32 v1, v18;
	v1 =	vld [tilespmem:$0x1FED0]  }
0x7f4: {  	[tilespmem:$0x1F740] =	vst v3;
	v14 =	vor.u32 v4, v18;
	v3 =	vor.u32 v58, v18;
	v58 =	vld.idx.msk [tilespmem:v57+s19+$0x0], $0xffff  }
0x7f5: {  	[tilespmem:$0x1F7A0] =	vst v0;
	v0 =	vld.idx.msk [tilespmem:v45+s19+$0x0], $0xffff  }
0x7f6: {  	v63 =	vor.u32 v60, v18;
	v60 =	vld.idx.msk [tilespmem:v59+s19+$0x0], $0xffff  }
0x7f7: {  	v16 =	vor.u32 v34, v18;
	v62 =	vld.idx.msk [tilespmem:v61+s19+$0x0], $0xffff  }
0x7f8: {  	v7 =	vor.u32 v1, v18;
	v1 =	vld [tilespmem:$0x1FEC0]  }
0x7f9: {  	v12 =	vor.u32 v2, v18;
	v15 =	vld.idx.msk [tilespmem:v14+s19+$0x0], $0xffff  }
0x7fa: {  	s24 =	simm.s32 $0x590;
	[tilespmem:$0x1F7B0] =	vst v0;
	v0 =	vld.idx.msk [tilespmem:v47+s19+$0x0], $0xffff  }
0x7fb: {  	v20 =	vor.u32 v11, v18;
	v11 =	vld [tilespmem:s24+$0x0]  }
0x7fc: {  	v21 =	vor.u32 v17, v18;
	v17 =	vld.idx.msk [tilespmem:v16+s19+$0x0], $0xffff  }
0x7fd: {  	v4 =	vld.idx.msk [tilespmem:v3+s19+$0x0], $0xffff;
	v9 =	vor.u32 v1, v18  }
0x7fe: {  	v13 =	vld.idx.msk [tilespmem:v12+s19+$0x0], $0xffff  }
0x7ff: {  	v6 =	vld.idx.msk [tilespmem:v5+s19+$0x0], $0xffff;
	[tilespmem:$0x1F7C0] =	vst v0;
	v0 =	vor.u32 v56, v18  }
0x800: {  	v1 =	vld.idx.msk [tilespmem:v63+s19+$0x0], $0xffff  }
0x801: {  	v8 =	vld.idx.msk [tilespmem:v7+s19+$0x0], $0xffff  }
0x802: {  	v10 =	vld.idx.msk [tilespmem:v9+s19+$0x0], $0xffff  }
0x803: {  	v56 =	vld.idx.msk [tilespmem:v55+s19+$0x0], $0xffff  }
0x804: {  	s25 =	simm.s32 $0x20;
	v22 =	vor.u32 v33, v18;
	v23 =	vor.u32 v44, v18;
	v2 =	vld.idx.msk [tilespmem:v0+s19+$0x0], $0xffff  }
.LBB2_16:
0x805: {  	v38 =	vld [tilespmem:$0x1FE10]  }
0x806: {  	v25 =	vld.idx.msk [tilespmem:v19+s19+$0x0], $0xffff  }
0x807: {  	v32 =	vld [tilespmem:$0x1FE00]  }
0x808: {  	v27 =	vld.idx.msk [tilespmem:v20+s19+$0x0], $0xffff  }
0x809: {  	v28 =	vld.idx.msk [tilespmem:v21+s19+$0x0], $0xffff  }
0x80a: {  	v29 =	vld.idx.msk [tilespmem:v22+s19+$0x0], $0xffff  }
0x80b: {  	v31 =	vld.idx.msk [tilespmem:v23+s19+$0x0], $0xffff  }
0x80c: {  	v46 =	vld [tilespmem:$0x1FE30]  }
0x80d: {  	v48 =	vld [tilespmem:$0x1FE40]  }
0x80e: {  	v23 =	vld.idx.msk [tilespmem:v23+s20+$0x0], $0xffff  }
0x80f: {  	v22 =	vld.idx.msk [tilespmem:v22+s20+$0x0], $0xffff  }
0x810: {  	v21 =	vld.idx.msk [tilespmem:v21+s20+$0x0], $0xffff  }
0x811: {  	v20 =	vld.idx.msk [tilespmem:v20+s20+$0x0], $0xffff  }
0x812: {  	v19 =	vld.idx.msk [tilespmem:v19+s20+$0x0], $0xffff  }
0x813: {  	v16 =	vld.idx.msk [tilespmem:v16+s20+$0x0], $0xffff  }
0x814: {  	v14 =	vld.idx.msk [tilespmem:v14+s20+$0x0], $0xffff;
	v24 =	vor.u32 v38, v18  }
0x815: {  	v12 =	vld.idx.msk [tilespmem:v12+s20+$0x0], $0xffff;
	v26 =	vor.u32 v32, v18  }
0x816: {  	v30 =	vlaneseq.u32;
	v9 =	vld.idx.msk [tilespmem:v9+s20+$0x0], $0xffff;
	v11 =	vshll.u32 v11, $0x5  }
0x817: {  	v7 =	vld.idx.msk [tilespmem:v7+s20+$0x0], $0xffff;
	v18 =	vor.u32 v30, v18;
	v30 =	vor.u32 v30, v11  }
0x818: {  	v42 =	vor.u32 v44, v11;
	v44 =	vor.u32 v33, v11;
	v33 =	vor.u32 v48, v11;
	v48 =	vld [tilespmem:$0x1FE60]  }
0x819: {  	v34 =	vld.idx.msk [tilespmem:v24+s19+$0x0], $0xffff  }
0x81a: {  	v32 =	vor.u32 v32, v11;
	v36 =	vld.idx.msk [tilespmem:v26+s20+$0x0], $0xffff  }
0x81b: {  	v38 =	vor.u32 v38, v11;
	v26 =	vld.idx.msk [tilespmem:v26+s19+$0x0], $0xffff  }
0x81c: {  	v40 =	vld.idx.msk [tilespmem:v18+s19+$0x0], $0xffff  }
0x81d: {  	v30 =	vld.idx.msk [tilespmem:v30+s10+$0x0], $0xffff  }
0x81e: {  	v42 =	vld.idx.msk [tilespmem:v42+s10+$0x0], $0xffff  }
0x81f: {  	v32 =	vld.idx.msk [tilespmem:v32+s10+$0x0], $0xffff  }
0x820: {  	v38 =	vld.idx.msk [tilespmem:v38+s10+$0x0], $0xffff  }
0x821: {  	v46 =	vor.u32 v46, v11;
	v18 =	vld.idx.msk [tilespmem:v18+s20+$0x0], $0xffff  }
0x822: {  	v30 =	vadd.f32 v30, v40;
	v40 =	vld [tilespmem:$0x1FE50]  }
0x823: {  	v31 =	vadd.f32 v42, v31;
	v42 =	vld [tilespmem:$0x1FEA0]  }
0x824: {  	v24 =	vld.idx.msk [tilespmem:v24+s20+$0x0], $0xffff  }
0x825: {  	v44 =	vld.idx.msk [tilespmem:v44+s10+$0x0], $0xffff;
	v26 =	vadd.f32 v32, v26  }
0x826: {  	v34 =	vadd.f32 v38, v34;
	v38 =	vld.idx.msk [tilespmem:v46+s10+$0x0], $0xffff;
	v18 =	vsub.f32 v30, v18  }
0x827: {  	v26 =	vsub.f32 v26, v36;
	v30 =	vor.u32 v48, v11;
	v32 =	vor.u32 v40, v11;
	v40 =	vld [tilespmem:$0x1FEB0]  }
0x828: {  	v33 =	vld.idx.msk [tilespmem:v33+s10+$0x0], $0xffff;
	v36 =	vor.u32 v42, v11  }
0x829: {  	v5 =	vld.idx.msk [tilespmem:v5+s20+$0x0], $0xffff;
	v24 =	vsub.f32 v34, v24;
	v18 =	vmul.f32 v18, v18;
	v26 =	vmul.f32 v26, v26  }
0x82a: {  	v29 =	vadd.f32 v44, v29;
	v23 =	vsub.f32 v31, v23;
	v31 =	vld [tilespmem:$0x1FFC0]  }
0x82b: {  	v24 =	vmul.f32 v24, v24;
	v44 =	vadd.f32 v38, v28;
	v38 =	vld [tilespmem:$0x1FEC0];
	v18 =	vadd.f32 v26, v18  }
0x82c: {  	v28 =	vld.idx.msk [tilespmem:v30+s10+$0x0], $0xffff;
	v34 =	vor.u32 v40, v11  }
0x82d: {  	v18 =	vadd.f32 v24, v18;
	v24 =	vadd.f32 v33, v27;
	v27 =	vld.idx.msk [tilespmem:v36+s10+$0x0], $0xffff  }
0x82e: {  	v36 =	vld [tilespmem:$0x1FED0]  }
0x82f: {  	v32 =	vld.idx.msk [tilespmem:v32+s10+$0x0], $0xffff  }
0x830: {  	v3 =	vld.idx.msk [tilespmem:v3+s20+$0x0], $0xffff;
	v30 =	vor.u32 v38, v11  }
0x831: {  	v22 =	vsub.f32 v29, v22;
	v23 =	vmul.f32 v23, v23;
	v21 =	vsub.f32 v44, v21;
	v44 =	vld.idx.msk [tilespmem:v34+s10+$0x0], $0xffff  }
0x832: {  	v17 =	vadd.f32 v28, v17;
	v28 =	vld [tilespmem:$0x1FF80]  }
0x833: {  	v0 =	vld.idx.msk [tilespmem:v0+s20+$0x0], $0xffff;
	v22 =	vmul.f32 v22, v22;
	v18 =	vadd.f32 v23, v18;
	v29 =	vor.u32 v36, v11  }
0x834: {  	v23 =	vadd.f32 v32, v25;
	v32 =	vor.u32 v31, v11;
	v15 =	vadd.f32 v27, v15;
	v27 =	vld [tilespmem:$0x1FF90]  }
0x835: {  	v18 =	vadd.f32 v22, v18;
	v22 =	vld.idx.msk [tilespmem:v30+s10+$0x0], $0xffff  }
0x836: {  	v21 =	vmul.f32 v21, v21;
	v20 =	vsub.f32 v24, v20;
	v13 =	vadd.f32 v44, v13;
	v44 =	vld [tilespmem:$0x1FE70]  }
0x837: {  	v26 =	vld [tilespmem:$0x1FFA0];
	v34 =	vor.u32 v28, v11  }
0x838: {  	v20 =	vmul.f32 v20, v20;
	v18 =	vadd.f32 v21, v18;
	v19 =	vsub.f32 v23, v19;
	v21 =	vld.idx.msk [tilespmem:v29+s10+$0x0], $0xffff  }
0x839: {  	v16 =	vsub.f32 v17, v16;
	v23 =	vor.u32 v27, v11;
	v17 =	vld.idx.msk [tilespmem:v32+s10+$0x0], $0xffff  }
0x83a: {  	v18 =	vadd.f32 v20, v18;
	v19 =	vmul.f32 v19, v19;
	v10 =	vadd.f32 v22, v10;
	v22 =	vld [tilespmem:$0x1FF40]  }
0x83b: {  	v32 =	vld [tilespmem:$0x1FFE0];
	v20 =	vor.u32 v44, v11  }
0x83c: {  	v16 =	vmul.f32 v16, v16;
	v14 =	vsub.f32 v15, v14;
	v18 =	vadd.f32 v19, v18;
	v15 =	vld.idx.msk [tilespmem:v34+s10+$0x0], $0xffff  }
0x83d: {  	v19 =	vor.u32 v26, v11;
	v34 =	vld [tilespmem:$0x1FFF0]  }
0x83e: {  	v14 =	vmul.f32 v14, v14;
	v12 =	vsub.f32 v13, v12;
	v16 =	vadd.f32 v16, v18;
	v13 =	vld.idx.msk [tilespmem:v23+s10+$0x0], $0xffff  }
0x83f: {  	v9 =	vsub.f32 v10, v9;
	v6 =	vadd.f32 v17, v6;
	v17 =	vld [tilespmem:$0x1FF00]  }
0x840: {  	v12 =	vmul.f32 v12, v12;
	v8 =	vadd.f32 v21, v8;
	v14 =	vadd.f32 v14, v16;
	v10 =	vld.idx.msk [tilespmem:v20+s10+$0x0], $0xffff  }
0x841: {  	v9 =	vmul.f32 v9, v9;
	v20 =	vld [tilespmem:$0x1FF20]  }
0x842: {  	v18 =	vor.u32 v22, v11;
	v12 =	vadd.f32 v12, v14;
	v7 =	vsub.f32 v8, v7;
	v8 =	vld.idx.msk [tilespmem:v19+s10+$0x0], $0xffff  }
0x843: {  	v19 =	vld [tilespmem:$0x1FF10];
	v5 =	vsub.f32 v6, v5  }
0x844: {  	v4 =	vadd.f32 v15, v4;
	v6 =	vld.idx.msk [tilespmem:v63+s20+$0x0], $0xffff;
	v9 =	vadd.f32 v9, v12;
	v7 =	vmul.f32 v7, v7  }
0x845: {  	v15 =	vld [tilespmem:$0x1FEE0];
	v5 =	vmul.f32 v5, v5  }
0x846: {  	v3 =	vsub.f32 v4, v3;
	v4 =	vld.idx.msk [tilespmem:v61+s20+$0x0], $0xffff;
	v7 =	vadd.f32 v7, v9;
	v16 =	vor.u32 v20, v11  }
0x847: {  	v2 =	vadd.f32 v13, v2;
	v12 =	vld.idx.msk [tilespmem:v18+s10+$0x0], $0xffff  }
0x848: {  	v61 =	vld [tilespmem:$0x1FF70];
	v3 =	vmul.f32 v3, v3;
	v14 =	vor.u32 v19, v11;
	v5 =	vadd.f32 v5, v7  }
0x849: {  	v13 =	vor.u32 v34, v11;
	v0 =	vsub.f32 v2, v0;
	v2 =	vld.idx.msk [tilespmem:v59+s20+$0x0], $0xffff;
	v1 =	vadd.f32 v10, v1  }
0x84a: {  	v7 =	vadd.f32 v8, v62;
	v3 =	vadd.f32 v3, v5;
	v5 =	vld.idx.msk [tilespmem:v57+s20+$0x0], $0xffff  }
0x84b: {  	v0 =	vmul.f32 v0, v0;
	v10 =	vor.u32 v32, v11;
	v1 =	vsub.f32 v1, v6;
	v9 =	vld.idx.msk [tilespmem:v16+s10+$0x0], $0xffff  }
0x84c: {  	v6 =	vadd.f32 v12, v60;
	v60 =	vld [tilespmem:$0x1FF60]  }
0x84d: {  	v8 =	vld.idx.msk [tilespmem:v14+s10+$0x0], $0xffff;
	v0 =	vadd.f32 v0, v3;
	v3 =	vsub.f32 v7, v4;
	v1 =	vmul.f32 v1, v1  }
0x84e: {  	v12 =	vld.idx.msk [tilespmem:v13+s10+$0x0], $0xffff  }
0x84f: {  	v4 =	vld.idx.msk [tilespmem:v55+s20+$0x0], $0xffff;
	v2 =	vsub.f32 v6, v2;
	v0 =	vadd.f32 v1, v0;
	v1 =	vmul.f32 v3, v3  }
0x850: {  	v14 =	vor.u32 v15, v11;
	v7 =	vadd.f32 v9, v58;
	v9 =	vld.idx.msk [tilespmem:v10+s10+$0x0], $0xffff  }
0x851: {  	v3 =	vld.idx.msk [tilespmem:v53+s20+$0x0], $0xffff;
	v13 =	vor.u32 v60, v11;
	v0 =	vadd.f32 v1, v0;
	v1 =	vmul.f32 v2, v2  }
0x852: {  	v62 =	vld [tilespmem:$0x1FFD0];
	v6 =	vadd.f32 v8, v56;
	v2 =	vsub.f32 v7, v5  }
0x853: {  	v0 =	vadd.f32 v1, v0;
	v5 =	vld.idx.msk [tilespmem:v51+s20+$0x0], $0xffff  }
0x854: {  	v21 =	vld [tilespmem:$0x1FF30];
	v7 =	vadd.f32 v12, v54;
	v1 =	vmul.f32 v2, v2;
	v2 =	vsub.f32 v6, v4  }
0x855: {  	v8 =	vld.idx.msk [tilespmem:v14+s10+$0x0], $0xffff;
	v10 =	vor.u32 v61, v11;
	v6 =	vadd.f32 v9, v52  }
0x856: {  	v12 =	vld.idx.msk [tilespmem:v13+s10+$0x0], $0xffff;
	v0 =	vadd.f32 v1, v0;
	v1 =	vmul.f32 v2, v2;
	v2 =	vsub.f32 v7, v3  }
0x857: {  	v14 =	vor.u32 v62, v11;
	v4 =	vld.idx.msk [tilespmem:v49+s20+$0x0], $0xffff  }
0x858: {  	v0 =	vadd.f32 v1, v0;
	v1 =	vmul.f32 v2, v2;
	v2 =	vsub.f32 v6, v5;
	v6 =	vld [tilespmem:$0x1F7C0]  }
0x859: {  	v63 =	vld [tilespmem:$0x1FFB0]  }
0x85a: {  	v3 =	vld.idx.msk [tilespmem:v47+s20+$0x0], $0xffff  }
0x85b: {  	v9 =	vld.idx.msk [tilespmem:v10+s10+$0x0], $0xffff;
	v7 =	vadd.f32 v8, v50  }
0x85c: {  	v13 =	vor.u32 v17, v11;
	v8 =	vld.idx.msk [tilespmem:v14+s10+$0x0], $0xffff;
	v0 =	vadd.f32 v1, v0  }
0x85d: {  	v1 =	vmul.f32 v2, v2;
	v2 =	vsub.f32 v7, v4;
	v7 =	vld [tilespmem:$0x1F7B0];
	v6 =	vadd.f32 v12, v6  }
0x85e: {  	v10 =	vor.u32 v63, v11;
	v5 =	vld.idx.msk [tilespmem:v45+s20+$0x0], $0xffff  }
0x85f: {  	v0 =	vadd.f32 v1, v0;
	v1 =	vmul.f32 v2, v2;
	v2 =	vsub.f32 v6, v3;
	v6 =	vld [tilespmem:$0x1F7A0]  }
0x860: {  	v23 =	vld [tilespmem:$0x1FF50]  }
0x861: {  	v4 =	vld.idx.msk [tilespmem:v43+s20+$0x0], $0xffff  }
0x862: {  	v12 =	vld.idx.msk [tilespmem:v13+s10+$0x0], $0xffff;
	v7 =	vadd.f32 v9, v7  }
0x863: {  	v0 =	vadd.f32 v1, v0;
	v9 =	vld.idx.msk [tilespmem:v10+s10+$0x0], $0xffff  }
0x864: {  	v1 =	vmul.f32 v2, v2;
	v2 =	vsub.f32 v7, v5;
	v7 =	vld [tilespmem:$0x1F790];
	v6 =	vadd.f32 v8, v6  }
0x865: {  	v14 =	vor.u32 v21, v11;
	v3 =	vld.idx.msk [tilespmem:v41+s20+$0x0], $0xffff  }
0x866: {  	v0 =	vadd.f32 v1, v0;
	v1 =	vmul.f32 v2, v2;
	v2 =	vsub.f32 v6, v4;
	v6 =	vld [tilespmem:$0x1F780]  }
0x867: {  	v16 =	vld [tilespmem:$0x1FEF0]  }
0x868: {  	v5 =	vld.idx.msk [tilespmem:v39+s20+$0x0], $0xffff  }
0x869: {  	v7 =	vadd.f32 v12, v7  }
0x86a: {  	v13 =	vor.u32 v23, v11;
	v0 =	vadd.f32 v1, v0  }
0x86b: {  	v8 =	vld.idx.msk [tilespmem:v14+s10+$0x0], $0xffff;
	v1 =	vmul.f32 v2, v2;
	v2 =	vsub.f32 v7, v3;
	v6 =	vadd.f32 v9, v6  }
0x86c: {  	v10 =	vor.u32 v16, v11;
	v7 =	vld [tilespmem:$0x1F770]  }
0x86d: {  	v0 =	vadd.f32 v1, v0;
	v1 =	vmul.f32 v2, v2;
	v2 =	vsub.f32 v6, v5;
	v5 =	vld [tilespmem:$0x1F740]  }
0x86e: {  	v4 =	vld.idx.msk [tilespmem:v37+s20+$0x0], $0xffff  }
0x86f: {  	v11 =	vld.idx.msk [tilespmem:v13+s10+$0x0], $0xffff  }
0x870: {  	v3 =	vld.idx.msk [tilespmem:v35+s20+$0x0], $0xffff  }
0x871: {  	v7 =	vadd.f32 v8, v7;
	v6 =	vld [tilespmem:$0x1F760]  }
0x872: {  	v9 =	vld.idx.msk [tilespmem:v10+s10+$0x0], $0xffff  }
0x873: {  	v0 =	vadd.f32 v1, v0;
	v1 =	vmul.f32 v2, v2;
	v2 =	vsub.f32 v7, v4;
	v4 =	vld [tilespmem:$0x1F750];
	_ =	sdelay $0x1  }
0x874: {  	v5 =	vld.idx.msk [tilespmem:v5+s20+$0x0], $0xffff  }
0x875: {  	v6 =	vadd.f32 v11, v6  }
0x876: {  	v0 =	vadd.f32 v1, v0  }
0x877: {  	v1 =	vmul.f32 v2, v2;
	v4 =	vadd.f32 v9, v4;
	v2 =	vsub.f32 v6, v3;
	_ =	sdelay $0x1  }
0x878: {  	v0 =	vadd.f32 v1, v0;
	v1 =	vmul.f32 v2, v2;
	v2 =	vsub.f32 v4, v5;
	_ =	sdelay $0x1  }
0x879: {  	v0 =	vadd.f32 v1, v0;
	v1 =	vmul.f32 v2, v2;
	_ =	sdelay $0x1  }
0x87a: {  	v0 =	vadd.f32 v1, v0;
	_ =	sdelay $0x1  }
0x87b: {  	v1 =	vmax.f32 v0, $1.000000000e-30  }
0x87c: {  	v2 =	vshra.s32 v1, $0x1;
	v1 =	vmul.f32 $5.000000000e-01, v1  }
0x87d: {  	v2 =	vsub.s32 $0x5F3759DF, v2  }
0x87e: {  	v3 =	vmul.f32 v2, v1;
	_ =	sdelay $0x1  }
0x87f: {  	v3 =	vmul.f32 v2, v3;
	_ =	sdelay $0x1  }
0x880: {  	v3 =	vsub.f32 $1.500000000e+00, v3;
	_ =	sdelay $0x1  }
0x881: {  	v2 =	vmul.f32 v2, v3;
	_ =	sdelay $0x1  }
0x882: {  	v3 =	vmul.f32 v2, v1;
	_ =	sdelay $0x1  }
0x883: {  	v3 =	vmul.f32 v3, v2;
	_ =	sdelay $0x1  }
0x884: {  	v3 =	vsub.f32 $1.500000000e+00, v3;
	_ =	sdelay $0x1  }
0x885: {  	v2 =	vmul.f32 v3, v2;
	_ =	sdelay $0x1  }
0x886: {  	v46 =	vld [tilespmem:$0x1FE80];
	v1 =	vmul.f32 v2, v1;
	_ =	sdelay $0x1  }
0x887: {  	v1 =	vmul.f32 v1, v2  }
0x888: {  	v3 =	vmov s25  }
0x889: {  	v3 =	vshll.u32 v3, $0x7;
	v1 =	vsub.f32 $1.500000000e+00, v1  }
0x88a: {  	v18 =	vor.u32 v46, v3  }
0x88b: {  	v3 =	vor.u32 v16, v18;
	v1 =	vmul.f32 v1, v2;
	_ =	sdelay $0x1  }
0x88c: {  	v0 =	vmul.f32 v1, v0  }
0x88d: {  	s23 =	sadd.s32 $0x10, s23  }
0x88e: {  	[tilespmem:s23+$0x0] =	vst v0  }
0x88f: {  	v35 =	vor.u32 v23, v18;
	v0 =	vld.idx.msk [tilespmem:v3+s19+$0x0], $0xffff;
	_ =	sdelay $0x4  }
0x890: {  	v37 =	vor.u32 v21, v18;
	[tilespmem:$0x1F750] =	vst v0;
	v0 =	vld.idx.msk [tilespmem:v35+s19+$0x0], $0xffff;
	_ =	sdelay $0x4  }
0x891: {  	v39 =	vor.u32 v63, v18;
	[tilespmem:$0x1F760] =	vst v0;
	v0 =	vld.idx.msk [tilespmem:v37+s19+$0x0], $0xffff;
	_ =	sdelay $0x4  }
0x892: {  	v41 =	vor.u32 v17, v18;
	[tilespmem:$0x1F770] =	vst v0;
	v0 =	vld.idx.msk [tilespmem:v39+s19+$0x0], $0xffff;
	_ =	sdelay $0x4  }
0x893: {  	v43 =	vor.u32 v62, v18;
	[tilespmem:$0x1F780] =	vst v0;
	v0 =	vld.idx.msk [tilespmem:v41+s19+$0x0], $0xffff  }
0x894: {  	v11 =	vld [tilespmem:$0x1FE40]  }
0x895: {  	v33 =	vld [tilespmem:$0x1FE20];
	v49 =	vor.u32 v15, v18  }
0x896: {  	v10 =	vld [tilespmem:$0x1FE50];
	v51 =	vor.u32 v32, v18  }
0x897: {  	v53 =	vor.u32 v34, v18;
	v63 =	vor.u32 v44, v18;
	v44 =	vld [tilespmem:$0x1FE90]  }
0x898: {  	v45 =	vor.u32 v61, v18;
	[tilespmem:$0x1F790] =	vst v0;
	v0 =	vld.idx.msk [tilespmem:v43+s19+$0x0], $0xffff  }
0x899: {  	v55 =	vor.u32 v19, v18;
	v57 =	vor.u32 v20, v18;
	v20 =	vor.u32 v11, v18;
	v11 =	vld [tilespmem:$0x1FE30]  }
0x89a: {  	v50 =	vld.idx.msk [tilespmem:v49+s19+$0x0], $0xffff  }
0x89b: {  	v59 =	vor.u32 v22, v18;
	v52 =	vld.idx.msk [tilespmem:v51+s19+$0x0], $0xffff  }
0x89c: {  	v61 =	vor.u32 v26, v18;
	v54 =	vld.idx.msk [tilespmem:v53+s19+$0x0], $0xffff  }
0x89d: {  	v47 =	vor.u32 v60, v18;
	[tilespmem:$0x1F7A0] =	vst v0;
	v0 =	vld.idx.msk [tilespmem:v45+s19+$0x0], $0xffff  }
0x89e: {  	v56 =	vld.idx.msk [tilespmem:v55+s19+$0x0], $0xffff  }
0x89f: {  	v5 =	vor.u32 v31, v18;
	v58 =	vld.idx.msk [tilespmem:v57+s19+$0x0], $0xffff  }
0x8a0: {  	v7 =	vor.u32 v36, v18;
	v60 =	vld.idx.msk [tilespmem:v59+s19+$0x0], $0xffff  }
0x8a1: {  	v9 =	vor.u32 v38, v18;
	v62 =	vld.idx.msk [tilespmem:v61+s19+$0x0], $0xffff  }
0x8a2: {  	v12 =	vor.u32 v40, v18;
	[tilespmem:$0x1F7B0] =	vst v0;
	v0 =	vld.idx.msk [tilespmem:v47+s19+$0x0], $0xffff  }
0x8a3: {  	v14 =	vor.u32 v42, v18;
	v1 =	vld.idx.msk [tilespmem:v63+s19+$0x0], $0xffff  }
0x8a4: {  	v6 =	vld.idx.msk [tilespmem:v5+s19+$0x0], $0xffff  }
0x8a5: {  	v16 =	vor.u32 v48, v18;
	v8 =	vld.idx.msk [tilespmem:v7+s19+$0x0], $0xffff  }
0x8a6: {  	v19 =	vor.u32 v10, v18;
	[tilespmem:$0x1F740] =	vst v3;
	v3 =	vor.u32 v28, v18;
	v10 =	vld.idx.msk [tilespmem:v9+s19+$0x0], $0xffff  }
0x8a7: {  	p0 =	sne.s32 s25, $0x70;
	v13 =	vld.idx.msk [tilespmem:v12+s19+$0x0], $0xffff;
	[tilespmem:$0x1F7C0] =	vst v0;
	v0 =	vor.u32 v27, v18  }
.Ltmp7:
0x8a8: {  	s24 =	sadd.s32 $0x10, s24;
	v15 =	vld.idx.msk [tilespmem:v14+s19+$0x0], $0xffff;
	(pc) =	sbr.rel @p0 .LBB2_16-.Ltmp7, $4  }
0x8a9: {  	v21 =	vor.u32 v11, v18;
	v11 =	vld [tilespmem:s24+$0x0]  }
0x8aa: {  	v17 =	vld.idx.msk [tilespmem:v16+s19+$0x0], $0xffff  }
0x8ab: {  	v4 =	vld.idx.msk [tilespmem:v3+s19+$0x0], $0xffff  }
0x8ac: {  	s25 =	sadd.s32 $0x10, s25;
	v22 =	vor.u32 v33, v18;
	v23 =	vor.u32 v44, v18;
	v2 =	vld.idx.msk [tilespmem:v0+s19+$0x0], $0xffff  }
0x8ad: {  	_ = 	snop  }
0x8ae: {  	v27 =	vld [tilespmem:$0x1FE00]  }
0x8af: {  	v32 =	vld [tilespmem:$0x1FE10]  }
0x8b0: {  	v34 =	vld [tilespmem:$0x1FE30]  }
0x8b1: {  	v36 =	vld.idx.msk [tilespmem:v23+s19+$0x0], $0xffff  }
0x8b2: {  	v38 =	vld [tilespmem:$0x1FE40]  }
0x8b3: {  	v23 =	vld.idx.msk [tilespmem:v23+s20+$0x0], $0xffff  }
0x8b4: {  	v40 =	vld.idx.msk [tilespmem:v22+s19+$0x0], $0xffff  }
0x8b5: {  	v22 =	vld.idx.msk [tilespmem:v22+s20+$0x0], $0xffff  }
0x8b6: {  	v16 =	vld.idx.msk [tilespmem:v16+s20+$0x0], $0xffff  }
0x8b7: {  	v14 =	vld.idx.msk [tilespmem:v14+s20+$0x0], $0xffff  }
0x8b8: {  	v26 =	vlaneseq.u32;
	v12 =	vld.idx.msk [tilespmem:v12+s20+$0x0], $0xffff  }
0x8b9: {  	v9 =	vld.idx.msk [tilespmem:v9+s20+$0x0], $0xffff;
	v25 =	vor.u32 v26, v18  }
0x8ba: {  	v7 =	vld.idx.msk [tilespmem:v7+s20+$0x0], $0xffff;
	v11 =	vshll.u32 v11, $0x5  }
0x8bb: {  	v5 =	vld.idx.msk [tilespmem:v5+s20+$0x0], $0xffff;
	v26 =	vor.u32 v26, v11  }
0x8bc: {  	v3 =	vld.idx.msk [tilespmem:v3+s20+$0x0], $0xffff;
	v31 =	vor.u32 v44, v11  }
0x8bd: {  	v0 =	vld.idx.msk [tilespmem:v0+s20+$0x0], $0xffff;
	v44 =	vor.u32 v33, v11  }
0x8be: {  	v24 =	vor.u32 v27, v18;
	v30 =	vld.idx.msk [tilespmem:v25+s19+$0x0], $0xffff  }
0x8bf: {  	v25 =	vld.idx.msk [tilespmem:v25+s20+$0x0], $0xffff  }
0x8c0: {  	v27 =	vor.u32 v27, v11;
	v26 =	vld.idx.msk [tilespmem:v26+s10+$0x0], $0xffff  }
0x8c1: {  	v29 =	vor.u32 v32, v11;
	v31 =	vld.idx.msk [tilespmem:v31+s10+$0x0], $0xffff  }
0x8c2: {  	v18 =	vor.u32 v32, v18;
	v32 =	vld.idx.msk [tilespmem:v44+s10+$0x0], $0xffff  }
0x8c3: {  	v28 =	vld.idx.msk [tilespmem:v24+s20+$0x0], $0xffff  }
0x8c4: {  	v34 =	vor.u32 v34, v11;
	v24 =	vld.idx.msk [tilespmem:v24+s19+$0x0], $0xffff  }
0x8c5: {  	v27 =	vld.idx.msk [tilespmem:v27+s10+$0x0], $0xffff  }
0x8c6: {  	v38 =	vor.u32 v38, v11;
	v29 =	vld.idx.msk [tilespmem:v29+s10+$0x0], $0xffff  }
0x8c7: {  	v48 =	vld.idx.msk [tilespmem:v18+s19+$0x0], $0xffff  }
0x8c8: {  	v18 =	vld.idx.msk [tilespmem:v18+s20+$0x0], $0xffff  }
0x8c9: {  	v34 =	vld.idx.msk [tilespmem:v34+s10+$0x0], $0xffff  }
0x8ca: {  	v24 =	vadd.f32 v27, v24;
	v27 =	vld [tilespmem:$0x1FE50]  }
0x8cb: {  	v26 =	vadd.f32 v26, v30;
	v30 =	vld.idx.msk [tilespmem:v38+s10+$0x0], $0xffff  }
0x8cc: {  	v38 =	vld [tilespmem:$0x1FEC0]  }
0x8cd: {  	v24 =	vsub.f32 v24, v28;
	v28 =	vadd.f32 v31, v36;
	v31 =	vld [tilespmem:$0x1FE60]  }
0x8ce: {  	v25 =	vsub.f32 v26, v25;
	v26 =	vld.idx.msk [tilespmem:v21+s19+$0x0], $0xffff  }
0x8cf: {  	v21 =	vld.idx.msk [tilespmem:v21+s20+$0x0], $0xffff;
	v29 =	vadd.f32 v29, v48;
	v27 =	vor.u32 v27, v11  }
0x8d0: {  	v48 =	vld [tilespmem:$0x1FEA0]  }
0x8d1: {  	v25 =	vmul.f32 v25, v25;
	v18 =	vsub.f32 v29, v18;
	v29 =	vld.idx.msk [tilespmem:v20+s19+$0x0], $0xffff;
	v24 =	vmul.f32 v24, v24  }
0x8d2: {  	v32 =	vadd.f32 v32, v40;
	v20 =	vld.idx.msk [tilespmem:v20+s20+$0x0], $0xffff;
	v31 =	vor.u32 v31, v11  }
0x8d3: {  	v23 =	vsub.f32 v28, v23;
	v18 =	vmul.f32 v18, v18;
	v24 =	vadd.f32 v24, v25;
	v25 =	vld.idx.msk [tilespmem:v19+s19+$0x0], $0xffff  }
0x8d4: {  	v22 =	vsub.f32 v32, v22;
	v26 =	vadd.f32 v34, v26;
	v27 =	vld.idx.msk [tilespmem:v27+s10+$0x0], $0xffff  }
0x8d5: {  	v44 =	vor.u32 v48, v11;
	v48 =	vld [tilespmem:$0x1FEB0];
	v23 =	vmul.f32 v23, v23;
	v18 =	vadd.f32 v18, v24  }
0x8d6: {  	v19 =	vld.idx.msk [tilespmem:v19+s20+$0x0], $0xffff;
	v29 =	vadd.f32 v30, v29  }
0x8d7: {  	v22 =	vmul.f32 v22, v22;
	v21 =	vsub.f32 v26, v21;
	v18 =	vadd.f32 v23, v18;
	v24 =	vld.idx.msk [tilespmem:v31+s10+$0x0], $0xffff  }
0x8d8: {  	v20 =	vsub.f32 v29, v20;
	v31 =	vld [tilespmem:$0x1FED0]  }
0x8d9: {  	v40 =	vld [tilespmem:$0x1FFF0];
	v21 =	vmul.f32 v21, v21;
	v18 =	vadd.f32 v22, v18;
	v25 =	vadd.f32 v27, v25  }
0x8da: {  	v32 =	vld [tilespmem:$0x1FF60];
	v28 =	vor.u32 v48, v11  }
0x8db: {  	v36 =	vld [tilespmem:$0x1FFE0];
	v20 =	vmul.f32 v20, v20;
	v18 =	vadd.f32 v21, v18;
	v19 =	vsub.f32 v25, v19  }
0x8dc: {  	v23 =	vld.idx.msk [tilespmem:v44+s10+$0x0], $0xffff  }
0x8dd: {  	v27 =	vld [tilespmem:$0x1FFC0];
	v18 =	vadd.f32 v20, v18;
	v26 =	vor.u32 v31, v11;
	v19 =	vmul.f32 v19, v19  }
0x8de: {  	v30 =	vor.u32 v38, v11;
	v25 =	vld [tilespmem:$0x1FF80]  }
0x8df: {  	v18 =	vadd.f32 v19, v18;
	v19 =	vld [tilespmem:$0x1FE70]  }
0x8e0: {  	v22 =	vld.idx.msk [tilespmem:v28+s10+$0x0], $0xffff;
	v17 =	vadd.f32 v24, v17  }
0x8e1: {  	v28 =	vld [tilespmem:$0x1FF90]  }
0x8e2: {  	v16 =	vsub.f32 v17, v16;
	v24 =	vor.u32 v27, v11;
	v17 =	vld.idx.msk [tilespmem:v26+s10+$0x0], $0xffff  }
0x8e3: {  	v21 =	vld.idx.msk [tilespmem:v30+s10+$0x0], $0xffff;
	v15 =	vadd.f32 v23, v15;
	v23 =	vor.u32 v25, v11  }
0x8e4: {  	v29 =	vld [tilespmem:$0x1FF30];
	v16 =	vmul.f32 v16, v16;
	v19 =	vor.u32 v19, v11  }
0x8e5: {  	v30 =	vld [tilespmem:$0x1FFA0];
	v14 =	vsub.f32 v15, v14  }
0x8e6: {  	v13 =	vadd.f32 v22, v13;
	v20 =	vor.u32 v28, v11;
	v16 =	vadd.f32 v16, v18;
	v18 =	vld [tilespmem:$0x1FF40]  }
0x8e7: {  	v15 =	vld.idx.msk [tilespmem:v24+s10+$0x0], $0xffff;
	v8 =	vadd.f32 v17, v8  }
0x8e8: {  	v10 =	vadd.f32 v21, v10;
	v14 =	vmul.f32 v14, v14;
	v12 =	vsub.f32 v13, v12;
	v13 =	vld.idx.msk [tilespmem:v23+s10+$0x0], $0xffff  }
0x8e9: {  	v48 =	vor.u32 v36, v11;
	v7 =	vsub.f32 v8, v7;
	v8 =	vld.idx.msk [tilespmem:v19+s10+$0x0], $0xffff  }
0x8ea: {  	v9 =	vsub.f32 v10, v9;
	v12 =	vmul.f32 v12, v12;
	v14 =	vadd.f32 v14, v16;
	v19 =	vld [tilespmem:$0x1FF20]  }
0x8eb: {  	v10 =	vld.idx.msk [tilespmem:v20+s10+$0x0], $0xffff;
	v17 =	vor.u32 v30, v11  }
0x8ec: {  	v9 =	vmul.f32 v9, v9;
	v16 =	vld [tilespmem:$0x1FF10];
	v12 =	vadd.f32 v12, v14  }
0x8ed: {  	v14 =	vld [tilespmem:$0x1FEE0]  }
0x8ee: {  	v9 =	vadd.f32 v9, v12;
	v12 =	vld.idx.msk [tilespmem:v63+s20+$0x0], $0xffff;
	v6 =	vadd.f32 v15, v6;
	v15 =	vor.u32 v18, v11  }
0x8ef: {  	v63 =	vld.idx.msk [tilespmem:v48+s10+$0x0], $0xffff;
	v4 =	vadd.f32 v13, v4;
	v13 =	vor.u32 v19, v11  }
0x8f0: {  	v7 =	vmul.f32 v7, v7;
	v33 =	vld.idx.msk [tilespmem:v17+s10+$0x0], $0xffff  }
0x8f1: {  	v17 =	vld [tilespmem:$0x1FF00]  }
0x8f2: {  	v7 =	vadd.f32 v7, v9;
	v9 =	vld.idx.msk [tilespmem:v61+s20+$0x0], $0xffff  }
0x8f3: {  	v2 =	vadd.f32 v10, v2;
	v10 =	vor.u32 v16, v11;
	v34 =	vld.idx.msk [tilespmem:v15+s10+$0x0], $0xffff  }
0x8f4: {  	v1 =	vadd.f32 v8, v1;
	v8 =	vor.u32 v40, v11;
	v44 =	vld.idx.msk [tilespmem:v13+s10+$0x0], $0xffff  }
0x8f5: {  	v13 =	vld.idx.msk [tilespmem:v59+s20+$0x0], $0xffff  }
0x8f6: {  	v5 =	vsub.f32 v6, v5;
	v6 =	vadd.f32 v33, v62;
	v33 =	vld [tilespmem:$0x1FF70]  }
0x8f7: {  	v1 =	vsub.f32 v1, v12;
	v12 =	vld.idx.msk [tilespmem:v57+s20+$0x0], $0xffff  }
0x8f8: {  	v3 =	vsub.f32 v4, v3;
	v4 =	vadd.f32 v34, v60;
	v59 =	vld.idx.msk [tilespmem:v10+s10+$0x0], $0xffff;
	v10 =	vor.u32 v14, v11  }
0x8f9: {  	v61 =	vld.idx.msk [tilespmem:v8+s10+$0x0], $0xffff  }
0x8fa: {  	v8 =	vor.u32 v32, v11;
	v62 =	vsub.f32 v4, v13;
	v13 =	vld.idx.msk [tilespmem:v53+s20+$0x0], $0xffff  }
0x8fb: {  	v0 =	vsub.f32 v2, v0;
	v5 =	vmul.f32 v5, v5;
	v34 =	vor.u32 v33, v11;
	v53 =	vld [tilespmem:$0x1FFD0]  }
0x8fc: {  	v60 =	vsub.f32 v6, v9;
	v9 =	vld.idx.msk [tilespmem:v55+s20+$0x0], $0xffff;
	v2 =	vadd.f32 v44, v58  }
0x8fd: {  	v5 =	vadd.f32 v5, v7;
	v3 =	vmul.f32 v3, v3;
	v44 =	vld.idx.msk [tilespmem:v10+s10+$0x0], $0xffff  }
0x8fe: {  	v2 =	vsub.f32 v2, v12;
	v12 =	vld.idx.msk [tilespmem:v51+s20+$0x0], $0xffff  }
0x8ff: {  	v0 =	vmul.f32 v0, v0;
	v3 =	vadd.f32 v3, v5;
	v51 =	vld.idx.msk [tilespmem:v8+s10+$0x0], $0xffff;
	v8 =	vor.u32 v17, v11  }
0x900: {  	v5 =	vadd.f32 v59, v56;
	v6 =	vadd.f32 v61, v54;
	v54 =	vld.idx.msk [tilespmem:v34+s10+$0x0], $0xffff;
	v10 =	vor.u32 v53, v11  }
0x901: {  	v4 =	vadd.f32 v63, v52;
	v34 =	vld [tilespmem:$0x1FFB0]  }
0x902: {  	v0 =	vadd.f32 v0, v3;
	v1 =	vmul.f32 v1, v1;
	v48 =	vsub.f32 v5, v9;
	v9 =	vld.idx.msk [tilespmem:v49+s20+$0x0], $0xffff  }
0x903: {  	v56 =	vsub.f32 v4, v12;
	v12 =	vld.idx.msk [tilespmem:v45+s20+$0x0], $0xffff  }
0x904: {  	v0 =	vadd.f32 v1, v0;
	v3 =	vmul.f32 v60, v60;
	v59 =	vld.idx.msk [tilespmem:v8+s10+$0x0], $0xffff  }
0x905: {  	v57 =	vld.idx.msk [tilespmem:v10+s10+$0x0], $0xffff  }
0x906: {  	v0 =	vadd.f32 v3, v0;
	v1 =	vmul.f32 v62, v62;
	v10 =	vld [tilespmem:$0x1F7C0]  }
0x907: {  	v8 =	vld [tilespmem:$0x1F7B0]  }
0x908: {  	v0 =	vadd.f32 v1, v0;
	v2 =	vmul.f32 v2, v2;
	v45 =	vld [tilespmem:$0x1FF50]  }
0x909: {  	v62 =	vld [tilespmem:$0x1F7A0];
	v3 =	vadd.f32 v44, v50;
	v55 =	vor.u32 v34, v11  }
0x90a: {  	v1 =	vmul.f32 v48, v48;
	v52 =	vsub.f32 v6, v13;
	v13 =	vld.idx.msk [tilespmem:v47+s20+$0x0], $0xffff;
	v0 =	vadd.f32 v2, v0  }
0x90b: {  	v58 =	vsub.f32 v3, v9;
	v9 =	vld.idx.msk [tilespmem:v43+s20+$0x0], $0xffff;
	v5 =	vadd.f32 v51, v10;
	v10 =	vor.u32 v29, v11  }
0x90c: {  	v2 =	vmul.f32 v52, v52;
	v52 =	vld.idx.msk [tilespmem:v35+s20+$0x0], $0xffff;
	v0 =	vadd.f32 v1, v0  }
0x90d: {  	v1 =	vmul.f32 v56, v56;
	v56 =	vld [tilespmem:$0x1F740];
	v6 =	vadd.f32 v54, v8;
	v8 =	vor.u32 v45, v11  }
0x90e: {  	v61 =	vld.idx.msk [tilespmem:v55+s10+$0x0], $0xffff  }
0x90f: {  	v60 =	vsub.f32 v5, v13;
	v13 =	vld [tilespmem:$0x1FEF0]  }
0x910: {  	v0 =	vadd.f32 v2, v0;
	v44 =	vld.idx.msk [tilespmem:v10+s10+$0x0], $0xffff  }
0x911: {  	v10 =	vld [tilespmem:$0x1F790]  }
0x912: {  	v2 =	vmul.f32 v58, v58;
	v0 =	vadd.f32 v1, v0;
	v48 =	vld.idx.msk [tilespmem:v8+s10+$0x0], $0xffff  }
0x913: {  	v8 =	vld [tilespmem:$0x1F780]  }
0x914: {  	v0 =	vadd.f32 v2, v0;
	v63 =	vor.u32 v13, v11;
	v11 =	vld.idx.msk [tilespmem:v41+s20+$0x0], $0xffff  }
0x915: {  	v43 =	vsub.f32 v6, v12;
	v4 =	vadd.f32 v57, v62;
	v51 =	vld [tilespmem:$0x1F770];
	v1 =	vmul.f32 v60, v60  }
0x916: {  	v3 =	vadd.f32 v59, v10;
	v10 =	vld.idx.msk [tilespmem:v39+s20+$0x0], $0xffff  }
0x917: {  	v55 =	vld [tilespmem:$0x1F760];
	v2 =	vmul.f32 v43, v43;
	v47 =	vsub.f32 v4, v9;
	v0 =	vadd.f32 v1, v0  }
0x918: {  	v5 =	vadd.f32 v61, v8;
	v8 =	vld.idx.msk [tilespmem:v37+s20+$0x0], $0xffff  }
0x919: {  	v58 =	vld [tilespmem:$0x1F750];
	v1 =	vmul.f32 v47, v47;
	v0 =	vadd.f32 v2, v0;
	v49 =	vsub.f32 v3, v11  }
0x91a: {  	v6 =	vadd.f32 v44, v51;
	v50 =	vld.idx.msk [tilespmem:v63+s10+$0x0], $0xffff  }
0x91b: {  	v0 =	vadd.f32 v1, v0;
	v2 =	vmul.f32 v49, v49;
	v54 =	vsub.f32 v5, v10  }
0x91c: {  	v4 =	vadd.f32 v48, v55;
	v5 =	vld.idx.msk [tilespmem:v56+s20+$0x0], $0xffff  }
0x91d: {  	v57 =	vsub.f32 v6, v8;
	v0 =	vadd.f32 v2, v0;
	v1 =	vmul.f32 v54, v54  }
0x91e: {  	v59 =	vsub.f32 v4, v52  }
0x91f: {  	v2 =	vmul.f32 v57, v57;
	v3 =	vadd.f32 v50, v58;
	v0 =	vadd.f32 v1, v0;
	_ =	sdelay $0x1  }
0x920: {  	v1 =	vmul.f32 v59, v59;
	v60 =	vsub.f32 v3, v5;
	v0 =	vadd.f32 v2, v0;
	_ =	sdelay $0x1  }
0x921: {  	v61 =	vmul.f32 v60, v60;
	v0 =	vadd.f32 v1, v0;
	_ =	sdelay $0x1  }
0x922: {  	v0 =	vadd.f32 v61, v0;
	_ =	sdelay $0x1  }
0x923: {  	v1 =	vmax.f32 v0, $1.000000000e-30  }
0x924: {  	v62 =	vshra.s32 v1, $0x1;
	v1 =	vmul.f32 $5.000000000e-01, v1  }
0x925: {  	v2 =	vsub.s32 $0x5F3759DF, v62  }
0x926: {  	v63 =	vmul.f32 v2, v1;
	_ =	sdelay $0x1  }
0x927: {  	v3 =	vmul.f32 v2, v63;
	_ =	sdelay $0x1  }
0x928: {  	v3 =	vsub.f32 $1.500000000e+00, v3;
	_ =	sdelay $0x1  }
0x929: {  	v2 =	vmul.f32 v2, v3;
	_ =	sdelay $0x1  }
0x92a: {  	v3 =	vmul.f32 v2, v1;
	_ =	sdelay $0x1  }
0x92b: {  	v3 =	vmul.f32 v3, v2;
	_ =	sdelay $0x1  }
0x92c: {  	v3 =	vsub.f32 $1.500000000e+00, v3;
	_ =	sdelay $0x1  }
0x92d: {  	v2 =	vmul.f32 v3, v2;
	_ =	sdelay $0x1  }
0x92e: {  	v1 =	vmul.f32 v2, v1;
	_ =	sdelay $0x1  }
0x92f: {  	v1 =	vmul.f32 v1, v2;
	_ =	sdelay $0x1  }
0x930: {  	v1 =	vsub.f32 $1.500000000e+00, v1;
	_ =	sdelay $0x1  }
0x931: {  	v1 =	vmul.f32 v1, v2;
	_ =	sdelay $0x1  }
0x932: {  	s22 =	sadd.s32 $0x1, s22;
	v0 =	vmul.f32 v1, v0  }
0x933: {  	s23 =	sadd.s32 $0x10, s23;
	p0 =	sne.s32 s22, s9  }
.Ltmp8:
0x934: {  	[tilespmem:s23+$0x0] =	vst v0;
	(pc) =	sbr.rel @p0 .LBB2_1-.Ltmp8, $4  }
0x935: {  	[hbm4b:s8+s1] =	stream.linear.scatter [tilespmem:s21], [sflag:$0x4], $0x200, $0x38;
	[tilespmem:$0x18800] =	vst v63  }
0x936: {  	_ =	swait.ge [sflag:s11], $0x200  }
0x937: {  	v42 =	vlaneseq.u32;
	v24 =	vmovc v28;
	v23 =	vmovc v25;
	v25 =	vmov v30;
	v9 =	vmov v16;
	[sflag:s11] =	ssyncset.done $0x0  }
0x938: {  	v43 =	vmovc v53;
	v37 =	vmovc v27;
	v41 =	vmov v34;
	v11 =	vmov v13;
	v50 =	vmov v36;
	[sflag:s11] =	ssyncadd.s32 $0xFFFFFE00  }
0x939: {  	_ =	sfence.sel $0x180000  }
0x93a: {  	[bflag:$0x0] =	sbarrier.arrive $0xFFFF  }
0x93b: {  	p0 =	sne.s32 s2, $0x0;
	_ =	strace $0x90000047  }
0x93c: {  	s0 =	sadd.s32 @!p0 $0x100000, s0;
	[bflag:$0x2] =	sbarrier.arrive $0xFFFF  }
0x93d: {  	[sflag:s0] =	ssyncadd.tile.s32 @!p0 $0x1;
	_ =	shalt  }
.Lfunc_end2:
_tile_overlayer_lowered:
.L_overlay_start_2:
0x93e: {  	(tag) =	ssettag $0x2  }
0x93f: {  	s0 =	rddreg [dreg:$0x0];
	s2 =	stileid.u32  }
0x940: {  	s1 =	rddreg [dreg:$0x1];
	p0 =	sne.s32 s2, $0x0  }
0x941: {  	s3 =	rddreg [dreg:$0x2];
	[bflag:$0x3] =	sbarrier.arrive $0xFFFF;
	s2 =	simm.s32 @!p0 $0x1C04  }
0x942: {  	[timem:s3], [sflag:s2] =	dma.local @!p0 [hbm:s0], s1  }
0x943: {  	s0 =	simm.s32 @!p0 $0x4  }
0x944: {  	_ =	swait.ge @!p0 [sflag:s0], s1  }
0x945: {  	s1 =	ssub.s32 @!p0 $0x0, s1;
	[sflag:s0] =	ssyncset.done @!p0 $0x0  }
0x946: {  	[sflag:s0] =	ssyncadd.s32 @!p0 s1  }
0x947: {  	[bflag:$0x3] =	sbarrier.arrive $0xFFFF  }
0x948: {  	_ =	shalt  }

</sc_bundles>
